<compile_context>
chip_gen: v7x
topology: tpu7x:2x2x1
jax: 0.10.2.dev20260603
libtpu: 0.0.44.dev20260713+nightly
codegen_flags: <defaults>
</compile_context>

<pallas_src>
import functools

import jax
import jax.numpy as jnp
from jax import lax
from jax.experimental import pallas as pl
from jax.experimental.pallas import tpu as pltpu
from jax.experimental.pallas import tpu_sc as plsc

N = 320000
D = 128
NL = D // 16
S = 1024

NC = 2
NS = 16
NW = NC * NS
ROWS_PER_W = N // NW
CHUNK = 80
NCHUNK = ROWS_PER_W // CHUNK
NBUF = 5
NPART = 4
ROWS_PER_TILE_OUT = S // NS
ZROWS = 16


def _sc_body(x_hbm, batch_hbm, out_hbm,
             xb0, xb1, xb2, xb3, xb4, xs0, xs1, xs2, xs3, xs4,
             ibuf, ib4, zbuf, sbuf, acc,
             sx0, sx1, sx2, sx3, sx4, ss0, ss1, ss2, ss3, ss4):
    xb = (xb0, xb1, xb2, xb3, xb4)
    xs = (xs0, xs1, xs2, xs3, xs4)
    sx = (sx0, sx1, sx2, sx3, sx4)
    ss = (ss0, ss1, ss2, ss3, ss4)

    c = lax.axis_index("c")
    s = lax.axis_index("s")
    wid = c * NS + s
    zero16 = jnp.zeros((16,), jnp.float32)

    pltpu.async_copy(batch_hbm.at[wid], ibuf, sx[NBUF - 1])

    def zrow(i, _):
        for j in range(NL):
            zbuf[i, pl.ds(j * 16, 16)] = zero16
        return 0
    lax.fori_loop(0, ZROWS, zrow, 0)
    for k in range(ROWS_PER_TILE_OUT // ZROWS):
        pltpu.sync_copy(
            zbuf, acc.at[pl.ds(s * ROWS_PER_TILE_OUT + k * ZROWS, ZROWS)])
    def xsrow(i, _):
        for j in range(NL):
            for b in range(NBUF):
                xs[b][i, pl.ds(j * 16, 16)] = zero16
        return 0
    lax.fori_loop(0, 16, xsrow, 0)

    pltpu.make_async_copy(batch_hbm.at[wid], ibuf, sx[NBUF - 1]).wait()

    def i4row(ch, _):
        idv0 = ibuf[ch, pl.ds(0, 16)]
        ib4[ch, pl.ds(0, 16)] = idv0
        last = ibuf[ch, pl.ds(CHUNK - 16, 16)][15]
        sbuf[ch] = jnp.where(idv0[0] == last, jnp.int32(1), jnp.int32(0))
        return 0
    lax.fori_loop(0, NCHUNK, i4row, 0)
    plsc.subcore_barrier()

    def start_load(ch, b):
        pltpu.async_copy(x_hbm.at[wid, ch], xb[b], sx[b])

    def wait_load(ch, b):
        pltpu.make_async_copy(x_hbm.at[wid, ch], xb[b], sx[b]).wait()

    def start_scatter(ch, b):
        pltpu.async_copy(xb[b], acc.at[ibuf.at[ch]], ss[b], add=True)

    def wait_scatter(ch, b):
        pltpu.make_async_copy(xb[b], acc.at[ibuf.at[ch]], ss[b]).wait()

    def start_scatter_fast(ch, b):
        pltpu.async_copy(xs[b], acc.at[ib4.at[ch]], ss[b], add=True)

    def wait_scatter_fast(ch, b):
        pltpu.make_async_copy(xs[b], acc.at[ib4.at[ch]], ss[b]).wait()

    def single_id(ch):
        return sbuf[ch] == 1

    def fast_accum(ch, b):
        init = (zero16,) * (NPART * NL)

        def rbody(r4, p):
            out = []
            for k in range(NPART):
                row = r4 * NPART + k
                for j in range(NL):
                    out.append(p[k * NL + j] + xb[b][row, pl.ds(j * 16, 16)])
            return tuple(out)

        p = lax.fori_loop(0, CHUNK // NPART, rbody, init)
        for k in range(NPART):
            for j in range(NL):
                xs[b][k, pl.ds(j * 16, 16)] = p[k * NL + j]
        start_scatter_fast(ch, b)

    def dispatch_scatter(ch, b):
        cond = single_id(ch)

        @pl.when(cond)
        def _():
            fast_accum(ch, b)

        @pl.when(jnp.logical_not(cond))
        def _():
            start_scatter(ch, b)

    def wait_scatter_any(ch, b):
        cond = single_id(ch)

        @pl.when(cond)
        def _():
            wait_scatter_fast(ch, b)

        @pl.when(jnp.logical_not(cond))
        def _():
            wait_scatter(ch, b)

    for p in range(NBUF - 1):
        start_load(p, p)

    def outer(k, _):
        for b in range(NBUF):
            ch = NBUF * k + b
            wait_load(ch, b)
            dispatch_scatter(ch, b)

            @pl.when(ch >= 1)
            def _():
                wait_scatter_any(ch - 1, (b - 1) % NBUF)

            @pl.when(ch + NBUF - 1 < NCHUNK)
            def _():
                start_load(ch + NBUF - 1, (b - 1) % NBUF)
        return 0

    lax.fori_loop(0, NCHUNK // NBUF, outer, 0)
    wait_scatter_any(NCHUNK - 1, (NCHUNK - 1) % NBUF)

    plsc.subcore_barrier()
    pltpu.sync_copy(
        acc.at[pl.ds(s * ROWS_PER_TILE_OUT, ROWS_PER_TILE_OUT)],
        out_hbm.at[c, pl.ds(s * ROWS_PER_TILE_OUT, ROWS_PER_TILE_OUT)],
    )


_sc_stage = functools.partial(
    pl.kernel,
    out_type=jax.ShapeDtypeStruct((NC, S, D), jnp.float32),
    mesh=plsc.VectorSubcoreMesh(core_axis_name="c", subcore_axis_name="s"),
    scratch_types=[
        pltpu.VMEM((CHUNK, D), jnp.float32),
        pltpu.VMEM((CHUNK, D), jnp.float32),
        pltpu.VMEM((CHUNK, D), jnp.float32),
        pltpu.VMEM((CHUNK, D), jnp.float32),
        pltpu.VMEM((CHUNK, D), jnp.float32),
        pltpu.VMEM((16, D), jnp.float32),
        pltpu.VMEM((16, D), jnp.float32),
        pltpu.VMEM((16, D), jnp.float32),
        pltpu.VMEM((16, D), jnp.float32),
        pltpu.VMEM((16, D), jnp.float32),
        pltpu.VMEM((NCHUNK, CHUNK), jnp.int32),
        pltpu.VMEM((NCHUNK, 16), jnp.int32),
        pltpu.VMEM((ZROWS, D), jnp.float32),
        pltpu.SMEM((NCHUNK,), jnp.int32),
        pltpu.VMEM_SHARED((S, D), jnp.float32),
    ] + [pltpu.SemaphoreType.DMA] * 10,
)(_sc_body)


def _add_body(p_ref, o_ref):
    o_ref[...] = p_ref[0] + p_ref[1]


def kernel(x, batch):
    xr = x.reshape(NW, NCHUNK, CHUNK, D)
    br = batch.reshape(NW, NCHUNK, CHUNK)
    partials = _sc_stage(xr, br)
    out = pl.pallas_call(
        _add_body,
        out_shape=jax.ShapeDtypeStruct((S, D), jnp.float32),
    )(partials)
    return out

# --- scband reference (transcript-rebuilt; emitter-appended) ---
"""Pipeline reference for scband-atomic-sum-3324304687724 (READ-ONLY COPY).

The authoritative reference and input builder live on the scoring server;
editing this copy changes nothing except your own understanding.
"""

import jax, jax.numpy as jnp
import numpy as np

N = 320000
D = 128
NUM_SEGMENTS = 1024

def setup_inputs(seed: int = 0) -> dict:
    key = jax.random.key(seed)
    k1, k2 = jax.random.split(key)
    x = jax.random.normal(k1, (N, D), dtype=jnp.float32)
    batch = jnp.sort(jax.random.randint(k2, (N,), 0, NUM_SEGMENTS))
    return {"x": x, "batch": batch}

def reference(x, batch):
    # AtomicSum.forward: data[key_out] = nbops.mol_sum(data[key_in], data)
    # mol_sum is a per-molecule segment sum over the atom axis using the
    # batch (molecule-id) index vector carried in the data dict.
    out = jax.ops.segment_sum(x, batch, num_segments=NUM_SEGMENTS)
    return out

if __name__ == "__main__":
    import jax
    _d = setup_inputs()
    print(jax.jit(kernel)(*tuple(_d.values())))

</pallas_src>

<mosaic_0001>
#map = affine_map<(d0, d1) -> (0, 0, 0, 0)>
#map1 = affine_map<(d0, d1) -> (0, 0, 0)>
module attributes {stable_mosaic.version = 14 : i64} {
  func.func @_sc_body(%arg0: i32, %arg1: i32, %arg2: memref<32x125x80x128xf32, #tpu.memory_space<hbm>>, %arg3: memref<32x125x80xi32, #tpu.memory_space<hbm>>, %arg4: memref<2x1024x128xf32, #tpu.memory_space<hbm>>, %arg5: memref<80x128xf32, #tpu.memory_space<vmem>>, %arg6: memref<80x128xf32, #tpu.memory_space<vmem>>, %arg7: memref<80x128xf32, #tpu.memory_space<vmem>>, %arg8: memref<80x128xf32, #tpu.memory_space<vmem>>, %arg9: memref<80x128xf32, #tpu.memory_space<vmem>>, %arg10: memref<16x128xf32, #tpu.memory_space<vmem>>, %arg11: memref<16x128xf32, #tpu.memory_space<vmem>>, %arg12: memref<16x128xf32, #tpu.memory_space<vmem>>, %arg13: memref<16x128xf32, #tpu.memory_space<vmem>>, %arg14: memref<16x128xf32, #tpu.memory_space<vmem>>, %arg15: memref<125x80xi32, #tpu.memory_space<vmem>>, %arg16: memref<125x16xi32, #tpu.memory_space<vmem>>, %arg17: memref<16x128xf32, #tpu.memory_space<vmem>>, %arg18: memref<125xi32, #tpu.memory_space<smem>>, %arg19: memref<1024x128xf32, #tpu.memory_space<vmem_shared>>, %arg20: memref<!tpu.dma_semaphore, #tpu.memory_space<semaphore_mem>>, %arg21: memref<!tpu.dma_semaphore, #tpu.memory_space<semaphore_mem>>, %arg22: memref<!tpu.dma_semaphore, #tpu.memory_space<semaphore_mem>>, %arg23: memref<!tpu.dma_semaphore, #tpu.memory_space<semaphore_mem>>, %arg24: memref<!tpu.dma_semaphore, #tpu.memory_space<semaphore_mem>>, %arg25: memref<!tpu.dma_semaphore, #tpu.memory_space<semaphore_mem>>, %arg26: memref<!tpu.dma_semaphore, #tpu.memory_space<semaphore_mem>>, %arg27: memref<!tpu.dma_semaphore, #tpu.memory_space<semaphore_mem>>, %arg28: memref<!tpu.dma_semaphore, #tpu.memory_space<semaphore_mem>>, %arg29: memref<!tpu.dma_semaphore, #tpu.memory_space<semaphore_mem>>) attributes {dimension_semantics = [#tpu.dimension_semantics<core_parallel>, #tpu.dimension_semantics<subcore_parallel>], iteration_bounds = array<i64: 2, 16>, scalar_prefetch = 0 : i64, scratch_operands = 25 : i64, tpu.core_type = #tpu.core_type<sc_vector_subcore>, window_params = [{transform_indices = #map}, {transform_indices = #map1}, {transform_indices = #map1}]} {
    %mul3A = arith.constant 16 : i32
    %mul3A_0 = arith.muli %arg0, %mul3A : i32
    %add3A = arith.addi %mul3A_0, %arg1 : i32
    %broadcast_in_dim3A = arith.constant 0.000000e+00 : f32
    %broadcast_in_dim3A_1 = vector.broadcast %broadcast_in_dim3A : f32 to vector<16xf32>
    %dma_start3A = arith.constant 0 : i32
    %dma_start3A_2 = arith.constant 0 : i32
    %dma_start3A_3 = tpu.memref_slice %arg3[%add3A, %dma_start3A, %dma_start3A_2] : memref<32x125x80xi32, #tpu.memory_space<hbm>> -> memref<1x125x80xi32, #tpu.memory_space<hbm>>
    %dma_start3A_4 = tpu.memref_squeeze %dma_start3A_3 : memref<1x125x80xi32, #tpu.memory_space<hbm>> -> memref<125x80xi32, #tpu.memory_space<hbm>>
    %dma_start3A_5 = arith.constant 0 : i32
    %dma_start3A_6 = arith.constant 0 : i32
    %dma_start3A_7 = tpu.memref_slice %arg3[%add3A, %dma_start3A_5, %dma_start3A_6] : memref<32x125x80xi32, #tpu.memory_space<hbm>> -> memref<1x125x80xi32, #tpu.memory_space<hbm>>
    %dma_start3A_8 = tpu.memref_squeeze %dma_start3A_7 : memref<1x125x80xi32, #tpu.memory_space<hbm>> -> memref<125x80xi32, #tpu.memory_space<hbm>>
    tpu.enqueue_dma source(%dma_start3A_8 : memref<125x80xi32, #tpu.memory_space<hbm>>) target(%arg15 : memref<125x80xi32, #tpu.memory_space<vmem>>) target_semaphore(%arg24 : memref<!tpu.dma_semaphore, #tpu.memory_space<semaphore_mem>>)
    %scan3A = arith.constant 0 : i32
    %scan3A_9 = arith.constant 0 : i32
    %scan3A_10 = arith.constant 16 : i32
    %scan3A_11 = arith.addi %scan3A_9, %scan3A_10 : i32
    %scan3A_12 = arith.constant 1 : i32
    %scan3A_13 = scf.for %scan3A_108 = %scan3A_9 to %scan3A_11 step %scan3A_12 iter_args(%scan3A_109 = %scan3A) -> (i32)  : i32 {
      %swap3A = arith.index_cast %scan3A_108 : i32 to index
      %swap3A_110 = arith.constant 0 : index
      %swap3A_111 = tpu.vector_load %arg17[%swap3A, %swap3A_110] {strides = array<i32>} : memref<16x128xf32, #tpu.memory_space<vmem>>, vector<1x16xf32>,
      %swap3A_112 = vector.shape_cast %swap3A_111 : vector<1x16xf32> to vector<16xf32>
      %swap3A_113 = vector.shape_cast %broadcast_in_dim3A_1 : vector<16xf32> to vector<1x16xf32>
      tpu.vector_store %arg17[%swap3A, %swap3A_110], %swap3A_113 {strides = array<i32>} : memref<16x128xf32, #tpu.memory_space<vmem>>, vector<1x16xf32>,
      %swap3A_114 = arith.index_cast %scan3A_108 : i32 to index
      %swap3A_115 = arith.constant 16 : index
      %swap3A_116 = tpu.vector_load %arg17[%swap3A_114, %swap3A_115] {strides = array<i32>} : memref<16x128xf32, #tpu.memory_space<vmem>>, vector<1x16xf32>,
      %swap3A_117 = vector.shape_cast %swap3A_116 : vector<1x16xf32> to vector<16xf32>
      %swap3A_118 = vector.shape_cast %broadcast_in_dim3A_1 : vector<16xf32> to vector<1x16xf32>
      tpu.vector_store %arg17[%swap3A_114, %swap3A_115], %swap3A_118 {strides = array<i32>} : memref<16x128xf32, #tpu.memory_space<vmem>>, vector<1x16xf32>,
      %swap3A_119 = arith.index_cast %scan3A_108 : i32 to index
      %swap3A_120 = arith.constant 32 : index
      %swap3A_121 = tpu.vector_load %arg17[%swap3A_119, %swap3A_120] {strides = array<i32>} : memref<16x128xf32, #tpu.memory_space<vmem>>, vector<1x16xf32>,
      %swap3A_122 = vector.shape_cast %swap3A_121 : vector<1x16xf32> to vector<16xf32>
      %swap3A_123 = vector.shape_cast %broadcast_in_dim3A_1 : vector<16xf32> to vector<1x16xf32>
      tpu.vector_store %arg17[%swap3A_119, %swap3A_120], %swap3A_123 {strides = array<i32>} : memref<16x128xf32, #tpu.memory_space<vmem>>, vector<1x16xf32>,
      %swap3A_124 = arith.index_cast %scan3A_108 : i32 to index
      %swap3A_125 = arith.constant 48 : index
      %swap3A_126 = tpu.vector_load %arg17[%swap3A_124, %swap3A_125] {strides = array<i32>} : memref<16x128xf32, #tpu.memory_space<vmem>>, vector<1x16xf32>,
      %swap3A_127 = vector.shape_cast %swap3A_126 : vector<1x16xf32> to vector<16xf32>
      %swap3A_128 = vector.shape_cast %broadcast_in_dim3A_1 : vector<16xf32> to vector<1x16xf32>
      tpu.vector_store %arg17[%swap3A_124, %swap3A_125], %swap3A_128 {strides = array<i32>} : memref<16x128xf32, #tpu.memory_space<vmem>>, vector<1x16xf32>,
      %swap3A_129 = arith.index_cast %scan3A_108 : i32 to index
      %swap3A_130 = arith.constant 64 : index
      %swap3A_131 = tpu.vector_load %arg17[%swap3A_129, %swap3A_130] {strides = array<i32>} : memref<16x128xf32, #tpu.memory_space<vmem>>, vector<1x16xf32>,
      %swap3A_132 = vector.shape_cast %swap3A_131 : vector<1x16xf32> to vector<16xf32>
      %swap3A_133 = vector.shape_cast %broadcast_in_dim3A_1 : vector<16xf32> to vector<1x16xf32>
      tpu.vector_store %arg17[%swap3A_129, %swap3A_130], %swap3A_133 {strides = array<i32>} : memref<16x128xf32, #tpu.memory_space<vmem>>, vector<1x16xf32>,
      %swap3A_134 = arith.index_cast %scan3A_108 : i32 to index
      %swap3A_135 = arith.constant 80 : index
      %swap3A_136 = tpu.vector_load %arg17[%swap3A_134, %swap3A_135] {strides = array<i32>} : memref<16x128xf32, #tpu.memory_space<vmem>>, vector<1x16xf32>,
      %swap3A_137 = vector.shape_cast %swap3A_136 : vector<1x16xf32> to vector<16xf32>
      %swap3A_138 = vector.shape_cast %broadcast_in_dim3A_1 : vector<16xf32> to vector<1x16xf32>
      tpu.vector_store %arg17[%swap3A_134, %swap3A_135], %swap3A_138 {strides = array<i32>} : memref<16x128xf32, #tpu.memory_space<vmem>>, vector<1x16xf32>,
      %swap3A_139 = arith.index_cast %scan3A_108 : i32 to index
      %swap3A_140 = arith.constant 96 : index
      %swap3A_141 = tpu.vector_load %arg17[%swap3A_139, %swap3A_140] {strides = array<i32>} : memref<16x128xf32, #tpu.memory_space<vmem>>, vector<1x16xf32>,
      %swap3A_142 = vector.shape_cast %swap3A_141 : vector<1x16xf32> to vector<16xf32>
      %swap3A_143 = vector.shape_cast %broadcast_in_dim3A_1 : vector<16xf32> to vector<1x16xf32>
      tpu.vector_store %arg17[%swap3A_139, %swap3A_140], %swap3A_143 {strides = array<i32>} : memref<16x128xf32, #tpu.memory_space<vmem>>, vector<1x16xf32>,
      %swap3A_144 = arith.index_cast %scan3A_108 : i32 to index
      %swap3A_145 = arith.constant 112 : index
      %swap3A_146 = tpu.vector_load %arg17[%swap3A_144, %swap3A_145] {strides = array<i32>} : memref<16x128xf32, #tpu.memory_space<vmem>>, vector<1x16xf32>,
      %swap3A_147 = vector.shape_cast %swap3A_146 : vector<1x16xf32> to vector<16xf32>
      %swap3A_148 = vector.shape_cast %broadcast_in_dim3A_1 : vector<16xf32> to vector<1x16xf32>
      tpu.vector_store %arg17[%swap3A_144, %swap3A_145], %swap3A_148 {strides = array<i32>} : memref<16x128xf32, #tpu.memory_space<vmem>>, vector<1x16xf32>,
      %scan3A_149 = arith.constant 0 : i32
      scf.yield %scan3A_149 : i32
    }
    %scan3A_14 = arith.constant 16 : i32
    %mul3A_15 = arith.constant 64 : i32
    %mul3A_16 = arith.muli %arg1, %mul3A_15 : i32
    %add3A_17 = arith.constant 0 : i32
    %add3A_18 = arith.addi %mul3A_16, %add3A_17 : i32
    "tpu.region"() ({
      %run_scoped3A = tpu.sem_alloc : memref<!tpu.dma_semaphore, #tpu.memory_space<semaphore_mem>>
      %dma_start3A_108 = arith.constant 0 : i32
      %dma_start3A_109 = tpu.memref_slice %arg19[%add3A_18, %dma_start3A_108] : memref<1024x128xf32, #tpu.memory_space<vmem_shared>> -> memref<16x128xf32, #tpu.memory_space<vmem_shared>>
      %dma_start3A_110 = arith.constant 0 : i32
      %dma_start3A_111 = tpu.memref_slice %arg19[%add3A_18, %dma_start3A_110] : memref<1024x128xf32, #tpu.memory_space<vmem_shared>> -> memref<16x128xf32, #tpu.memory_space<vmem_shared>>
      tpu.enqueue_dma source(%arg17 : memref<16x128xf32, #tpu.memory_space<vmem>>) target(%dma_start3A_111 : memref<16x128xf32, #tpu.memory_space<vmem_shared>>) target_semaphore(%run_scoped3A : memref<!tpu.dma_semaphore, #tpu.memory_space<semaphore_mem>>)
      %dma_wait3A_112 = arith.constant 0 : i32
      %dma_wait3A_113 = tpu.memref_slice %arg19[%add3A_18, %dma_wait3A_112] : memref<1024x128xf32, #tpu.memory_space<vmem_shared>> -> memref<16x128xf32, #tpu.memory_space<vmem_shared>>
      %dma_wait3A_114 = arith.constant 0 : i32
      %dma_wait3A_115 = tpu.memref_slice %arg19[%add3A_18, %dma_wait3A_114] : memref<1024x128xf32, #tpu.memory_space<vmem_shared>> -> memref<16x128xf32, #tpu.memory_space<vmem_shared>>
      tpu.wait_dma2 semaphore(%run_scoped3A : memref<!tpu.dma_semaphore, #tpu.memory_space<semaphore_mem>>) src(%arg17 : memref<16x128xf32, #tpu.memory_space<vmem>>) dst(%dma_wait3A_115 : memref<16x128xf32, #tpu.memory_space<vmem_shared>>)
      tpu.yield
    }) : () -> ()
    %mul3A_19 = arith.constant 64 : i32
    %mul3A_20 = arith.muli %arg1, %mul3A_19 : i32
    %add3A_21 = arith.constant 16 : i32
    %add3A_22 = arith.addi %mul3A_20, %add3A_21 : i32
    "tpu.region"() ({
      %run_scoped3A = tpu.sem_alloc : memref<!tpu.dma_semaphore, #tpu.memory_space<semaphore_mem>>
      %dma_start3A_108 = arith.constant 0 : i32
      %dma_start3A_109 = tpu.memref_slice %arg19[%add3A_22, %dma_start3A_108] : memref<1024x128xf32, #tpu.memory_space<vmem_shared>> -> memref<16x128xf32, #tpu.memory_space<vmem_shared>>
      %dma_start3A_110 = arith.constant 0 : i32
      %dma_start3A_111 = tpu.memref_slice %arg19[%add3A_22, %dma_start3A_110] : memref<1024x128xf32, #tpu.memory_space<vmem_shared>> -> memref<16x128xf32, #tpu.memory_space<vmem_shared>>
      tpu.enqueue_dma source(%arg17 : memref<16x128xf32, #tpu.memory_space<vmem>>) target(%dma_start3A_111 : memref<16x128xf32, #tpu.memory_space<vmem_shared>>) target_semaphore(%run_scoped3A : memref<!tpu.dma_semaphore, #tpu.memory_space<semaphore_mem>>)
      %dma_wait3A_112 = arith.constant 0 : i32
      %dma_wait3A_113 = tpu.memref_slice %arg19[%add3A_22, %dma_wait3A_112] : memref<1024x128xf32, #tpu.memory_space<vmem_shared>> -> memref<16x128xf32, #tpu.memory_space<vmem_shared>>
      %dma_wait3A_114 = arith.constant 0 : i32
      %dma_wait3A_115 = tpu.memref_slice %arg19[%add3A_22, %dma_wait3A_114] : memref<1024x128xf32, #tpu.memory_space<vmem_shared>> -> memref<16x128xf32, #tpu.memory_space<vmem_shared>>
      tpu.wait_dma2 semaphore(%run_scoped3A : memref<!tpu.dma_semaphore, #tpu.memory_space<semaphore_mem>>) src(%arg17 : memref<16x128xf32, #tpu.memory_space<vmem>>) dst(%dma_wait3A_115 : memref<16x128xf32, #tpu.memory_space<vmem_shared>>)
      tpu.yield
    }) : () -> ()
    %mul3A_23 = arith.constant 64 : i32
    %mul3A_24 = arith.muli %arg1, %mul3A_23 : i32
    %add3A_25 = arith.constant 32 : i32
    %add3A_26 = arith.addi %mul3A_24, %add3A_25 : i32
    "tpu.region"() ({
      %run_scoped3A = tpu.sem_alloc : memref<!tpu.dma_semaphore, #tpu.memory_space<semaphore_mem>>
      %dma_start3A_108 = arith.constant 0 : i32
      %dma_start3A_109 = tpu.memref_slice %arg19[%add3A_26, %dma_start3A_108] : memref<1024x128xf32, #tpu.memory_space<vmem_shared>> -> memref<16x128xf32, #tpu.memory_space<vmem_shared>>
      %dma_start3A_110 = arith.constant 0 : i32
      %dma_start3A_111 = tpu.memref_slice %arg19[%add3A_26, %dma_start3A_110] : memref<1024x128xf32, #tpu.memory_space<vmem_shared>> -> memref<16x128xf32, #tpu.memory_space<vmem_shared>>
      tpu.enqueue_dma source(%arg17 : memref<16x128xf32, #tpu.memory_space<vmem>>) target(%dma_start3A_111 : memref<16x128xf32, #tpu.memory_space<vmem_shared>>) target_semaphore(%run_scoped3A : memref<!tpu.dma_semaphore, #tpu.memory_space<semaphore_mem>>)
      %dma_wait3A_112 = arith.constant 0 : i32
      %dma_wait3A_113 = tpu.memref_slice %arg19[%add3A_26, %dma_wait3A_112] : memref<1024x128xf32, #tpu.memory_space<vmem_shared>> -> memref<16x128xf32, #tpu.memory_space<vmem_shared>>
      %dma_wait3A_114 = arith.constant 0 : i32
      %dma_wait3A_115 = tpu.memref_slice %arg19[%add3A_26, %dma_wait3A_114] : memref<1024x128xf32, #tpu.memory_space<vmem_shared>> -> memref<16x128xf32, #tpu.memory_space<vmem_shared>>
      tpu.wait_dma2 semaphore(%run_scoped3A : memref<!tpu.dma_semaphore, #tpu.memory_space<semaphore_mem>>) src(%arg17 : memref<16x128xf32, #tpu.memory_space<vmem>>) dst(%dma_wait3A_115 : memref<16x128xf32, #tpu.memory_space<vmem_shared>>)
      tpu.yield
    }) : () -> ()
    %mul3A_27 = arith.constant 64 : i32
    %mul3A_28 = arith.muli %arg1, %mul3A_27 : i32
    %add3A_29 = arith.constant 48 : i32
    %add3A_30 = arith.addi %mul3A_28, %add3A_29 : i32
    "tpu.region"() ({
      %run_scoped3A = tpu.sem_alloc : memref<!tpu.dma_semaphore, #tpu.memory_space<semaphore_mem>>
      %dma_start3A_108 = arith.constant 0 : i32
      %dma_start3A_109 = tpu.memref_slice %arg19[%add3A_30, %dma_start3A_108] : memref<1024x128xf32, #tpu.memory_space<vmem_shared>> -> memref<16x128xf32, #tpu.memory_space<vmem_shared>>
      %dma_start3A_110 = arith.constant 0 : i32
      %dma_start3A_111 = tpu.memref_slice %arg19[%add3A_30, %dma_start3A_110] : memref<1024x128xf32, #tpu.memory_space<vmem_shared>> -> memref<16x128xf32, #tpu.memory_space<vmem_shared>>
      tpu.enqueue_dma source(%arg17 : memref<16x128xf32, #tpu.memory_space<vmem>>) target(%dma_start3A_111 : memref<16x128xf32, #tpu.memory_space<vmem_shared>>) target_semaphore(%run_scoped3A : memref<!tpu.dma_semaphore, #tpu.memory_space<semaphore_mem>>)
      %dma_wait3A_112 = arith.constant 0 : i32
      %dma_wait3A_113 = tpu.memref_slice %arg19[%add3A_30, %dma_wait3A_112] : memref<1024x128xf32, #tpu.memory_space<vmem_shared>> -> memref<16x128xf32, #tpu.memory_space<vmem_shared>>
      %dma_wait3A_114 = arith.constant 0 : i32
      %dma_wait3A_115 = tpu.memref_slice %arg19[%add3A_30, %dma_wait3A_114] : memref<1024x128xf32, #tpu.memory_space<vmem_shared>> -> memref<16x128xf32, #tpu.memory_space<vmem_shared>>
      tpu.wait_dma2 semaphore(%run_scoped3A : memref<!tpu.dma_semaphore, #tpu.memory_space<semaphore_mem>>) src(%arg17 : memref<16x128xf32, #tpu.memory_space<vmem>>) dst(%dma_wait3A_115 : memref<16x128xf32, #tpu.memory_space<vmem_shared>>)
      tpu.yield
    }) : () -> ()
    %scan3A_31 = arith.constant 0 : i32
    %scan3A_32 = arith.constant 0 : i32
    %scan3A_33 = arith.constant 16 : i32
    %scan3A_34 = arith.addi %scan3A_32, %scan3A_33 : i32
    %scan3A_35 = arith.constant 1 : i32
    %scan3A_36 = scf.for %scan3A_108 = %scan3A_32 to %scan3A_34 step %scan3A_35 iter_args(%scan3A_109 = %scan3A_31) -> (i32)  : i32 {
      %swap3A = arith.index_cast %scan3A_108 : i32 to index
      %swap3A_110 = arith.constant 0 : index
      %swap3A_111 = tpu.vector_load %arg10[%swap3A, %swap3A_110] {strides = array<i32>} : memref<16x128xf32, #tpu.memory_space<vmem>>, vector<1x16xf32>,
      %swap3A_112 = vector.shape_cast %swap3A_111 : vector<1x16xf32> to vector<16xf32>
      %swap3A_113 = vector.shape_cast %broadcast_in_dim3A_1 : vector<16xf32> to vector<1x16xf32>
      tpu.vector_store %arg10[%swap3A, %swap3A_110], %swap3A_113 {strides = array<i32>} : memref<16x128xf32, #tpu.memory_space<vmem>>, vector<1x16xf32>,
      %swap3A_114 = arith.index_cast %scan3A_108 : i32 to index
      %swap3A_115 = arith.constant 0 : index
      %swap3A_116 = tpu.vector_load %arg11[%swap3A_114, %swap3A_115] {strides = array<i32>} : memref<16x128xf32, #tpu.memory_space<vmem>>, vector<1x16xf32>,
      %swap3A_117 = vector.shape_cast %swap3A_116 : vector<1x16xf32> to vector<16xf32>
      %swap3A_118 = vector.shape_cast %broadcast_in_dim3A_1 : vector<16xf32> to vector<1x16xf32>
      tpu.vector_store %arg11[%swap3A_114, %swap3A_115], %swap3A_118 {strides = array<i32>} : memref<16x128xf32, #tpu.memory_space<vmem>>, vector<1x16xf32>,
      %swap3A_119 = arith.index_cast %scan3A_108 : i32 to index
      %swap3A_120 = arith.constant 0 : index
      %swap3A_121 = tpu.vector_load %arg12[%swap3A_119, %swap3A_120] {strides = array<i32>} : memref<16x128xf32, #tpu.memory_space<vmem>>, vector<1x16xf32>,
      %swap3A_122 = vector.shape_cast %swap3A_121 : vector<1x16xf32> to vector<16xf32>
      %swap3A_123 = vector.shape_cast %broadcast_in_dim3A_1 : vector<16xf32> to vector<1x16xf32>
      tpu.vector_store %arg12[%swap3A_119, %swap3A_120], %swap3A_123 {strides = array<i32>} : memref<16x128xf32, #tpu.memory_space<vmem>>, vector<1x16xf32>,
      %swap3A_124 = arith.index_cast %scan3A_108 : i32 to index
      %swap3A_125 = arith.constant 0 : index
      %swap3A_126 = tpu.vector_load %arg13[%swap3A_124, %swap3A_125] {strides = array<i32>} : memref<16x128xf32, #tpu.memory_space<vmem>>, vector<1x16xf32>,
      %swap3A_127 = vector.shape_cast %swap3A_126 : vector<1x16xf32> to vector<16xf32>
      %swap3A_128 = vector.shape_cast %broadcast_in_dim3A_1 : vector<16xf32> to vector<1x16xf32>
      tpu.vector_store %arg13[%swap3A_124, %swap3A_125], %swap3A_128 {strides = array<i32>} : memref<16x128xf32, #tpu.memory_space<vmem>>, vector<1x16xf32>,
      %swap3A_129 = arith.index_cast %scan3A_108 : i32 to index
      %swap3A_130 = arith.constant 0 : index
      %swap3A_131 = tpu.vector_load %arg14[%swap3A_129, %swap3A_130] {strides = array<i32>} : memref<16x128xf32, #tpu.memory_space<vmem>>, vector<1x16xf32>,
      %swap3A_132 = vector.shape_cast %swap3A_131 : vector<1x16xf32> to vector<16xf32>
      %swap3A_133 = vector.shape_cast %broadcast_in_dim3A_1 : vector<16xf32> to vector<1x16xf32>
      tpu.vector_store %arg14[%swap3A_129, %swap3A_130], %swap3A_133 {strides = array<i32>} : memref<16x128xf32, #tpu.memory_space<vmem>>, vector<1x16xf32>,
      %swap3A_134 = arith.index_cast %scan3A_108 : i32 to index
      %swap3A_135 = arith.constant 16 : index
      %swap3A_136 = tpu.vector_load %arg10[%swap3A_134, %swap3A_135] {strides = array<i32>} : memref<16x128xf32, #tpu.memory_space<vmem>>, vector<1x16xf32>,
      %swap3A_137 = vector.shape_cast %swap3A_136 : vector<1x16xf32> to vector<16xf32>
      %swap3A_138 = vector.shape_cast %broadcast_in_dim3A_1 : vector<16xf32> to vector<1x16xf32>
      tpu.vector_store %arg10[%swap3A_134, %swap3A_135], %swap3A_138 {strides = array<i32>} : memref<16x128xf32, #tpu.memory_space<vmem>>, vector<1x16xf32>,
      %swap3A_139 = arith.index_cast %scan3A_108 : i32 to index
      %swap3A_140 = arith.constant 16 : index
      %swap3A_141 = tpu.vector_load %arg11[%swap3A_139, %swap3A_140] {strides = array<i32>} : memref<16x128xf32, #tpu.memory_space<vmem>>, vector<1x16xf32>,
      %swap3A_142 = vector.shape_cast %swap3A_141 : vector<1x16xf32> to vector<16xf32>
      %swap3A_143 = vector.shape_cast %broadcast_in_dim3A_1 : vector<16xf32> to vector<1x16xf32>
      tpu.vector_store %arg11[%swap3A_139, %swap3A_140], %swap3A_143 {strides = array<i32>} : memref<16x128xf32, #tpu.memory_space<vmem>>, vector<1x16xf32>,
      %swap3A_144 = arith.index_cast %scan3A_108 : i32 to index
      %swap3A_145 = arith.constant 16 : index
      %swap3A_146 = tpu.vector_load %arg12[%swap3A_144, %swap3A_145] {strides = array<i32>} : memref<16x128xf32, #tpu.memory_space<vmem>>, vector<1x16xf32>,
      %swap3A_147 = vector.shape_cast %swap3A_146 : vector<1x16xf32> to vector<16xf32>
      %swap3A_148 = vector.shape_cast %broadcast_in_dim3A_1 : vector<16xf32> to vector<1x16xf32>
      tpu.vector_store %arg12[%swap3A_144, %swap3A_145], %swap3A_148 {strides = array<i32>} : memref<16x128xf32, #tpu.memory_space<vmem>>, vector<1x16xf32>,
      %swap3A_149 = arith.index_cast %scan3A_108 : i32 to index
      %swap3A_150 = arith.constant 16 : index
      %swap3A_151 = tpu.vector_load %arg13[%swap3A_149, %swap3A_150] {strides = array<i32>} : memref<16x128xf32, #tpu.memory_space<vmem>>, vector<1x16xf32>,
      %swap3A_152 = vector.shape_cast %swap3A_151 : vector<1x16xf32> to vector<16xf32>
      %swap3A_153 = vector.shape_cast %broadcast_in_dim3A_1 : vector<16xf32> to vector<1x16xf32>
      tpu.vector_store %arg13[%swap3A_149, %swap3A_150], %swap3A_153 {strides = array<i32>} : memref<16x128xf32, #tpu.memory_space<vmem>>, vector<1x16xf32>,
      %swap3A_154 = arith.index_cast %scan3A_108 : i32 to index
      %swap3A_155 = arith.constant 16 : index
      %swap3A_156 = tpu.vector_load %arg14[%swap3A_154, %swap3A_155] {strides = array<i32>} : memref<16x128xf32, #tpu.memory_space<vmem>>, vector<1x16xf32>,
      %swap3A_157 = vector.shape_cast %swap3A_156 : vector<1x16xf32> to vector<16xf32>
      %swap3A_158 = vector.shape_cast %broadcast_in_dim3A_1 : vector<16xf32> to vector<1x16xf32>
      tpu.vector_store %arg14[%swap3A_154, %swap3A_155], %swap3A_158 {strides = array<i32>} : memref<16x128xf32, #tpu.memory_space<vmem>>, vector<1x16xf32>,
      %swap3A_159 = arith.index_cast %scan3A_108 : i32 to index
      %swap3A_160 = arith.constant 32 : index
      %swap3A_161 = tpu.vector_load %arg10[%swap3A_159, %swap3A_160] {strides = array<i32>} : memref<16x128xf32, #tpu.memory_space<vmem>>, vector<1x16xf32>,
      %swap3A_162 = vector.shape_cast %swap3A_161 : vector<1x16xf32> to vector<16xf32>
      %swap3A_163 = vector.shape_cast %broadcast_in_dim3A_1 : vector<16xf32> to vector<1x16xf32>
      tpu.vector_store %arg10[%swap3A_159, %swap3A_160], %swap3A_163 {strides = array<i32>} : memref<16x128xf32, #tpu.memory_space<vmem>>, vector<1x16xf32>,
      %swap3A_164 = arith.index_cast %scan3A_108 : i32 to index
      %swap3A_165 = arith.constant 32 : index
      %swap3A_166 = tpu.vector_load %arg11[%swap3A_164, %swap3A_165] {strides = array<i32>} : memref<16x128xf32, #tpu.memory_space<vmem>>, vector<1x16xf32>,
      %swap3A_167 = vector.shape_cast %swap3A_166 : vector<1x16xf32> to vector<16xf32>
      %swap3A_168 = vector.shape_cast %broadcast_in_dim3A_1 : vector<16xf32> to vector<1x16xf32>
      tpu.vector_store %arg11[%swap3A_164, %swap3A_165], %swap3A_168 {strides = array<i32>} : memref<16x128xf32, #tpu.memory_space<vmem>>, vector<1x16xf32>,
      %swap3A_169 = arith.index_cast %scan3A_108 : i32 to index
      %swap3A_170 = arith.constant 32 : index
      %swap3A_171 = tpu.vector_load %arg12[%swap3A_169, %swap3A_170] {strides = array<i32>} : memref<16x128xf32, #tpu.memory_space<vmem>>, vector<1x16xf32>,
      %swap3A_172 = vector.shape_cast %swap3A_171 : vector<1x16xf32> to vector<16xf32>
      %swap3A_173 = vector.shape_cast %broadcast_in_dim3A_1 : vector<16xf32> to vector<1x16xf32>
      tpu.vector_store %arg12[%swap3A_169, %swap3A_170], %swap3A_173 {strides = array<i32>} : memref<16x128xf32, #tpu.memory_space<vmem>>, vector<1x16xf32>,
      %swap3A_174 = arith.index_cast %scan3A_108 : i32 to index
      %swap3A_175 = arith.constant 32 : index
      %swap3A_176 = tpu.vector_load %arg13[%swap3A_174, %swap3A_175] {strides = array<i32>} : memref<16x128xf32, #tpu.memory_space<vmem>>, vector<1x16xf32>,
      %swap3A_177 = vector.shape_cast %swap3A_176 : vector<1x16xf32> to vector<16xf32>
      %swap3A_178 = vector.shape_cast %broadcast_in_dim3A_1 : vector<16xf32> to vector<1x16xf32>
      tpu.vector_store %arg13[%swap3A_174, %swap3A_175], %swap3A_178 {strides = array<i32>} : memref<16x128xf32, #tpu.memory_space<vmem>>, vector<1x16xf32>,
      %swap3A_179 = arith.index_cast %scan3A_108 : i32 to index
      %swap3A_180 = arith.constant 32 : index
      %swap3A_181 = tpu.vector_load %arg14[%swap3A_179, %swap3A_180] {strides = array<i32>} : memref<16x128xf32, #tpu.memory_space<vmem>>, vector<1x16xf32>,
      %swap3A_182 = vector.shape_cast %swap3A_181 : vector<1x16xf32> to vector<16xf32>
      %swap3A_183 = vector.shape_cast %broadcast_in_dim3A_1 : vector<16xf32> to vector<1x16xf32>
      tpu.vector_store %arg14[%swap3A_179, %swap3A_180], %swap3A_183 {strides = array<i32>} : memref<16x128xf32, #tpu.memory_space<vmem>>, vector<1x16xf32>,
      %swap3A_184 = arith.index_cast %scan3A_108 : i32 to index
      %swap3A_185 = arith.constant 48 : index
      %swap3A_186 = tpu.vector_load %arg10[%swap3A_184, %swap3A_185] {strides = array<i32>} : memref<16x128xf32, #tpu.memory_space<vmem>>, vector<1x16xf32>,
      %swap3A_187 = vector.shape_cast %swap3A_186 : vector<1x16xf32> to vector<16xf32>
      %swap3A_188 = vector.shape_cast %broadcast_in_dim3A_1 : vector<16xf32> to vector<1x16xf32>
      tpu.vector_store %arg10[%swap3A_184, %swap3A_185], %swap3A_188 {strides = array<i32>} : memref<16x128xf32, #tpu.memory_space<vmem>>, vector<1x16xf32>,
      %swap3A_189 = arith.index_cast %scan3A_108 : i32 to index
      %swap3A_190 = arith.constant 48 : index
      %swap3A_191 = tpu.vector_load %arg11[%swap3A_189, %swap3A_190] {strides = array<i32>} : memref<16x128xf32, #tpu.memory_space<vmem>>, vector<1x16xf32>,
      %swap3A_192 = vector.shape_cast %swap3A_191 : vector<1x16xf32> to vector<16xf32>
      %swap3A_193 = vector.shape_cast %broadcast_in_dim3A_1 : vector<16xf32> to vector<1x16xf32>
      tpu.vector_store %arg11[%swap3A_189, %swap3A_190], %swap3A_193 {strides = array<i32>} : memref<16x128xf32, #tpu.memory_space<vmem>>, vector<1x16xf32>,
      %swap3A_194 = arith.index_cast %scan3A_108 : i32 to index
      %swap3A_195 = arith.constant 48 : index
      %swap3A_196 = tpu.vector_load %arg12[%swap3A_194, %swap3A_195] {strides = array<i32>} : memref<16x128xf32, #tpu.memory_space<vmem>>, vector<1x16xf32>,
      %swap3A_197 = vector.shape_cast %swap3A_196 : vector<1x16xf32> to vector<16xf32>
      %swap3A_198 = vector.shape_cast %broadcast_in_dim3A_1 : vector<16xf32> to vector<1x16xf32>
      tpu.vector_store %arg12[%swap3A_194, %swap3A_195], %swap3A_198 {strides = array<i32>} : memref<16x128xf32, #tpu.memory_space<vmem>>, vector<1x16xf32>,
      %swap3A_199 = arith.index_cast %scan3A_108 : i32 to index
      %swap3A_200 = arith.constant 48 : index
      %swap3A_201 = tpu.vector_load %arg13[%swap3A_199, %swap3A_200] {strides = array<i32>} : memref<16x128xf32, #tpu.memory_space<vmem>>, vector<1x16xf32>,
      %swap3A_202 = vector.shape_cast %swap3A_201 : vector<1x16xf32> to vector<16xf32>
      %swap3A_203 = vector.shape_cast %broadcast_in_dim3A_1 : vector<16xf32> to vector<1x16xf32>
      tpu.vector_store %arg13[%swap3A_199, %swap3A_200], %swap3A_203 {strides = array<i32>} : memref<16x128xf32, #tpu.memory_space<vmem>>, vector<1x16xf32>,
      %swap3A_204 = arith.index_cast %scan3A_108 : i32 to index
      %swap3A_205 = arith.constant 48 : index
      %swap3A_206 = tpu.vector_load %arg14[%swap3A_204, %swap3A_205] {strides = array<i32>} : memref<16x128xf32, #tpu.memory_space<vmem>>, vector<1x16xf32>,
      %swap3A_207 = vector.shape_cast %swap3A_206 : vector<1x16xf32> to vector<16xf32>
      %swap3A_208 = vector.shape_cast %broadcast_in_dim3A_1 : vector<16xf32> to vector<1x16xf32>
      tpu.vector_store %arg14[%swap3A_204, %swap3A_205], %swap3A_208 {strides = array<i32>} : memref<16x128xf32, #tpu.memory_space<vmem>>, vector<1x16xf32>,
      %swap3A_209 = arith.index_cast %scan3A_108 : i32 to index
      %swap3A_210 = arith.constant 64 : index
      %swap3A_211 = tpu.vector_load %arg10[%swap3A_209, %swap3A_210] {strides = array<i32>} : memref<16x128xf32, #tpu.memory_space<vmem>>, vector<1x16xf32>,
      %swap3A_212 = vector.shape_cast %swap3A_211 : vector<1x16xf32> to vector<16xf32>
      %swap3A_213 = vector.shape_cast %broadcast_in_dim3A_1 : vector<16xf32> to vector<1x16xf32>
      tpu.vector_store %arg10[%swap3A_209, %swap3A_210], %swap3A_213 {strides = array<i32>} : memref<16x128xf32, #tpu.memory_space<vmem>>, vector<1x16xf32>,
      %swap3A_214 = arith.index_cast %scan3A_108 : i32 to index
      %swap3A_215 = arith.constant 64 : index
      %swap3A_216 = tpu.vector_load %arg11[%swap3A_214, %swap3A_215] {strides = array<i32>} : memref<16x128xf32, #tpu.memory_space<vmem>>, vector<1x16xf32>,
      %swap3A_217 = vector.shape_cast %swap3A_216 : vector<1x16xf32> to vector<16xf32>
      %swap3A_218 = vector.shape_cast %broadcast_in_dim3A_1 : vector<16xf32> to vector<1x16xf32>
      tpu.vector_store %arg11[%swap3A_214, %swap3A_215], %swap3A_218 {strides = array<i32>} : memref<16x128xf32, #tpu.memory_space<vmem>>, vector<1x16xf32>,
      %swap3A_219 = arith.index_cast %scan3A_108 : i32 to index
      %swap3A_220 = arith.constant 64 : index
      %swap3A_221 = tpu.vector_load %arg12[%swap3A_219, %swap3A_220] {strides = array<i32>} : memref<16x128xf32, #tpu.memory_space<vmem>>, vector<1x16xf32>,
      %swap3A_222 = vector.shape_cast %swap3A_221 : vector<1x16xf32> to vector<16xf32>
      %swap3A_223 = vector.shape_cast %broadcast_in_dim3A_1 : vector<16xf32> to vector<1x16xf32>
      tpu.vector_store %arg12[%swap3A_219, %swap3A_220], %swap3A_223 {strides = array<i32>} : memref<16x128xf32, #tpu.memory_space<vmem>>, vector<1x16xf32>,
      %swap3A_224 = arith.index_cast %scan3A_108 : i32 to index
      %swap3A_225 = arith.constant 64 : index
      %swap3A_226 = tpu.vector_load %arg13[%swap3A_224, %swap3A_225] {strides = array<i32>} : memref<16x128xf32, #tpu.memory_space<vmem>>, vector<1x16xf32>,
      %swap3A_227 = vector.shape_cast %swap3A_226 : vector<1x16xf32> to vector<16xf32>
      %swap3A_228 = vector.shape_cast %broadcast_in_dim3A_1 : vector<16xf32> to vector<1x16xf32>
      tpu.vector_store %arg13[%swap3A_224, %swap3A_225], %swap3A_228 {strides = array<i32>} : memref<16x128xf32, #tpu.memory_space<vmem>>, vector<1x16xf32>,
      %swap3A_229 = arith.index_cast %scan3A_108 : i32 to index
      %swap3A_230 = arith.constant 64 : index
      %swap3A_231 = tpu.vector_load %arg14[%swap3A_229, %swap3A_230] {strides = array<i32>} : memref<16x128xf32, #tpu.memory_space<vmem>>, vector<1x16xf32>,
      %swap3A_232 = vector.shape_cast %swap3A_231 : vector<1x16xf32> to vector<16xf32>
      %swap3A_233 = vector.shape_cast %broadcast_in_dim3A_1 : vector<16xf32> to vector<1x16xf32>
      tpu.vector_store %arg14[%swap3A_229, %swap3A_230], %swap3A_233 {strides = array<i32>} : memref<16x128xf32, #tpu.memory_space<vmem>>, vector<1x16xf32>,
      %swap3A_234 = arith.index_cast %scan3A_108 : i32 to index
      %swap3A_235 = arith.constant 80 : index
      %swap3A_236 = tpu.vector_load %arg10[%swap3A_234, %swap3A_235] {strides = array<i32>} : memref<16x128xf32, #tpu.memory_space<vmem>>, vector<1x16xf32>,
      %swap3A_237 = vector.shape_cast %swap3A_236 : vector<1x16xf32> to vector<16xf32>
      %swap3A_238 = vector.shape_cast %broadcast_in_dim3A_1 : vector<16xf32> to vector<1x16xf32>
      tpu.vector_store %arg10[%swap3A_234, %swap3A_235], %swap3A_238 {strides = array<i32>} : memref<16x128xf32, #tpu.memory_space<vmem>>, vector<1x16xf32>,
      %swap3A_239 = arith.index_cast %scan3A_108 : i32 to index
      %swap3A_240 = arith.constant 80 : index
      %swap3A_241 = tpu.vector_load %arg11[%swap3A_239, %swap3A_240] {strides = array<i32>} : memref<16x128xf32, #tpu.memory_space<vmem>>, vector<1x16xf32>,
      %swap3A_242 = vector.shape_cast %swap3A_241 : vector<1x16xf32> to vector<16xf32>
      %swap3A_243 = vector.shape_cast %broadcast_in_dim3A_1 : vector<16xf32> to vector<1x16xf32>
      tpu.vector_store %arg11[%swap3A_239, %swap3A_240], %swap3A_243 {strides = array<i32>} : memref<16x128xf32, #tpu.memory_space<vmem>>, vector<1x16xf32>,
      %swap3A_244 = arith.index_cast %scan3A_108 : i32 to index
      %swap3A_245 = arith.constant 80 : index
      %swap3A_246 = tpu.vector_load %arg12[%swap3A_244, %swap3A_245] {strides = array<i32>} : memref<16x128xf32, #tpu.memory_space<vmem>>, vector<1x16xf32>,
      %swap3A_247 = vector.shape_cast %swap3A_246 : vector<1x16xf32> to vector<16xf32>
      %swap3A_248 = vector.shape_cast %broadcast_in_dim3A_1 : vector<16xf32> to vector<1x16xf32>
      tpu.vector_store %arg12[%swap3A_244, %swap3A_245], %swap3A_248 {strides = array<i32>} : memref<16x128xf32, #tpu.memory_space<vmem>>, vector<1x16xf32>,
      %swap3A_249 = arith.index_cast %scan3A_108 : i32 to index
      %swap3A_250 = arith.constant 80 : index
      %swap3A_251 = tpu.vector_load %arg13[%swap3A_249, %swap3A_250] {strides = array<i32>} : memref<16x128xf32, #tpu.memory_space<vmem>>, vector<1x16xf32>,
      %swap3A_252 = vector.shape_cast %swap3A_251 : vector<1x16xf32> to vector<16xf32>
      %swap3A_253 = vector.shape_cast %broadcast_in_dim3A_1 : vector<16xf32> to vector<1x16xf32>
      tpu.vector_store %arg13[%swap3A_249, %swap3A_250], %swap3A_253 {strides = array<i32>} : memref<16x128xf32, #tpu.memory_space<vmem>>, vector<1x16xf32>,
      %swap3A_254 = arith.index_cast %scan3A_108 : i32 to index
      %swap3A_255 = arith.constant 80 : index
      %swap3A_256 = tpu.vector_load %arg14[%swap3A_254, %swap3A_255] {strides = array<i32>} : memref<16x128xf32, #tpu.memory_space<vmem>>, vector<1x16xf32>,
      %swap3A_257 = vector.shape_cast %swap3A_256 : vector<1x16xf32> to vector<16xf32>
      %swap3A_258 = vector.shape_cast %broadcast_in_dim3A_1 : vector<16xf32> to vector<1x16xf32>
      tpu.vector_store %arg14[%swap3A_254, %swap3A_255], %swap3A_258 {strides = array<i32>} : memref<16x128xf32, #tpu.memory_space<vmem>>, vector<1x16xf32>,
      %swap3A_259 = arith.index_cast %scan3A_108 : i32 to index
      %swap3A_260 = arith.constant 96 : index
      %swap3A_261 = tpu.vector_load %arg10[%swap3A_259, %swap3A_260] {strides = array<i32>} : memref<16x128xf32, #tpu.memory_space<vmem>>, vector<1x16xf32>,
      %swap3A_262 = vector.shape_cast %swap3A_261 : vector<1x16xf32> to vector<16xf32>
      %swap3A_263 = vector.shape_cast %broadcast_in_dim3A_1 : vector<16xf32> to vector<1x16xf32>
      tpu.vector_store %arg10[%swap3A_259, %swap3A_260], %swap3A_263 {strides = array<i32>} : memref<16x128xf32, #tpu.memory_space<vmem>>, vector<1x16xf32>,
      %swap3A_264 = arith.index_cast %scan3A_108 : i32 to index
      %swap3A_265 = arith.constant 96 : index
      %swap3A_266 = tpu.vector_load %arg11[%swap3A_264, %swap3A_265] {strides = array<i32>} : memref<16x128xf32, #tpu.memory_space<vmem>>, vector<1x16xf32>,
      %swap3A_267 = vector.shape_cast %swap3A_266 : vector<1x16xf32> to vector<16xf32>
      %swap3A_268 = vector.shape_cast %broadcast_in_dim3A_1 : vector<16xf32> to vector<1x16xf32>
      tpu.vector_store %arg11[%swap3A_264, %swap3A_265], %swap3A_268 {strides = array<i32>} : memref<16x128xf32, #tpu.memory_space<vmem>>, vector<1x16xf32>,
      %swap3A_269 = arith.index_cast %scan3A_108 : i32 to index
      %swap3A_270 = arith.constant 96 : index
      %swap3A_271 = tpu.vector_load %arg12[%swap3A_269, %swap3A_270] {strides = array<i32>} : memref<16x128xf32, #tpu.memory_space<vmem>>, vector<1x16xf32>,
      %swap3A_272 = vector.shape_cast %swap3A_271 : vector<1x16xf32> to vector<16xf32>
      %swap3A_273 = vector.shape_cast %broadcast_in_dim3A_1 : vector<16xf32> to vector<1x16xf32>
      tpu.vector_store %arg12[%swap3A_269, %swap3A_270], %swap3A_273 {strides = array<i32>} : memref<16x128xf32, #tpu.memory_space<vmem>>, vector<1x16xf32>,
      %swap3A_274 = arith.index_cast %scan3A_108 : i32 to index
      %swap3A_275 = arith.constant 96 : index
      %swap3A_276 = tpu.vector_load %arg13[%swap3A_274, %swap3A_275] {strides = array<i32>} : memref<16x128xf32, #tpu.memory_space<vmem>>, vector<1x16xf32>,
      %swap3A_277 = vector.shape_cast %swap3A_276 : vector<1x16xf32> to vector<16xf32>
      %swap3A_278 = vector.shape_cast %broadcast_in_dim3A_1 : vector<16xf32> to vector<1x16xf32>
      tpu.vector_store %arg13[%swap3A_274, %swap3A_275], %swap3A_278 {strides = array<i32>} : memref<16x128xf32, #tpu.memory_space<vmem>>, vector<1x16xf32>,
      %swap3A_279 = arith.index_cast %scan3A_108 : i32 to index
      %swap3A_280 = arith.constant 96 : index
      %swap3A_281 = tpu.vector_load %arg14[%swap3A_279, %swap3A_280] {strides = array<i32>} : memref<16x128xf32, #tpu.memory_space<vmem>>, vector<1x16xf32>,
      %swap3A_282 = vector.shape_cast %swap3A_281 : vector<1x16xf32> to vector<16xf32>
      %swap3A_283 = vector.shape_cast %broadcast_in_dim3A_1 : vector<16xf32> to vector<1x16xf32>
      tpu.vector_store %arg14[%swap3A_279, %swap3A_280], %swap3A_283 {strides = array<i32>} : memref<16x128xf32, #tpu.memory_space<vmem>>, vector<1x16xf32>,
      %swap3A_284 = arith.index_cast %scan3A_108 : i32 to index
      %swap3A_285 = arith.constant 112 : index
      %swap3A_286 = tpu.vector_load %arg10[%swap3A_284, %swap3A_285] {strides = array<i32>} : memref<16x128xf32, #tpu.memory_space<vmem>>, vector<1x16xf32>,
      %swap3A_287 = vector.shape_cast %swap3A_286 : vector<1x16xf32> to vector<16xf32>
      %swap3A_288 = vector.shape_cast %broadcast_in_dim3A_1 : vector<16xf32> to vector<1x16xf32>
      tpu.vector_store %arg10[%swap3A_284, %swap3A_285], %swap3A_288 {strides = array<i32>} : memref<16x128xf32, #tpu.memory_space<vmem>>, vector<1x16xf32>,
      %swap3A_289 = arith.index_cast %scan3A_108 : i32 to index
      %swap3A_290 = arith.constant 112 : index
      %swap3A_291 = tpu.vector_load %arg11[%swap3A_289, %swap3A_290] {strides = array<i32>} : memref<16x128xf32, #tpu.memory_space<vmem>>, vector<1x16xf32>,
      %swap3A_292 = vector.shape_cast %swap3A_291 : vector<1x16xf32> to vector<16xf32>
      %swap3A_293 = vector.shape_cast %broadcast_in_dim3A_1 : vector<16xf32> to vector<1x16xf32>
      tpu.vector_store %arg11[%swap3A_289, %swap3A_290], %swap3A_293 {strides = array<i32>} : memref<16x128xf32, #tpu.memory_space<vmem>>, vector<1x16xf32>,
      %swap3A_294 = arith.index_cast %scan3A_108 : i32 to index
      %swap3A_295 = arith.constant 112 : index
      %swap3A_296 = tpu.vector_load %arg12[%swap3A_294, %swap3A_295] {strides = array<i32>} : memref<16x128xf32, #tpu.memory_space<vmem>>, vector<1x16xf32>,
      %swap3A_297 = vector.shape_cast %swap3A_296 : vector<1x16xf32> to vector<16xf32>
      %swap3A_298 = vector.shape_cast %broadcast_in_dim3A_1 : vector<16xf32> to vector<1x16xf32>
      tpu.vector_store %arg12[%swap3A_294, %swap3A_295], %swap3A_298 {strides = array<i32>} : memref<16x128xf32, #tpu.memory_space<vmem>>, vector<1x16xf32>,
      %swap3A_299 = arith.index_cast %scan3A_108 : i32 to index
      %swap3A_300 = arith.constant 112 : index
      %swap3A_301 = tpu.vector_load %arg13[%swap3A_299, %swap3A_300] {strides = array<i32>} : memref<16x128xf32, #tpu.memory_space<vmem>>, vector<1x16xf32>,
      %swap3A_302 = vector.shape_cast %swap3A_301 : vector<1x16xf32> to vector<16xf32>
      %swap3A_303 = vector.shape_cast %broadcast_in_dim3A_1 : vector<16xf32> to vector<1x16xf32>
      tpu.vector_store %arg13[%swap3A_299, %swap3A_300], %swap3A_303 {strides = array<i32>} : memref<16x128xf32, #tpu.memory_space<vmem>>, vector<1x16xf32>,
      %swap3A_304 = arith.index_cast %scan3A_108 : i32 to index
      %swap3A_305 = arith.constant 112 : index
      %swap3A_306 = tpu.vector_load %arg14[%swap3A_304, %swap3A_305] {strides = array<i32>} : memref<16x128xf32, #tpu.memory_space<vmem>>, vector<1x16xf32>,
      %swap3A_307 = vector.shape_cast %swap3A_306 : vector<1x16xf32> to vector<16xf32>
      %swap3A_308 = vector.shape_cast %broadcast_in_dim3A_1 : vector<16xf32> to vector<1x16xf32>
      tpu.vector_store %arg14[%swap3A_304, %swap3A_305], %swap3A_308 {strides = array<i32>} : memref<16x128xf32, #tpu.memory_space<vmem>>, vector<1x16xf32>,
      %scan3A_309 = arith.constant 0 : i32
      scf.yield %scan3A_309 : i32
    }
    %scan3A_37 = arith.constant 16 : i32
    %dma_wait3A = arith.constant 0 : i32
    %dma_wait3A_38 = arith.constant 0 : i32
    %dma_wait3A_39 = tpu.memref_slice %arg3[%add3A, %dma_wait3A, %dma_wait3A_38] : memref<32x125x80xi32, #tpu.memory_space<hbm>> -> memref<1x125x80xi32, #tpu.memory_space<hbm>>
    %dma_wait3A_40 = tpu.memref_squeeze %dma_wait3A_39 : memref<1x125x80xi32, #tpu.memory_space<hbm>> -> memref<125x80xi32, #tpu.memory_space<hbm>>
    %dma_wait3A_41 = arith.constant 0 : i32
    %dma_wait3A_42 = arith.constant 0 : i32
    %dma_wait3A_43 = tpu.memref_slice %arg3[%add3A, %dma_wait3A_41, %dma_wait3A_42] : memref<32x125x80xi32, #tpu.memory_space<hbm>> -> memref<1x125x80xi32, #tpu.memory_space<hbm>>
    %dma_wait3A_44 = tpu.memref_squeeze %dma_wait3A_43 : memref<1x125x80xi32, #tpu.memory_space<hbm>> -> memref<125x80xi32, #tpu.memory_space<hbm>>
    tpu.wait_dma2 semaphore(%arg24 : memref<!tpu.dma_semaphore, #tpu.memory_space<semaphore_mem>>) src(%dma_wait3A_44 : memref<125x80xi32, #tpu.memory_space<hbm>>) dst(%arg15 : memref<125x80xi32, #tpu.memory_space<vmem>>)
    %scan3A_45 = arith.constant 0 : i32
    %scan3A_46 = arith.constant 0 : i32
    %scan3A_47 = arith.constant 125 : i32
    %scan3A_48 = arith.addi %scan3A_46, %scan3A_47 : i32
    %scan3A_49 = arith.constant 1 : i32
    %scan3A_50 = scf.for %scan3A_108 = %scan3A_46 to %scan3A_48 step %scan3A_49 iter_args(%scan3A_109 = %scan3A_45) -> (i32)  : i32 {
      %get3A_110 = arith.index_cast %scan3A_108 : i32 to index
      %get3A_111 = arith.constant 0 : index
      %get3A_112 = tpu.vector_load %arg15[%get3A_110, %get3A_111] {strides = array<i32>} : memref<125x80xi32, #tpu.memory_space<vmem>>, vector<1x16xi32>,
      %get3A_113 = vector.shape_cast %get3A_112 : vector<1x16xi32> to vector<16xi32>
      %swap3A = arith.index_cast %scan3A_108 : i32 to index
      %swap3A_114 = arith.constant 0 : index
      %swap3A_115 = tpu.vector_load %arg16[%swap3A, %swap3A_114] {strides = array<i32>} : memref<125x16xi32, #tpu.memory_space<vmem>>, vector<1x16xi32>,
      %swap3A_116 = vector.shape_cast %swap3A_115 : vector<1x16xi32> to vector<16xi32>
      %swap3A_117 = vector.shape_cast %get3A_113 : vector<16xi32> to vector<1x16xi32>
      tpu.vector_store %arg16[%swap3A, %swap3A_114], %swap3A_117 {strides = array<i32>} : memref<125x16xi32, #tpu.memory_space<vmem>>, vector<1x16xi32>,
      %get3A_118 = arith.index_cast %scan3A_108 : i32 to index
      %get3A_119 = arith.constant 64 : index
      %get3A_120 = tpu.vector_load %arg15[%get3A_118, %get3A_119] {strides = array<i32>} : memref<125x80xi32, #tpu.memory_space<vmem>>, vector<1x16xi32>,
      %get3A_121 = vector.shape_cast %get3A_120 : vector<1x16xi32> to vector<16xi32>
      %slice3A = vector.extract_strided_slice %get3A_121 {offsets = [15], sizes = [1], strides = [1]} : vector<16xi32> to vector<1xi32>
      %squeeze3A = vector.extract %slice3A[0] : i32 from vector<1xi32>
      %slice3A_122 = vector.extract_strided_slice %get3A_113 {offsets = [0], sizes = [1], strides = [1]} : vector<16xi32> to vector<1xi32>
      %squeeze3A_123 = vector.extract %slice3A_122[0] : i32 from vector<1xi32>
      %eq3A_124 = arith.cmpi eq, %squeeze3A_123, %squeeze3A : i32
      %jit3A = arith.constant 1 : i32
      %jit3A_125 = arith.constant 0 : i32
      %select_n3A = arith.select %eq3A_124, %jit3A, %jit3A_125 : i32
      %swap3A_126 = arith.index_cast %scan3A_108 : i32 to index
      %swap3A_127 = memref.load %arg18[%swap3A_126] : memref<125xi32, #tpu.memory_space<smem>>
      memref.store %select_n3A, %arg18[%swap3A_126] : memref<125xi32, #tpu.memory_space<smem>>
      %scan3A_128 = arith.constant 0 : i32
      scf.yield %scan3A_128 : i32
    }
    %scan3A_51 = arith.constant 125 : i32
    %barrier3A = arith.constant 0 : index
    tpu.barrier barrier_id(%barrier3A)
    %dma_start3A_52 = arith.constant 0 : i32
    %dma_start3A_53 = arith.constant 0 : i32
    %dma_start3A_54 = arith.constant 0 : i32
    %dma_start3A_55 = tpu.memref_slice %arg2[%add3A, %dma_start3A_52, %dma_start3A_53, %dma_start3A_54] : memref<32x125x80x128xf32, #tpu.memory_space<hbm>> -> memref<1x1x80x128xf32, #tpu.memory_space<hbm>>
    %dma_start3A_56 = tpu.memref_squeeze %dma_start3A_55 : memref<1x1x80x128xf32, #tpu.memory_space<hbm>> -> memref<80x128xf32, #tpu.memory_space<hbm>>
    %dma_start3A_57 = arith.constant 0 : i32
    %dma_start3A_58 = arith.constant 0 : i32
    %dma_start3A_59 = tpu.memref_slice %arg2[%add3A, %dma_start3A_52, %dma_start3A_57, %dma_start3A_58] : memref<32x125x80x128xf32, #tpu.memory_space<hbm>> -> memref<1x1x80x128xf32, #tpu.memory_space<hbm>>
    %dma_start3A_60 = tpu.memref_squeeze %dma_start3A_59 : memref<1x1x80x128xf32, #tpu.memory_space<hbm>> -> memref<80x128xf32, #tpu.memory_space<hbm>>
    tpu.enqueue_dma source(%dma_start3A_60 : memref<80x128xf32, #tpu.memory_space<hbm>>) target(%arg5 : memref<80x128xf32, #tpu.memory_space<vmem>>) target_semaphore(%arg20 : memref<!tpu.dma_semaphore, #tpu.memory_space<semaphore_mem>>)
    %dma_start3A_61 = arith.constant 1 : i32
    %dma_start3A_62 = arith.constant 0 : i32
    %dma_start3A_63 = arith.constant 0 : i32
    %dma_start3A_64 = tpu.memref_slice %arg2[%add3A, %dma_start3A_61, %dma_start3A_62, %dma_start3A_63] : memref<32x125x80x128xf32, #tpu.memory_space<hbm>> -> memref<1x1x80x128xf32, #tpu.memory_space<hbm>>
    %dma_start3A_65 = tpu.memref_squeeze %dma_start3A_64 : memref<1x1x80x128xf32, #tpu.memory_space<hbm>> -> memref<80x128xf32, #tpu.memory_space<hbm>>
    %dma_start3A_66 = arith.constant 0 : i32
    %dma_start3A_67 = arith.constant 0 : i32
    %dma_start3A_68 = tpu.memref_slice %arg2[%add3A, %dma_start3A_61, %dma_start3A_66, %dma_start3A_67] : memref<32x125x80x128xf32, #tpu.memory_space<hbm>> -> memref<1x1x80x128xf32, #tpu.memory_space<hbm>>
    %dma_start3A_69 = tpu.memref_squeeze %dma_start3A_68 : memref<1x1x80x128xf32, #tpu.memory_space<hbm>> -> memref<80x128xf32, #tpu.memory_space<hbm>>
    tpu.enqueue_dma source(%dma_start3A_69 : memref<80x128xf32, #tpu.memory_space<hbm>>) target(%arg6 : memref<80x128xf32, #tpu.memory_space<vmem>>) target_semaphore(%arg21 : memref<!tpu.dma_semaphore, #tpu.memory_space<semaphore_mem>>)
    %dma_start3A_70 = arith.constant 2 : i32
    %dma_start3A_71 = arith.constant 0 : i32
    %dma_start3A_72 = arith.constant 0 : i32
    %dma_start3A_73 = tpu.memref_slice %arg2[%add3A, %dma_start3A_70, %dma_start3A_71, %dma_start3A_72] : memref<32x125x80x128xf32, #tpu.memory_space<hbm>> -> memref<1x1x80x128xf32, #tpu.memory_space<hbm>>
    %dma_start3A_74 = tpu.memref_squeeze %dma_start3A_73 : memref<1x1x80x128xf32, #tpu.memory_space<hbm>> -> memref<80x128xf32, #tpu.memory_space<hbm>>
    %dma_start3A_75 = arith.constant 0 : i32
    %dma_start3A_76 = arith.constant 0 : i32
    %dma_start3A_77 = tpu.memref_slice %arg2[%add3A, %dma_start3A_70, %dma_start3A_75, %dma_start3A_76] : memref<32x125x80x128xf32, #tpu.memory_space<hbm>> -> memref<1x1x80x128xf32, #tpu.memory_space<hbm>>
    %dma_start3A_78 = tpu.memref_squeeze %dma_start3A_77 : memref<1x1x80x128xf32, #tpu.memory_space<hbm>> -> memref<80x128xf32, #tpu.memory_space<hbm>>
    tpu.enqueue_dma source(%dma_start3A_78 : memref<80x128xf32, #tpu.memory_space<hbm>>) target(%arg7 : memref<80x128xf32, #tpu.memory_space<vmem>>) target_semaphore(%arg22 : memref<!tpu.dma_semaphore, #tpu.memory_space<semaphore_mem>>)
    %dma_start3A_79 = arith.constant 3 : i32
    %dma_start3A_80 = arith.constant 0 : i32
    %dma_start3A_81 = arith.constant 0 : i32
    %dma_start3A_82 = tpu.memref_slice %arg2[%add3A, %dma_start3A_79, %dma_start3A_80, %dma_start3A_81] : memref<32x125x80x128xf32, #tpu.memory_space<hbm>> -> memref<1x1x80x128xf32, #tpu.memory_space<hbm>>
    %dma_start3A_83 = tpu.memref_squeeze %dma_start3A_82 : memref<1x1x80x128xf32, #tpu.memory_space<hbm>> -> memref<80x128xf32, #tpu.memory_space<hbm>>
    %dma_start3A_84 = arith.constant 0 : i32
    %dma_start3A_85 = arith.constant 0 : i32
    %dma_start3A_86 = tpu.memref_slice %arg2[%add3A, %dma_start3A_79, %dma_start3A_84, %dma_start3A_85] : memref<32x125x80x128xf32, #tpu.memory_space<hbm>> -> memref<1x1x80x128xf32, #tpu.memory_space<hbm>>
    %dma_start3A_87 = tpu.memref_squeeze %dma_start3A_86 : memref<1x1x80x128xf32, #tpu.memory_space<hbm>> -> memref<80x128xf32, #tpu.memory_space<hbm>>
    tpu.enqueue_dma source(%dma_start3A_87 : memref<80x128xf32, #tpu.memory_space<hbm>>) target(%arg8 : memref<80x128xf32, #tpu.memory_space<vmem>>) target_semaphore(%arg23 : memref<!tpu.dma_semaphore, #tpu.memory_space<semaphore_mem>>)
    %scan3A_88 = arith.constant 0 : i32
    %scan3A_89 = arith.constant 0 : i32
    %scan3A_90 = arith.constant 25 : i32
    %scan3A_91 = arith.addi %scan3A_89, %scan3A_90 : i32
    %scan3A_92 = arith.constant 1 : i32
    %scan3A_93 = scf.for %scan3A_108 = %scan3A_89 to %scan3A_91 step %scan3A_92 iter_args(%scan3A_109 = %scan3A_88) -> (i32)  : i32 {
      %mul3A_110 = arith.constant 5 : i32
      %mul3A_111 = arith.muli %mul3A_110, %scan3A_108 : i32
      %add3A_112 = arith.constant 0 : i32
      %add3A_113 = arith.addi %mul3A_111, %add3A_112 : i32
      %dma_wait3A_114 = arith.constant 0 : i32
      %dma_wait3A_115 = arith.constant 0 : i32
      %dma_wait3A_116 = tpu.memref_slice %arg2[%add3A, %add3A_113, %dma_wait3A_114, %dma_wait3A_115] : memref<32x125x80x128xf32, #tpu.memory_space<hbm>> -> memref<1x1x80x128xf32, #tpu.memory_space<hbm>>
      %dma_wait3A_117 = tpu.memref_squeeze %dma_wait3A_116 : memref<1x1x80x128xf32, #tpu.memory_space<hbm>> -> memref<80x128xf32, #tpu.memory_space<hbm>>
      %dma_wait3A_118 = arith.constant 0 : i32
      %dma_wait3A_119 = arith.constant 0 : i32
      %dma_wait3A_120 = tpu.memref_slice %arg2[%add3A, %add3A_113, %dma_wait3A_118, %dma_wait3A_119] : memref<32x125x80x128xf32, #tpu.memory_space<hbm>> -> memref<1x1x80x128xf32, #tpu.memory_space<hbm>>
      %dma_wait3A_121 = tpu.memref_squeeze %dma_wait3A_120 : memref<1x1x80x128xf32, #tpu.memory_space<hbm>> -> memref<80x128xf32, #tpu.memory_space<hbm>>
      tpu.wait_dma2 semaphore(%arg20 : memref<!tpu.dma_semaphore, #tpu.memory_space<semaphore_mem>>) src(%dma_wait3A_121 : memref<80x128xf32, #tpu.memory_space<hbm>>) dst(%arg5 : memref<80x128xf32, #tpu.memory_space<vmem>>)
      %get3A_122 = arith.index_cast %add3A_113 : i32 to index
      %get3A_123 = memref.load %arg18[%get3A_122] : memref<125xi32, #tpu.memory_space<smem>>
      %eq3A_124 = arith.constant 1 : i32
      %eq3A_125 = arith.cmpi eq, %get3A_123, %eq3A_124 : i32
      %convert_element_type3A_126 = arith.extui %eq3A_125 : i1 to i32
      %cond3A_127 = arith.constant 0 : i32
      %cond3A_128 = arith.cmpi ne, %convert_element_type3A_126, %cond3A_127 : i32
      scf.if %cond3A_128 {
        %scan3A_298 = arith.constant 0 : i32
        %scan3A_299 = arith.constant 20 : i32
        %scan3A_300 = arith.addi %scan3A_298, %scan3A_299 : i32
        %scan3A_301 = arith.constant 1 : i32
        %scan3A_302:32 = scf.for %scan3A_501 = %scan3A_298 to %scan3A_300 step %scan3A_301 iter_args(%scan3A_502 = %broadcast_in_dim3A_1, %scan3A_503 = %broadcast_in_dim3A_1, %scan3A_504 = %broadcast_in_dim3A_1, %scan3A_505 = %broadcast_in_dim3A_1, %scan3A_506 = %broadcast_in_dim3A_1, %scan3A_507 = %broadcast_in_dim3A_1, %scan3A_508 = %broadcast_in_dim3A_1, %scan3A_509 = %broadcast_in_dim3A_1, %scan3A_510 = %broadcast_in_dim3A_1, %scan3A_511 = %broadcast_in_dim3A_1, %scan3A_512 = %broadcast_in_dim3A_1, %scan3A_513 = %broadcast_in_dim3A_1, %scan3A_514 = %broadcast_in_dim3A_1, %scan3A_515 = %broadcast_in_dim3A_1, %scan3A_516 = %broadcast_in_dim3A_1, %scan3A_517 = %broadcast_in_dim3A_1, %scan3A_518 = %broadcast_in_dim3A_1, %scan3A_519 = %broadcast_in_dim3A_1, %scan3A_520 = %broadcast_in_dim3A_1, %scan3A_521 = %broadcast_in_dim3A_1, %scan3A_522 = %broadcast_in_dim3A_1, %scan3A_523 = %broadcast_in_dim3A_1, %scan3A_524 = %broadcast_in_dim3A_1, %scan3A_525 = %broadcast_in_dim3A_1, %scan3A_526 = %broadcast_in_dim3A_1, %scan3A_527 = %broadcast_in_dim3A_1, %scan3A_528 = %broadcast_in_dim3A_1, %scan3A_529 = %broadcast_in_dim3A_1, %scan3A_530 = %broadcast_in_dim3A_1, %scan3A_531 = %broadcast_in_dim3A_1, %scan3A_532 = %broadcast_in_dim3A_1, %scan3A_533 = %broadcast_in_dim3A_1) -> (vector<16xf32>, vector<16xf32>, vector<16xf32>, vector<16xf32>, vector<16xf32>, vector<16xf32>, vector<16xf32>, vector<16xf32>, vector<16xf32>, vector<16xf32>, vector<16xf32>, vector<16xf32>, vector<16xf32>, vector<16xf32>, vector<16xf32>, vector<16xf32>, vector<16xf32>, vector<16xf32>, vector<16xf32>, vector<16xf32>, vector<16xf32>, vector<16xf32>, vector<16xf32>, vector<16xf32>, vector<16xf32>, vector<16xf32>, vector<16xf32>, vector<16xf32>, vector<16xf32>, vector<16xf32>, vector<16xf32>, vector<16xf32>)  : i32 {
          %mul3A_534 = arith.constant 4 : i32
          %mul3A_535 = arith.muli %scan3A_501, %mul3A_534 : i32
          %add3A_536 = arith.constant 0 : i32
          %add3A_537 = arith.addi %mul3A_535, %add3A_536 : i32
          %get3A_538 = arith.index_cast %add3A_537 : i32 to index
          %get3A_539 = arith.constant 0 : index
          %get3A_540 = tpu.vector_load %arg5[%get3A_538, %get3A_539] {strides = array<i32>} : memref<80x128xf32, #tpu.memory_space<vmem>>, vector<1x16xf32>,
          %get3A_541 = vector.shape_cast %get3A_540 : vector<1x16xf32> to vector<16xf32>
          %add3A_542 = arith.addf %scan3A_502, %get3A_541 : vector<16xf32>
          %get3A_543 = arith.index_cast %add3A_537 : i32 to index
          %get3A_544 = arith.constant 16 : index
          %get3A_545 = tpu.vector_load %arg5[%get3A_543, %get3A_544] {strides = array<i32>} : memref<80x128xf32, #tpu.memory_space<vmem>>, vector<1x16xf32>,
          %get3A_546 = vector.shape_cast %get3A_545 : vector<1x16xf32> to vector<16xf32>
          %add3A_547 = arith.addf %scan3A_503, %get3A_546 : vector<16xf32>
          %get3A_548 = arith.index_cast %add3A_537 : i32 to index
          %get3A_549 = arith.constant 32 : index
          %get3A_550 = tpu.vector_load %arg5[%get3A_548, %get3A_549] {strides = array<i32>} : memref<80x128xf32, #tpu.memory_space<vmem>>, vector<1x16xf32>,
          %get3A_551 = vector.shape_cast %get3A_550 : vector<1x16xf32> to vector<16xf32>
          %add3A_552 = arith.addf %scan3A_504, %get3A_551 : vector<16xf32>
          %get3A_553 = arith.index_cast %add3A_537 : i32 to index
          %get3A_554 = arith.constant 48 : index
          %get3A_555 = tpu.vector_load %arg5[%get3A_553, %get3A_554] {strides = array<i32>} : memref<80x128xf32, #tpu.memory_space<vmem>>, vector<1x16xf32>,
          %get3A_556 = vector.shape_cast %get3A_555 : vector<1x16xf32> to vector<16xf32>
          %add3A_557 = arith.addf %scan3A_505, %get3A_556 : vector<16xf32>
          %get3A_558 = arith.index_cast %add3A_537 : i32 to index
          %get3A_559 = arith.constant 64 : index
          %get3A_560 = tpu.vector_load %arg5[%get3A_558, %get3A_559] {strides = array<i32>} : memref<80x128xf32, #tpu.memory_space<vmem>>, vector<1x16xf32>,
          %get3A_561 = vector.shape_cast %get3A_560 : vector<1x16xf32> to vector<16xf32>
          %add3A_562 = arith.addf %scan3A_506, %get3A_561 : vector<16xf32>
          %get3A_563 = arith.index_cast %add3A_537 : i32 to index
          %get3A_564 = arith.constant 80 : index
          %get3A_565 = tpu.vector_load %arg5[%get3A_563, %get3A_564] {strides = array<i32>} : memref<80x128xf32, #tpu.memory_space<vmem>>, vector<1x16xf32>,
          %get3A_566 = vector.shape_cast %get3A_565 : vector<1x16xf32> to vector<16xf32>
          %add3A_567 = arith.addf %scan3A_507, %get3A_566 : vector<16xf32>
          %get3A_568 = arith.index_cast %add3A_537 : i32 to index
          %get3A_569 = arith.constant 96 : index
          %get3A_570 = tpu.vector_load %arg5[%get3A_568, %get3A_569] {strides = array<i32>} : memref<80x128xf32, #tpu.memory_space<vmem>>, vector<1x16xf32>,
          %get3A_571 = vector.shape_cast %get3A_570 : vector<1x16xf32> to vector<16xf32>
          %add3A_572 = arith.addf %scan3A_508, %get3A_571 : vector<16xf32>
          %get3A_573 = arith.index_cast %add3A_537 : i32 to index
          %get3A_574 = arith.constant 112 : index
          %get3A_575 = tpu.vector_load %arg5[%get3A_573, %get3A_574] {strides = array<i32>} : memref<80x128xf32, #tpu.memory_space<vmem>>, vector<1x16xf32>,
          %get3A_576 = vector.shape_cast %get3A_575 : vector<1x16xf32> to vector<16xf32>
          %add3A_577 = arith.addf %scan3A_509, %get3A_576 : vector<16xf32>
          %mul3A_578 = arith.constant 4 : i32
          %mul3A_579 = arith.muli %scan3A_501, %mul3A_578 : i32
          %add3A_580 = arith.constant 1 : i32
          %add3A_581 = arith.addi %mul3A_579, %add3A_580 : i32
          %get3A_582 = arith.index_cast %add3A_581 : i32 to index
          %get3A_583 = arith.constant 0 : index
          %get3A_584 = tpu.vector_load %arg5[%get3A_582, %get3A_583] {strides = array<i32>} : memref<80x128xf32, #tpu.memory_space<vmem>>, vector<1x16xf32>,
          %get3A_585 = vector.shape_cast %get3A_584 : vector<1x16xf32> to vector<16xf32>
          %add3A_586 = arith.addf %scan3A_510, %get3A_585 : vector<16xf32>
          %get3A_587 = arith.index_cast %add3A_581 : i32 to index
          %get3A_588 = arith.constant 16 : index
          %get3A_589 = tpu.vector_load %arg5[%get3A_587, %get3A_588] {strides = array<i32>} : memref<80x128xf32, #tpu.memory_space<vmem>>, vector<1x16xf32>,
          %get3A_590 = vector.shape_cast %get3A_589 : vector<1x16xf32> to vector<16xf32>
          %add3A_591 = arith.addf %scan3A_511, %get3A_590 : vector<16xf32>
          %get3A_592 = arith.index_cast %add3A_581 : i32 to index
          %get3A_593 = arith.constant 32 : index
          %get3A_594 = tpu.vector_load %arg5[%get3A_592, %get3A_593] {strides = array<i32>} : memref<80x128xf32, #tpu.memory_space<vmem>>, vector<1x16xf32>,
          %get3A_595 = vector.shape_cast %get3A_594 : vector<1x16xf32> to vector<16xf32>
          %add3A_596 = arith.addf %scan3A_512, %get3A_595 : vector<16xf32>
          %get3A_597 = arith.index_cast %add3A_581 : i32 to index
          %get3A_598 = arith.constant 48 : index
          %get3A_599 = tpu.vector_load %arg5[%get3A_597, %get3A_598] {strides = array<i32>} : memref<80x128xf32, #tpu.memory_space<vmem>>, vector<1x16xf32>,
          %get3A_600 = vector.shape_cast %get3A_599 : vector<1x16xf32> to vector<16xf32>
          %add3A_601 = arith.addf %scan3A_513, %get3A_600 : vector<16xf32>
          %get3A_602 = arith.index_cast %add3A_581 : i32 to index
          %get3A_603 = arith.constant 64 : index
          %get3A_604 = tpu.vector_load %arg5[%get3A_602, %get3A_603] {strides = array<i32>} : memref<80x128xf32, #tpu.memory_space<vmem>>, vector<1x16xf32>,
          %get3A_605 = vector.shape_cast %get3A_604 : vector<1x16xf32> to vector<16xf32>
          %add3A_606 = arith.addf %scan3A_514, %get3A_605 : vector<16xf32>
          %get3A_607 = arith.index_cast %add3A_581 : i32 to index
          %get3A_608 = arith.constant 80 : index
          %get3A_609 = tpu.vector_load %arg5[%get3A_607, %get3A_608] {strides = array<i32>} : memref<80x128xf32, #tpu.memory_space<vmem>>, vector<1x16xf32>,
          %get3A_610 = vector.shape_cast %get3A_609 : vector<1x16xf32> to vector<16xf32>
          %add3A_611 = arith.addf %scan3A_515, %get3A_610 : vector<16xf32>
          %get3A_612 = arith.index_cast %add3A_581 : i32 to index
          %get3A_613 = arith.constant 96 : index
          %get3A_614 = tpu.vector_load %arg5[%get3A_612, %get3A_613] {strides = array<i32>} : memref<80x128xf32, #tpu.memory_space<vmem>>, vector<1x16xf32>,
          %get3A_615 = vector.shape_cast %get3A_614 : vector<1x16xf32> to vector<16xf32>
          %add3A_616 = arith.addf %scan3A_516, %get3A_615 : vector<16xf32>
          %get3A_617 = arith.index_cast %add3A_581 : i32 to index
          %get3A_618 = arith.constant 112 : index
          %get3A_619 = tpu.vector_load %arg5[%get3A_617, %get3A_618] {strides = array<i32>} : memref<80x128xf32, #tpu.memory_space<vmem>>, vector<1x16xf32>,
          %get3A_620 = vector.shape_cast %get3A_619 : vector<1x16xf32> to vector<16xf32>
          %add3A_621 = arith.addf %scan3A_517, %get3A_620 : vector<16xf32>
          %mul3A_622 = arith.constant 4 : i32
          %mul3A_623 = arith.muli %scan3A_501, %mul3A_622 : i32
          %add3A_624 = arith.constant 2 : i32
          %add3A_625 = arith.addi %mul3A_623, %add3A_624 : i32
          %get3A_626 = arith.index_cast %add3A_625 : i32 to index
          %get3A_627 = arith.constant 0 : index
          %get3A_628 = tpu.vector_load %arg5[%get3A_626, %get3A_627] {strides = array<i32>} : memref<80x128xf32, #tpu.memory_space<vmem>>, vector<1x16xf32>,
          %get3A_629 = vector.shape_cast %get3A_628 : vector<1x16xf32> to vector<16xf32>
          %add3A_630 = arith.addf %scan3A_518, %get3A_629 : vector<16xf32>
          %get3A_631 = arith.index_cast %add3A_625 : i32 to index
          %get3A_632 = arith.constant 16 : index
          %get3A_633 = tpu.vector_load %arg5[%get3A_631, %get3A_632] {strides = array<i32>} : memref<80x128xf32, #tpu.memory_space<vmem>>, vector<1x16xf32>,
          %get3A_634 = vector.shape_cast %get3A_633 : vector<1x16xf32> to vector<16xf32>
          %add3A_635 = arith.addf %scan3A_519, %get3A_634 : vector<16xf32>
          %get3A_636 = arith.index_cast %add3A_625 : i32 to index
          %get3A_637 = arith.constant 32 : index
          %get3A_638 = tpu.vector_load %arg5[%get3A_636, %get3A_637] {strides = array<i32>} : memref<80x128xf32, #tpu.memory_space<vmem>>, vector<1x16xf32>,
          %get3A_639 = vector.shape_cast %get3A_638 : vector<1x16xf32> to vector<16xf32>
          %add3A_640 = arith.addf %scan3A_520, %get3A_639 : vector<16xf32>
          %get3A_641 = arith.index_cast %add3A_625 : i32 to index
          %get3A_642 = arith.constant 48 : index
          %get3A_643 = tpu.vector_load %arg5[%get3A_641, %get3A_642] {strides = array<i32>} : memref<80x128xf32, #tpu.memory_space<vmem>>, vector<1x16xf32>,
          %get3A_644 = vector.shape_cast %get3A_643 : vector<1x16xf32> to vector<16xf32>
          %add3A_645 = arith.addf %scan3A_521, %get3A_644 : vector<16xf32>
          %get3A_646 = arith.index_cast %add3A_625 : i32 to index
          %get3A_647 = arith.constant 64 : index
          %get3A_648 = tpu.vector_load %arg5[%get3A_646, %get3A_647] {strides = array<i32>} : memref<80x128xf32, #tpu.memory_space<vmem>>, vector<1x16xf32>,
          %get3A_649 = vector.shape_cast %get3A_648 : vector<1x16xf32> to vector<16xf32>
          %add3A_650 = arith.addf %scan3A_522, %get3A_649 : vector<16xf32>
          %get3A_651 = arith.index_cast %add3A_625 : i32 to index
          %get3A_652 = arith.constant 80 : index
          %get3A_653 = tpu.vector_load %arg5[%get3A_651, %get3A_652] {strides = array<i32>} : memref<80x128xf32, #tpu.memory_space<vmem>>, vector<1x16xf32>,
          %get3A_654 = vector.shape_cast %get3A_653 : vector<1x16xf32> to vector<16xf32>
          %add3A_655 = arith.addf %scan3A_523, %get3A_654 : vector<16xf32>
          %get3A_656 = arith.index_cast %add3A_625 : i32 to index
          %get3A_657 = arith.constant 96 : index
          %get3A_658 = tpu.vector_load %arg5[%get3A_656, %get3A_657] {strides = array<i32>} : memref<80x128xf32, #tpu.memory_space<vmem>>, vector<1x16xf32>,
          %get3A_659 = vector.shape_cast %get3A_658 : vector<1x16xf32> to vector<16xf32>
          %add3A_660 = arith.addf %scan3A_524, %get3A_659 : vector<16xf32>
          %get3A_661 = arith.index_cast %add3A_625 : i32 to index
          %get3A_662 = arith.constant 112 : index
          %get3A_663 = tpu.vector_load %arg5[%get3A_661, %get3A_662] {strides = array<i32>} : memref<80x128xf32, #tpu.memory_space<vmem>>, vector<1x16xf32>,
          %get3A_664 = vector.shape_cast %get3A_663 : vector<1x16xf32> to vector<16xf32>
          %add3A_665 = arith.addf %scan3A_525, %get3A_664 : vector<16xf32>
          %mul3A_666 = arith.constant 4 : i32
          %mul3A_667 = arith.muli %scan3A_501, %mul3A_666 : i32
          %add3A_668 = arith.constant 3 : i32
          %add3A_669 = arith.addi %mul3A_667, %add3A_668 : i32
          %get3A_670 = arith.index_cast %add3A_669 : i32 to index
          %get3A_671 = arith.constant 0 : index
          %get3A_672 = tpu.vector_load %arg5[%get3A_670, %get3A_671] {strides = array<i32>} : memref<80x128xf32, #tpu.memory_space<vmem>>, vector<1x16xf32>,
          %get3A_673 = vector.shape_cast %get3A_672 : vector<1x16xf32> to vector<16xf32>
          %add3A_674 = arith.addf %scan3A_526, %get3A_673 : vector<16xf32>
          %get3A_675 = arith.index_cast %add3A_669 : i32 to index
          %get3A_676 = arith.constant 16 : index
          %get3A_677 = tpu.vector_load %arg5[%get3A_675, %get3A_676] {strides = array<i32>} : memref<80x128xf32, #tpu.memory_space<vmem>>, vector<1x16xf32>,
          %get3A_678 = vector.shape_cast %get3A_677 : vector<1x16xf32> to vector<16xf32>
          %add3A_679 = arith.addf %scan3A_527, %get3A_678 : vector<16xf32>
          %get3A_680 = arith.index_cast %add3A_669 : i32 to index
          %get3A_681 = arith.constant 32 : index
          %get3A_682 = tpu.vector_load %arg5[%get3A_680, %get3A_681] {strides = array<i32>} : memref<80x128xf32, #tpu.memory_space<vmem>>, vector<1x16xf32>,
          %get3A_683 = vector.shape_cast %get3A_682 : vector<1x16xf32> to vector<16xf32>
          %add3A_684 = arith.addf %scan3A_528, %get3A_683 : vector<16xf32>
          %get3A_685 = arith.index_cast %add3A_669 : i32 to index
          %get3A_686 = arith.constant 48 : index
          %get3A_687 = tpu.vector_load %arg5[%get3A_685, %get3A_686] {strides = array<i32>} : memref<80x128xf32, #tpu.memory_space<vmem>>, vector<1x16xf32>,
          %get3A_688 = vector.shape_cast %get3A_687 : vector<1x16xf32> to vector<16xf32>
          %add3A_689 = arith.addf %scan3A_529, %get3A_688 : vector<16xf32>
          %get3A_690 = arith.index_cast %add3A_669 : i32 to index
          %get3A_691 = arith.constant 64 : index
          %get3A_692 = tpu.vector_load %arg5[%get3A_690, %get3A_691] {strides = array<i32>} : memref<80x128xf32, #tpu.memory_space<vmem>>, vector<1x16xf32>,
          %get3A_693 = vector.shape_cast %get3A_692 : vector<1x16xf32> to vector<16xf32>
          %add3A_694 = arith.addf %scan3A_530, %get3A_693 : vector<16xf32>
          %get3A_695 = arith.index_cast %add3A_669 : i32 to index
          %get3A_696 = arith.constant 80 : index
          %get3A_697 = tpu.vector_load %arg5[%get3A_695, %get3A_696] {strides = array<i32>} : memref<80x128xf32, #tpu.memory_space<vmem>>, vector<1x16xf32>,
          %get3A_698 = vector.shape_cast %get3A_697 : vector<1x16xf32> to vector<16xf32>
          %add3A_699 = arith.addf %scan3A_531, %get3A_698 : vector<16xf32>
          %get3A_700 = arith.index_cast %add3A_669 : i32 to index
          %get3A_701 = arith.constant 96 : index
          %get3A_702 = tpu.vector_load %arg5[%get3A_700, %get3A_701] {strides = array<i32>} : memref<80x128xf32, #tpu.memory_space<vmem>>, vector<1x16xf32>,
          %get3A_703 = vector.shape_cast %get3A_702 : vector<1x16xf32> to vector<16xf32>
          %add3A_704 = arith.addf %scan3A_532, %get3A_703 : vector<16xf32>
          %get3A_705 = arith.index_cast %add3A_669 : i32 to index
          %get3A_706 = arith.constant 112 : index
          %get3A_707 = tpu.vector_load %arg5[%get3A_705, %get3A_706] {strides = array<i32>} : memref<80x128xf32, #tpu.memory_space<vmem>>, vector<1x16xf32>,
          %get3A_708 = vector.shape_cast %get3A_707 : vector<1x16xf32> to vector<16xf32>
          %add3A_709 = arith.addf %scan3A_533, %get3A_708 : vector<16xf32>
          scf.yield %add3A_542, %add3A_547, %add3A_552, %add3A_557, %add3A_562, %add3A_567, %add3A_572, %add3A_577, %add3A_586, %add3A_591, %add3A_596, %add3A_601, %add3A_606, %add3A_611, %add3A_616, %add3A_621, %add3A_630, %add3A_635, %add3A_640, %add3A_645, %add3A_650, %add3A_655, %add3A_660, %add3A_665, %add3A_674, %add3A_679, %add3A_684, %add3A_689, %add3A_694, %add3A_699, %add3A_704, %add3A_709 : vector<16xf32>, vector<16xf32>, vector<16xf32>, vector<16xf32>, vector<16xf32>, vector<16xf32>, vector<16xf32>, vector<16xf32>, vector<16xf32>, vector<16xf32>, vector<16xf32>, vector<16xf32>, vector<16xf32>, vector<16xf32>, vector<16xf32>, vector<16xf32>, vector<16xf32>, vector<16xf32>, vector<16xf32>, vector<16xf32>, vector<16xf32>, vector<16xf32>, vector<16xf32>, vector<16xf32>, vector<16xf32>, vector<16xf32>, vector<16xf32>, vector<16xf32>, vector<16xf32>, vector<16xf32>, vector<16xf32>, vector<16xf32>
        }
        %scan3A_303 = arith.constant 20 : i32
        %swap3A = arith.constant 0 : i32
        %swap3A_304 = arith.index_cast %swap3A : i32 to index
        %swap3A_305 = arith.constant 0 : index
        %swap3A_306 = tpu.vector_load %arg10[%swap3A_304, %swap3A_305] {strides = array<i32>} : memref<16x128xf32, #tpu.memory_space<vmem>>, vector<1x16xf32>,
        %swap3A_307 = vector.shape_cast %swap3A_306 : vector<1x16xf32> to vector<16xf32>
        %swap3A_308 = vector.shape_cast %scan3A_302#0 : vector<16xf32> to vector<1x16xf32>
        tpu.vector_store %arg10[%swap3A_304, %swap3A_305], %swap3A_308 {strides = array<i32>} : memref<16x128xf32, #tpu.memory_space<vmem>>, vector<1x16xf32>,
        %swap3A_309 = arith.constant 0 : i32
        %swap3A_310 = arith.index_cast %swap3A_309 : i32 to index
        %swap3A_311 = arith.constant 16 : index
        %swap3A_312 = tpu.vector_load %arg10[%swap3A_310, %swap3A_311] {strides = array<i32>} : memref<16x128xf32, #tpu.memory_space<vmem>>, vector<1x16xf32>,
        %swap3A_313 = vector.shape_cast %swap3A_312 : vector<1x16xf32> to vector<16xf32>
        %swap3A_314 = vector.shape_cast %scan3A_302#1 : vector<16xf32> to vector<1x16xf32>
        tpu.vector_store %arg10[%swap3A_310, %swap3A_311], %swap3A_314 {strides = array<i32>} : memref<16x128xf32, #tpu.memory_space<vmem>>, vector<1x16xf32>,
        %swap3A_315 = arith.constant 0 : i32
        %swap3A_316 = arith.index_cast %swap3A_315 : i32 to index
        %swap3A_317 = arith.constant 32 : index
        %swap3A_318 = tpu.vector_load %arg10[%swap3A_316, %swap3A_317] {strides = array<i32>} : memref<16x128xf32, #tpu.memory_space<vmem>>, vector<1x16xf32>,
        %swap3A_319 = vector.shape_cast %swap3A_318 : vector<1x16xf32> to vector<16xf32>
        %swap3A_320 = vector.shape_cast %scan3A_302#2 : vector<16xf32> to vector<1x16xf32>
        tpu.vector_store %arg10[%swap3A_316, %swap3A_317], %swap3A_320 {strides = array<i32>} : memref<16x128xf32, #tpu.memory_space<vmem>>, vector<1x16xf32>,
        %swap3A_321 = arith.constant 0 : i32
        %swap3A_322 = arith.index_cast %swap3A_321 : i32 to index
        %swap3A_323 = arith.constant 48 : index
        %swap3A_324 = tpu.vector_load %arg10[%swap3A_322, %swap3A_323] {strides = array<i32>} : memref<16x128xf32, #tpu.memory_space<vmem>>, vector<1x16xf32>,
        %swap3A_325 = vector.shape_cast %swap3A_324 : vector<1x16xf32> to vector<16xf32>
        %swap3A_326 = vector.shape_cast %scan3A_302#3 : vector<16xf32> to vector<1x16xf32>
        tpu.vector_store %arg10[%swap3A_322, %swap3A_323], %swap3A_326 {strides = array<i32>} : memref<16x128xf32, #tpu.memory_space<vmem>>, vector<1x16xf32>,
        %swap3A_327 = arith.constant 0 : i32
        %swap3A_328 = arith.index_cast %swap3A_327 : i32 to index
        %swap3A_329 = arith.constant 64 : index
        %swap3A_330 = tpu.vector_load %arg10[%swap3A_328, %swap3A_329] {strides = array<i32>} : memref<16x128xf32, #tpu.memory_space<vmem>>, vector<1x16xf32>,
        %swap3A_331 = vector.shape_cast %swap3A_330 : vector<1x16xf32> to vector<16xf32>
        %swap3A_332 = vector.shape_cast %scan3A_302#4 : vector<16xf32> to vector<1x16xf32>
        tpu.vector_store %arg10[%swap3A_328, %swap3A_329], %swap3A_332 {strides = array<i32>} : memref<16x128xf32, #tpu.memory_space<vmem>>, vector<1x16xf32>,
        %swap3A_333 = arith.constant 0 : i32
        %swap3A_334 = arith.index_cast %swap3A_333 : i32 to index
        %swap3A_335 = arith.constant 80 : index
        %swap3A_336 = tpu.vector_load %arg10[%swap3A_334, %swap3A_335] {strides = array<i32>} : memref<16x128xf32, #tpu.memory_space<vmem>>, vector<1x16xf32>,
        %swap3A_337 = vector.shape_cast %swap3A_336 : vector<1x16xf32> to vector<16xf32>
        %swap3A_338 = vector.shape_cast %scan3A_302#5 : vector<16xf32> to vector<1x16xf32>
        tpu.vector_store %arg10[%swap3A_334, %swap3A_335], %swap3A_338 {strides = array<i32>} : memref<16x128xf32, #tpu.memory_space<vmem>>, vector<1x16xf32>,
        %swap3A_339 = arith.constant 0 : i32
        %swap3A_340 = arith.index_cast %swap3A_339 : i32 to index
        %swap3A_341 = arith.constant 96 : index
        %swap3A_342 = tpu.vector_load %arg10[%swap3A_340, %swap3A_341] {strides = array<i32>} : memref<16x128xf32, #tpu.memory_space<vmem>>, vector<1x16xf32>,
        %swap3A_343 = vector.shape_cast %swap3A_342 : vector<1x16xf32> to vector<16xf32>
        %swap3A_344 = vector.shape_cast %scan3A_302#6 : vector<16xf32> to vector<1x16xf32>
        tpu.vector_store %arg10[%swap3A_340, %swap3A_341], %swap3A_344 {strides = array<i32>} : memref<16x128xf32, #tpu.memory_space<vmem>>, vector<1x16xf32>,
        %swap3A_345 = arith.constant 0 : i32
        %swap3A_346 = arith.index_cast %swap3A_345 : i32 to index
        %swap3A_347 = arith.constant 112 : index
        %swap3A_348 = tpu.vector_load %arg10[%swap3A_346, %swap3A_347] {strides = array<i32>} : memref<16x128xf32, #tpu.memory_space<vmem>>, vector<1x16xf32>,
        %swap3A_349 = vector.shape_cast %swap3A_348 : vector<1x16xf32> to vector<16xf32>
        %swap3A_350 = vector.shape_cast %scan3A_302#7 : vector<16xf32> to vector<1x16xf32>
        tpu.vector_store %arg10[%swap3A_346, %swap3A_347], %swap3A_350 {strides = array<i32>} : memref<16x128xf32, #tpu.memory_space<vmem>>, vector<1x16xf32>,
        %swap3A_351 = arith.constant 1 : i32
        %swap3A_352 = arith.index_cast %swap3A_351 : i32 to index
        %swap3A_353 = arith.constant 0 : index
        %swap3A_354 = tpu.vector_load %arg10[%swap3A_352, %swap3A_353] {strides = array<i32>} : memref<16x128xf32, #tpu.memory_space<vmem>>, vector<1x16xf32>,
        %swap3A_355 = vector.shape_cast %swap3A_354 : vector<1x16xf32> to vector<16xf32>
        %swap3A_356 = vector.shape_cast %scan3A_302#8 : vector<16xf32> to vector<1x16xf32>
        tpu.vector_store %arg10[%swap3A_352, %swap3A_353], %swap3A_356 {strides = array<i32>} : memref<16x128xf32, #tpu.memory_space<vmem>>, vector<1x16xf32>,
        %swap3A_357 = arith.constant 1 : i32
        %swap3A_358 = arith.index_cast %swap3A_357 : i32 to index
        %swap3A_359 = arith.constant 16 : index
        %swap3A_360 = tpu.vector_load %arg10[%swap3A_358, %swap3A_359] {strides = array<i32>} : memref<16x128xf32, #tpu.memory_space<vmem>>, vector<1x16xf32>,
        %swap3A_361 = vector.shape_cast %swap3A_360 : vector<1x16xf32> to vector<16xf32>
        %swap3A_362 = vector.shape_cast %scan3A_302#9 : vector<16xf32> to vector<1x16xf32>
        tpu.vector_store %arg10[%swap3A_358, %swap3A_359], %swap3A_362 {strides = array<i32>} : memref<16x128xf32, #tpu.memory_space<vmem>>, vector<1x16xf32>,
        %swap3A_363 = arith.constant 1 : i32
        %swap3A_364 = arith.index_cast %swap3A_363 : i32 to index
        %swap3A_365 = arith.constant 32 : index
        %swap3A_366 = tpu.vector_load %arg10[%swap3A_364, %swap3A_365] {strides = array<i32>} : memref<16x128xf32, #tpu.memory_space<vmem>>, vector<1x16xf32>,
        %swap3A_367 = vector.shape_cast %swap3A_366 : vector<1x16xf32> to vector<16xf32>
        %swap3A_368 = vector.shape_cast %scan3A_302#10 : vector<16xf32> to vector<1x16xf32>
        tpu.vector_store %arg10[%swap3A_364, %swap3A_365], %swap3A_368 {strides = array<i32>} : memref<16x128xf32, #tpu.memory_space<vmem>>, vector<1x16xf32>,
        %swap3A_369 = arith.constant 1 : i32
        %swap3A_370 = arith.index_cast %swap3A_369 : i32 to index
        %swap3A_371 = arith.constant 48 : index
        %swap3A_372 = tpu.vector_load %arg10[%swap3A_370, %swap3A_371] {strides = array<i32>} : memref<16x128xf32, #tpu.memory_space<vmem>>, vector<1x16xf32>,
        %swap3A_373 = vector.shape_cast %swap3A_372 : vector<1x16xf32> to vector<16xf32>
        %swap3A_374 = vector.shape_cast %scan3A_302#11 : vector<16xf32> to vector<1x16xf32>
        tpu.vector_store %arg10[%swap3A_370, %swap3A_371], %swap3A_374 {strides = array<i32>} : memref<16x128xf32, #tpu.memory_space<vmem>>, vector<1x16xf32>,
        %swap3A_375 = arith.constant 1 : i32
        %swap3A_376 = arith.index_cast %swap3A_375 : i32 to index
        %swap3A_377 = arith.constant 64 : index
        %swap3A_378 = tpu.vector_load %arg10[%swap3A_376, %swap3A_377] {strides = array<i32>} : memref<16x128xf32, #tpu.memory_space<vmem>>, vector<1x16xf32>,
        %swap3A_379 = vector.shape_cast %swap3A_378 : vector<1x16xf32> to vector<16xf32>
        %swap3A_380 = vector.shape_cast %scan3A_302#12 : vector<16xf32> to vector<1x16xf32>
        tpu.vector_store %arg10[%swap3A_376, %swap3A_377], %swap3A_380 {strides = array<i32>} : memref<16x128xf32, #tpu.memory_space<vmem>>, vector<1x16xf32>,
        %swap3A_381 = arith.constant 1 : i32
        %swap3A_382 = arith.index_cast %swap3A_381 : i32 to index
        %swap3A_383 = arith.constant 80 : index
        %swap3A_384 = tpu.vector_load %arg10[%swap3A_382, %swap3A_383] {strides = array<i32>} : memref<16x128xf32, #tpu.memory_space<vmem>>, vector<1x16xf32>,
        %swap3A_385 = vector.shape_cast %swap3A_384 : vector<1x16xf32> to vector<16xf32>
        %swap3A_386 = vector.shape_cast %scan3A_302#13 : vector<16xf32> to vector<1x16xf32>
        tpu.vector_store %arg10[%swap3A_382, %swap3A_383], %swap3A_386 {strides = array<i32>} : memref<16x128xf32, #tpu.memory_space<vmem>>, vector<1x16xf32>,
        %swap3A_387 = arith.constant 1 : i32
        %swap3A_388 = arith.index_cast %swap3A_387 : i32 to index
        %swap3A_389 = arith.constant 96 : index
        %swap3A_390 = tpu.vector_load %arg10[%swap3A_388, %swap3A_389] {strides = array<i32>} : memref<16x128xf32, #tpu.memory_space<vmem>>, vector<1x16xf32>,
        %swap3A_391 = vector.shape_cast %swap3A_390 : vector<1x16xf32> to vector<16xf32>
        %swap3A_392 = vector.shape_cast %scan3A_302#14 : vector<16xf32> to vector<1x16xf32>
        tpu.vector_store %arg10[%swap3A_388, %swap3A_389], %swap3A_392 {strides = array<i32>} : memref<16x128xf32, #tpu.memory_space<vmem>>, vector<1x16xf32>,
        %swap3A_393 = arith.constant 1 : i32
        %swap3A_394 = arith.index_cast %swap3A_393 : i32 to index
        %swap3A_395 = arith.constant 112 : index
        %swap3A_396 = tpu.vector_load %arg10[%swap3A_394, %swap3A_395] {strides = array<i32>} : memref<16x128xf32, #tpu.memory_space<vmem>>, vector<1x16xf32>,
        %swap3A_397 = vector.shape_cast %swap3A_396 : vector<1x16xf32> to vector<16xf32>
        %swap3A_398 = vector.shape_cast %scan3A_302#15 : vector<16xf32> to vector<1x16xf32>
        tpu.vector_store %arg10[%swap3A_394, %swap3A_395], %swap3A_398 {strides = array<i32>} : memref<16x128xf32, #tpu.memory_space<vmem>>, vector<1x16xf32>,
        %swap3A_399 = arith.constant 2 : i32
        %swap3A_400 = arith.index_cast %swap3A_399 : i32 to index
        %swap3A_401 = arith.constant 0 : index
        %swap3A_402 = tpu.vector_load %arg10[%swap3A_400, %swap3A_401] {strides = array<i32>} : memref<16x128xf32, #tpu.memory_space<vmem>>, vector<1x16xf32>,
        %swap3A_403 = vector.shape_cast %swap3A_402 : vector<1x16xf32> to vector<16xf32>
        %swap3A_404 = vector.shape_cast %scan3A_302#16 : vector<16xf32> to vector<1x16xf32>
        tpu.vector_store %arg10[%swap3A_400, %swap3A_401], %swap3A_404 {strides = array<i32>} : memref<16x128xf32, #tpu.memory_space<vmem>>, vector<1x16xf32>,
        %swap3A_405 = arith.constant 2 : i32
        %swap3A_406 = arith.index_cast %swap3A_405 : i32 to index
        %swap3A_407 = arith.constant 16 : index
        %swap3A_408 = tpu.vector_load %arg10[%swap3A_406, %swap3A_407] {strides = array<i32>} : memref<16x128xf32, #tpu.memory_space<vmem>>, vector<1x16xf32>,
        %swap3A_409 = vector.shape_cast %swap3A_408 : vector<1x16xf32> to vector<16xf32>
        %swap3A_410 = vector.shape_cast %scan3A_302#17 : vector<16xf32> to vector<1x16xf32>
        tpu.vector_store %arg10[%swap3A_406, %swap3A_407], %swap3A_410 {strides = array<i32>} : memref<16x128xf32, #tpu.memory_space<vmem>>, vector<1x16xf32>,
        %swap3A_411 = arith.constant 2 : i32
        %swap3A_412 = arith.index_cast %swap3A_411 : i32 to index
        %swap3A_413 = arith.constant 32 : index
        %swap3A_414 = tpu.vector_load %arg10[%swap3A_412, %swap3A_413] {strides = array<i32>} : memref<16x128xf32, #tpu.memory_space<vmem>>, vector<1x16xf32>,
        %swap3A_415 = vector.shape_cast %swap3A_414 : vector<1x16xf32> to vector<16xf32>
        %swap3A_416 = vector.shape_cast %scan3A_302#18 : vector<16xf32> to vector<1x16xf32>
        tpu.vector_store %arg10[%swap3A_412, %swap3A_413], %swap3A_416 {strides = array<i32>} : memref<16x128xf32, #tpu.memory_space<vmem>>, vector<1x16xf32>,
        %swap3A_417 = arith.constant 2 : i32
        %swap3A_418 = arith.index_cast %swap3A_417 : i32 to index
        %swap3A_419 = arith.constant 48 : index
        %swap3A_420 = tpu.vector_load %arg10[%swap3A_418, %swap3A_419] {strides = array<i32>} : memref<16x128xf32, #tpu.memory_space<vmem>>, vector<1x16xf32>,
        %swap3A_421 = vector.shape_cast %swap3A_420 : vector<1x16xf32> to vector<16xf32>
        %swap3A_422 = vector.shape_cast %scan3A_302#19 : vector<16xf32> to vector<1x16xf32>
        tpu.vector_store %arg10[%swap3A_418, %swap3A_419], %swap3A_422 {strides = array<i32>} : memref<16x128xf32, #tpu.memory_space<vmem>>, vector<1x16xf32>,
        %swap3A_423 = arith.constant 2 : i32
        %swap3A_424 = arith.index_cast %swap3A_423 : i32 to index
        %swap3A_425 = arith.constant 64 : index
        %swap3A_426 = tpu.vector_load %arg10[%swap3A_424, %swap3A_425] {strides = array<i32>} : memref<16x128xf32, #tpu.memory_space<vmem>>, vector<1x16xf32>,
        %swap3A_427 = vector.shape_cast %swap3A_426 : vector<1x16xf32> to vector<16xf32>
        %swap3A_428 = vector.shape_cast %scan3A_302#20 : vector<16xf32> to vector<1x16xf32>
        tpu.vector_store %arg10[%swap3A_424, %swap3A_425], %swap3A_428 {strides = array<i32>} : memref<16x128xf32, #tpu.memory_space<vmem>>, vector<1x16xf32>,
        %swap3A_429 = arith.constant 2 : i32
        %swap3A_430 = arith.index_cast %swap3A_429 : i32 to index
        %swap3A_431 = arith.constant 80 : index
        %swap3A_432 = tpu.vector_load %arg10[%swap3A_430, %swap3A_431] {strides = array<i32>} : memref<16x128xf32, #tpu.memory_space<vmem>>, vector<1x16xf32>,
        %swap3A_433 = vector.shape_cast %swap3A_432 : vector<1x16xf32> to vector<16xf32>
        %swap3A_434 = vector.shape_cast %scan3A_302#21 : vector<16xf32> to vector<1x16xf32>
        tpu.vector_store %arg10[%swap3A_430, %swap3A_431], %swap3A_434 {strides = array<i32>} : memref<16x128xf32, #tpu.memory_space<vmem>>, vector<1x16xf32>,
        %swap3A_435 = arith.constant 2 : i32
        %swap3A_436 = arith.index_cast %swap3A_435 : i32 to index
        %swap3A_437 = arith.constant 96 : index
        %swap3A_438 = tpu.vector_load %arg10[%swap3A_436, %swap3A_437] {strides = array<i32>} : memref<16x128xf32, #tpu.memory_space<vmem>>, vector<1x16xf32>,
        %swap3A_439 = vector.shape_cast %swap3A_438 : vector<1x16xf32> to vector<16xf32>
        %swap3A_440 = vector.shape_cast %scan3A_302#22 : vector<16xf32> to vector<1x16xf32>
        tpu.vector_store %arg10[%swap3A_436, %swap3A_437], %swap3A_440 {strides = array<i32>} : memref<16x128xf32, #tpu.memory_space<vmem>>, vector<1x16xf32>,
        %swap3A_441 = arith.constant 2 : i32
        %swap3A_442 = arith.index_cast %swap3A_441 : i32 to index
        %swap3A_443 = arith.constant 112 : index
        %swap3A_444 = tpu.vector_load %arg10[%swap3A_442, %swap3A_443] {strides = array<i32>} : memref<16x128xf32, #tpu.memory_space<vmem>>, vector<1x16xf32>,
        %swap3A_445 = vector.shape_cast %swap3A_444 : vector<1x16xf32> to vector<16xf32>
        %swap3A_446 = vector.shape_cast %scan3A_302#23 : vector<16xf32> to vector<1x16xf32>
        tpu.vector_store %arg10[%swap3A_442, %swap3A_443], %swap3A_446 {strides = array<i32>} : memref<16x128xf32, #tpu.memory_space<vmem>>, vector<1x16xf32>,
        %swap3A_447 = arith.constant 3 : i32
        %swap3A_448 = arith.index_cast %swap3A_447 : i32 to index
        %swap3A_449 = arith.constant 0 : index
        %swap3A_450 = tpu.vector_load %arg10[%swap3A_448, %swap3A_449] {strides = array<i32>} : memref<16x128xf32, #tpu.memory_space<vmem>>, vector<1x16xf32>,
        %swap3A_451 = vector.shape_cast %swap3A_450 : vector<1x16xf32> to vector<16xf32>
        %swap3A_452 = vector.shape_cast %scan3A_302#24 : vector<16xf32> to vector<1x16xf32>
        tpu.vector_store %arg10[%swap3A_448, %swap3A_449], %swap3A_452 {strides = array<i32>} : memref<16x128xf32, #tpu.memory_space<vmem>>, vector<1x16xf32>,
        %swap3A_453 = arith.constant 3 : i32
        %swap3A_454 = arith.index_cast %swap3A_453 : i32 to index
        %swap3A_455 = arith.constant 16 : index
        %swap3A_456 = tpu.vector_load %arg10[%swap3A_454, %swap3A_455] {strides = array<i32>} : memref<16x128xf32, #tpu.memory_space<vmem>>, vector<1x16xf32>,
        %swap3A_457 = vector.shape_cast %swap3A_456 : vector<1x16xf32> to vector<16xf32>
        %swap3A_458 = vector.shape_cast %scan3A_302#25 : vector<16xf32> to vector<1x16xf32>
        tpu.vector_store %arg10[%swap3A_454, %swap3A_455], %swap3A_458 {strides = array<i32>} : memref<16x128xf32, #tpu.memory_space<vmem>>, vector<1x16xf32>,
        %swap3A_459 = arith.constant 3 : i32
        %swap3A_460 = arith.index_cast %swap3A_459 : i32 to index
        %swap3A_461 = arith.constant 32 : index
        %swap3A_462 = tpu.vector_load %arg10[%swap3A_460, %swap3A_461] {strides = array<i32>} : memref<16x128xf32, #tpu.memory_space<vmem>>, vector<1x16xf32>,
        %swap3A_463 = vector.shape_cast %swap3A_462 : vector<1x16xf32> to vector<16xf32>
        %swap3A_464 = vector.shape_cast %scan3A_302#26 : vector<16xf32> to vector<1x16xf32>
        tpu.vector_store %arg10[%swap3A_460, %swap3A_461], %swap3A_464 {strides = array<i32>} : memref<16x128xf32, #tpu.memory_space<vmem>>, vector<1x16xf32>,
        %swap3A_465 = arith.constant 3 : i32
        %swap3A_466 = arith.index_cast %swap3A_465 : i32 to index
        %swap3A_467 = arith.constant 48 : index
        %swap3A_468 = tpu.vector_load %arg10[%swap3A_466, %swap3A_467] {strides = array<i32>} : memref<16x128xf32, #tpu.memory_space<vmem>>, vector<1x16xf32>,
        %swap3A_469 = vector.shape_cast %swap3A_468 : vector<1x16xf32> to vector<16xf32>
        %swap3A_470 = vector.shape_cast %scan3A_302#27 : vector<16xf32> to vector<1x16xf32>
        tpu.vector_store %arg10[%swap3A_466, %swap3A_467], %swap3A_470 {strides = array<i32>} : memref<16x128xf32, #tpu.memory_space<vmem>>, vector<1x16xf32>,
        %swap3A_471 = arith.constant 3 : i32
        %swap3A_472 = arith.index_cast %swap3A_471 : i32 to index
        %swap3A_473 = arith.constant 64 : index
        %swap3A_474 = tpu.vector_load %arg10[%swap3A_472, %swap3A_473] {strides = array<i32>} : memref<16x128xf32, #tpu.memory_space<vmem>>, vector<1x16xf32>,
        %swap3A_475 = vector.shape_cast %swap3A_474 : vector<1x16xf32> to vector<16xf32>
        %swap3A_476 = vector.shape_cast %scan3A_302#28 : vector<16xf32> to vector<1x16xf32>
        tpu.vector_store %arg10[%swap3A_472, %swap3A_473], %swap3A_476 {strides = array<i32>} : memref<16x128xf32, #tpu.memory_space<vmem>>, vector<1x16xf32>,
        %swap3A_477 = arith.constant 3 : i32
        %swap3A_478 = arith.index_cast %swap3A_477 : i32 to index
        %swap3A_479 = arith.constant 80 : index
        %swap3A_480 = tpu.vector_load %arg10[%swap3A_478, %swap3A_479] {strides = array<i32>} : memref<16x128xf32, #tpu.memory_space<vmem>>, vector<1x16xf32>,
        %swap3A_481 = vector.shape_cast %swap3A_480 : vector<1x16xf32> to vector<16xf32>
        %swap3A_482 = vector.shape_cast %scan3A_302#29 : vector<16xf32> to vector<1x16xf32>
        tpu.vector_store %arg10[%swap3A_478, %swap3A_479], %swap3A_482 {strides = array<i32>} : memref<16x128xf32, #tpu.memory_space<vmem>>, vector<1x16xf32>,
        %swap3A_483 = arith.constant 3 : i32
        %swap3A_484 = arith.index_cast %swap3A_483 : i32 to index
        %swap3A_485 = arith.constant 96 : index
        %swap3A_486 = tpu.vector_load %arg10[%swap3A_484, %swap3A_485] {strides = array<i32>} : memref<16x128xf32, #tpu.memory_space<vmem>>, vector<1x16xf32>,
        %swap3A_487 = vector.shape_cast %swap3A_486 : vector<1x16xf32> to vector<16xf32>
        %swap3A_488 = vector.shape_cast %scan3A_302#30 : vector<16xf32> to vector<1x16xf32>
        tpu.vector_store %arg10[%swap3A_484, %swap3A_485], %swap3A_488 {strides = array<i32>} : memref<16x128xf32, #tpu.memory_space<vmem>>, vector<1x16xf32>,
        %swap3A_489 = arith.constant 3 : i32
        %swap3A_490 = arith.index_cast %swap3A_489 : i32 to index
        %swap3A_491 = arith.constant 112 : index
        %swap3A_492 = tpu.vector_load %arg10[%swap3A_490, %swap3A_491] {strides = array<i32>} : memref<16x128xf32, #tpu.memory_space<vmem>>, vector<1x16xf32>,
        %swap3A_493 = vector.shape_cast %swap3A_492 : vector<1x16xf32> to vector<16xf32>
        %swap3A_494 = vector.shape_cast %scan3A_302#31 : vector<16xf32> to vector<1x16xf32>
        tpu.vector_store %arg10[%swap3A_490, %swap3A_491], %swap3A_494 {strides = array<i32>} : memref<16x128xf32, #tpu.memory_space<vmem>>, vector<1x16xf32>,
        %dma_start3A_495 = arith.constant 0 : i32
        %dma_start3A_496 = tpu.memref_slice %arg16[%add3A_113, %dma_start3A_495] : memref<125x16xi32, #tpu.memory_space<vmem>> -> memref<1x16xi32, #tpu.memory_space<vmem>>
        %dma_start3A_497 = tpu.memref_squeeze %dma_start3A_496 : memref<1x16xi32, #tpu.memory_space<vmem>> -> memref<16xi32, #tpu.memory_space<vmem>>
        %dma_start3A_498 = arith.constant 0 : i32
        %dma_start3A_499 = arith.constant 0 : i32
        %dma_start3A_500 = tpu.memref_slice %arg19[%dma_start3A_498, %dma_start3A_499] : memref<1024x128xf32, #tpu.memory_space<vmem_shared>> -> memref<1024x128xf32, #tpu.memory_space<vmem_shared>>
        tpu.enqueue_indirect_dma source(%arg10 : memref<16x128xf32, #tpu.memory_space<vmem>>) target(%dma_start3A_500 : memref<1024x128xf32, #tpu.memory_space<vmem_shared>>) offsets(%dma_start3A_497 : memref<16xi32, #tpu.memory_space<vmem>>) semaphore(%arg25 : memref<!tpu.dma_semaphore, #tpu.memory_space<semaphore_mem>>) {add = true}
      } else {
      }
      %not3A_129 = arith.constant true
      %not3A_130 = arith.xori %eq3A_125, %not3A_129 : i1
      %convert_element_type3A_131 = arith.extui %not3A_130 : i1 to i32
      %cond3A_132 = arith.constant 0 : i32
      %cond3A_133 = arith.cmpi ne, %convert_element_type3A_131, %cond3A_132 : i32
      scf.if %cond3A_133 {
        %dma_start3A_298 = arith.constant 0 : i32
        %dma_start3A_299 = tpu.memref_slice %arg15[%add3A_113, %dma_start3A_298] : memref<125x80xi32, #tpu.memory_space<vmem>> -> memref<1x80xi32, #tpu.memory_space<vmem>>
        %dma_start3A_300 = tpu.memref_squeeze %dma_start3A_299 : memref<1x80xi32, #tpu.memory_space<vmem>> -> memref<80xi32, #tpu.memory_space<vmem>>
        %dma_start3A_301 = arith.constant 0 : i32
        %dma_start3A_302 = arith.constant 0 : i32
        %dma_start3A_303 = tpu.memref_slice %arg19[%dma_start3A_301, %dma_start3A_302] : memref<1024x128xf32, #tpu.memory_space<vmem_shared>> -> memref<1024x128xf32, #tpu.memory_space<vmem_shared>>
        tpu.enqueue_indirect_dma source(%arg5 : memref<80x128xf32, #tpu.memory_space<vmem>>) target(%dma_start3A_303 : memref<1024x128xf32, #tpu.memory_space<vmem_shared>>) offsets(%dma_start3A_300 : memref<80xi32, #tpu.memory_space<vmem>>) semaphore(%arg25 : memref<!tpu.dma_semaphore, #tpu.memory_space<semaphore_mem>>) {add = true}
      } else {
      }
      %ge3A = arith.constant 1 : i32
      %ge3A_134 = arith.cmpi sge, %add3A_113, %ge3A : i32
      %convert_element_type3A_135 = arith.extui %ge3A_134 : i1 to i32
      %cond3A_136 = arith.constant 0 : i32
      %cond3A_137 = arith.cmpi ne, %convert_element_type3A_135, %cond3A_136 : i32
      scf.if %cond3A_137 {
        %sub3A_298 = arith.constant 1 : i32
        %sub3A_299 = arith.subi %add3A_113, %sub3A_298 : i32
        %get3A_300 = arith.index_cast %sub3A_299 : i32 to index
        %get3A_301 = memref.load %arg18[%get3A_300] : memref<125xi32, #tpu.memory_space<smem>>
        %eq3A_302 = arith.constant 1 : i32
        %eq3A_303 = arith.cmpi eq, %get3A_301, %eq3A_302 : i32
        %convert_element_type3A_304 = arith.extui %eq3A_303 : i1 to i32
        %cond3A_305 = arith.constant 0 : i32
        %cond3A_306 = arith.cmpi ne, %convert_element_type3A_304, %cond3A_305 : i32
        scf.if %cond3A_306 {
          %dma_wait3A_312 = arith.constant 0 : i32
          %dma_wait3A_313 = tpu.memref_slice %arg16[%sub3A_299, %dma_wait3A_312] : memref<125x16xi32, #tpu.memory_space<vmem>> -> memref<1x16xi32, #tpu.memory_space<vmem>>
          %dma_wait3A_314 = tpu.memref_squeeze %dma_wait3A_313 : memref<1x16xi32, #tpu.memory_space<vmem>> -> memref<16xi32, #tpu.memory_space<vmem>>
          %dma_wait3A_315 = arith.constant 0 : i32
          %dma_wait3A_316 = arith.constant 0 : i32
          %dma_wait3A_317 = tpu.memref_slice %arg19[%dma_wait3A_315, %dma_wait3A_316] : memref<1024x128xf32, #tpu.memory_space<vmem_shared>> -> memref<1024x128xf32, #tpu.memory_space<vmem_shared>>
          tpu.wait_indirect_dma semaphore(%arg29 : memref<!tpu.dma_semaphore, #tpu.memory_space<semaphore_mem>>) src(%arg14 : memref<16x128xf32, #tpu.memory_space<vmem>>) dst(%dma_wait3A_317 : memref<1024x128xf32, #tpu.memory_space<vmem_shared>>)
        } else {
        }
        %not3A_307 = arith.constant true
        %not3A_308 = arith.xori %eq3A_303, %not3A_307 : i1
        %convert_element_type3A_309 = arith.extui %not3A_308 : i1 to i32
        %cond3A_310 = arith.constant 0 : i32
        %cond3A_311 = arith.cmpi ne, %convert_element_type3A_309, %cond3A_310 : i32
        scf.if %cond3A_311 {
          %dma_wait3A_312 = arith.constant 0 : i32
          %dma_wait3A_313 = tpu.memref_slice %arg15[%sub3A_299, %dma_wait3A_312] : memref<125x80xi32, #tpu.memory_space<vmem>> -> memref<1x80xi32, #tpu.memory_space<vmem>>
          %dma_wait3A_314 = tpu.memref_squeeze %dma_wait3A_313 : memref<1x80xi32, #tpu.memory_space<vmem>> -> memref<80xi32, #tpu.memory_space<vmem>>
          %dma_wait3A_315 = arith.constant 0 : i32
          %dma_wait3A_316 = arith.constant 0 : i32
          %dma_wait3A_317 = tpu.memref_slice %arg19[%dma_wait3A_315, %dma_wait3A_316] : memref<1024x128xf32, #tpu.memory_space<vmem_shared>> -> memref<1024x128xf32, #tpu.memory_space<vmem_shared>>
          tpu.wait_indirect_dma semaphore(%arg29 : memref<!tpu.dma_semaphore, #tpu.memory_space<semaphore_mem>>) src(%arg9 : memref<80x128xf32, #tpu.memory_space<vmem>>) dst(%dma_wait3A_317 : memref<1024x128xf32, #tpu.memory_space<vmem_shared>>)
        } else {
        }
      } else {
      }
      %add3A_138 = arith.constant 5 : i32
      %add3A_139 = arith.addi %add3A_113, %add3A_138 : i32
      %sub3A = arith.constant 1 : i32
      %sub3A_140 = arith.subi %add3A_139, %sub3A : i32
      %lt3A = arith.constant 125 : i32
      %lt3A_141 = arith.cmpi slt, %sub3A_140, %lt3A : i32
      %convert_element_type3A_142 = arith.extui %lt3A_141 : i1 to i32
      %cond3A_143 = arith.constant 0 : i32
      %cond3A_144 = arith.cmpi ne, %convert_element_type3A_142, %cond3A_143 : i32
      scf.if %cond3A_144 {
        %add3A_298 = arith.constant 5 : i32
        %add3A_299 = arith.addi %add3A_113, %add3A_298 : i32
        %sub3A_300 = arith.constant 1 : i32
        %sub3A_301 = arith.subi %add3A_299, %sub3A_300 : i32
        %dma_start3A_302 = arith.constant 0 : i32
        %dma_start3A_303 = arith.constant 0 : i32
        %dma_start3A_304 = tpu.memref_slice %arg2[%add3A, %sub3A_301, %dma_start3A_302, %dma_start3A_303] : memref<32x125x80x128xf32, #tpu.memory_space<hbm>> -> memref<1x1x80x128xf32, #tpu.memory_space<hbm>>
        %dma_start3A_305 = tpu.memref_squeeze %dma_start3A_304 : memref<1x1x80x128xf32, #tpu.memory_space<hbm>> -> memref<80x128xf32, #tpu.memory_space<hbm>>
        %dma_start3A_306 = arith.constant 0 : i32
        %dma_start3A_307 = arith.constant 0 : i32
        %dma_start3A_308 = tpu.memref_slice %arg2[%add3A, %sub3A_301, %dma_start3A_306, %dma_start3A_307] : memref<32x125x80x128xf32, #tpu.memory_space<hbm>> -> memref<1x1x80x128xf32, #tpu.memory_space<hbm>>
        %dma_start3A_309 = tpu.memref_squeeze %dma_start3A_308 : memref<1x1x80x128xf32, #tpu.memory_space<hbm>> -> memref<80x128xf32, #tpu.memory_space<hbm>>
        tpu.enqueue_dma source(%dma_start3A_309 : memref<80x128xf32, #tpu.memory_space<hbm>>) target(%arg9 : memref<80x128xf32, #tpu.memory_space<vmem>>) target_semaphore(%arg24 : memref<!tpu.dma_semaphore, #tpu.memory_space<semaphore_mem>>)
      } else {
      }
      %mul3A_145 = arith.constant 5 : i32
      %mul3A_146 = arith.muli %mul3A_145, %scan3A_108 : i32
      %add3A_147 = arith.constant 1 : i32
      %add3A_148 = arith.addi %mul3A_146, %add3A_147 : i32
      %dma_wait3A_149 = arith.constant 0 : i32
      %dma_wait3A_150 = arith.constant 0 : i32
      %dma_wait3A_151 = tpu.memref_slice %arg2[%add3A, %add3A_148, %dma_wait3A_149, %dma_wait3A_150] : memref<32x125x80x128xf32, #tpu.memory_space<hbm>> -> memref<1x1x80x128xf32, #tpu.memory_space<hbm>>
      %dma_wait3A_152 = tpu.memref_squeeze %dma_wait3A_151 : memref<1x1x80x128xf32, #tpu.memory_space<hbm>> -> memref<80x128xf32, #tpu.memory_space<hbm>>
      %dma_wait3A_153 = arith.constant 0 : i32
      %dma_wait3A_154 = arith.constant 0 : i32
      %dma_wait3A_155 = tpu.memref_slice %arg2[%add3A, %add3A_148, %dma_wait3A_153, %dma_wait3A_154] : memref<32x125x80x128xf32, #tpu.memory_space<hbm>> -> memref<1x1x80x128xf32, #tpu.memory_space<hbm>>
      %dma_wait3A_156 = tpu.memref_squeeze %dma_wait3A_155 : memref<1x1x80x128xf32, #tpu.memory_space<hbm>> -> memref<80x128xf32, #tpu.memory_space<hbm>>
      tpu.wait_dma2 semaphore(%arg21 : memref<!tpu.dma_semaphore, #tpu.memory_space<semaphore_mem>>) src(%dma_wait3A_156 : memref<80x128xf32, #tpu.memory_space<hbm>>) dst(%arg6 : memref<80x128xf32, #tpu.memory_space<vmem>>)
      %get3A_157 = arith.index_cast %add3A_148 : i32 to index
      %get3A_158 = memref.load %arg18[%get3A_157] : memref<125xi32, #tpu.memory_space<smem>>
      %eq3A_159 = arith.constant 1 : i32
      %eq3A_160 = arith.cmpi eq, %get3A_158, %eq3A_159 : i32
      %convert_element_type3A_161 = arith.extui %eq3A_160 : i1 to i32
      %cond3A_162 = arith.constant 0 : i32
      %cond3A_163 = arith.cmpi ne, %convert_element_type3A_161, %cond3A_162 : i32
      scf.if %cond3A_163 {
        %scan3A_298 = arith.constant 0 : i32
        %scan3A_299 = arith.constant 20 : i32
        %scan3A_300 = arith.addi %scan3A_298, %scan3A_299 : i32
        %scan3A_301 = arith.constant 1 : i32
        %scan3A_302:32 = scf.for %scan3A_501 = %scan3A_298 to %scan3A_300 step %scan3A_301 iter_args(%scan3A_502 = %broadcast_in_dim3A_1, %scan3A_503 = %broadcast_in_dim3A_1, %scan3A_504 = %broadcast_in_dim3A_1, %scan3A_505 = %broadcast_in_dim3A_1, %scan3A_506 = %broadcast_in_dim3A_1, %scan3A_507 = %broadcast_in_dim3A_1, %scan3A_508 = %broadcast_in_dim3A_1, %scan3A_509 = %broadcast_in_dim3A_1, %scan3A_510 = %broadcast_in_dim3A_1, %scan3A_511 = %broadcast_in_dim3A_1, %scan3A_512 = %broadcast_in_dim3A_1, %scan3A_513 = %broadcast_in_dim3A_1, %scan3A_514 = %broadcast_in_dim3A_1, %scan3A_515 = %broadcast_in_dim3A_1, %scan3A_516 = %broadcast_in_dim3A_1, %scan3A_517 = %broadcast_in_dim3A_1, %scan3A_518 = %broadcast_in_dim3A_1, %scan3A_519 = %broadcast_in_dim3A_1, %scan3A_520 = %broadcast_in_dim3A_1, %scan3A_521 = %broadcast_in_dim3A_1, %scan3A_522 = %broadcast_in_dim3A_1, %scan3A_523 = %broadcast_in_dim3A_1, %scan3A_524 = %broadcast_in_dim3A_1, %scan3A_525 = %broadcast_in_dim3A_1, %scan3A_526 = %broadcast_in_dim3A_1, %scan3A_527 = %broadcast_in_dim3A_1, %scan3A_528 = %broadcast_in_dim3A_1, %scan3A_529 = %broadcast_in_dim3A_1, %scan3A_530 = %broadcast_in_dim3A_1, %scan3A_531 = %broadcast_in_dim3A_1, %scan3A_532 = %broadcast_in_dim3A_1, %scan3A_533 = %broadcast_in_dim3A_1) -> (vector<16xf32>, vector<16xf32>, vector<16xf32>, vector<16xf32>, vector<16xf32>, vector<16xf32>, vector<16xf32>, vector<16xf32>, vector<16xf32>, vector<16xf32>, vector<16xf32>, vector<16xf32>, vector<16xf32>, vector<16xf32>, vector<16xf32>, vector<16xf32>, vector<16xf32>, vector<16xf32>, vector<16xf32>, vector<16xf32>, vector<16xf32>, vector<16xf32>, vector<16xf32>, vector<16xf32>, vector<16xf32>, vector<16xf32>, vector<16xf32>, vector<16xf32>, vector<16xf32>, vector<16xf32>, vector<16xf32>, vector<16xf32>)  : i32 {
          %mul3A_534 = arith.constant 4 : i32
          %mul3A_535 = arith.muli %scan3A_501, %mul3A_534 : i32
          %add3A_536 = arith.constant 0 : i32
          %add3A_537 = arith.addi %mul3A_535, %add3A_536 : i32
          %get3A_538 = arith.index_cast %add3A_537 : i32 to index
          %get3A_539 = arith.constant 0 : index
          %get3A_540 = tpu.vector_load %arg6[%get3A_538, %get3A_539] {strides = array<i32>} : memref<80x128xf32, #tpu.memory_space<vmem>>, vector<1x16xf32>,
          %get3A_541 = vector.shape_cast %get3A_540 : vector<1x16xf32> to vector<16xf32>
          %add3A_542 = arith.addf %scan3A_502, %get3A_541 : vector<16xf32>
          %get3A_543 = arith.index_cast %add3A_537 : i32 to index
          %get3A_544 = arith.constant 16 : index
          %get3A_545 = tpu.vector_load %arg6[%get3A_543, %get3A_544] {strides = array<i32>} : memref<80x128xf32, #tpu.memory_space<vmem>>, vector<1x16xf32>,
          %get3A_546 = vector.shape_cast %get3A_545 : vector<1x16xf32> to vector<16xf32>
          %add3A_547 = arith.addf %scan3A_503, %get3A_546 : vector<16xf32>
          %get3A_548 = arith.index_cast %add3A_537 : i32 to index
          %get3A_549 = arith.constant 32 : index
          %get3A_550 = tpu.vector_load %arg6[%get3A_548, %get3A_549] {strides = array<i32>} : memref<80x128xf32, #tpu.memory_space<vmem>>, vector<1x16xf32>,
          %get3A_551 = vector.shape_cast %get3A_550 : vector<1x16xf32> to vector<16xf32>
          %add3A_552 = arith.addf %scan3A_504, %get3A_551 : vector<16xf32>
          %get3A_553 = arith.index_cast %add3A_537 : i32 to index
          %get3A_554 = arith.constant 48 : index
          %get3A_555 = tpu.vector_load %arg6[%get3A_553, %get3A_554] {strides = array<i32>} : memref<80x128xf32, #tpu.memory_space<vmem>>, vector<1x16xf32>,
          %get3A_556 = vector.shape_cast %get3A_555 : vector<1x16xf32> to vector<16xf32>
          %add3A_557 = arith.addf %scan3A_505, %get3A_556 : vector<16xf32>
          %get3A_558 = arith.index_cast %add3A_537 : i32 to index
          %get3A_559 = arith.constant 64 : index
          %get3A_560 = tpu.vector_load %arg6[%get3A_558, %get3A_559] {strides = array<i32>} : memref<80x128xf32, #tpu.memory_space<vmem>>, vector<1x16xf32>,
          %get3A_561 = vector.shape_cast %get3A_560 : vector<1x16xf32> to vector<16xf32>
          %add3A_562 = arith.addf %scan3A_506, %get3A_561 : vector<16xf32>
          %get3A_563 = arith.index_cast %add3A_537 : i32 to index
          %get3A_564 = arith.constant 80 : index
          %get3A_565 = tpu.vector_load %arg6[%get3A_563, %get3A_564] {strides = array<i32>} : memref<80x128xf32, #tpu.memory_space<vmem>>, vector<1x16xf32>,
          %get3A_566 = vector.shape_cast %get3A_565 : vector<1x16xf32> to vector<16xf32>
          %add3A_567 = arith.addf %scan3A_507, %get3A_566 : vector<16xf32>
          %get3A_568 = arith.index_cast %add3A_537 : i32 to index
          %get3A_569 = arith.constant 96 : index
          %get3A_570 = tpu.vector_load %arg6[%get3A_568, %get3A_569] {strides = array<i32>} : memref<80x128xf32, #tpu.memory_space<vmem>>, vector<1x16xf32>,
          %get3A_571 = vector.shape_cast %get3A_570 : vector<1x16xf32> to vector<16xf32>
          %add3A_572 = arith.addf %scan3A_508, %get3A_571 : vector<16xf32>
          %get3A_573 = arith.index_cast %add3A_537 : i32 to index
          %get3A_574 = arith.constant 112 : index
          %get3A_575 = tpu.vector_load %arg6[%get3A_573, %get3A_574] {strides = array<i32>} : memref<80x128xf32, #tpu.memory_space<vmem>>, vector<1x16xf32>,
          %get3A_576 = vector.shape_cast %get3A_575 : vector<1x16xf32> to vector<16xf32>
          %add3A_577 = arith.addf %scan3A_509, %get3A_576 : vector<16xf32>
          %mul3A_578 = arith.constant 4 : i32
          %mul3A_579 = arith.muli %scan3A_501, %mul3A_578 : i32
          %add3A_580 = arith.constant 1 : i32
          %add3A_581 = arith.addi %mul3A_579, %add3A_580 : i32
          %get3A_582 = arith.index_cast %add3A_581 : i32 to index
          %get3A_583 = arith.constant 0 : index
          %get3A_584 = tpu.vector_load %arg6[%get3A_582, %get3A_583] {strides = array<i32>} : memref<80x128xf32, #tpu.memory_space<vmem>>, vector<1x16xf32>,
          %get3A_585 = vector.shape_cast %get3A_584 : vector<1x16xf32> to vector<16xf32>
          %add3A_586 = arith.addf %scan3A_510, %get3A_585 : vector<16xf32>
          %get3A_587 = arith.index_cast %add3A_581 : i32 to index
          %get3A_588 = arith.constant 16 : index
          %get3A_589 = tpu.vector_load %arg6[%get3A_587, %get3A_588] {strides = array<i32>} : memref<80x128xf32, #tpu.memory_space<vmem>>, vector<1x16xf32>,
          %get3A_590 = vector.shape_cast %get3A_589 : vector<1x16xf32> to vector<16xf32>
          %add3A_591 = arith.addf %scan3A_511, %get3A_590 : vector<16xf32>
          %get3A_592 = arith.index_cast %add3A_581 : i32 to index
          %get3A_593 = arith.constant 32 : index
          %get3A_594 = tpu.vector_load %arg6[%get3A_592, %get3A_593] {strides = array<i32>} : memref<80x128xf32, #tpu.memory_space<vmem>>, vector<1x16xf32>,
          %get3A_595 = vector.shape_cast %get3A_594 : vector<1x16xf32> to vector<16xf32>
          %add3A_596 = arith.addf %scan3A_512, %get3A_595 : vector<16xf32>
          %get3A_597 = arith.index_cast %add3A_581 : i32 to index
          %get3A_598 = arith.constant 48 : index
          %get3A_599 = tpu.vector_load %arg6[%get3A_597, %get3A_598] {strides = array<i32>} : memref<80x128xf32, #tpu.memory_space<vmem>>, vector<1x16xf32>,
          %get3A_600 = vector.shape_cast %get3A_599 : vector<1x16xf32> to vector<16xf32>
          %add3A_601 = arith.addf %scan3A_513, %get3A_600 : vector<16xf32>
          %get3A_602 = arith.index_cast %add3A_581 : i32 to index
          %get3A_603 = arith.constant 64 : index
          %get3A_604 = tpu.vector_load %arg6[%get3A_602, %get3A_603] {strides = array<i32>} : memref<80x128xf32, #tpu.memory_space<vmem>>, vector<1x16xf32>,
          %get3A_605 = vector.shape_cast %get3A_604 : vector<1x16xf32> to vector<16xf32>
          %add3A_606 = arith.addf %scan3A_514, %get3A_605 : vector<16xf32>
          %get3A_607 = arith.index_cast %add3A_581 : i32 to index
          %get3A_608 = arith.constant 80 : index
          %get3A_609 = tpu.vector_load %arg6[%get3A_607, %get3A_608] {strides = array<i32>} : memref<80x128xf32, #tpu.memory_space<vmem>>, vector<1x16xf32>,
          %get3A_610 = vector.shape_cast %get3A_609 : vector<1x16xf32> to vector<16xf32>
          %add3A_611 = arith.addf %scan3A_515, %get3A_610 : vector<16xf32>
          %get3A_612 = arith.index_cast %add3A_581 : i32 to index
          %get3A_613 = arith.constant 96 : index
          %get3A_614 = tpu.vector_load %arg6[%get3A_612, %get3A_613] {strides = array<i32>} : memref<80x128xf32, #tpu.memory_space<vmem>>, vector<1x16xf32>,
          %get3A_615 = vector.shape_cast %get3A_614 : vector<1x16xf32> to vector<16xf32>
          %add3A_616 = arith.addf %scan3A_516, %get3A_615 : vector<16xf32>
          %get3A_617 = arith.index_cast %add3A_581 : i32 to index
          %get3A_618 = arith.constant 112 : index
          %get3A_619 = tpu.vector_load %arg6[%get3A_617, %get3A_618] {strides = array<i32>} : memref<80x128xf32, #tpu.memory_space<vmem>>, vector<1x16xf32>,
          %get3A_620 = vector.shape_cast %get3A_619 : vector<1x16xf32> to vector<16xf32>
          %add3A_621 = arith.addf %scan3A_517, %get3A_620 : vector<16xf32>
          %mul3A_622 = arith.constant 4 : i32
          %mul3A_623 = arith.muli %scan3A_501, %mul3A_622 : i32
          %add3A_624 = arith.constant 2 : i32
          %add3A_625 = arith.addi %mul3A_623, %add3A_624 : i32
          %get3A_626 = arith.index_cast %add3A_625 : i32 to index
          %get3A_627 = arith.constant 0 : index
          %get3A_628 = tpu.vector_load %arg6[%get3A_626, %get3A_627] {strides = array<i32>} : memref<80x128xf32, #tpu.memory_space<vmem>>, vector<1x16xf32>,
          %get3A_629 = vector.shape_cast %get3A_628 : vector<1x16xf32> to vector<16xf32>
          %add3A_630 = arith.addf %scan3A_518, %get3A_629 : vector<16xf32>
          %get3A_631 = arith.index_cast %add3A_625 : i32 to index
          %get3A_632 = arith.constant 16 : index
          %get3A_633 = tpu.vector_load %arg6[%get3A_631, %get3A_632] {strides = array<i32>} : memref<80x128xf32, #tpu.memory_space<vmem>>, vector<1x16xf32>,
          %get3A_634 = vector.shape_cast %get3A_633 : vector<1x16xf32> to vector<16xf32>
          %add3A_635 = arith.addf %scan3A_519, %get3A_634 : vector<16xf32>
          %get3A_636 = arith.index_cast %add3A_625 : i32 to index
          %get3A_637 = arith.constant 32 : index
          %get3A_638 = tpu.vector_load %arg6[%get3A_636, %get3A_637] {strides = array<i32>} : memref<80x128xf32, #tpu.memory_space<vmem>>, vector<1x16xf32>,
          %get3A_639 = vector.shape_cast %get3A_638 : vector<1x16xf32> to vector<16xf32>
          %add3A_640 = arith.addf %scan3A_520, %get3A_639 : vector<16xf32>
          %get3A_641 = arith.index_cast %add3A_625 : i32 to index
          %get3A_642 = arith.constant 48 : index
          %get3A_643 = tpu.vector_load %arg6[%get3A_641, %get3A_642] {strides = array<i32>} : memref<80x128xf32, #tpu.memory_space<vmem>>, vector<1x16xf32>,
          %get3A_644 = vector.shape_cast %get3A_643 : vector<1x16xf32> to vector<16xf32>
          %add3A_645 = arith.addf %scan3A_521, %get3A_644 : vector<16xf32>
          %get3A_646 = arith.index_cast %add3A_625 : i32 to index
          %get3A_647 = arith.constant 64 : index
          %get3A_648 = tpu.vector_load %arg6[%get3A_646, %get3A_647] {strides = array<i32>} : memref<80x128xf32, #tpu.memory_space<vmem>>, vector<1x16xf32>,
          %get3A_649 = vector.shape_cast %get3A_648 : vector<1x16xf32> to vector<16xf32>
          %add3A_650 = arith.addf %scan3A_522, %get3A_649 : vector<16xf32>
          %get3A_651 = arith.index_cast %add3A_625 : i32 to index
          %get3A_652 = arith.constant 80 : index
          %get3A_653 = tpu.vector_load %arg6[%get3A_651, %get3A_652] {strides = array<i32>} : memref<80x128xf32, #tpu.memory_space<vmem>>, vector<1x16xf32>,
          %get3A_654 = vector.shape_cast %get3A_653 : vector<1x16xf32> to vector<16xf32>
          %add3A_655 = arith.addf %scan3A_523, %get3A_654 : vector<16xf32>
          %get3A_656 = arith.index_cast %add3A_625 : i32 to index
          %get3A_657 = arith.constant 96 : index
          %get3A_658 = tpu.vector_load %arg6[%get3A_656, %get3A_657] {strides = array<i32>} : memref<80x128xf32, #tpu.memory_space<vmem>>, vector<1x16xf32>,
          %get3A_659 = vector.shape_cast %get3A_658 : vector<1x16xf32> to vector<16xf32>
          %add3A_660 = arith.addf %scan3A_524, %get3A_659 : vector<16xf32>
          %get3A_661 = arith.index_cast %add3A_625 : i32 to index
          %get3A_662 = arith.constant 112 : index
          %get3A_663 = tpu.vector_load %arg6[%get3A_661, %get3A_662] {strides = array<i32>} : memref<80x128xf32, #tpu.memory_space<vmem>>, vector<1x16xf32>,
          %get3A_664 = vector.shape_cast %get3A_663 : vector<1x16xf32> to vector<16xf32>
          %add3A_665 = arith.addf %scan3A_525, %get3A_664 : vector<16xf32>
          %mul3A_666 = arith.constant 4 : i32
          %mul3A_667 = arith.muli %scan3A_501, %mul3A_666 : i32
          %add3A_668 = arith.constant 3 : i32
          %add3A_669 = arith.addi %mul3A_667, %add3A_668 : i32
          %get3A_670 = arith.index_cast %add3A_669 : i32 to index
          %get3A_671 = arith.constant 0 : index
          %get3A_672 = tpu.vector_load %arg6[%get3A_670, %get3A_671] {strides = array<i32>} : memref<80x128xf32, #tpu.memory_space<vmem>>, vector<1x16xf32>,
          %get3A_673 = vector.shape_cast %get3A_672 : vector<1x16xf32> to vector<16xf32>
          %add3A_674 = arith.addf %scan3A_526, %get3A_673 : vector<16xf32>
          %get3A_675 = arith.index_cast %add3A_669 : i32 to index
          %get3A_676 = arith.constant 16 : index
          %get3A_677 = tpu.vector_load %arg6[%get3A_675, %get3A_676] {strides = array<i32>} : memref<80x128xf32, #tpu.memory_space<vmem>>, vector<1x16xf32>,
          %get3A_678 = vector.shape_cast %get3A_677 : vector<1x16xf32> to vector<16xf32>
          %add3A_679 = arith.addf %scan3A_527, %get3A_678 : vector<16xf32>
          %get3A_680 = arith.index_cast %add3A_669 : i32 to index
          %get3A_681 = arith.constant 32 : index
          %get3A_682 = tpu.vector_load %arg6[%get3A_680, %get3A_681] {strides = array<i32>} : memref<80x128xf32, #tpu.memory_space<vmem>>, vector<1x16xf32>,
          %get3A_683 = vector.shape_cast %get3A_682 : vector<1x16xf32> to vector<16xf32>
          %add3A_684 = arith.addf %scan3A_528, %get3A_683 : vector<16xf32>
          %get3A_685 = arith.index_cast %add3A_669 : i32 to index
          %get3A_686 = arith.constant 48 : index
          %get3A_687 = tpu.vector_load %arg6[%get3A_685, %get3A_686] {strides = array<i32>} : memref<80x128xf32, #tpu.memory_space<vmem>>, vector<1x16xf32>,
          %get3A_688 = vector.shape_cast %get3A_687 : vector<1x16xf32> to vector<16xf32>
          %add3A_689 = arith.addf %scan3A_529, %get3A_688 : vector<16xf32>
          %get3A_690 = arith.index_cast %add3A_669 : i32 to index
          %get3A_691 = arith.constant 64 : index
          %get3A_692 = tpu.vector_load %arg6[%get3A_690, %get3A_691] {strides = array<i32>} : memref<80x128xf32, #tpu.memory_space<vmem>>, vector<1x16xf32>,
          %get3A_693 = vector.shape_cast %get3A_692 : vector<1x16xf32> to vector<16xf32>
          %add3A_694 = arith.addf %scan3A_530, %get3A_693 : vector<16xf32>
          %get3A_695 = arith.index_cast %add3A_669 : i32 to index
          %get3A_696 = arith.constant 80 : index
          %get3A_697 = tpu.vector_load %arg6[%get3A_695, %get3A_696] {strides = array<i32>} : memref<80x128xf32, #tpu.memory_space<vmem>>, vector<1x16xf32>,
          %get3A_698 = vector.shape_cast %get3A_697 : vector<1x16xf32> to vector<16xf32>
          %add3A_699 = arith.addf %scan3A_531, %get3A_698 : vector<16xf32>
          %get3A_700 = arith.index_cast %add3A_669 : i32 to index
          %get3A_701 = arith.constant 96 : index
          %get3A_702 = tpu.vector_load %arg6[%get3A_700, %get3A_701] {strides = array<i32>} : memref<80x128xf32, #tpu.memory_space<vmem>>, vector<1x16xf32>,
          %get3A_703 = vector.shape_cast %get3A_702 : vector<1x16xf32> to vector<16xf32>
          %add3A_704 = arith.addf %scan3A_532, %get3A_703 : vector<16xf32>
          %get3A_705 = arith.index_cast %add3A_669 : i32 to index
          %get3A_706 = arith.constant 112 : index
          %get3A_707 = tpu.vector_load %arg6[%get3A_705, %get3A_706] {strides = array<i32>} : memref<80x128xf32, #tpu.memory_space<vmem>>, vector<1x16xf32>,
          %get3A_708 = vector.shape_cast %get3A_707 : vector<1x16xf32> to vector<16xf32>
          %add3A_709 = arith.addf %scan3A_533, %get3A_708 : vector<16xf32>
          scf.yield %add3A_542, %add3A_547, %add3A_552, %add3A_557, %add3A_562, %add3A_567, %add3A_572, %add3A_577, %add3A_586, %add3A_591, %add3A_596, %add3A_601, %add3A_606, %add3A_611, %add3A_616, %add3A_621, %add3A_630, %add3A_635, %add3A_640, %add3A_645, %add3A_650, %add3A_655, %add3A_660, %add3A_665, %add3A_674, %add3A_679, %add3A_684, %add3A_689, %add3A_694, %add3A_699, %add3A_704, %add3A_709 : vector<16xf32>, vector<16xf32>, vector<16xf32>, vector<16xf32>, vector<16xf32>, vector<16xf32>, vector<16xf32>, vector<16xf32>, vector<16xf32>, vector<16xf32>, vector<16xf32>, vector<16xf32>, vector<16xf32>, vector<16xf32>, vector<16xf32>, vector<16xf32>, vector<16xf32>, vector<16xf32>, vector<16xf32>, vector<16xf32>, vector<16xf32>, vector<16xf32>, vector<16xf32>, vector<16xf32>, vector<16xf32>, vector<16xf32>, vector<16xf32>, vector<16xf32>, vector<16xf32>, vector<16xf32>, vector<16xf32>, vector<16xf32>
        }
        %scan3A_303 = arith.constant 20 : i32
        %swap3A = arith.constant 0 : i32
        %swap3A_304 = arith.index_cast %swap3A : i32 to index
        %swap3A_305 = arith.constant 0 : index
        %swap3A_306 = tpu.vector_load %arg11[%swap3A_304, %swap3A_305] {strides = array<i32>} : memref<16x128xf32, #tpu.memory_space<vmem>>, vector<1x16xf32>,
        %swap3A_307 = vector.shape_cast %swap3A_306 : vector<1x16xf32> to vector<16xf32>
        %swap3A_308 = vector.shape_cast %scan3A_302#0 : vector<16xf32> to vector<1x16xf32>
        tpu.vector_store %arg11[%swap3A_304, %swap3A_305], %swap3A_308 {strides = array<i32>} : memref<16x128xf32, #tpu.memory_space<vmem>>, vector<1x16xf32>,
        %swap3A_309 = arith.constant 0 : i32
        %swap3A_310 = arith.index_cast %swap3A_309 : i32 to index
        %swap3A_311 = arith.constant 16 : index
        %swap3A_312 = tpu.vector_load %arg11[%swap3A_310, %swap3A_311] {strides = array<i32>} : memref<16x128xf32, #tpu.memory_space<vmem>>, vector<1x16xf32>,
        %swap3A_313 = vector.shape_cast %swap3A_312 : vector<1x16xf32> to vector<16xf32>
        %swap3A_314 = vector.shape_cast %scan3A_302#1 : vector<16xf32> to vector<1x16xf32>
        tpu.vector_store %arg11[%swap3A_310, %swap3A_311], %swap3A_314 {strides = array<i32>} : memref<16x128xf32, #tpu.memory_space<vmem>>, vector<1x16xf32>,
        %swap3A_315 = arith.constant 0 : i32
        %swap3A_316 = arith.index_cast %swap3A_315 : i32 to index
        %swap3A_317 = arith.constant 32 : index
        %swap3A_318 = tpu.vector_load %arg11[%swap3A_316, %swap3A_317] {strides = array<i32>} : memref<16x128xf32, #tpu.memory_space<vmem>>, vector<1x16xf32>,
        %swap3A_319 = vector.shape_cast %swap3A_318 : vector<1x16xf32> to vector<16xf32>
        %swap3A_320 = vector.shape_cast %scan3A_302#2 : vector<16xf32> to vector<1x16xf32>
        tpu.vector_store %arg11[%swap3A_316, %swap3A_317], %swap3A_320 {strides = array<i32>} : memref<16x128xf32, #tpu.memory_space<vmem>>, vector<1x16xf32>,
        %swap3A_321 = arith.constant 0 : i32
        %swap3A_322 = arith.index_cast %swap3A_321 : i32 to index
        %swap3A_323 = arith.constant 48 : index
        %swap3A_324 = tpu.vector_load %arg11[%swap3A_322, %swap3A_323] {strides = array<i32>} : memref<16x128xf32, #tpu.memory_space<vmem>>, vector<1x16xf32>,
        %swap3A_325 = vector.shape_cast %swap3A_324 : vector<1x16xf32> to vector<16xf32>
        %swap3A_326 = vector.shape_cast %scan3A_302#3 : vector<16xf32> to vector<1x16xf32>
        tpu.vector_store %arg11[%swap3A_322, %swap3A_323], %swap3A_326 {strides = array<i32>} : memref<16x128xf32, #tpu.memory_space<vmem>>, vector<1x16xf32>,
        %swap3A_327 = arith.constant 0 : i32
        %swap3A_328 = arith.index_cast %swap3A_327 : i32 to index
        %swap3A_329 = arith.constant 64 : index
        %swap3A_330 = tpu.vector_load %arg11[%swap3A_328, %swap3A_329] {strides = array<i32>} : memref<16x128xf32, #tpu.memory_space<vmem>>, vector<1x16xf32>,
        %swap3A_331 = vector.shape_cast %swap3A_330 : vector<1x16xf32> to vector<16xf32>
        %swap3A_332 = vector.shape_cast %scan3A_302#4 : vector<16xf32> to vector<1x16xf32>
        tpu.vector_store %arg11[%swap3A_328, %swap3A_329], %swap3A_332 {strides = array<i32>} : memref<16x128xf32, #tpu.memory_space<vmem>>, vector<1x16xf32>,
        %swap3A_333 = arith.constant 0 : i32
        %swap3A_334 = arith.index_cast %swap3A_333 : i32 to index
        %swap3A_335 = arith.constant 80 : index
        %swap3A_336 = tpu.vector_load %arg11[%swap3A_334, %swap3A_335] {strides = array<i32>} : memref<16x128xf32, #tpu.memory_space<vmem>>, vector<1x16xf32>,
        %swap3A_337 = vector.shape_cast %swap3A_336 : vector<1x16xf32> to vector<16xf32>
        %swap3A_338 = vector.shape_cast %scan3A_302#5 : vector<16xf32> to vector<1x16xf32>
        tpu.vector_store %arg11[%swap3A_334, %swap3A_335], %swap3A_338 {strides = array<i32>} : memref<16x128xf32, #tpu.memory_space<vmem>>, vector<1x16xf32>,
        %swap3A_339 = arith.constant 0 : i32
        %swap3A_340 = arith.index_cast %swap3A_339 : i32 to index
        %swap3A_341 = arith.constant 96 : index
        %swap3A_342 = tpu.vector_load %arg11[%swap3A_340, %swap3A_341] {strides = array<i32>} : memref<16x128xf32, #tpu.memory_space<vmem>>, vector<1x16xf32>,
        %swap3A_343 = vector.shape_cast %swap3A_342 : vector<1x16xf32> to vector<16xf32>
        %swap3A_344 = vector.shape_cast %scan3A_302#6 : vector<16xf32> to vector<1x16xf32>
        tpu.vector_store %arg11[%swap3A_340, %swap3A_341], %swap3A_344 {strides = array<i32>} : memref<16x128xf32, #tpu.memory_space<vmem>>, vector<1x16xf32>,
        %swap3A_345 = arith.constant 0 : i32
        %swap3A_346 = arith.index_cast %swap3A_345 : i32 to index
        %swap3A_347 = arith.constant 112 : index
        %swap3A_348 = tpu.vector_load %arg11[%swap3A_346, %swap3A_347] {strides = array<i32>} : memref<16x128xf32, #tpu.memory_space<vmem>>, vector<1x16xf32>,
        %swap3A_349 = vector.shape_cast %swap3A_348 : vector<1x16xf32> to vector<16xf32>
        %swap3A_350 = vector.shape_cast %scan3A_302#7 : vector<16xf32> to vector<1x16xf32>
        tpu.vector_store %arg11[%swap3A_346, %swap3A_347], %swap3A_350 {strides = array<i32>} : memref<16x128xf32, #tpu.memory_space<vmem>>, vector<1x16xf32>,
        %swap3A_351 = arith.constant 1 : i32
        %swap3A_352 = arith.index_cast %swap3A_351 : i32 to index
        %swap3A_353 = arith.constant 0 : index
        %swap3A_354 = tpu.vector_load %arg11[%swap3A_352, %swap3A_353] {strides = array<i32>} : memref<16x128xf32, #tpu.memory_space<vmem>>, vector<1x16xf32>,
        %swap3A_355 = vector.shape_cast %swap3A_354 : vector<1x16xf32> to vector<16xf32>
        %swap3A_356 = vector.shape_cast %scan3A_302#8 : vector<16xf32> to vector<1x16xf32>
        tpu.vector_store %arg11[%swap3A_352, %swap3A_353], %swap3A_356 {strides = array<i32>} : memref<16x128xf32, #tpu.memory_space<vmem>>, vector<1x16xf32>,
        %swap3A_357 = arith.constant 1 : i32
        %swap3A_358 = arith.index_cast %swap3A_357 : i32 to index
        %swap3A_359 = arith.constant 16 : index
        %swap3A_360 = tpu.vector_load %arg11[%swap3A_358, %swap3A_359] {strides = array<i32>} : memref<16x128xf32, #tpu.memory_space<vmem>>, vector<1x16xf32>,
        %swap3A_361 = vector.shape_cast %swap3A_360 : vector<1x16xf32> to vector<16xf32>
        %swap3A_362 = vector.shape_cast %scan3A_302#9 : vector<16xf32> to vector<1x16xf32>
        tpu.vector_store %arg11[%swap3A_358, %swap3A_359], %swap3A_362 {strides = array<i32>} : memref<16x128xf32, #tpu.memory_space<vmem>>, vector<1x16xf32>,
        %swap3A_363 = arith.constant 1 : i32
        %swap3A_364 = arith.index_cast %swap3A_363 : i32 to index
        %swap3A_365 = arith.constant 32 : index
        %swap3A_366 = tpu.vector_load %arg11[%swap3A_364, %swap3A_365] {strides = array<i32>} : memref<16x128xf32, #tpu.memory_space<vmem>>, vector<1x16xf32>,
        %swap3A_367 = vector.shape_cast %swap3A_366 : vector<1x16xf32> to vector<16xf32>
        %swap3A_368 = vector.shape_cast %scan3A_302#10 : vector<16xf32> to vector<1x16xf32>
        tpu.vector_store %arg11[%swap3A_364, %swap3A_365], %swap3A_368 {strides = array<i32>} : memref<16x128xf32, #tpu.memory_space<vmem>>, vector<1x16xf32>,
        %swap3A_369 = arith.constant 1 : i32
        %swap3A_370 = arith.index_cast %swap3A_369 : i32 to index
        %swap3A_371 = arith.constant 48 : index
        %swap3A_372 = tpu.vector_load %arg11[%swap3A_370, %swap3A_371] {strides = array<i32>} : memref<16x128xf32, #tpu.memory_space<vmem>>, vector<1x16xf32>,
        %swap3A_373 = vector.shape_cast %swap3A_372 : vector<1x16xf32> to vector<16xf32>
        %swap3A_374 = vector.shape_cast %scan3A_302#11 : vector<16xf32> to vector<1x16xf32>
        tpu.vector_store %arg11[%swap3A_370, %swap3A_371], %swap3A_374 {strides = array<i32>} : memref<16x128xf32, #tpu.memory_space<vmem>>, vector<1x16xf32>,
        %swap3A_375 = arith.constant 1 : i32
        %swap3A_376 = arith.index_cast %swap3A_375 : i32 to index
        %swap3A_377 = arith.constant 64 : index
        %swap3A_378 = tpu.vector_load %arg11[%swap3A_376, %swap3A_377] {strides = array<i32>} : memref<16x128xf32, #tpu.memory_space<vmem>>, vector<1x16xf32>,
        %swap3A_379 = vector.shape_cast %swap3A_378 : vector<1x16xf32> to vector<16xf32>
        %swap3A_380 = vector.shape_cast %scan3A_302#12 : vector<16xf32> to vector<1x16xf32>
        tpu.vector_store %arg11[%swap3A_376, %swap3A_377], %swap3A_380 {strides = array<i32>} : memref<16x128xf32, #tpu.memory_space<vmem>>, vector<1x16xf32>,
        %swap3A_381 = arith.constant 1 : i32
        %swap3A_382 = arith.index_cast %swap3A_381 : i32 to index
        %swap3A_383 = arith.constant 80 : index
        %swap3A_384 = tpu.vector_load %arg11[%swap3A_382, %swap3A_383] {strides = array<i32>} : memref<16x128xf32, #tpu.memory_space<vmem>>, vector<1x16xf32>,
        %swap3A_385 = vector.shape_cast %swap3A_384 : vector<1x16xf32> to vector<16xf32>
        %swap3A_386 = vector.shape_cast %scan3A_302#13 : vector<16xf32> to vector<1x16xf32>
        tpu.vector_store %arg11[%swap3A_382, %swap3A_383], %swap3A_386 {strides = array<i32>} : memref<16x128xf32, #tpu.memory_space<vmem>>, vector<1x16xf32>,
        %swap3A_387 = arith.constant 1 : i32
        %swap3A_388 = arith.index_cast %swap3A_387 : i32 to index
        %swap3A_389 = arith.constant 96 : index
        %swap3A_390 = tpu.vector_load %arg11[%swap3A_388, %swap3A_389] {strides = array<i32>} : memref<16x128xf32, #tpu.memory_space<vmem>>, vector<1x16xf32>,
        %swap3A_391 = vector.shape_cast %swap3A_390 : vector<1x16xf32> to vector<16xf32>
        %swap3A_392 = vector.shape_cast %scan3A_302#14 : vector<16xf32> to vector<1x16xf32>
        tpu.vector_store %arg11[%swap3A_388, %swap3A_389], %swap3A_392 {strides = array<i32>} : memref<16x128xf32, #tpu.memory_space<vmem>>, vector<1x16xf32>,
        %swap3A_393 = arith.constant 1 : i32
        %swap3A_394 = arith.index_cast %swap3A_393 : i32 to index
        %swap3A_395 = arith.constant 112 : index
        %swap3A_396 = tpu.vector_load %arg11[%swap3A_394, %swap3A_395] {strides = array<i32>} : memref<16x128xf32, #tpu.memory_space<vmem>>, vector<1x16xf32>,
        %swap3A_397 = vector.shape_cast %swap3A_396 : vector<1x16xf32> to vector<16xf32>
        %swap3A_398 = vector.shape_cast %scan3A_302#15 : vector<16xf32> to vector<1x16xf32>
        tpu.vector_store %arg11[%swap3A_394, %swap3A_395], %swap3A_398 {strides = array<i32>} : memref<16x128xf32, #tpu.memory_space<vmem>>, vector<1x16xf32>,
        %swap3A_399 = arith.constant 2 : i32
        %swap3A_400 = arith.index_cast %swap3A_399 : i32 to index
        %swap3A_401 = arith.constant 0 : index
        %swap3A_402 = tpu.vector_load %arg11[%swap3A_400, %swap3A_401] {strides = array<i32>} : memref<16x128xf32, #tpu.memory_space<vmem>>, vector<1x16xf32>,
        %swap3A_403 = vector.shape_cast %swap3A_402 : vector<1x16xf32> to vector<16xf32>
        %swap3A_404 = vector.shape_cast %scan3A_302#16 : vector<16xf32> to vector<1x16xf32>
        tpu.vector_store %arg11[%swap3A_400, %swap3A_401], %swap3A_404 {strides = array<i32>} : memref<16x128xf32, #tpu.memory_space<vmem>>, vector<1x16xf32>,
        %swap3A_405 = arith.constant 2 : i32
        %swap3A_406 = arith.index_cast %swap3A_405 : i32 to index
        %swap3A_407 = arith.constant 16 : index
        %swap3A_408 = tpu.vector_load %arg11[%swap3A_406, %swap3A_407] {strides = array<i32>} : memref<16x128xf32, #tpu.memory_space<vmem>>, vector<1x16xf32>,
        %swap3A_409 = vector.shape_cast %swap3A_408 : vector<1x16xf32> to vector<16xf32>
        %swap3A_410 = vector.shape_cast %scan3A_302#17 : vector<16xf32> to vector<1x16xf32>
        tpu.vector_store %arg11[%swap3A_406, %swap3A_407], %swap3A_410 {strides = array<i32>} : memref<16x128xf32, #tpu.memory_space<vmem>>, vector<1x16xf32>,
        %swap3A_411 = arith.constant 2 : i32
        %swap3A_412 = arith.index_cast %swap3A_411 : i32 to index
        %swap3A_413 = arith.constant 32 : index
        %swap3A_414 = tpu.vector_load %arg11[%swap3A_412, %swap3A_413] {strides = array<i32>} : memref<16x128xf32, #tpu.memory_space<vmem>>, vector<1x16xf32>,
        %swap3A_415 = vector.shape_cast %swap3A_414 : vector<1x16xf32> to vector<16xf32>
        %swap3A_416 = vector.shape_cast %scan3A_302#18 : vector<16xf32> to vector<1x16xf32>
        tpu.vector_store %arg11[%swap3A_412, %swap3A_413], %swap3A_416 {strides = array<i32>} : memref<16x128xf32, #tpu.memory_space<vmem>>, vector<1x16xf32>,
        %swap3A_417 = arith.constant 2 : i32
        %swap3A_418 = arith.index_cast %swap3A_417 : i32 to index
        %swap3A_419 = arith.constant 48 : index
        %swap3A_420 = tpu.vector_load %arg11[%swap3A_418, %swap3A_419] {strides = array<i32>} : memref<16x128xf32, #tpu.memory_space<vmem>>, vector<1x16xf32>,
        %swap3A_421 = vector.shape_cast %swap3A_420 : vector<1x16xf32> to vector<16xf32>
        %swap3A_422 = vector.shape_cast %scan3A_302#19 : vector<16xf32> to vector<1x16xf32>
        tpu.vector_store %arg11[%swap3A_418, %swap3A_419], %swap3A_422 {strides = array<i32>} : memref<16x128xf32, #tpu.memory_space<vmem>>, vector<1x16xf32>,
        %swap3A_423 = arith.constant 2 : i32
        %swap3A_424 = arith.index_cast %swap3A_423 : i32 to index
        %swap3A_425 = arith.constant 64 : index
        %swap3A_426 = tpu.vector_load %arg11[%swap3A_424, %swap3A_425] {strides = array<i32>} : memref<16x128xf32, #tpu.memory_space<vmem>>, vector<1x16xf32>,
        %swap3A_427 = vector.shape_cast %swap3A_426 : vector<1x16xf32> to vector<16xf32>
        %swap3A_428 = vector.shape_cast %scan3A_302#20 : vector<16xf32> to vector<1x16xf32>
        tpu.vector_store %arg11[%swap3A_424, %swap3A_425], %swap3A_428 {strides = array<i32>} : memref<16x128xf32, #tpu.memory_space<vmem>>, vector<1x16xf32>,
        %swap3A_429 = arith.constant 2 : i32
        %swap3A_430 = arith.index_cast %swap3A_429 : i32 to index
        %swap3A_431 = arith.constant 80 : index
        %swap3A_432 = tpu.vector_load %arg11[%swap3A_430, %swap3A_431] {strides = array<i32>} : memref<16x128xf32, #tpu.memory_space<vmem>>, vector<1x16xf32>,
        %swap3A_433 = vector.shape_cast %swap3A_432 : vector<1x16xf32> to vector<16xf32>
        %swap3A_434 = vector.shape_cast %scan3A_302#21 : vector<16xf32> to vector<1x16xf32>
        tpu.vector_store %arg11[%swap3A_430, %swap3A_431], %swap3A_434 {strides = array<i32>} : memref<16x128xf32, #tpu.memory_space<vmem>>, vector<1x16xf32>,
        %swap3A_435 = arith.constant 2 : i32
        %swap3A_436 = arith.index_cast %swap3A_435 : i32 to index
        %swap3A_437 = arith.constant 96 : index
        %swap3A_438 = tpu.vector_load %arg11[%swap3A_436, %swap3A_437] {strides = array<i32>} : memref<16x128xf32, #tpu.memory_space<vmem>>, vector<1x16xf32>,
        %swap3A_439 = vector.shape_cast %swap3A_438 : vector<1x16xf32> to vector<16xf32>
        %swap3A_440 = vector.shape_cast %scan3A_302#22 : vector<16xf32> to vector<1x16xf32>
        tpu.vector_store %arg11[%swap3A_436, %swap3A_437], %swap3A_440 {strides = array<i32>} : memref<16x128xf32, #tpu.memory_space<vmem>>, vector<1x16xf32>,
        %swap3A_441 = arith.constant 2 : i32
        %swap3A_442 = arith.index_cast %swap3A_441 : i32 to index
        %swap3A_443 = arith.constant 112 : index
        %swap3A_444 = tpu.vector_load %arg11[%swap3A_442, %swap3A_443] {strides = array<i32>} : memref<16x128xf32, #tpu.memory_space<vmem>>, vector<1x16xf32>,
        %swap3A_445 = vector.shape_cast %swap3A_444 : vector<1x16xf32> to vector<16xf32>
        %swap3A_446 = vector.shape_cast %scan3A_302#23 : vector<16xf32> to vector<1x16xf32>
        tpu.vector_store %arg11[%swap3A_442, %swap3A_443], %swap3A_446 {strides = array<i32>} : memref<16x128xf32, #tpu.memory_space<vmem>>, vector<1x16xf32>,
        %swap3A_447 = arith.constant 3 : i32
        %swap3A_448 = arith.index_cast %swap3A_447 : i32 to index
        %swap3A_449 = arith.constant 0 : index
        %swap3A_450 = tpu.vector_load %arg11[%swap3A_448, %swap3A_449] {strides = array<i32>} : memref<16x128xf32, #tpu.memory_space<vmem>>, vector<1x16xf32>,
        %swap3A_451 = vector.shape_cast %swap3A_450 : vector<1x16xf32> to vector<16xf32>
        %swap3A_452 = vector.shape_cast %scan3A_302#24 : vector<16xf32> to vector<1x16xf32>
        tpu.vector_store %arg11[%swap3A_448, %swap3A_449], %swap3A_452 {strides = array<i32>} : memref<16x128xf32, #tpu.memory_space<vmem>>, vector<1x16xf32>,
        %swap3A_453 = arith.constant 3 : i32
        %swap3A_454 = arith.index_cast %swap3A_453 : i32 to index
        %swap3A_455 = arith.constant 16 : index
        %swap3A_456 = tpu.vector_load %arg11[%swap3A_454, %swap3A_455] {strides = array<i32>} : memref<16x128xf32, #tpu.memory_space<vmem>>, vector<1x16xf32>,
        %swap3A_457 = vector.shape_cast %swap3A_456 : vector<1x16xf32> to vector<16xf32>
        %swap3A_458 = vector.shape_cast %scan3A_302#25 : vector<16xf32> to vector<1x16xf32>
        tpu.vector_store %arg11[%swap3A_454, %swap3A_455], %swap3A_458 {strides = array<i32>} : memref<16x128xf32, #tpu.memory_space<vmem>>, vector<1x16xf32>,
        %swap3A_459 = arith.constant 3 : i32
        %swap3A_460 = arith.index_cast %swap3A_459 : i32 to index
        %swap3A_461 = arith.constant 32 : index
        %swap3A_462 = tpu.vector_load %arg11[%swap3A_460, %swap3A_461] {strides = array<i32>} : memref<16x128xf32, #tpu.memory_space<vmem>>, vector<1x16xf32>,
        %swap3A_463 = vector.shape_cast %swap3A_462 : vector<1x16xf32> to vector<16xf32>
        %swap3A_464 = vector.shape_cast %scan3A_302#26 : vector<16xf32> to vector<1x16xf32>
        tpu.vector_store %arg11[%swap3A_460, %swap3A_461], %swap3A_464 {strides = array<i32>} : memref<16x128xf32, #tpu.memory_space<vmem>>, vector<1x16xf32>,
        %swap3A_465 = arith.constant 3 : i32
        %swap3A_466 = arith.index_cast %swap3A_465 : i32 to index
        %swap3A_467 = arith.constant 48 : index
        %swap3A_468 = tpu.vector_load %arg11[%swap3A_466, %swap3A_467] {strides = array<i32>} : memref<16x128xf32, #tpu.memory_space<vmem>>, vector<1x16xf32>,
        %swap3A_469 = vector.shape_cast %swap3A_468 : vector<1x16xf32> to vector<16xf32>
        %swap3A_470 = vector.shape_cast %scan3A_302#27 : vector<16xf32> to vector<1x16xf32>
        tpu.vector_store %arg11[%swap3A_466, %swap3A_467], %swap3A_470 {strides = array<i32>} : memref<16x128xf32, #tpu.memory_space<vmem>>, vector<1x16xf32>,
        %swap3A_471 = arith.constant 3 : i32
        %swap3A_472 = arith.index_cast %swap3A_471 : i32 to index
        %swap3A_473 = arith.constant 64 : index
        %swap3A_474 = tpu.vector_load %arg11[%swap3A_472, %swap3A_473] {strides = array<i32>} : memref<16x128xf32, #tpu.memory_space<vmem>>, vector<1x16xf32>,
        %swap3A_475 = vector.shape_cast %swap3A_474 : vector<1x16xf32> to vector<16xf32>
        %swap3A_476 = vector.shape_cast %scan3A_302#28 : vector<16xf32> to vector<1x16xf32>
        tpu.vector_store %arg11[%swap3A_472, %swap3A_473], %swap3A_476 {strides = array<i32>} : memref<16x128xf32, #tpu.memory_space<vmem>>, vector<1x16xf32>,
        %swap3A_477 = arith.constant 3 : i32
        %swap3A_478 = arith.index_cast %swap3A_477 : i32 to index
        %swap3A_479 = arith.constant 80 : index
        %swap3A_480 = tpu.vector_load %arg11[%swap3A_478, %swap3A_479] {strides = array<i32>} : memref<16x128xf32, #tpu.memory_space<vmem>>, vector<1x16xf32>,
        %swap3A_481 = vector.shape_cast %swap3A_480 : vector<1x16xf32> to vector<16xf32>
        %swap3A_482 = vector.shape_cast %scan3A_302#29 : vector<16xf32> to vector<1x16xf32>
        tpu.vector_store %arg11[%swap3A_478, %swap3A_479], %swap3A_482 {strides = array<i32>} : memref<16x128xf32, #tpu.memory_space<vmem>>, vector<1x16xf32>,
        %swap3A_483 = arith.constant 3 : i32
        %swap3A_484 = arith.index_cast %swap3A_483 : i32 to index
        %swap3A_485 = arith.constant 96 : index
        %swap3A_486 = tpu.vector_load %arg11[%swap3A_484, %swap3A_485] {strides = array<i32>} : memref<16x128xf32, #tpu.memory_space<vmem>>, vector<1x16xf32>,
        %swap3A_487 = vector.shape_cast %swap3A_486 : vector<1x16xf32> to vector<16xf32>
        %swap3A_488 = vector.shape_cast %scan3A_302#30 : vector<16xf32> to vector<1x16xf32>
        tpu.vector_store %arg11[%swap3A_484, %swap3A_485], %swap3A_488 {strides = array<i32>} : memref<16x128xf32, #tpu.memory_space<vmem>>, vector<1x16xf32>,
        %swap3A_489 = arith.constant 3 : i32
        %swap3A_490 = arith.index_cast %swap3A_489 : i32 to index
        %swap3A_491 = arith.constant 112 : index
        %swap3A_492 = tpu.vector_load %arg11[%swap3A_490, %swap3A_491] {strides = array<i32>} : memref<16x128xf32, #tpu.memory_space<vmem>>, vector<1x16xf32>,
        %swap3A_493 = vector.shape_cast %swap3A_492 : vector<1x16xf32> to vector<16xf32>
        %swap3A_494 = vector.shape_cast %scan3A_302#31 : vector<16xf32> to vector<1x16xf32>
        tpu.vector_store %arg11[%swap3A_490, %swap3A_491], %swap3A_494 {strides = array<i32>} : memref<16x128xf32, #tpu.memory_space<vmem>>, vector<1x16xf32>,
        %dma_start3A_495 = arith.constant 0 : i32
        %dma_start3A_496 = tpu.memref_slice %arg16[%add3A_148, %dma_start3A_495] : memref<125x16xi32, #tpu.memory_space<vmem>> -> memref<1x16xi32, #tpu.memory_space<vmem>>
        %dma_start3A_497 = tpu.memref_squeeze %dma_start3A_496 : memref<1x16xi32, #tpu.memory_space<vmem>> -> memref<16xi32, #tpu.memory_space<vmem>>
        %dma_start3A_498 = arith.constant 0 : i32
        %dma_start3A_499 = arith.constant 0 : i32
        %dma_start3A_500 = tpu.memref_slice %arg19[%dma_start3A_498, %dma_start3A_499] : memref<1024x128xf32, #tpu.memory_space<vmem_shared>> -> memref<1024x128xf32, #tpu.memory_space<vmem_shared>>
        tpu.enqueue_indirect_dma source(%arg11 : memref<16x128xf32, #tpu.memory_space<vmem>>) target(%dma_start3A_500 : memref<1024x128xf32, #tpu.memory_space<vmem_shared>>) offsets(%dma_start3A_497 : memref<16xi32, #tpu.memory_space<vmem>>) semaphore(%arg26 : memref<!tpu.dma_semaphore, #tpu.memory_space<semaphore_mem>>) {add = true}
      } else {
      }
      %not3A_164 = arith.constant true
      %not3A_165 = arith.xori %eq3A_160, %not3A_164 : i1
      %convert_element_type3A_166 = arith.extui %not3A_165 : i1 to i32
      %cond3A_167 = arith.constant 0 : i32
      %cond3A_168 = arith.cmpi ne, %convert_element_type3A_166, %cond3A_167 : i32
      scf.if %cond3A_168 {
        %dma_start3A_298 = arith.constant 0 : i32
        %dma_start3A_299 = tpu.memref_slice %arg15[%add3A_148, %dma_start3A_298] : memref<125x80xi32, #tpu.memory_space<vmem>> -> memref<1x80xi32, #tpu.memory_space<vmem>>
        %dma_start3A_300 = tpu.memref_squeeze %dma_start3A_299 : memref<1x80xi32, #tpu.memory_space<vmem>> -> memref<80xi32, #tpu.memory_space<vmem>>
        %dma_start3A_301 = arith.constant 0 : i32
        %dma_start3A_302 = arith.constant 0 : i32
        %dma_start3A_303 = tpu.memref_slice %arg19[%dma_start3A_301, %dma_start3A_302] : memref<1024x128xf32, #tpu.memory_space<vmem_shared>> -> memref<1024x128xf32, #tpu.memory_space<vmem_shared>>
        tpu.enqueue_indirect_dma source(%arg6 : memref<80x128xf32, #tpu.memory_space<vmem>>) target(%dma_start3A_303 : memref<1024x128xf32, #tpu.memory_space<vmem_shared>>) offsets(%dma_start3A_300 : memref<80xi32, #tpu.memory_space<vmem>>) semaphore(%arg26 : memref<!tpu.dma_semaphore, #tpu.memory_space<semaphore_mem>>) {add = true}
      } else {
      }
      %ge3A_169 = arith.constant 1 : i32
      %ge3A_170 = arith.cmpi sge, %add3A_148, %ge3A_169 : i32
      %convert_element_type3A_171 = arith.extui %ge3A_170 : i1 to i32
      %cond3A_172 = arith.constant 0 : i32
      %cond3A_173 = arith.cmpi ne, %convert_element_type3A_171, %cond3A_172 : i32
      scf.if %cond3A_173 {
        %sub3A_298 = arith.constant 1 : i32
        %sub3A_299 = arith.subi %add3A_148, %sub3A_298 : i32
        %get3A_300 = arith.index_cast %sub3A_299 : i32 to index
        %get3A_301 = memref.load %arg18[%get3A_300] : memref<125xi32, #tpu.memory_space<smem>>
        %eq3A_302 = arith.constant 1 : i32
        %eq3A_303 = arith.cmpi eq, %get3A_301, %eq3A_302 : i32
        %convert_element_type3A_304 = arith.extui %eq3A_303 : i1 to i32
        %cond3A_305 = arith.constant 0 : i32
        %cond3A_306 = arith.cmpi ne, %convert_element_type3A_304, %cond3A_305 : i32
        scf.if %cond3A_306 {
          %dma_wait3A_312 = arith.constant 0 : i32
          %dma_wait3A_313 = tpu.memref_slice %arg16[%sub3A_299, %dma_wait3A_312] : memref<125x16xi32, #tpu.memory_space<vmem>> -> memref<1x16xi32, #tpu.memory_space<vmem>>
          %dma_wait3A_314 = tpu.memref_squeeze %dma_wait3A_313 : memref<1x16xi32, #tpu.memory_space<vmem>> -> memref<16xi32, #tpu.memory_space<vmem>>
          %dma_wait3A_315 = arith.constant 0 : i32
          %dma_wait3A_316 = arith.constant 0 : i32
          %dma_wait3A_317 = tpu.memref_slice %arg19[%dma_wait3A_315, %dma_wait3A_316] : memref<1024x128xf32, #tpu.memory_space<vmem_shared>> -> memref<1024x128xf32, #tpu.memory_space<vmem_shared>>
          tpu.wait_indirect_dma semaphore(%arg25 : memref<!tpu.dma_semaphore, #tpu.memory_space<semaphore_mem>>) src(%arg10 : memref<16x128xf32, #tpu.memory_space<vmem>>) dst(%dma_wait3A_317 : memref<1024x128xf32, #tpu.memory_space<vmem_shared>>)
        } else {
        }
        %not3A_307 = arith.constant true
        %not3A_308 = arith.xori %eq3A_303, %not3A_307 : i1
        %convert_element_type3A_309 = arith.extui %not3A_308 : i1 to i32
        %cond3A_310 = arith.constant 0 : i32
        %cond3A_311 = arith.cmpi ne, %convert_element_type3A_309, %cond3A_310 : i32
        scf.if %cond3A_311 {
          %dma_wait3A_312 = arith.constant 0 : i32
          %dma_wait3A_313 = tpu.memref_slice %arg15[%sub3A_299, %dma_wait3A_312] : memref<125x80xi32, #tpu.memory_space<vmem>> -> memref<1x80xi32, #tpu.memory_space<vmem>>
          %dma_wait3A_314 = tpu.memref_squeeze %dma_wait3A_313 : memref<1x80xi32, #tpu.memory_space<vmem>> -> memref<80xi32, #tpu.memory_space<vmem>>
          %dma_wait3A_315 = arith.constant 0 : i32
          %dma_wait3A_316 = arith.constant 0 : i32
          %dma_wait3A_317 = tpu.memref_slice %arg19[%dma_wait3A_315, %dma_wait3A_316] : memref<1024x128xf32, #tpu.memory_space<vmem_shared>> -> memref<1024x128xf32, #tpu.memory_space<vmem_shared>>
          tpu.wait_indirect_dma semaphore(%arg25 : memref<!tpu.dma_semaphore, #tpu.memory_space<semaphore_mem>>) src(%arg5 : memref<80x128xf32, #tpu.memory_space<vmem>>) dst(%dma_wait3A_317 : memref<1024x128xf32, #tpu.memory_space<vmem_shared>>)
        } else {
        }
      } else {
      }
      %add3A_174 = arith.constant 5 : i32
      %add3A_175 = arith.addi %add3A_148, %add3A_174 : i32
      %sub3A_176 = arith.constant 1 : i32
      %sub3A_177 = arith.subi %add3A_175, %sub3A_176 : i32
      %lt3A_178 = arith.constant 125 : i32
      %lt3A_179 = arith.cmpi slt, %sub3A_177, %lt3A_178 : i32
      %convert_element_type3A_180 = arith.extui %lt3A_179 : i1 to i32
      %cond3A_181 = arith.constant 0 : i32
      %cond3A_182 = arith.cmpi ne, %convert_element_type3A_180, %cond3A_181 : i32
      scf.if %cond3A_182 {
        %add3A_298 = arith.constant 5 : i32
        %add3A_299 = arith.addi %add3A_148, %add3A_298 : i32
        %sub3A_300 = arith.constant 1 : i32
        %sub3A_301 = arith.subi %add3A_299, %sub3A_300 : i32
        %dma_start3A_302 = arith.constant 0 : i32
        %dma_start3A_303 = arith.constant 0 : i32
        %dma_start3A_304 = tpu.memref_slice %arg2[%add3A, %sub3A_301, %dma_start3A_302, %dma_start3A_303] : memref<32x125x80x128xf32, #tpu.memory_space<hbm>> -> memref<1x1x80x128xf32, #tpu.memory_space<hbm>>
        %dma_start3A_305 = tpu.memref_squeeze %dma_start3A_304 : memref<1x1x80x128xf32, #tpu.memory_space<hbm>> -> memref<80x128xf32, #tpu.memory_space<hbm>>
        %dma_start3A_306 = arith.constant 0 : i32
        %dma_start3A_307 = arith.constant 0 : i32
        %dma_start3A_308 = tpu.memref_slice %arg2[%add3A, %sub3A_301, %dma_start3A_306, %dma_start3A_307] : memref<32x125x80x128xf32, #tpu.memory_space<hbm>> -> memref<1x1x80x128xf32, #tpu.memory_space<hbm>>
        %dma_start3A_309 = tpu.memref_squeeze %dma_start3A_308 : memref<1x1x80x128xf32, #tpu.memory_space<hbm>> -> memref<80x128xf32, #tpu.memory_space<hbm>>
        tpu.enqueue_dma source(%dma_start3A_309 : memref<80x128xf32, #tpu.memory_space<hbm>>) target(%arg5 : memref<80x128xf32, #tpu.memory_space<vmem>>) target_semaphore(%arg20 : memref<!tpu.dma_semaphore, #tpu.memory_space<semaphore_mem>>)
      } else {
      }
      %mul3A_183 = arith.constant 5 : i32
      %mul3A_184 = arith.muli %mul3A_183, %scan3A_108 : i32
      %add3A_185 = arith.constant 2 : i32
      %add3A_186 = arith.addi %mul3A_184, %add3A_185 : i32
      %dma_wait3A_187 = arith.constant 0 : i32
      %dma_wait3A_188 = arith.constant 0 : i32
      %dma_wait3A_189 = tpu.memref_slice %arg2[%add3A, %add3A_186, %dma_wait3A_187, %dma_wait3A_188] : memref<32x125x80x128xf32, #tpu.memory_space<hbm>> -> memref<1x1x80x128xf32, #tpu.memory_space<hbm>>
      %dma_wait3A_190 = tpu.memref_squeeze %dma_wait3A_189 : memref<1x1x80x128xf32, #tpu.memory_space<hbm>> -> memref<80x128xf32, #tpu.memory_space<hbm>>
      %dma_wait3A_191 = arith.constant 0 : i32
      %dma_wait3A_192 = arith.constant 0 : i32
      %dma_wait3A_193 = tpu.memref_slice %arg2[%add3A, %add3A_186, %dma_wait3A_191, %dma_wait3A_192] : memref<32x125x80x128xf32, #tpu.memory_space<hbm>> -> memref<1x1x80x128xf32, #tpu.memory_space<hbm>>
      %dma_wait3A_194 = tpu.memref_squeeze %dma_wait3A_193 : memref<1x1x80x128xf32, #tpu.memory_space<hbm>> -> memref<80x128xf32, #tpu.memory_space<hbm>>
      tpu.wait_dma2 semaphore(%arg22 : memref<!tpu.dma_semaphore, #tpu.memory_space<semaphore_mem>>) src(%dma_wait3A_194 : memref<80x128xf32, #tpu.memory_space<hbm>>) dst(%arg7 : memref<80x128xf32, #tpu.memory_space<vmem>>)
      %get3A_195 = arith.index_cast %add3A_186 : i32 to index
      %get3A_196 = memref.load %arg18[%get3A_195] : memref<125xi32, #tpu.memory_space<smem>>
      %eq3A_197 = arith.constant 1 : i32
      %eq3A_198 = arith.cmpi eq, %get3A_196, %eq3A_197 : i32
      %convert_element_type3A_199 = arith.extui %eq3A_198 : i1 to i32
      %cond3A_200 = arith.constant 0 : i32
      %cond3A_201 = arith.cmpi ne, %convert_element_type3A_199, %cond3A_200 : i32
      scf.if %cond3A_201 {
        %scan3A_298 = arith.constant 0 : i32
        %scan3A_299 = arith.constant 20 : i32
        %scan3A_300 = arith.addi %scan3A_298, %scan3A_299 : i32
        %scan3A_301 = arith.constant 1 : i32
        %scan3A_302:32 = scf.for %scan3A_501 = %scan3A_298 to %scan3A_300 step %scan3A_301 iter_args(%scan3A_502 = %broadcast_in_dim3A_1, %scan3A_503 = %broadcast_in_dim3A_1, %scan3A_504 = %broadcast_in_dim3A_1, %scan3A_505 = %broadcast_in_dim3A_1, %scan3A_506 = %broadcast_in_dim3A_1, %scan3A_507 = %broadcast_in_dim3A_1, %scan3A_508 = %broadcast_in_dim3A_1, %scan3A_509 = %broadcast_in_dim3A_1, %scan3A_510 = %broadcast_in_dim3A_1, %scan3A_511 = %broadcast_in_dim3A_1, %scan3A_512 = %broadcast_in_dim3A_1, %scan3A_513 = %broadcast_in_dim3A_1, %scan3A_514 = %broadcast_in_dim3A_1, %scan3A_515 = %broadcast_in_dim3A_1, %scan3A_516 = %broadcast_in_dim3A_1, %scan3A_517 = %broadcast_in_dim3A_1, %scan3A_518 = %broadcast_in_dim3A_1, %scan3A_519 = %broadcast_in_dim3A_1, %scan3A_520 = %broadcast_in_dim3A_1, %scan3A_521 = %broadcast_in_dim3A_1, %scan3A_522 = %broadcast_in_dim3A_1, %scan3A_523 = %broadcast_in_dim3A_1, %scan3A_524 = %broadcast_in_dim3A_1, %scan3A_525 = %broadcast_in_dim3A_1, %scan3A_526 = %broadcast_in_dim3A_1, %scan3A_527 = %broadcast_in_dim3A_1, %scan3A_528 = %broadcast_in_dim3A_1, %scan3A_529 = %broadcast_in_dim3A_1, %scan3A_530 = %broadcast_in_dim3A_1, %scan3A_531 = %broadcast_in_dim3A_1, %scan3A_532 = %broadcast_in_dim3A_1, %scan3A_533 = %broadcast_in_dim3A_1) -> (vector<16xf32>, vector<16xf32>, vector<16xf32>, vector<16xf32>, vector<16xf32>, vector<16xf32>, vector<16xf32>, vector<16xf32>, vector<16xf32>, vector<16xf32>, vector<16xf32>, vector<16xf32>, vector<16xf32>, vector<16xf32>, vector<16xf32>, vector<16xf32>, vector<16xf32>, vector<16xf32>, vector<16xf32>, vector<16xf32>, vector<16xf32>, vector<16xf32>, vector<16xf32>, vector<16xf32>, vector<16xf32>, vector<16xf32>, vector<16xf32>, vector<16xf32>, vector<16xf32>, vector<16xf32>, vector<16xf32>, vector<16xf32>)  : i32 {
          %mul3A_534 = arith.constant 4 : i32
          %mul3A_535 = arith.muli %scan3A_501, %mul3A_534 : i32
          %add3A_536 = arith.constant 0 : i32
          %add3A_537 = arith.addi %mul3A_535, %add3A_536 : i32
          %get3A_538 = arith.index_cast %add3A_537 : i32 to index
          %get3A_539 = arith.constant 0 : index
          %get3A_540 = tpu.vector_load %arg7[%get3A_538, %get3A_539] {strides = array<i32>} : memref<80x128xf32, #tpu.memory_space<vmem>>, vector<1x16xf32>,
          %get3A_541 = vector.shape_cast %get3A_540 : vector<1x16xf32> to vector<16xf32>
          %add3A_542 = arith.addf %scan3A_502, %get3A_541 : vector<16xf32>
          %get3A_543 = arith.index_cast %add3A_537 : i32 to index
          %get3A_544 = arith.constant 16 : index
          %get3A_545 = tpu.vector_load %arg7[%get3A_543, %get3A_544] {strides = array<i32>} : memref<80x128xf32, #tpu.memory_space<vmem>>, vector<1x16xf32>,
          %get3A_546 = vector.shape_cast %get3A_545 : vector<1x16xf32> to vector<16xf32>
          %add3A_547 = arith.addf %scan3A_503, %get3A_546 : vector<16xf32>
          %get3A_548 = arith.index_cast %add3A_537 : i32 to index
          %get3A_549 = arith.constant 32 : index
          %get3A_550 = tpu.vector_load %arg7[%get3A_548, %get3A_549] {strides = array<i32>} : memref<80x128xf32, #tpu.memory_space<vmem>>, vector<1x16xf32>,
          %get3A_551 = vector.shape_cast %get3A_550 : vector<1x16xf32> to vector<16xf32>
          %add3A_552 = arith.addf %scan3A_504, %get3A_551 : vector<16xf32>
          %get3A_553 = arith.index_cast %add3A_537 : i32 to index
          %get3A_554 = arith.constant 48 : index
          %get3A_555 = tpu.vector_load %arg7[%get3A_553, %get3A_554] {strides = array<i32>} : memref<80x128xf32, #tpu.memory_space<vmem>>, vector<1x16xf32>,
          %get3A_556 = vector.shape_cast %get3A_555 : vector<1x16xf32> to vector<16xf32>
          %add3A_557 = arith.addf %scan3A_505, %get3A_556 : vector<16xf32>
          %get3A_558 = arith.index_cast %add3A_537 : i32 to index
          %get3A_559 = arith.constant 64 : index
          %get3A_560 = tpu.vector_load %arg7[%get3A_558, %get3A_559] {strides = array<i32>} : memref<80x128xf32, #tpu.memory_space<vmem>>, vector<1x16xf32>,
          %get3A_561 = vector.shape_cast %get3A_560 : vector<1x16xf32> to vector<16xf32>
          %add3A_562 = arith.addf %scan3A_506, %get3A_561 : vector<16xf32>
          %get3A_563 = arith.index_cast %add3A_537 : i32 to index
          %get3A_564 = arith.constant 80 : index
          %get3A_565 = tpu.vector_load %arg7[%get3A_563, %get3A_564] {strides = array<i32>} : memref<80x128xf32, #tpu.memory_space<vmem>>, vector<1x16xf32>,
          %get3A_566 = vector.shape_cast %get3A_565 : vector<1x16xf32> to vector<16xf32>
          %add3A_567 = arith.addf %scan3A_507, %get3A_566 : vector<16xf32>
          %get3A_568 = arith.index_cast %add3A_537 : i32 to index
          %get3A_569 = arith.constant 96 : index
          %get3A_570 = tpu.vector_load %arg7[%get3A_568, %get3A_569] {strides = array<i32>} : memref<80x128xf32, #tpu.memory_space<vmem>>, vector<1x16xf32>,
          %get3A_571 = vector.shape_cast %get3A_570 : vector<1x16xf32> to vector<16xf32>
          %add3A_572 = arith.addf %scan3A_508, %get3A_571 : vector<16xf32>
          %get3A_573 = arith.index_cast %add3A_537 : i32 to index
          %get3A_574 = arith.constant 112 : index
          %get3A_575 = tpu.vector_load %arg7[%get3A_573, %get3A_574] {strides = array<i32>} : memref<80x128xf32, #tpu.memory_space<vmem>>, vector<1x16xf32>,
          %get3A_576 = vector.shape_cast %get3A_575 : vector<1x16xf32> to vector<16xf32>
          %add3A_577 = arith.addf %scan3A_509, %get3A_576 : vector<16xf32>
          %mul3A_578 = arith.constant 4 : i32
          %mul3A_579 = arith.muli %scan3A_501, %mul3A_578 : i32
          %add3A_580 = arith.constant 1 : i32
          %add3A_581 = arith.addi %mul3A_579, %add3A_580 : i32
          %get3A_582 = arith.index_cast %add3A_581 : i32 to index
          %get3A_583 = arith.constant 0 : index
          %get3A_584 = tpu.vector_load %arg7[%get3A_582, %get3A_583] {strides = array<i32>} : memref<80x128xf32, #tpu.memory_space<vmem>>, vector<1x16xf32>,
          %get3A_585 = vector.shape_cast %get3A_584 : vector<1x16xf32> to vector<16xf32>
          %add3A_586 = arith.addf %scan3A_510, %get3A_585 : vector<16xf32>
          %get3A_587 = arith.index_cast %add3A_581 : i32 to index
          %get3A_588 = arith.constant 16 : index
          %get3A_589 = tpu.vector_load %arg7[%get3A_587, %get3A_588] {strides = array<i32>} : memref<80x128xf32, #tpu.memory_space<vmem>>, vector<1x16xf32>,
          %get3A_590 = vector.shape_cast %get3A_589 : vector<1x16xf32> to vector<16xf32>
          %add3A_591 = arith.addf %scan3A_511, %get3A_590 : vector<16xf32>
          %get3A_592 = arith.index_cast %add3A_581 : i32 to index
          %get3A_593 = arith.constant 32 : index
          %get3A_594 = tpu.vector_load %arg7[%get3A_592, %get3A_593] {strides = array<i32>} : memref<80x128xf32, #tpu.memory_space<vmem>>, vector<1x16xf32>,
          %get3A_595 = vector.shape_cast %get3A_594 : vector<1x16xf32> to vector<16xf32>
          %add3A_596 = arith.addf %scan3A_512, %get3A_595 : vector<16xf32>
          %get3A_597 = arith.index_cast %add3A_581 : i32 to index
          %get3A_598 = arith.constant 48 : index
          %get3A_599 = tpu.vector_load %arg7[%get3A_597, %get3A_598] {strides = array<i32>} : memref<80x128xf32, #tpu.memory_space<vmem>>, vector<1x16xf32>,
          %get3A_600 = vector.shape_cast %get3A_599 : vector<1x16xf32> to vector<16xf32>
          %add3A_601 = arith.addf %scan3A_513, %get3A_600 : vector<16xf32>
          %get3A_602 = arith.index_cast %add3A_581 : i32 to index
          %get3A_603 = arith.constant 64 : index
          %get3A_604 = tpu.vector_load %arg7[%get3A_602, %get3A_603] {strides = array<i32>} : memref<80x128xf32, #tpu.memory_space<vmem>>, vector<1x16xf32>,
          %get3A_605 = vector.shape_cast %get3A_604 : vector<1x16xf32> to vector<16xf32>
          %add3A_606 = arith.addf %scan3A_514, %get3A_605 : vector<16xf32>
          %get3A_607 = arith.index_cast %add3A_581 : i32 to index
          %get3A_608 = arith.constant 80 : index
          %get3A_609 = tpu.vector_load %arg7[%get3A_607, %get3A_608] {strides = array<i32>} : memref<80x128xf32, #tpu.memory_space<vmem>>, vector<1x16xf32>,
          %get3A_610 = vector.shape_cast %get3A_609 : vector<1x16xf32> to vector<16xf32>
          %add3A_611 = arith.addf %scan3A_515, %get3A_610 : vector<16xf32>
          %get3A_612 = arith.index_cast %add3A_581 : i32 to index
          %get3A_613 = arith.constant 96 : index
          %get3A_614 = tpu.vector_load %arg7[%get3A_612, %get3A_613] {strides = array<i32>} : memref<80x128xf32, #tpu.memory_space<vmem>>, vector<1x16xf32>,
          %get3A_615 = vector.shape_cast %get3A_614 : vector<1x16xf32> to vector<16xf32>
          %add3A_616 = arith.addf %scan3A_516, %get3A_615 : vector<16xf32>
          %get3A_617 = arith.index_cast %add3A_581 : i32 to index
          %get3A_618 = arith.constant 112 : index
          %get3A_619 = tpu.vector_load %arg7[%get3A_617, %get3A_618] {strides = array<i32>} : memref<80x128xf32, #tpu.memory_space<vmem>>, vector<1x16xf32>,
          %get3A_620 = vector.shape_cast %get3A_619 : vector<1x16xf32> to vector<16xf32>
          %add3A_621 = arith.addf %scan3A_517, %get3A_620 : vector<16xf32>
          %mul3A_622 = arith.constant 4 : i32
          %mul3A_623 = arith.muli %scan3A_501, %mul3A_622 : i32
          %add3A_624 = arith.constant 2 : i32
          %add3A_625 = arith.addi %mul3A_623, %add3A_624 : i32
          %get3A_626 = arith.index_cast %add3A_625 : i32 to index
          %get3A_627 = arith.constant 0 : index
          %get3A_628 = tpu.vector_load %arg7[%get3A_626, %get3A_627] {strides = array<i32>} : memref<80x128xf32, #tpu.memory_space<vmem>>, vector<1x16xf32>,
          %get3A_629 = vector.shape_cast %get3A_628 : vector<1x16xf32> to vector<16xf32>
          %add3A_630 = arith.addf %scan3A_518, %get3A_629 : vector<16xf32>
          %get3A_631 = arith.index_cast %add3A_625 : i32 to index
          %get3A_632 = arith.constant 16 : index
          %get3A_633 = tpu.vector_load %arg7[%get3A_631, %get3A_632] {strides = array<i32>} : memref<80x128xf32, #tpu.memory_space<vmem>>, vector<1x16xf32>,
          %get3A_634 = vector.shape_cast %get3A_633 : vector<1x16xf32> to vector<16xf32>
          %add3A_635 = arith.addf %scan3A_519, %get3A_634 : vector<16xf32>
          %get3A_636 = arith.index_cast %add3A_625 : i32 to index
          %get3A_637 = arith.constant 32 : index
          %get3A_638 = tpu.vector_load %arg7[%get3A_636, %get3A_637] {strides = array<i32>} : memref<80x128xf32, #tpu.memory_space<vmem>>, vector<1x16xf32>,
          %get3A_639 = vector.shape_cast %get3A_638 : vector<1x16xf32> to vector<16xf32>
          %add3A_640 = arith.addf %scan3A_520, %get3A_639 : vector<16xf32>
          %get3A_641 = arith.index_cast %add3A_625 : i32 to index
          %get3A_642 = arith.constant 48 : index
          %get3A_643 = tpu.vector_load %arg7[%get3A_641, %get3A_642] {strides = array<i32>} : memref<80x128xf32, #tpu.memory_space<vmem>>, vector<1x16xf32>,
          %get3A_644 = vector.shape_cast %get3A_643 : vector<1x16xf32> to vector<16xf32>
          %add3A_645 = arith.addf %scan3A_521, %get3A_644 : vector<16xf32>
          %get3A_646 = arith.index_cast %add3A_625 : i32 to index
          %get3A_647 = arith.constant 64 : index
          %get3A_648 = tpu.vector_load %arg7[%get3A_646, %get3A_647] {strides = array<i32>} : memref<80x128xf32, #tpu.memory_space<vmem>>, vector<1x16xf32>,
          %get3A_649 = vector.shape_cast %get3A_648 : vector<1x16xf32> to vector<16xf32>
          %add3A_650 = arith.addf %scan3A_522, %get3A_649 : vector<16xf32>
          %get3A_651 = arith.index_cast %add3A_625 : i32 to index
          %get3A_652 = arith.constant 80 : index
          %get3A_653 = tpu.vector_load %arg7[%get3A_651, %get3A_652] {strides = array<i32>} : memref<80x128xf32, #tpu.memory_space<vmem>>, vector<1x16xf32>,
          %get3A_654 = vector.shape_cast %get3A_653 : vector<1x16xf32> to vector<16xf32>
          %add3A_655 = arith.addf %scan3A_523, %get3A_654 : vector<16xf32>
          %get3A_656 = arith.index_cast %add3A_625 : i32 to index
          %get3A_657 = arith.constant 96 : index
          %get3A_658 = tpu.vector_load %arg7[%get3A_656, %get3A_657] {strides = array<i32>} : memref<80x128xf32, #tpu.memory_space<vmem>>, vector<1x16xf32>,
          %get3A_659 = vector.shape_cast %get3A_658 : vector<1x16xf32> to vector<16xf32>
          %add3A_660 = arith.addf %scan3A_524, %get3A_659 : vector<16xf32>
          %get3A_661 = arith.index_cast %add3A_625 : i32 to index
          %get3A_662 = arith.constant 112 : index
          %get3A_663 = tpu.vector_load %arg7[%get3A_661, %get3A_662] {strides = array<i32>} : memref<80x128xf32, #tpu.memory_space<vmem>>, vector<1x16xf32>,
          %get3A_664 = vector.shape_cast %get3A_663 : vector<1x16xf32> to vector<16xf32>
          %add3A_665 = arith.addf %scan3A_525, %get3A_664 : vector<16xf32>
          %mul3A_666 = arith.constant 4 : i32
          %mul3A_667 = arith.muli %scan3A_501, %mul3A_666 : i32
          %add3A_668 = arith.constant 3 : i32
          %add3A_669 = arith.addi %mul3A_667, %add3A_668 : i32
          %get3A_670 = arith.index_cast %add3A_669 : i32 to index
          %get3A_671 = arith.constant 0 : index
          %get3A_672 = tpu.vector_load %arg7[%get3A_670, %get3A_671] {strides = array<i32>} : memref<80x128xf32, #tpu.memory_space<vmem>>, vector<1x16xf32>,
          %get3A_673 = vector.shape_cast %get3A_672 : vector<1x16xf32> to vector<16xf32>
          %add3A_674 = arith.addf %scan3A_526, %get3A_673 : vector<16xf32>
          %get3A_675 = arith.index_cast %add3A_669 : i32 to index
          %get3A_676 = arith.constant 16 : index
          %get3A_677 = tpu.vector_load %arg7[%get3A_675, %get3A_676] {strides = array<i32>} : memref<80x128xf32, #tpu.memory_space<vmem>>, vector<1x16xf32>,
          %get3A_678 = vector.shape_cast %get3A_677 : vector<1x16xf32> to vector<16xf32>
          %add3A_679 = arith.addf %scan3A_527, %get3A_678 : vector<16xf32>
          %get3A_680 = arith.index_cast %add3A_669 : i32 to index
          %get3A_681 = arith.constant 32 : index
          %get3A_682 = tpu.vector_load %arg7[%get3A_680, %get3A_681] {strides = array<i32>} : memref<80x128xf32, #tpu.memory_space<vmem>>, vector<1x16xf32>,
          %get3A_683 = vector.shape_cast %get3A_682 : vector<1x16xf32> to vector<16xf32>
          %add3A_684 = arith.addf %scan3A_528, %get3A_683 : vector<16xf32>
          %get3A_685 = arith.index_cast %add3A_669 : i32 to index
          %get3A_686 = arith.constant 48 : index
          %get3A_687 = tpu.vector_load %arg7[%get3A_685, %get3A_686] {strides = array<i32>} : memref<80x128xf32, #tpu.memory_space<vmem>>, vector<1x16xf32>,
          %get3A_688 = vector.shape_cast %get3A_687 : vector<1x16xf32> to vector<16xf32>
          %add3A_689 = arith.addf %scan3A_529, %get3A_688 : vector<16xf32>
          %get3A_690 = arith.index_cast %add3A_669 : i32 to index
          %get3A_691 = arith.constant 64 : index
          %get3A_692 = tpu.vector_load %arg7[%get3A_690, %get3A_691] {strides = array<i32>} : memref<80x128xf32, #tpu.memory_space<vmem>>, vector<1x16xf32>,
          %get3A_693 = vector.shape_cast %get3A_692 : vector<1x16xf32> to vector<16xf32>
          %add3A_694 = arith.addf %scan3A_530, %get3A_693 : vector<16xf32>
          %get3A_695 = arith.index_cast %add3A_669 : i32 to index
          %get3A_696 = arith.constant 80 : index
          %get3A_697 = tpu.vector_load %arg7[%get3A_695, %get3A_696] {strides = array<i32>} : memref<80x128xf32, #tpu.memory_space<vmem>>, vector<1x16xf32>,
          %get3A_698 = vector.shape_cast %get3A_697 : vector<1x16xf32> to vector<16xf32>
          %add3A_699 = arith.addf %scan3A_531, %get3A_698 : vector<16xf32>
          %get3A_700 = arith.index_cast %add3A_669 : i32 to index
          %get3A_701 = arith.constant 96 : index
          %get3A_702 = tpu.vector_load %arg7[%get3A_700, %get3A_701] {strides = array<i32>} : memref<80x128xf32, #tpu.memory_space<vmem>>, vector<1x16xf32>,
          %get3A_703 = vector.shape_cast %get3A_702 : vector<1x16xf32> to vector<16xf32>
          %add3A_704 = arith.addf %scan3A_532, %get3A_703 : vector<16xf32>
          %get3A_705 = arith.index_cast %add3A_669 : i32 to index
          %get3A_706 = arith.constant 112 : index
          %get3A_707 = tpu.vector_load %arg7[%get3A_705, %get3A_706] {strides = array<i32>} : memref<80x128xf32, #tpu.memory_space<vmem>>, vector<1x16xf32>,
          %get3A_708 = vector.shape_cast %get3A_707 : vector<1x16xf32> to vector<16xf32>
          %add3A_709 = arith.addf %scan3A_533, %get3A_708 : vector<16xf32>
          scf.yield %add3A_542, %add3A_547, %add3A_552, %add3A_557, %add3A_562, %add3A_567, %add3A_572, %add3A_577, %add3A_586, %add3A_591, %add3A_596, %add3A_601, %add3A_606, %add3A_611, %add3A_616, %add3A_621, %add3A_630, %add3A_635, %add3A_640, %add3A_645, %add3A_650, %add3A_655, %add3A_660, %add3A_665, %add3A_674, %add3A_679, %add3A_684, %add3A_689, %add3A_694, %add3A_699, %add3A_704, %add3A_709 : vector<16xf32>, vector<16xf32>, vector<16xf32>, vector<16xf32>, vector<16xf32>, vector<16xf32>, vector<16xf32>, vector<16xf32>, vector<16xf32>, vector<16xf32>, vector<16xf32>, vector<16xf32>, vector<16xf32>, vector<16xf32>, vector<16xf32>, vector<16xf32>, vector<16xf32>, vector<16xf32>, vector<16xf32>, vector<16xf32>, vector<16xf32>, vector<16xf32>, vector<16xf32>, vector<16xf32>, vector<16xf32>, vector<16xf32>, vector<16xf32>, vector<16xf32>, vector<16xf32>, vector<16xf32>, vector<16xf32>, vector<16xf32>
        }
        %scan3A_303 = arith.constant 20 : i32
        %swap3A = arith.constant 0 : i32
        %swap3A_304 = arith.index_cast %swap3A : i32 to index
        %swap3A_305 = arith.constant 0 : index
        %swap3A_306 = tpu.vector_load %arg12[%swap3A_304, %swap3A_305] {strides = array<i32>} : memref<16x128xf32, #tpu.memory_space<vmem>>, vector<1x16xf32>,
        %swap3A_307 = vector.shape_cast %swap3A_306 : vector<1x16xf32> to vector<16xf32>
        %swap3A_308 = vector.shape_cast %scan3A_302#0 : vector<16xf32> to vector<1x16xf32>
        tpu.vector_store %arg12[%swap3A_304, %swap3A_305], %swap3A_308 {strides = array<i32>} : memref<16x128xf32, #tpu.memory_space<vmem>>, vector<1x16xf32>,
        %swap3A_309 = arith.constant 0 : i32
        %swap3A_310 = arith.index_cast %swap3A_309 : i32 to index
        %swap3A_311 = arith.constant 16 : index
        %swap3A_312 = tpu.vector_load %arg12[%swap3A_310, %swap3A_311] {strides = array<i32>} : memref<16x128xf32, #tpu.memory_space<vmem>>, vector<1x16xf32>,
        %swap3A_313 = vector.shape_cast %swap3A_312 : vector<1x16xf32> to vector<16xf32>
        %swap3A_314 = vector.shape_cast %scan3A_302#1 : vector<16xf32> to vector<1x16xf32>
        tpu.vector_store %arg12[%swap3A_310, %swap3A_311], %swap3A_314 {strides = array<i32>} : memref<16x128xf32, #tpu.memory_space<vmem>>, vector<1x16xf32>,
        %swap3A_315 = arith.constant 0 : i32
        %swap3A_316 = arith.index_cast %swap3A_315 : i32 to index
        %swap3A_317 = arith.constant 32 : index
        %swap3A_318 = tpu.vector_load %arg12[%swap3A_316, %swap3A_317] {strides = array<i32>} : memref<16x128xf32, #tpu.memory_space<vmem>>, vector<1x16xf32>,
        %swap3A_319 = vector.shape_cast %swap3A_318 : vector<1x16xf32> to vector<16xf32>
        %swap3A_320 = vector.shape_cast %scan3A_302#2 : vector<16xf32> to vector<1x16xf32>
        tpu.vector_store %arg12[%swap3A_316, %swap3A_317], %swap3A_320 {strides = array<i32>} : memref<16x128xf32, #tpu.memory_space<vmem>>, vector<1x16xf32>,
        %swap3A_321 = arith.constant 0 : i32
        %swap3A_322 = arith.index_cast %swap3A_321 : i32 to index
        %swap3A_323 = arith.constant 48 : index
        %swap3A_324 = tpu.vector_load %arg12[%swap3A_322, %swap3A_323] {strides = array<i32>} : memref<16x128xf32, #tpu.memory_space<vmem>>, vector<1x16xf32>,
        %swap3A_325 = vector.shape_cast %swap3A_324 : vector<1x16xf32> to vector<16xf32>
        %swap3A_326 = vector.shape_cast %scan3A_302#3 : vector<16xf32> to vector<1x16xf32>
        tpu.vector_store %arg12[%swap3A_322, %swap3A_323], %swap3A_326 {strides = array<i32>} : memref<16x128xf32, #tpu.memory_space<vmem>>, vector<1x16xf32>,
        %swap3A_327 = arith.constant 0 : i32
        %swap3A_328 = arith.index_cast %swap3A_327 : i32 to index
        %swap3A_329 = arith.constant 64 : index
        %swap3A_330 = tpu.vector_load %arg12[%swap3A_328, %swap3A_329] {strides = array<i32>} : memref<16x128xf32, #tpu.memory_space<vmem>>, vector<1x16xf32>,
        %swap3A_331 = vector.shape_cast %swap3A_330 : vector<1x16xf32> to vector<16xf32>
        %swap3A_332 = vector.shape_cast %scan3A_302#4 : vector<16xf32> to vector<1x16xf32>
        tpu.vector_store %arg12[%swap3A_328, %swap3A_329], %swap3A_332 {strides = array<i32>} : memref<16x128xf32, #tpu.memory_space<vmem>>, vector<1x16xf32>,
        %swap3A_333 = arith.constant 0 : i32
        %swap3A_334 = arith.index_cast %swap3A_333 : i32 to index
        %swap3A_335 = arith.constant 80 : index
        %swap3A_336 = tpu.vector_load %arg12[%swap3A_334, %swap3A_335] {strides = array<i32>} : memref<16x128xf32, #tpu.memory_space<vmem>>, vector<1x16xf32>,
        %swap3A_337 = vector.shape_cast %swap3A_336 : vector<1x16xf32> to vector<16xf32>
        %swap3A_338 = vector.shape_cast %scan3A_302#5 : vector<16xf32> to vector<1x16xf32>
        tpu.vector_store %arg12[%swap3A_334, %swap3A_335], %swap3A_338 {strides = array<i32>} : memref<16x128xf32, #tpu.memory_space<vmem>>, vector<1x16xf32>,
        %swap3A_339 = arith.constant 0 : i32
        %swap3A_340 = arith.index_cast %swap3A_339 : i32 to index
        %swap3A_341 = arith.constant 96 : index
        %swap3A_342 = tpu.vector_load %arg12[%swap3A_340, %swap3A_341] {strides = array<i32>} : memref<16x128xf32, #tpu.memory_space<vmem>>, vector<1x16xf32>,
        %swap3A_343 = vector.shape_cast %swap3A_342 : vector<1x16xf32> to vector<16xf32>
        %swap3A_344 = vector.shape_cast %scan3A_302#6 : vector<16xf32> to vector<1x16xf32>
        tpu.vector_store %arg12[%swap3A_340, %swap3A_341], %swap3A_344 {strides = array<i32>} : memref<16x128xf32, #tpu.memory_space<vmem>>, vector<1x16xf32>,
        %swap3A_345 = arith.constant 0 : i32
        %swap3A_346 = arith.index_cast %swap3A_345 : i32 to index
        %swap3A_347 = arith.constant 112 : index
        %swap3A_348 = tpu.vector_load %arg12[%swap3A_346, %swap3A_347] {strides = array<i32>} : memref<16x128xf32, #tpu.memory_space<vmem>>, vector<1x16xf32>,
        %swap3A_349 = vector.shape_cast %swap3A_348 : vector<1x16xf32> to vector<16xf32>
        %swap3A_350 = vector.shape_cast %scan3A_302#7 : vector<16xf32> to vector<1x16xf32>
        tpu.vector_store %arg12[%swap3A_346, %swap3A_347], %swap3A_350 {strides = array<i32>} : memref<16x128xf32, #tpu.memory_space<vmem>>, vector<1x16xf32>,
        %swap3A_351 = arith.constant 1 : i32
        %swap3A_352 = arith.index_cast %swap3A_351 : i32 to index
        %swap3A_353 = arith.constant 0 : index
        %swap3A_354 = tpu.vector_load %arg12[%swap3A_352, %swap3A_353] {strides = array<i32>} : memref<16x128xf32, #tpu.memory_space<vmem>>, vector<1x16xf32>,
        %swap3A_355 = vector.shape_cast %swap3A_354 : vector<1x16xf32> to vector<16xf32>
        %swap3A_356 = vector.shape_cast %scan3A_302#8 : vector<16xf32> to vector<1x16xf32>
        tpu.vector_store %arg12[%swap3A_352, %swap3A_353], %swap3A_356 {strides = array<i32>} : memref<16x128xf32, #tpu.memory_space<vmem>>, vector<1x16xf32>,
        %swap3A_357 = arith.constant 1 : i32
        %swap3A_358 = arith.index_cast %swap3A_357 : i32 to index
        %swap3A_359 = arith.constant 16 : index
        %swap3A_360 = tpu.vector_load %arg12[%swap3A_358, %swap3A_359] {strides = array<i32>} : memref<16x128xf32, #tpu.memory_space<vmem>>, vector<1x16xf32>,
        %swap3A_361 = vector.shape_cast %swap3A_360 : vector<1x16xf32> to vector<16xf32>
        %swap3A_362 = vector.shape_cast %scan3A_302#9 : vector<16xf32> to vector<1x16xf32>
        tpu.vector_store %arg12[%swap3A_358, %swap3A_359], %swap3A_362 {strides = array<i32>} : memref<16x128xf32, #tpu.memory_space<vmem>>, vector<1x16xf32>,
        %swap3A_363 = arith.constant 1 : i32
        %swap3A_364 = arith.index_cast %swap3A_363 : i32 to index
        %swap3A_365 = arith.constant 32 : index
        %swap3A_366 = tpu.vector_load %arg12[%swap3A_364, %swap3A_365] {strides = array<i32>} : memref<16x128xf32, #tpu.memory_space<vmem>>, vector<1x16xf32>,
        %swap3A_367 = vector.shape_cast %swap3A_366 : vector<1x16xf32> to vector<16xf32>
        %swap3A_368 = vector.shape_cast %scan3A_302#10 : vector<16xf32> to vector<1x16xf32>
        tpu.vector_store %arg12[%swap3A_364, %swap3A_365], %swap3A_368 {strides = array<i32>} : memref<16x128xf32, #tpu.memory_space<vmem>>, vector<1x16xf32>,
        %swap3A_369 = arith.constant 1 : i32
        %swap3A_370 = arith.index_cast %swap3A_369 : i32 to index
        %swap3A_371 = arith.constant 48 : index
        %swap3A_372 = tpu.vector_load %arg12[%swap3A_370, %swap3A_371] {strides = array<i32>} : memref<16x128xf32, #tpu.memory_space<vmem>>, vector<1x16xf32>,
        %swap3A_373 = vector.shape_cast %swap3A_372 : vector<1x16xf32> to vector<16xf32>
        %swap3A_374 = vector.shape_cast %scan3A_302#11 : vector<16xf32> to vector<1x16xf32>
        tpu.vector_store %arg12[%swap3A_370, %swap3A_371], %swap3A_374 {strides = array<i32>} : memref<16x128xf32, #tpu.memory_space<vmem>>, vector<1x16xf32>,
        %swap3A_375 = arith.constant 1 : i32
        %swap3A_376 = arith.index_cast %swap3A_375 : i32 to index
        %swap3A_377 = arith.constant 64 : index
        %swap3A_378 = tpu.vector_load %arg12[%swap3A_376, %swap3A_377] {strides = array<i32>} : memref<16x128xf32, #tpu.memory_space<vmem>>, vector<1x16xf32>,
        %swap3A_379 = vector.shape_cast %swap3A_378 : vector<1x16xf32> to vector<16xf32>
        %swap3A_380 = vector.shape_cast %scan3A_302#12 : vector<16xf32> to vector<1x16xf32>
        tpu.vector_store %arg12[%swap3A_376, %swap3A_377], %swap3A_380 {strides = array<i32>} : memref<16x128xf32, #tpu.memory_space<vmem>>, vector<1x16xf32>,
        %swap3A_381 = arith.constant 1 : i32
        %swap3A_382 = arith.index_cast %swap3A_381 : i32 to index
        %swap3A_383 = arith.constant 80 : index
        %swap3A_384 = tpu.vector_load %arg12[%swap3A_382, %swap3A_383] {strides = array<i32>} : memref<16x128xf32, #tpu.memory_space<vmem>>, vector<1x16xf32>,
        %swap3A_385 = vector.shape_cast %swap3A_384 : vector<1x16xf32> to vector<16xf32>
        %swap3A_386 = vector.shape_cast %scan3A_302#13 : vector<16xf32> to vector<1x16xf32>
        tpu.vector_store %arg12[%swap3A_382, %swap3A_383], %swap3A_386 {strides = array<i32>} : memref<16x128xf32, #tpu.memory_space<vmem>>, vector<1x16xf32>,
        %swap3A_387 = arith.constant 1 : i32
        %swap3A_388 = arith.index_cast %swap3A_387 : i32 to index
        %swap3A_389 = arith.constant 96 : index
        %swap3A_390 = tpu.vector_load %arg12[%swap3A_388, %swap3A_389] {strides = array<i32>} : memref<16x128xf32, #tpu.memory_space<vmem>>, vector<1x16xf32>,
        %swap3A_391 = vector.shape_cast %swap3A_390 : vector<1x16xf32> to vector<16xf32>
        %swap3A_392 = vector.shape_cast %scan3A_302#14 : vector<16xf32> to vector<1x16xf32>
        tpu.vector_store %arg12[%swap3A_388, %swap3A_389], %swap3A_392 {strides = array<i32>} : memref<16x128xf32, #tpu.memory_space<vmem>>, vector<1x16xf32>,
        %swap3A_393 = arith.constant 1 : i32
        %swap3A_394 = arith.index_cast %swap3A_393 : i32 to index
        %swap3A_395 = arith.constant 112 : index
        %swap3A_396 = tpu.vector_load %arg12[%swap3A_394, %swap3A_395] {strides = array<i32>} : memref<16x128xf32, #tpu.memory_space<vmem>>, vector<1x16xf32>,
        %swap3A_397 = vector.shape_cast %swap3A_396 : vector<1x16xf32> to vector<16xf32>
        %swap3A_398 = vector.shape_cast %scan3A_302#15 : vector<16xf32> to vector<1x16xf32>
        tpu.vector_store %arg12[%swap3A_394, %swap3A_395], %swap3A_398 {strides = array<i32>} : memref<16x128xf32, #tpu.memory_space<vmem>>, vector<1x16xf32>,
        %swap3A_399 = arith.constant 2 : i32
        %swap3A_400 = arith.index_cast %swap3A_399 : i32 to index
        %swap3A_401 = arith.constant 0 : index
        %swap3A_402 = tpu.vector_load %arg12[%swap3A_400, %swap3A_401] {strides = array<i32>} : memref<16x128xf32, #tpu.memory_space<vmem>>, vector<1x16xf32>,
        %swap3A_403 = vector.shape_cast %swap3A_402 : vector<1x16xf32> to vector<16xf32>
        %swap3A_404 = vector.shape_cast %scan3A_302#16 : vector<16xf32> to vector<1x16xf32>
        tpu.vector_store %arg12[%swap3A_400, %swap3A_401], %swap3A_404 {strides = array<i32>} : memref<16x128xf32, #tpu.memory_space<vmem>>, vector<1x16xf32>,
        %swap3A_405 = arith.constant 2 : i32
        %swap3A_406 = arith.index_cast %swap3A_405 : i32 to index
        %swap3A_407 = arith.constant 16 : index
        %swap3A_408 = tpu.vector_load %arg12[%swap3A_406, %swap3A_407] {strides = array<i32>} : memref<16x128xf32, #tpu.memory_space<vmem>>, vector<1x16xf32>,
        %swap3A_409 = vector.shape_cast %swap3A_408 : vector<1x16xf32> to vector<16xf32>
        %swap3A_410 = vector.shape_cast %scan3A_302#17 : vector<16xf32> to vector<1x16xf32>
        tpu.vector_store %arg12[%swap3A_406, %swap3A_407], %swap3A_410 {strides = array<i32>} : memref<16x128xf32, #tpu.memory_space<vmem>>, vector<1x16xf32>,
        %swap3A_411 = arith.constant 2 : i32
        %swap3A_412 = arith.index_cast %swap3A_411 : i32 to index
        %swap3A_413 = arith.constant 32 : index
        %swap3A_414 = tpu.vector_load %arg12[%swap3A_412, %swap3A_413] {strides = array<i32>} : memref<16x128xf32, #tpu.memory_space<vmem>>, vector<1x16xf32>,
        %swap3A_415 = vector.shape_cast %swap3A_414 : vector<1x16xf32> to vector<16xf32>
        %swap3A_416 = vector.shape_cast %scan3A_302#18 : vector<16xf32> to vector<1x16xf32>
        tpu.vector_store %arg12[%swap3A_412, %swap3A_413], %swap3A_416 {strides = array<i32>} : memref<16x128xf32, #tpu.memory_space<vmem>>, vector<1x16xf32>,
        %swap3A_417 = arith.constant 2 : i32
        %swap3A_418 = arith.index_cast %swap3A_417 : i32 to index
        %swap3A_419 = arith.constant 48 : index
        %swap3A_420 = tpu.vector_load %arg12[%swap3A_418, %swap3A_419] {strides = array<i32>} : memref<16x128xf32, #tpu.memory_space<vmem>>, vector<1x16xf32>,
        %swap3A_421 = vector.shape_cast %swap3A_420 : vector<1x16xf32> to vector<16xf32>
        %swap3A_422 = vector.shape_cast %scan3A_302#19 : vector<16xf32> to vector<1x16xf32>
        tpu.vector_store %arg12[%swap3A_418, %swap3A_419], %swap3A_422 {strides = array<i32>} : memref<16x128xf32, #tpu.memory_space<vmem>>, vector<1x16xf32>,
        %swap3A_423 = arith.constant 2 : i32
        %swap3A_424 = arith.index_cast %swap3A_423 : i32 to index
        %swap3A_425 = arith.constant 64 : index
        %swap3A_426 = tpu.vector_load %arg12[%swap3A_424, %swap3A_425] {strides = array<i32>} : memref<16x128xf32, #tpu.memory_space<vmem>>, vector<1x16xf32>,
        %swap3A_427 = vector.shape_cast %swap3A_426 : vector<1x16xf32> to vector<16xf32>
        %swap3A_428 = vector.shape_cast %scan3A_302#20 : vector<16xf32> to vector<1x16xf32>
        tpu.vector_store %arg12[%swap3A_424, %swap3A_425], %swap3A_428 {strides = array<i32>} : memref<16x128xf32, #tpu.memory_space<vmem>>, vector<1x16xf32>,
        %swap3A_429 = arith.constant 2 : i32
        %swap3A_430 = arith.index_cast %swap3A_429 : i32 to index
        %swap3A_431 = arith.constant 80 : index
        %swap3A_432 = tpu.vector_load %arg12[%swap3A_430, %swap3A_431] {strides = array<i32>} : memref<16x128xf32, #tpu.memory_space<vmem>>, vector<1x16xf32>,
        %swap3A_433 = vector.shape_cast %swap3A_432 : vector<1x16xf32> to vector<16xf32>
        %swap3A_434 = vector.shape_cast %scan3A_302#21 : vector<16xf32> to vector<1x16xf32>
        tpu.vector_store %arg12[%swap3A_430, %swap3A_431], %swap3A_434 {strides = array<i32>} : memref<16x128xf32, #tpu.memory_space<vmem>>, vector<1x16xf32>,
        %swap3A_435 = arith.constant 2 : i32
        %swap3A_436 = arith.index_cast %swap3A_435 : i32 to index
        %swap3A_437 = arith.constant 96 : index
        %swap3A_438 = tpu.vector_load %arg12[%swap3A_436, %swap3A_437] {strides = array<i32>} : memref<16x128xf32, #tpu.memory_space<vmem>>, vector<1x16xf32>,
        %swap3A_439 = vector.shape_cast %swap3A_438 : vector<1x16xf32> to vector<16xf32>
        %swap3A_440 = vector.shape_cast %scan3A_302#22 : vector<16xf32> to vector<1x16xf32>
        tpu.vector_store %arg12[%swap3A_436, %swap3A_437], %swap3A_440 {strides = array<i32>} : memref<16x128xf32, #tpu.memory_space<vmem>>, vector<1x16xf32>,
        %swap3A_441 = arith.constant 2 : i32
        %swap3A_442 = arith.index_cast %swap3A_441 : i32 to index
        %swap3A_443 = arith.constant 112 : index
        %swap3A_444 = tpu.vector_load %arg12[%swap3A_442, %swap3A_443] {strides = array<i32>} : memref<16x128xf32, #tpu.memory_space<vmem>>, vector<1x16xf32>,
        %swap3A_445 = vector.shape_cast %swap3A_444 : vector<1x16xf32> to vector<16xf32>
        %swap3A_446 = vector.shape_cast %scan3A_302#23 : vector<16xf32> to vector<1x16xf32>
        tpu.vector_store %arg12[%swap3A_442, %swap3A_443], %swap3A_446 {strides = array<i32>} : memref<16x128xf32, #tpu.memory_space<vmem>>, vector<1x16xf32>,
        %swap3A_447 = arith.constant 3 : i32
        %swap3A_448 = arith.index_cast %swap3A_447 : i32 to index
        %swap3A_449 = arith.constant 0 : index
        %swap3A_450 = tpu.vector_load %arg12[%swap3A_448, %swap3A_449] {strides = array<i32>} : memref<16x128xf32, #tpu.memory_space<vmem>>, vector<1x16xf32>,
        %swap3A_451 = vector.shape_cast %swap3A_450 : vector<1x16xf32> to vector<16xf32>
        %swap3A_452 = vector.shape_cast %scan3A_302#24 : vector<16xf32> to vector<1x16xf32>
        tpu.vector_store %arg12[%swap3A_448, %swap3A_449], %swap3A_452 {strides = array<i32>} : memref<16x128xf32, #tpu.memory_space<vmem>>, vector<1x16xf32>,
        %swap3A_453 = arith.constant 3 : i32
        %swap3A_454 = arith.index_cast %swap3A_453 : i32 to index
        %swap3A_455 = arith.constant 16 : index
        %swap3A_456 = tpu.vector_load %arg12[%swap3A_454, %swap3A_455] {strides = array<i32>} : memref<16x128xf32, #tpu.memory_space<vmem>>, vector<1x16xf32>,
        %swap3A_457 = vector.shape_cast %swap3A_456 : vector<1x16xf32> to vector<16xf32>
        %swap3A_458 = vector.shape_cast %scan3A_302#25 : vector<16xf32> to vector<1x16xf32>
        tpu.vector_store %arg12[%swap3A_454, %swap3A_455], %swap3A_458 {strides = array<i32>} : memref<16x128xf32, #tpu.memory_space<vmem>>, vector<1x16xf32>,
        %swap3A_459 = arith.constant 3 : i32
        %swap3A_460 = arith.index_cast %swap3A_459 : i32 to index
        %swap3A_461 = arith.constant 32 : index
        %swap3A_462 = tpu.vector_load %arg12[%swap3A_460, %swap3A_461] {strides = array<i32>} : memref<16x128xf32, #tpu.memory_space<vmem>>, vector<1x16xf32>,
        %swap3A_463 = vector.shape_cast %swap3A_462 : vector<1x16xf32> to vector<16xf32>
        %swap3A_464 = vector.shape_cast %scan3A_302#26 : vector<16xf32> to vector<1x16xf32>
        tpu.vector_store %arg12[%swap3A_460, %swap3A_461], %swap3A_464 {strides = array<i32>} : memref<16x128xf32, #tpu.memory_space<vmem>>, vector<1x16xf32>,
        %swap3A_465 = arith.constant 3 : i32
        %swap3A_466 = arith.index_cast %swap3A_465 : i32 to index
        %swap3A_467 = arith.constant 48 : index
        %swap3A_468 = tpu.vector_load %arg12[%swap3A_466, %swap3A_467] {strides = array<i32>} : memref<16x128xf32, #tpu.memory_space<vmem>>, vector<1x16xf32>,
        %swap3A_469 = vector.shape_cast %swap3A_468 : vector<1x16xf32> to vector<16xf32>
        %swap3A_470 = vector.shape_cast %scan3A_302#27 : vector<16xf32> to vector<1x16xf32>
        tpu.vector_store %arg12[%swap3A_466, %swap3A_467], %swap3A_470 {strides = array<i32>} : memref<16x128xf32, #tpu.memory_space<vmem>>, vector<1x16xf32>,
        %swap3A_471 = arith.constant 3 : i32
        %swap3A_472 = arith.index_cast %swap3A_471 : i32 to index
        %swap3A_473 = arith.constant 64 : index
        %swap3A_474 = tpu.vector_load %arg12[%swap3A_472, %swap3A_473] {strides = array<i32>} : memref<16x128xf32, #tpu.memory_space<vmem>>, vector<1x16xf32>,
        %swap3A_475 = vector.shape_cast %swap3A_474 : vector<1x16xf32> to vector<16xf32>
        %swap3A_476 = vector.shape_cast %scan3A_302#28 : vector<16xf32> to vector<1x16xf32>
        tpu.vector_store %arg12[%swap3A_472, %swap3A_473], %swap3A_476 {strides = array<i32>} : memref<16x128xf32, #tpu.memory_space<vmem>>, vector<1x16xf32>,
        %swap3A_477 = arith.constant 3 : i32
        %swap3A_478 = arith.index_cast %swap3A_477 : i32 to index
        %swap3A_479 = arith.constant 80 : index
        %swap3A_480 = tpu.vector_load %arg12[%swap3A_478, %swap3A_479] {strides = array<i32>} : memref<16x128xf32, #tpu.memory_space<vmem>>, vector<1x16xf32>,
        %swap3A_481 = vector.shape_cast %swap3A_480 : vector<1x16xf32> to vector<16xf32>
        %swap3A_482 = vector.shape_cast %scan3A_302#29 : vector<16xf32> to vector<1x16xf32>
        tpu.vector_store %arg12[%swap3A_478, %swap3A_479], %swap3A_482 {strides = array<i32>} : memref<16x128xf32, #tpu.memory_space<vmem>>, vector<1x16xf32>,
        %swap3A_483 = arith.constant 3 : i32
        %swap3A_484 = arith.index_cast %swap3A_483 : i32 to index
        %swap3A_485 = arith.constant 96 : index
        %swap3A_486 = tpu.vector_load %arg12[%swap3A_484, %swap3A_485] {strides = array<i32>} : memref<16x128xf32, #tpu.memory_space<vmem>>, vector<1x16xf32>,
        %swap3A_487 = vector.shape_cast %swap3A_486 : vector<1x16xf32> to vector<16xf32>
        %swap3A_488 = vector.shape_cast %scan3A_302#30 : vector<16xf32> to vector<1x16xf32>
        tpu.vector_store %arg12[%swap3A_484, %swap3A_485], %swap3A_488 {strides = array<i32>} : memref<16x128xf32, #tpu.memory_space<vmem>>, vector<1x16xf32>,
        %swap3A_489 = arith.constant 3 : i32
        %swap3A_490 = arith.index_cast %swap3A_489 : i32 to index
        %swap3A_491 = arith.constant 112 : index
        %swap3A_492 = tpu.vector_load %arg12[%swap3A_490, %swap3A_491] {strides = array<i32>} : memref<16x128xf32, #tpu.memory_space<vmem>>, vector<1x16xf32>,
        %swap3A_493 = vector.shape_cast %swap3A_492 : vector<1x16xf32> to vector<16xf32>
        %swap3A_494 = vector.shape_cast %scan3A_302#31 : vector<16xf32> to vector<1x16xf32>
        tpu.vector_store %arg12[%swap3A_490, %swap3A_491], %swap3A_494 {strides = array<i32>} : memref<16x128xf32, #tpu.memory_space<vmem>>, vector<1x16xf32>,
        %dma_start3A_495 = arith.constant 0 : i32
        %dma_start3A_496 = tpu.memref_slice %arg16[%add3A_186, %dma_start3A_495] : memref<125x16xi32, #tpu.memory_space<vmem>> -> memref<1x16xi32, #tpu.memory_space<vmem>>
        %dma_start3A_497 = tpu.memref_squeeze %dma_start3A_496 : memref<1x16xi32, #tpu.memory_space<vmem>> -> memref<16xi32, #tpu.memory_space<vmem>>
        %dma_start3A_498 = arith.constant 0 : i32
        %dma_start3A_499 = arith.constant 0 : i32
        %dma_start3A_500 = tpu.memref_slice %arg19[%dma_start3A_498, %dma_start3A_499] : memref<1024x128xf32, #tpu.memory_space<vmem_shared>> -> memref<1024x128xf32, #tpu.memory_space<vmem_shared>>
        tpu.enqueue_indirect_dma source(%arg12 : memref<16x128xf32, #tpu.memory_space<vmem>>) target(%dma_start3A_500 : memref<1024x128xf32, #tpu.memory_space<vmem_shared>>) offsets(%dma_start3A_497 : memref<16xi32, #tpu.memory_space<vmem>>) semaphore(%arg27 : memref<!tpu.dma_semaphore, #tpu.memory_space<semaphore_mem>>) {add = true}
      } else {
      }
      %not3A_202 = arith.constant true
      %not3A_203 = arith.xori %eq3A_198, %not3A_202 : i1
      %convert_element_type3A_204 = arith.extui %not3A_203 : i1 to i32
      %cond3A_205 = arith.constant 0 : i32
      %cond3A_206 = arith.cmpi ne, %convert_element_type3A_204, %cond3A_205 : i32
      scf.if %cond3A_206 {
        %dma_start3A_298 = arith.constant 0 : i32
        %dma_start3A_299 = tpu.memref_slice %arg15[%add3A_186, %dma_start3A_298] : memref<125x80xi32, #tpu.memory_space<vmem>> -> memref<1x80xi32, #tpu.memory_space<vmem>>
        %dma_start3A_300 = tpu.memref_squeeze %dma_start3A_299 : memref<1x80xi32, #tpu.memory_space<vmem>> -> memref<80xi32, #tpu.memory_space<vmem>>
        %dma_start3A_301 = arith.constant 0 : i32
        %dma_start3A_302 = arith.constant 0 : i32
        %dma_start3A_303 = tpu.memref_slice %arg19[%dma_start3A_301, %dma_start3A_302] : memref<1024x128xf32, #tpu.memory_space<vmem_shared>> -> memref<1024x128xf32, #tpu.memory_space<vmem_shared>>
        tpu.enqueue_indirect_dma source(%arg7 : memref<80x128xf32, #tpu.memory_space<vmem>>) target(%dma_start3A_303 : memref<1024x128xf32, #tpu.memory_space<vmem_shared>>) offsets(%dma_start3A_300 : memref<80xi32, #tpu.memory_space<vmem>>) semaphore(%arg27 : memref<!tpu.dma_semaphore, #tpu.memory_space<semaphore_mem>>) {add = true}
      } else {
      }
      %ge3A_207 = arith.constant 1 : i32
      %ge3A_208 = arith.cmpi sge, %add3A_186, %ge3A_207 : i32
      %convert_element_type3A_209 = arith.extui %ge3A_208 : i1 to i32
      %cond3A_210 = arith.constant 0 : i32
      %cond3A_211 = arith.cmpi ne, %convert_element_type3A_209, %cond3A_210 : i32
      scf.if %cond3A_211 {
        %sub3A_298 = arith.constant 1 : i32
        %sub3A_299 = arith.subi %add3A_186, %sub3A_298 : i32
        %get3A_300 = arith.index_cast %sub3A_299 : i32 to index
        %get3A_301 = memref.load %arg18[%get3A_300] : memref<125xi32, #tpu.memory_space<smem>>
        %eq3A_302 = arith.constant 1 : i32
        %eq3A_303 = arith.cmpi eq, %get3A_301, %eq3A_302 : i32
        %convert_element_type3A_304 = arith.extui %eq3A_303 : i1 to i32
        %cond3A_305 = arith.constant 0 : i32
        %cond3A_306 = arith.cmpi ne, %convert_element_type3A_304, %cond3A_305 : i32
        scf.if %cond3A_306 {
          %dma_wait3A_312 = arith.constant 0 : i32
          %dma_wait3A_313 = tpu.memref_slice %arg16[%sub3A_299, %dma_wait3A_312] : memref<125x16xi32, #tpu.memory_space<vmem>> -> memref<1x16xi32, #tpu.memory_space<vmem>>
          %dma_wait3A_314 = tpu.memref_squeeze %dma_wait3A_313 : memref<1x16xi32, #tpu.memory_space<vmem>> -> memref<16xi32, #tpu.memory_space<vmem>>
          %dma_wait3A_315 = arith.constant 0 : i32
          %dma_wait3A_316 = arith.constant 0 : i32
          %dma_wait3A_317 = tpu.memref_slice %arg19[%dma_wait3A_315, %dma_wait3A_316] : memref<1024x128xf32, #tpu.memory_space<vmem_shared>> -> memref<1024x128xf32, #tpu.memory_space<vmem_shared>>
          tpu.wait_indirect_dma semaphore(%arg26 : memref<!tpu.dma_semaphore, #tpu.memory_space<semaphore_mem>>) src(%arg11 : memref<16x128xf32, #tpu.memory_space<vmem>>) dst(%dma_wait3A_317 : memref<1024x128xf32, #tpu.memory_space<vmem_shared>>)
        } else {
        }
        %not3A_307 = arith.constant true
        %not3A_308 = arith.xori %eq3A_303, %not3A_307 : i1
        %convert_element_type3A_309 = arith.extui %not3A_308 : i1 to i32
        %cond3A_310 = arith.constant 0 : i32
        %cond3A_311 = arith.cmpi ne, %convert_element_type3A_309, %cond3A_310 : i32
        scf.if %cond3A_311 {
          %dma_wait3A_312 = arith.constant 0 : i32
          %dma_wait3A_313 = tpu.memref_slice %arg15[%sub3A_299, %dma_wait3A_312] : memref<125x80xi32, #tpu.memory_space<vmem>> -> memref<1x80xi32, #tpu.memory_space<vmem>>
          %dma_wait3A_314 = tpu.memref_squeeze %dma_wait3A_313 : memref<1x80xi32, #tpu.memory_space<vmem>> -> memref<80xi32, #tpu.memory_space<vmem>>
          %dma_wait3A_315 = arith.constant 0 : i32
          %dma_wait3A_316 = arith.constant 0 : i32
          %dma_wait3A_317 = tpu.memref_slice %arg19[%dma_wait3A_315, %dma_wait3A_316] : memref<1024x128xf32, #tpu.memory_space<vmem_shared>> -> memref<1024x128xf32, #tpu.memory_space<vmem_shared>>
          tpu.wait_indirect_dma semaphore(%arg26 : memref<!tpu.dma_semaphore, #tpu.memory_space<semaphore_mem>>) src(%arg6 : memref<80x128xf32, #tpu.memory_space<vmem>>) dst(%dma_wait3A_317 : memref<1024x128xf32, #tpu.memory_space<vmem_shared>>)
        } else {
        }
      } else {
      }
      %add3A_212 = arith.constant 5 : i32
      %add3A_213 = arith.addi %add3A_186, %add3A_212 : i32
      %sub3A_214 = arith.constant 1 : i32
      %sub3A_215 = arith.subi %add3A_213, %sub3A_214 : i32
      %lt3A_216 = arith.constant 125 : i32
      %lt3A_217 = arith.cmpi slt, %sub3A_215, %lt3A_216 : i32
      %convert_element_type3A_218 = arith.extui %lt3A_217 : i1 to i32
      %cond3A_219 = arith.constant 0 : i32
      %cond3A_220 = arith.cmpi ne, %convert_element_type3A_218, %cond3A_219 : i32
      scf.if %cond3A_220 {
        %add3A_298 = arith.constant 5 : i32
        %add3A_299 = arith.addi %add3A_186, %add3A_298 : i32
        %sub3A_300 = arith.constant 1 : i32
        %sub3A_301 = arith.subi %add3A_299, %sub3A_300 : i32
        %dma_start3A_302 = arith.constant 0 : i32
        %dma_start3A_303 = arith.constant 0 : i32
        %dma_start3A_304 = tpu.memref_slice %arg2[%add3A, %sub3A_301, %dma_start3A_302, %dma_start3A_303] : memref<32x125x80x128xf32, #tpu.memory_space<hbm>> -> memref<1x1x80x128xf32, #tpu.memory_space<hbm>>
        %dma_start3A_305 = tpu.memref_squeeze %dma_start3A_304 : memref<1x1x80x128xf32, #tpu.memory_space<hbm>> -> memref<80x128xf32, #tpu.memory_space<hbm>>
        %dma_start3A_306 = arith.constant 0 : i32
        %dma_start3A_307 = arith.constant 0 : i32
        %dma_start3A_308 = tpu.memref_slice %arg2[%add3A, %sub3A_301, %dma_start3A_306, %dma_start3A_307] : memref<32x125x80x128xf32, #tpu.memory_space<hbm>> -> memref<1x1x80x128xf32, #tpu.memory_space<hbm>>
        %dma_start3A_309 = tpu.memref_squeeze %dma_start3A_308 : memref<1x1x80x128xf32, #tpu.memory_space<hbm>> -> memref<80x128xf32, #tpu.memory_space<hbm>>
        tpu.enqueue_dma source(%dma_start3A_309 : memref<80x128xf32, #tpu.memory_space<hbm>>) target(%arg6 : memref<80x128xf32, #tpu.memory_space<vmem>>) target_semaphore(%arg21 : memref<!tpu.dma_semaphore, #tpu.memory_space<semaphore_mem>>)
      } else {
      }
      %mul3A_221 = arith.constant 5 : i32
      %mul3A_222 = arith.muli %mul3A_221, %scan3A_108 : i32
      %add3A_223 = arith.constant 3 : i32
      %add3A_224 = arith.addi %mul3A_222, %add3A_223 : i32
      %dma_wait3A_225 = arith.constant 0 : i32
      %dma_wait3A_226 = arith.constant 0 : i32
      %dma_wait3A_227 = tpu.memref_slice %arg2[%add3A, %add3A_224, %dma_wait3A_225, %dma_wait3A_226] : memref<32x125x80x128xf32, #tpu.memory_space<hbm>> -> memref<1x1x80x128xf32, #tpu.memory_space<hbm>>
      %dma_wait3A_228 = tpu.memref_squeeze %dma_wait3A_227 : memref<1x1x80x128xf32, #tpu.memory_space<hbm>> -> memref<80x128xf32, #tpu.memory_space<hbm>>
      %dma_wait3A_229 = arith.constant 0 : i32
      %dma_wait3A_230 = arith.constant 0 : i32
      %dma_wait3A_231 = tpu.memref_slice %arg2[%add3A, %add3A_224, %dma_wait3A_229, %dma_wait3A_230] : memref<32x125x80x128xf32, #tpu.memory_space<hbm>> -> memref<1x1x80x128xf32, #tpu.memory_space<hbm>>
      %dma_wait3A_232 = tpu.memref_squeeze %dma_wait3A_231 : memref<1x1x80x128xf32, #tpu.memory_space<hbm>> -> memref<80x128xf32, #tpu.memory_space<hbm>>
      tpu.wait_dma2 semaphore(%arg23 : memref<!tpu.dma_semaphore, #tpu.memory_space<semaphore_mem>>) src(%dma_wait3A_232 : memref<80x128xf32, #tpu.memory_space<hbm>>) dst(%arg8 : memref<80x128xf32, #tpu.memory_space<vmem>>)
      %get3A_233 = arith.index_cast %add3A_224 : i32 to index
      %get3A_234 = memref.load %arg18[%get3A_233] : memref<125xi32, #tpu.memory_space<smem>>
      %eq3A_235 = arith.constant 1 : i32
      %eq3A_236 = arith.cmpi eq, %get3A_234, %eq3A_235 : i32
      %convert_element_type3A_237 = arith.extui %eq3A_236 : i1 to i32
      %cond3A_238 = arith.constant 0 : i32
      %cond3A_239 = arith.cmpi ne, %convert_element_type3A_237, %cond3A_238 : i32
      scf.if %cond3A_239 {
        %scan3A_298 = arith.constant 0 : i32
        %scan3A_299 = arith.constant 20 : i32
        %scan3A_300 = arith.addi %scan3A_298, %scan3A_299 : i32
        %scan3A_301 = arith.constant 1 : i32
        %scan3A_302:32 = scf.for %scan3A_501 = %scan3A_298 to %scan3A_300 step %scan3A_301 iter_args(%scan3A_502 = %broadcast_in_dim3A_1, %scan3A_503 = %broadcast_in_dim3A_1, %scan3A_504 = %broadcast_in_dim3A_1, %scan3A_505 = %broadcast_in_dim3A_1, %scan3A_506 = %broadcast_in_dim3A_1, %scan3A_507 = %broadcast_in_dim3A_1, %scan3A_508 = %broadcast_in_dim3A_1, %scan3A_509 = %broadcast_in_dim3A_1, %scan3A_510 = %broadcast_in_dim3A_1, %scan3A_511 = %broadcast_in_dim3A_1, %scan3A_512 = %broadcast_in_dim3A_1, %scan3A_513 = %broadcast_in_dim3A_1, %scan3A_514 = %broadcast_in_dim3A_1, %scan3A_515 = %broadcast_in_dim3A_1, %scan3A_516 = %broadcast_in_dim3A_1, %scan3A_517 = %broadcast_in_dim3A_1, %scan3A_518 = %broadcast_in_dim3A_1, %scan3A_519 = %broadcast_in_dim3A_1, %scan3A_520 = %broadcast_in_dim3A_1, %scan3A_521 = %broadcast_in_dim3A_1, %scan3A_522 = %broadcast_in_dim3A_1, %scan3A_523 = %broadcast_in_dim3A_1, %scan3A_524 = %broadcast_in_dim3A_1, %scan3A_525 = %broadcast_in_dim3A_1, %scan3A_526 = %broadcast_in_dim3A_1, %scan3A_527 = %broadcast_in_dim3A_1, %scan3A_528 = %broadcast_in_dim3A_1, %scan3A_529 = %broadcast_in_dim3A_1, %scan3A_530 = %broadcast_in_dim3A_1, %scan3A_531 = %broadcast_in_dim3A_1, %scan3A_532 = %broadcast_in_dim3A_1, %scan3A_533 = %broadcast_in_dim3A_1) -> (vector<16xf32>, vector<16xf32>, vector<16xf32>, vector<16xf32>, vector<16xf32>, vector<16xf32>, vector<16xf32>, vector<16xf32>, vector<16xf32>, vector<16xf32>, vector<16xf32>, vector<16xf32>, vector<16xf32>, vector<16xf32>, vector<16xf32>, vector<16xf32>, vector<16xf32>, vector<16xf32>, vector<16xf32>, vector<16xf32>, vector<16xf32>, vector<16xf32>, vector<16xf32>, vector<16xf32>, vector<16xf32>, vector<16xf32>, vector<16xf32>, vector<16xf32>, vector<16xf32>, vector<16xf32>, vector<16xf32>, vector<16xf32>)  : i32 {
          %mul3A_534 = arith.constant 4 : i32
          %mul3A_535 = arith.muli %scan3A_501, %mul3A_534 : i32
          %add3A_536 = arith.constant 0 : i32
          %add3A_537 = arith.addi %mul3A_535, %add3A_536 : i32
          %get3A_538 = arith.index_cast %add3A_537 : i32 to index
          %get3A_539 = arith.constant 0 : index
          %get3A_540 = tpu.vector_load %arg8[%get3A_538, %get3A_539] {strides = array<i32>} : memref<80x128xf32, #tpu.memory_space<vmem>>, vector<1x16xf32>,
          %get3A_541 = vector.shape_cast %get3A_540 : vector<1x16xf32> to vector<16xf32>
          %add3A_542 = arith.addf %scan3A_502, %get3A_541 : vector<16xf32>
          %get3A_543 = arith.index_cast %add3A_537 : i32 to index
          %get3A_544 = arith.constant 16 : index
          %get3A_545 = tpu.vector_load %arg8[%get3A_543, %get3A_544] {strides = array<i32>} : memref<80x128xf32, #tpu.memory_space<vmem>>, vector<1x16xf32>,
          %get3A_546 = vector.shape_cast %get3A_545 : vector<1x16xf32> to vector<16xf32>
          %add3A_547 = arith.addf %scan3A_503, %get3A_546 : vector<16xf32>
          %get3A_548 = arith.index_cast %add3A_537 : i32 to index
          %get3A_549 = arith.constant 32 : index
          %get3A_550 = tpu.vector_load %arg8[%get3A_548, %get3A_549] {strides = array<i32>} : memref<80x128xf32, #tpu.memory_space<vmem>>, vector<1x16xf32>,
          %get3A_551 = vector.shape_cast %get3A_550 : vector<1x16xf32> to vector<16xf32>
          %add3A_552 = arith.addf %scan3A_504, %get3A_551 : vector<16xf32>
          %get3A_553 = arith.index_cast %add3A_537 : i32 to index
          %get3A_554 = arith.constant 48 : index
          %get3A_555 = tpu.vector_load %arg8[%get3A_553, %get3A_554] {strides = array<i32>} : memref<80x128xf32, #tpu.memory_space<vmem>>, vector<1x16xf32>,
          %get3A_556 = vector.shape_cast %get3A_555 : vector<1x16xf32> to vector<16xf32>
          %add3A_557 = arith.addf %scan3A_505, %get3A_556 : vector<16xf32>
          %get3A_558 = arith.index_cast %add3A_537 : i32 to index
          %get3A_559 = arith.constant 64 : index
          %get3A_560 = tpu.vector_load %arg8[%get3A_558, %get3A_559] {strides = array<i32>} : memref<80x128xf32, #tpu.memory_space<vmem>>, vector<1x16xf32>,
          %get3A_561 = vector.shape_cast %get3A_560 : vector<1x16xf32> to vector<16xf32>
          %add3A_562 = arith.addf %scan3A_506, %get3A_561 : vector<16xf32>
          %get3A_563 = arith.index_cast %add3A_537 : i32 to index
          %get3A_564 = arith.constant 80 : index
          %get3A_565 = tpu.vector_load %arg8[%get3A_563, %get3A_564] {strides = array<i32>} : memref<80x128xf32, #tpu.memory_space<vmem>>, vector<1x16xf32>,
          %get3A_566 = vector.shape_cast %get3A_565 : vector<1x16xf32> to vector<16xf32>
          %add3A_567 = arith.addf %scan3A_507, %get3A_566 : vector<16xf32>
          %get3A_568 = arith.index_cast %add3A_537 : i32 to index
          %get3A_569 = arith.constant 96 : index
          %get3A_570 = tpu.vector_load %arg8[%get3A_568, %get3A_569] {strides = array<i32>} : memref<80x128xf32, #tpu.memory_space<vmem>>, vector<1x16xf32>,
          %get3A_571 = vector.shape_cast %get3A_570 : vector<1x16xf32> to vector<16xf32>
          %add3A_572 = arith.addf %scan3A_508, %get3A_571 : vector<16xf32>
          %get3A_573 = arith.index_cast %add3A_537 : i32 to index
          %get3A_574 = arith.constant 112 : index
          %get3A_575 = tpu.vector_load %arg8[%get3A_573, %get3A_574] {strides = array<i32>} : memref<80x128xf32, #tpu.memory_space<vmem>>, vector<1x16xf32>,
          %get3A_576 = vector.shape_cast %get3A_575 : vector<1x16xf32> to vector<16xf32>
          %add3A_577 = arith.addf %scan3A_509, %get3A_576 : vector<16xf32>
          %mul3A_578 = arith.constant 4 : i32
          %mul3A_579 = arith.muli %scan3A_501, %mul3A_578 : i32
          %add3A_580 = arith.constant 1 : i32
          %add3A_581 = arith.addi %mul3A_579, %add3A_580 : i32
          %get3A_582 = arith.index_cast %add3A_581 : i32 to index
          %get3A_583 = arith.constant 0 : index
          %get3A_584 = tpu.vector_load %arg8[%get3A_582, %get3A_583] {strides = array<i32>} : memref<80x128xf32, #tpu.memory_space<vmem>>, vector<1x16xf32>,
          %get3A_585 = vector.shape_cast %get3A_584 : vector<1x16xf32> to vector<16xf32>
          %add3A_586 = arith.addf %scan3A_510, %get3A_585 : vector<16xf32>
          %get3A_587 = arith.index_cast %add3A_581 : i32 to index
          %get3A_588 = arith.constant 16 : index
          %get3A_589 = tpu.vector_load %arg8[%get3A_587, %get3A_588] {strides = array<i32>} : memref<80x128xf32, #tpu.memory_space<vmem>>, vector<1x16xf32>,
          %get3A_590 = vector.shape_cast %get3A_589 : vector<1x16xf32> to vector<16xf32>
          %add3A_591 = arith.addf %scan3A_511, %get3A_590 : vector<16xf32>
          %get3A_592 = arith.index_cast %add3A_581 : i32 to index
          %get3A_593 = arith.constant 32 : index
          %get3A_594 = tpu.vector_load %arg8[%get3A_592, %get3A_593] {strides = array<i32>} : memref<80x128xf32, #tpu.memory_space<vmem>>, vector<1x16xf32>,
          %get3A_595 = vector.shape_cast %get3A_594 : vector<1x16xf32> to vector<16xf32>
          %add3A_596 = arith.addf %scan3A_512, %get3A_595 : vector<16xf32>
          %get3A_597 = arith.index_cast %add3A_581 : i32 to index
          %get3A_598 = arith.constant 48 : index
          %get3A_599 = tpu.vector_load %arg8[%get3A_597, %get3A_598] {strides = array<i32>} : memref<80x128xf32, #tpu.memory_space<vmem>>, vector<1x16xf32>,
          %get3A_600 = vector.shape_cast %get3A_599 : vector<1x16xf32> to vector<16xf32>
          %add3A_601 = arith.addf %scan3A_513, %get3A_600 : vector<16xf32>
          %get3A_602 = arith.index_cast %add3A_581 : i32 to index
          %get3A_603 = arith.constant 64 : index
          %get3A_604 = tpu.vector_load %arg8[%get3A_602, %get3A_603] {strides = array<i32>} : memref<80x128xf32, #tpu.memory_space<vmem>>, vector<1x16xf32>,
          %get3A_605 = vector.shape_cast %get3A_604 : vector<1x16xf32> to vector<16xf32>
          %add3A_606 = arith.addf %scan3A_514, %get3A_605 : vector<16xf32>
          %get3A_607 = arith.index_cast %add3A_581 : i32 to index
          %get3A_608 = arith.constant 80 : index
          %get3A_609 = tpu.vector_load %arg8[%get3A_607, %get3A_608] {strides = array<i32>} : memref<80x128xf32, #tpu.memory_space<vmem>>, vector<1x16xf32>,
          %get3A_610 = vector.shape_cast %get3A_609 : vector<1x16xf32> to vector<16xf32>
          %add3A_611 = arith.addf %scan3A_515, %get3A_610 : vector<16xf32>
          %get3A_612 = arith.index_cast %add3A_581 : i32 to index
          %get3A_613 = arith.constant 96 : index
          %get3A_614 = tpu.vector_load %arg8[%get3A_612, %get3A_613] {strides = array<i32>} : memref<80x128xf32, #tpu.memory_space<vmem>>, vector<1x16xf32>,
          %get3A_615 = vector.shape_cast %get3A_614 : vector<1x16xf32> to vector<16xf32>
          %add3A_616 = arith.addf %scan3A_516, %get3A_615 : vector<16xf32>
          %get3A_617 = arith.index_cast %add3A_581 : i32 to index
          %get3A_618 = arith.constant 112 : index
          %get3A_619 = tpu.vector_load %arg8[%get3A_617, %get3A_618] {strides = array<i32>} : memref<80x128xf32, #tpu.memory_space<vmem>>, vector<1x16xf32>,
          %get3A_620 = vector.shape_cast %get3A_619 : vector<1x16xf32> to vector<16xf32>
          %add3A_621 = arith.addf %scan3A_517, %get3A_620 : vector<16xf32>
          %mul3A_622 = arith.constant 4 : i32
          %mul3A_623 = arith.muli %scan3A_501, %mul3A_622 : i32
          %add3A_624 = arith.constant 2 : i32
          %add3A_625 = arith.addi %mul3A_623, %add3A_624 : i32
          %get3A_626 = arith.index_cast %add3A_625 : i32 to index
          %get3A_627 = arith.constant 0 : index
          %get3A_628 = tpu.vector_load %arg8[%get3A_626, %get3A_627] {strides = array<i32>} : memref<80x128xf32, #tpu.memory_space<vmem>>, vector<1x16xf32>,
          %get3A_629 = vector.shape_cast %get3A_628 : vector<1x16xf32> to vector<16xf32>
          %add3A_630 = arith.addf %scan3A_518, %get3A_629 : vector<16xf32>
          %get3A_631 = arith.index_cast %add3A_625 : i32 to index
          %get3A_632 = arith.constant 16 : index
          %get3A_633 = tpu.vector_load %arg8[%get3A_631, %get3A_632] {strides = array<i32>} : memref<80x128xf32, #tpu.memory_space<vmem>>, vector<1x16xf32>,
          %get3A_634 = vector.shape_cast %get3A_633 : vector<1x16xf32> to vector<16xf32>
          %add3A_635 = arith.addf %scan3A_519, %get3A_634 : vector<16xf32>
          %get3A_636 = arith.index_cast %add3A_625 : i32 to index
          %get3A_637 = arith.constant 32 : index
          %get3A_638 = tpu.vector_load %arg8[%get3A_636, %get3A_637] {strides = array<i32>} : memref<80x128xf32, #tpu.memory_space<vmem>>, vector<1x16xf32>,
          %get3A_639 = vector.shape_cast %get3A_638 : vector<1x16xf32> to vector<16xf32>
          %add3A_640 = arith.addf %scan3A_520, %get3A_639 : vector<16xf32>
          %get3A_641 = arith.index_cast %add3A_625 : i32 to index
          %get3A_642 = arith.constant 48 : index
          %get3A_643 = tpu.vector_load %arg8[%get3A_641, %get3A_642] {strides = array<i32>} : memref<80x128xf32, #tpu.memory_space<vmem>>, vector<1x16xf32>,
          %get3A_644 = vector.shape_cast %get3A_643 : vector<1x16xf32> to vector<16xf32>
          %add3A_645 = arith.addf %scan3A_521, %get3A_644 : vector<16xf32>
          %get3A_646 = arith.index_cast %add3A_625 : i32 to index
          %get3A_647 = arith.constant 64 : index
          %get3A_648 = tpu.vector_load %arg8[%get3A_646, %get3A_647] {strides = array<i32>} : memref<80x128xf32, #tpu.memory_space<vmem>>, vector<1x16xf32>,
          %get3A_649 = vector.shape_cast %get3A_648 : vector<1x16xf32> to vector<16xf32>
          %add3A_650 = arith.addf %scan3A_522, %get3A_649 : vector<16xf32>
          %get3A_651 = arith.index_cast %add3A_625 : i32 to index
          %get3A_652 = arith.constant 80 : index
          %get3A_653 = tpu.vector_load %arg8[%get3A_651, %get3A_652] {strides = array<i32>} : memref<80x128xf32, #tpu.memory_space<vmem>>, vector<1x16xf32>,
          %get3A_654 = vector.shape_cast %get3A_653 : vector<1x16xf32> to vector<16xf32>
          %add3A_655 = arith.addf %scan3A_523, %get3A_654 : vector<16xf32>
          %get3A_656 = arith.index_cast %add3A_625 : i32 to index
          %get3A_657 = arith.constant 96 : index
          %get3A_658 = tpu.vector_load %arg8[%get3A_656, %get3A_657] {strides = array<i32>} : memref<80x128xf32, #tpu.memory_space<vmem>>, vector<1x16xf32>,
          %get3A_659 = vector.shape_cast %get3A_658 : vector<1x16xf32> to vector<16xf32>
          %add3A_660 = arith.addf %scan3A_524, %get3A_659 : vector<16xf32>
          %get3A_661 = arith.index_cast %add3A_625 : i32 to index
          %get3A_662 = arith.constant 112 : index
          %get3A_663 = tpu.vector_load %arg8[%get3A_661, %get3A_662] {strides = array<i32>} : memref<80x128xf32, #tpu.memory_space<vmem>>, vector<1x16xf32>,
          %get3A_664 = vector.shape_cast %get3A_663 : vector<1x16xf32> to vector<16xf32>
          %add3A_665 = arith.addf %scan3A_525, %get3A_664 : vector<16xf32>
          %mul3A_666 = arith.constant 4 : i32
          %mul3A_667 = arith.muli %scan3A_501, %mul3A_666 : i32
          %add3A_668 = arith.constant 3 : i32
          %add3A_669 = arith.addi %mul3A_667, %add3A_668 : i32
          %get3A_670 = arith.index_cast %add3A_669 : i32 to index
          %get3A_671 = arith.constant 0 : index
          %get3A_672 = tpu.vector_load %arg8[%get3A_670, %get3A_671] {strides = array<i32>} : memref<80x128xf32, #tpu.memory_space<vmem>>, vector<1x16xf32>,
          %get3A_673 = vector.shape_cast %get3A_672 : vector<1x16xf32> to vector<16xf32>
          %add3A_674 = arith.addf %scan3A_526, %get3A_673 : vector<16xf32>
          %get3A_675 = arith.index_cast %add3A_669 : i32 to index
          %get3A_676 = arith.constant 16 : index
          %get3A_677 = tpu.vector_load %arg8[%get3A_675, %get3A_676] {strides = array<i32>} : memref<80x128xf32, #tpu.memory_space<vmem>>, vector<1x16xf32>,
          %get3A_678 = vector.shape_cast %get3A_677 : vector<1x16xf32> to vector<16xf32>
          %add3A_679 = arith.addf %scan3A_527, %get3A_678 : vector<16xf32>
          %get3A_680 = arith.index_cast %add3A_669 : i32 to index
          %get3A_681 = arith.constant 32 : index
          %get3A_682 = tpu.vector_load %arg8[%get3A_680, %get3A_681] {strides = array<i32>} : memref<80x128xf32, #tpu.memory_space<vmem>>, vector<1x16xf32>,
          %get3A_683 = vector.shape_cast %get3A_682 : vector<1x16xf32> to vector<16xf32>
          %add3A_684 = arith.addf %scan3A_528, %get3A_683 : vector<16xf32>
          %get3A_685 = arith.index_cast %add3A_669 : i32 to index
          %get3A_686 = arith.constant 48 : index
          %get3A_687 = tpu.vector_load %arg8[%get3A_685, %get3A_686] {strides = array<i32>} : memref<80x128xf32, #tpu.memory_space<vmem>>, vector<1x16xf32>,
          %get3A_688 = vector.shape_cast %get3A_687 : vector<1x16xf32> to vector<16xf32>
          %add3A_689 = arith.addf %scan3A_529, %get3A_688 : vector<16xf32>
          %get3A_690 = arith.index_cast %add3A_669 : i32 to index
          %get3A_691 = arith.constant 64 : index
          %get3A_692 = tpu.vector_load %arg8[%get3A_690, %get3A_691] {strides = array<i32>} : memref<80x128xf32, #tpu.memory_space<vmem>>, vector<1x16xf32>,
          %get3A_693 = vector.shape_cast %get3A_692 : vector<1x16xf32> to vector<16xf32>
          %add3A_694 = arith.addf %scan3A_530, %get3A_693 : vector<16xf32>
          %get3A_695 = arith.index_cast %add3A_669 : i32 to index
          %get3A_696 = arith.constant 80 : index
          %get3A_697 = tpu.vector_load %arg8[%get3A_695, %get3A_696] {strides = array<i32>} : memref<80x128xf32, #tpu.memory_space<vmem>>, vector<1x16xf32>,
          %get3A_698 = vector.shape_cast %get3A_697 : vector<1x16xf32> to vector<16xf32>
          %add3A_699 = arith.addf %scan3A_531, %get3A_698 : vector<16xf32>
          %get3A_700 = arith.index_cast %add3A_669 : i32 to index
          %get3A_701 = arith.constant 96 : index
          %get3A_702 = tpu.vector_load %arg8[%get3A_700, %get3A_701] {strides = array<i32>} : memref<80x128xf32, #tpu.memory_space<vmem>>, vector<1x16xf32>,
          %get3A_703 = vector.shape_cast %get3A_702 : vector<1x16xf32> to vector<16xf32>
          %add3A_704 = arith.addf %scan3A_532, %get3A_703 : vector<16xf32>
          %get3A_705 = arith.index_cast %add3A_669 : i32 to index
          %get3A_706 = arith.constant 112 : index
          %get3A_707 = tpu.vector_load %arg8[%get3A_705, %get3A_706] {strides = array<i32>} : memref<80x128xf32, #tpu.memory_space<vmem>>, vector<1x16xf32>,
          %get3A_708 = vector.shape_cast %get3A_707 : vector<1x16xf32> to vector<16xf32>
          %add3A_709 = arith.addf %scan3A_533, %get3A_708 : vector<16xf32>
          scf.yield %add3A_542, %add3A_547, %add3A_552, %add3A_557, %add3A_562, %add3A_567, %add3A_572, %add3A_577, %add3A_586, %add3A_591, %add3A_596, %add3A_601, %add3A_606, %add3A_611, %add3A_616, %add3A_621, %add3A_630, %add3A_635, %add3A_640, %add3A_645, %add3A_650, %add3A_655, %add3A_660, %add3A_665, %add3A_674, %add3A_679, %add3A_684, %add3A_689, %add3A_694, %add3A_699, %add3A_704, %add3A_709 : vector<16xf32>, vector<16xf32>, vector<16xf32>, vector<16xf32>, vector<16xf32>, vector<16xf32>, vector<16xf32>, vector<16xf32>, vector<16xf32>, vector<16xf32>, vector<16xf32>, vector<16xf32>, vector<16xf32>, vector<16xf32>, vector<16xf32>, vector<16xf32>, vector<16xf32>, vector<16xf32>, vector<16xf32>, vector<16xf32>, vector<16xf32>, vector<16xf32>, vector<16xf32>, vector<16xf32>, vector<16xf32>, vector<16xf32>, vector<16xf32>, vector<16xf32>, vector<16xf32>, vector<16xf32>, vector<16xf32>, vector<16xf32>
        }
        %scan3A_303 = arith.constant 20 : i32
        %swap3A = arith.constant 0 : i32
        %swap3A_304 = arith.index_cast %swap3A : i32 to index
        %swap3A_305 = arith.constant 0 : index
        %swap3A_306 = tpu.vector_load %arg13[%swap3A_304, %swap3A_305] {strides = array<i32>} : memref<16x128xf32, #tpu.memory_space<vmem>>, vector<1x16xf32>,
        %swap3A_307 = vector.shape_cast %swap3A_306 : vector<1x16xf32> to vector<16xf32>
        %swap3A_308 = vector.shape_cast %scan3A_302#0 : vector<16xf32> to vector<1x16xf32>
        tpu.vector_store %arg13[%swap3A_304, %swap3A_305], %swap3A_308 {strides = array<i32>} : memref<16x128xf32, #tpu.memory_space<vmem>>, vector<1x16xf32>,
        %swap3A_309 = arith.constant 0 : i32
        %swap3A_310 = arith.index_cast %swap3A_309 : i32 to index
        %swap3A_311 = arith.constant 16 : index
        %swap3A_312 = tpu.vector_load %arg13[%swap3A_310, %swap3A_311] {strides = array<i32>} : memref<16x128xf32, #tpu.memory_space<vmem>>, vector<1x16xf32>,
        %swap3A_313 = vector.shape_cast %swap3A_312 : vector<1x16xf32> to vector<16xf32>
        %swap3A_314 = vector.shape_cast %scan3A_302#1 : vector<16xf32> to vector<1x16xf32>
        tpu.vector_store %arg13[%swap3A_310, %swap3A_311], %swap3A_314 {strides = array<i32>} : memref<16x128xf32, #tpu.memory_space<vmem>>, vector<1x16xf32>,
        %swap3A_315 = arith.constant 0 : i32
        %swap3A_316 = arith.index_cast %swap3A_315 : i32 to index
        %swap3A_317 = arith.constant 32 : index
        %swap3A_318 = tpu.vector_load %arg13[%swap3A_316, %swap3A_317] {strides = array<i32>} : memref<16x128xf32, #tpu.memory_space<vmem>>, vector<1x16xf32>,
        %swap3A_319 = vector.shape_cast %swap3A_318 : vector<1x16xf32> to vector<16xf32>
        %swap3A_320 = vector.shape_cast %scan3A_302#2 : vector<16xf32> to vector<1x16xf32>
        tpu.vector_store %arg13[%swap3A_316, %swap3A_317], %swap3A_320 {strides = array<i32>} : memref<16x128xf32, #tpu.memory_space<vmem>>, vector<1x16xf32>,
        %swap3A_321 = arith.constant 0 : i32
        %swap3A_322 = arith.index_cast %swap3A_321 : i32 to index
        %swap3A_323 = arith.constant 48 : index
        %swap3A_324 = tpu.vector_load %arg13[%swap3A_322, %swap3A_323] {strides = array<i32>} : memref<16x128xf32, #tpu.memory_space<vmem>>, vector<1x16xf32>,
        %swap3A_325 = vector.shape_cast %swap3A_324 : vector<1x16xf32> to vector<16xf32>
        %swap3A_326 = vector.shape_cast %scan3A_302#3 : vector<16xf32> to vector<1x16xf32>
        tpu.vector_store %arg13[%swap3A_322, %swap3A_323], %swap3A_326 {strides = array<i32>} : memref<16x128xf32, #tpu.memory_space<vmem>>, vector<1x16xf32>,
        %swap3A_327 = arith.constant 0 : i32
        %swap3A_328 = arith.index_cast %swap3A_327 : i32 to index
        %swap3A_329 = arith.constant 64 : index
        %swap3A_330 = tpu.vector_load %arg13[%swap3A_328, %swap3A_329] {strides = array<i32>} : memref<16x128xf32, #tpu.memory_space<vmem>>, vector<1x16xf32>,
        %swap3A_331 = vector.shape_cast %swap3A_330 : vector<1x16xf32> to vector<16xf32>
        %swap3A_332 = vector.shape_cast %scan3A_302#4 : vector<16xf32> to vector<1x16xf32>
        tpu.vector_store %arg13[%swap3A_328, %swap3A_329], %swap3A_332 {strides = array<i32>} : memref<16x128xf32, #tpu.memory_space<vmem>>, vector<1x16xf32>,
        %swap3A_333 = arith.constant 0 : i32
        %swap3A_334 = arith.index_cast %swap3A_333 : i32 to index
        %swap3A_335 = arith.constant 80 : index
        %swap3A_336 = tpu.vector_load %arg13[%swap3A_334, %swap3A_335] {strides = array<i32>} : memref<16x128xf32, #tpu.memory_space<vmem>>, vector<1x16xf32>,
        %swap3A_337 = vector.shape_cast %swap3A_336 : vector<1x16xf32> to vector<16xf32>
        %swap3A_338 = vector.shape_cast %scan3A_302#5 : vector<16xf32> to vector<1x16xf32>
        tpu.vector_store %arg13[%swap3A_334, %swap3A_335], %swap3A_338 {strides = array<i32>} : memref<16x128xf32, #tpu.memory_space<vmem>>, vector<1x16xf32>,
        %swap3A_339 = arith.constant 0 : i32
        %swap3A_340 = arith.index_cast %swap3A_339 : i32 to index
        %swap3A_341 = arith.constant 96 : index
        %swap3A_342 = tpu.vector_load %arg13[%swap3A_340, %swap3A_341] {strides = array<i32>} : memref<16x128xf32, #tpu.memory_space<vmem>>, vector<1x16xf32>,
        %swap3A_343 = vector.shape_cast %swap3A_342 : vector<1x16xf32> to vector<16xf32>
        %swap3A_344 = vector.shape_cast %scan3A_302#6 : vector<16xf32> to vector<1x16xf32>
        tpu.vector_store %arg13[%swap3A_340, %swap3A_341], %swap3A_344 {strides = array<i32>} : memref<16x128xf32, #tpu.memory_space<vmem>>, vector<1x16xf32>,
        %swap3A_345 = arith.constant 0 : i32
        %swap3A_346 = arith.index_cast %swap3A_345 : i32 to index
        %swap3A_347 = arith.constant 112 : index
        %swap3A_348 = tpu.vector_load %arg13[%swap3A_346, %swap3A_347] {strides = array<i32>} : memref<16x128xf32, #tpu.memory_space<vmem>>, vector<1x16xf32>,
        %swap3A_349 = vector.shape_cast %swap3A_348 : vector<1x16xf32> to vector<16xf32>
        %swap3A_350 = vector.shape_cast %scan3A_302#7 : vector<16xf32> to vector<1x16xf32>
        tpu.vector_store %arg13[%swap3A_346, %swap3A_347], %swap3A_350 {strides = array<i32>} : memref<16x128xf32, #tpu.memory_space<vmem>>, vector<1x16xf32>,
        %swap3A_351 = arith.constant 1 : i32
        %swap3A_352 = arith.index_cast %swap3A_351 : i32 to index
        %swap3A_353 = arith.constant 0 : index
        %swap3A_354 = tpu.vector_load %arg13[%swap3A_352, %swap3A_353] {strides = array<i32>} : memref<16x128xf32, #tpu.memory_space<vmem>>, vector<1x16xf32>,
        %swap3A_355 = vector.shape_cast %swap3A_354 : vector<1x16xf32> to vector<16xf32>
        %swap3A_356 = vector.shape_cast %scan3A_302#8 : vector<16xf32> to vector<1x16xf32>
        tpu.vector_store %arg13[%swap3A_352, %swap3A_353], %swap3A_356 {strides = array<i32>} : memref<16x128xf32, #tpu.memory_space<vmem>>, vector<1x16xf32>,
        %swap3A_357 = arith.constant 1 : i32
        %swap3A_358 = arith.index_cast %swap3A_357 : i32 to index
        %swap3A_359 = arith.constant 16 : index
        %swap3A_360 = tpu.vector_load %arg13[%swap3A_358, %swap3A_359] {strides = array<i32>} : memref<16x128xf32, #tpu.memory_space<vmem>>, vector<1x16xf32>,
        %swap3A_361 = vector.shape_cast %swap3A_360 : vector<1x16xf32> to vector<16xf32>
        %swap3A_362 = vector.shape_cast %scan3A_302#9 : vector<16xf32> to vector<1x16xf32>
        tpu.vector_store %arg13[%swap3A_358, %swap3A_359], %swap3A_362 {strides = array<i32>} : memref<16x128xf32, #tpu.memory_space<vmem>>, vector<1x16xf32>,
        %swap3A_363 = arith.constant 1 : i32
        %swap3A_364 = arith.index_cast %swap3A_363 : i32 to index
        %swap3A_365 = arith.constant 32 : index
        %swap3A_366 = tpu.vector_load %arg13[%swap3A_364, %swap3A_365] {strides = array<i32>} : memref<16x128xf32, #tpu.memory_space<vmem>>, vector<1x16xf32>,
        %swap3A_367 = vector.shape_cast %swap3A_366 : vector<1x16xf32> to vector<16xf32>
        %swap3A_368 = vector.shape_cast %scan3A_302#10 : vector<16xf32> to vector<1x16xf32>
        tpu.vector_store %arg13[%swap3A_364, %swap3A_365], %swap3A_368 {strides = array<i32>} : memref<16x128xf32, #tpu.memory_space<vmem>>, vector<1x16xf32>,
        %swap3A_369 = arith.constant 1 : i32
        %swap3A_370 = arith.index_cast %swap3A_369 : i32 to index
        %swap3A_371 = arith.constant 48 : index
        %swap3A_372 = tpu.vector_load %arg13[%swap3A_370, %swap3A_371] {strides = array<i32>} : memref<16x128xf32, #tpu.memory_space<vmem>>, vector<1x16xf32>,
        %swap3A_373 = vector.shape_cast %swap3A_372 : vector<1x16xf32> to vector<16xf32>
        %swap3A_374 = vector.shape_cast %scan3A_302#11 : vector<16xf32> to vector<1x16xf32>
        tpu.vector_store %arg13[%swap3A_370, %swap3A_371], %swap3A_374 {strides = array<i32>} : memref<16x128xf32, #tpu.memory_space<vmem>>, vector<1x16xf32>,
        %swap3A_375 = arith.constant 1 : i32
        %swap3A_376 = arith.index_cast %swap3A_375 : i32 to index
        %swap3A_377 = arith.constant 64 : index
        %swap3A_378 = tpu.vector_load %arg13[%swap3A_376, %swap3A_377] {strides = array<i32>} : memref<16x128xf32, #tpu.memory_space<vmem>>, vector<1x16xf32>,
        %swap3A_379 = vector.shape_cast %swap3A_378 : vector<1x16xf32> to vector<16xf32>
        %swap3A_380 = vector.shape_cast %scan3A_302#12 : vector<16xf32> to vector<1x16xf32>
        tpu.vector_store %arg13[%swap3A_376, %swap3A_377], %swap3A_380 {strides = array<i32>} : memref<16x128xf32, #tpu.memory_space<vmem>>, vector<1x16xf32>,
        %swap3A_381 = arith.constant 1 : i32
        %swap3A_382 = arith.index_cast %swap3A_381 : i32 to index
        %swap3A_383 = arith.constant 80 : index
        %swap3A_384 = tpu.vector_load %arg13[%swap3A_382, %swap3A_383] {strides = array<i32>} : memref<16x128xf32, #tpu.memory_space<vmem>>, vector<1x16xf32>,
        %swap3A_385 = vector.shape_cast %swap3A_384 : vector<1x16xf32> to vector<16xf32>
        %swap3A_386 = vector.shape_cast %scan3A_302#13 : vector<16xf32> to vector<1x16xf32>
        tpu.vector_store %arg13[%swap3A_382, %swap3A_383], %swap3A_386 {strides = array<i32>} : memref<16x128xf32, #tpu.memory_space<vmem>>, vector<1x16xf32>,
        %swap3A_387 = arith.constant 1 : i32
        %swap3A_388 = arith.index_cast %swap3A_387 : i32 to index
        %swap3A_389 = arith.constant 96 : index
        %swap3A_390 = tpu.vector_load %arg13[%swap3A_388, %swap3A_389] {strides = array<i32>} : memref<16x128xf32, #tpu.memory_space<vmem>>, vector<1x16xf32>,
        %swap3A_391 = vector.shape_cast %swap3A_390 : vector<1x16xf32> to vector<16xf32>
        %swap3A_392 = vector.shape_cast %scan3A_302#14 : vector<16xf32> to vector<1x16xf32>
        tpu.vector_store %arg13[%swap3A_388, %swap3A_389], %swap3A_392 {strides = array<i32>} : memref<16x128xf32, #tpu.memory_space<vmem>>, vector<1x16xf32>,
        %swap3A_393 = arith.constant 1 : i32
        %swap3A_394 = arith.index_cast %swap3A_393 : i32 to index
        %swap3A_395 = arith.constant 112 : index
        %swap3A_396 = tpu.vector_load %arg13[%swap3A_394, %swap3A_395] {strides = array<i32>} : memref<16x128xf32, #tpu.memory_space<vmem>>, vector<1x16xf32>,
        %swap3A_397 = vector.shape_cast %swap3A_396 : vector<1x16xf32> to vector<16xf32>
        %swap3A_398 = vector.shape_cast %scan3A_302#15 : vector<16xf32> to vector<1x16xf32>
        tpu.vector_store %arg13[%swap3A_394, %swap3A_395], %swap3A_398 {strides = array<i32>} : memref<16x128xf32, #tpu.memory_space<vmem>>, vector<1x16xf32>,
        %swap3A_399 = arith.constant 2 : i32
        %swap3A_400 = arith.index_cast %swap3A_399 : i32 to index
        %swap3A_401 = arith.constant 0 : index
        %swap3A_402 = tpu.vector_load %arg13[%swap3A_400, %swap3A_401] {strides = array<i32>} : memref<16x128xf32, #tpu.memory_space<vmem>>, vector<1x16xf32>,
        %swap3A_403 = vector.shape_cast %swap3A_402 : vector<1x16xf32> to vector<16xf32>
        %swap3A_404 = vector.shape_cast %scan3A_302#16 : vector<16xf32> to vector<1x16xf32>
        tpu.vector_store %arg13[%swap3A_400, %swap3A_401], %swap3A_404 {strides = array<i32>} : memref<16x128xf32, #tpu.memory_space<vmem>>, vector<1x16xf32>,
        %swap3A_405 = arith.constant 2 : i32
        %swap3A_406 = arith.index_cast %swap3A_405 : i32 to index
        %swap3A_407 = arith.constant 16 : index
        %swap3A_408 = tpu.vector_load %arg13[%swap3A_406, %swap3A_407] {strides = array<i32>} : memref<16x128xf32, #tpu.memory_space<vmem>>, vector<1x16xf32>,
        %swap3A_409 = vector.shape_cast %swap3A_408 : vector<1x16xf32> to vector<16xf32>
        %swap3A_410 = vector.shape_cast %scan3A_302#17 : vector<16xf32> to vector<1x16xf32>
        tpu.vector_store %arg13[%swap3A_406, %swap3A_407], %swap3A_410 {strides = array<i32>} : memref<16x128xf32, #tpu.memory_space<vmem>>, vector<1x16xf32>,
        %swap3A_411 = arith.constant 2 : i32
        %swap3A_412 = arith.index_cast %swap3A_411 : i32 to index
        %swap3A_413 = arith.constant 32 : index
        %swap3A_414 = tpu.vector_load %arg13[%swap3A_412, %swap3A_413] {strides = array<i32>} : memref<16x128xf32, #tpu.memory_space<vmem>>, vector<1x16xf32>,
        %swap3A_415 = vector.shape_cast %swap3A_414 : vector<1x16xf32> to vector<16xf32>
        %swap3A_416 = vector.shape_cast %scan3A_302#18 : vector<16xf32> to vector<1x16xf32>
        tpu.vector_store %arg13[%swap3A_412, %swap3A_413], %swap3A_416 {strides = array<i32>} : memref<16x128xf32, #tpu.memory_space<vmem>>, vector<1x16xf32>,
        %swap3A_417 = arith.constant 2 : i32
        %swap3A_418 = arith.index_cast %swap3A_417 : i32 to index
        %swap3A_419 = arith.constant 48 : index
        %swap3A_420 = tpu.vector_load %arg13[%swap3A_418, %swap3A_419] {strides = array<i32>} : memref<16x128xf32, #tpu.memory_space<vmem>>, vector<1x16xf32>,
        %swap3A_421 = vector.shape_cast %swap3A_420 : vector<1x16xf32> to vector<16xf32>
        %swap3A_422 = vector.shape_cast %scan3A_302#19 : vector<16xf32> to vector<1x16xf32>
        tpu.vector_store %arg13[%swap3A_418, %swap3A_419], %swap3A_422 {strides = array<i32>} : memref<16x128xf32, #tpu.memory_space<vmem>>, vector<1x16xf32>,
        %swap3A_423 = arith.constant 2 : i32
        %swap3A_424 = arith.index_cast %swap3A_423 : i32 to index
        %swap3A_425 = arith.constant 64 : index
        %swap3A_426 = tpu.vector_load %arg13[%swap3A_424, %swap3A_425] {strides = array<i32>} : memref<16x128xf32, #tpu.memory_space<vmem>>, vector<1x16xf32>,
        %swap3A_427 = vector.shape_cast %swap3A_426 : vector<1x16xf32> to vector<16xf32>
        %swap3A_428 = vector.shape_cast %scan3A_302#20 : vector<16xf32> to vector<1x16xf32>
        tpu.vector_store %arg13[%swap3A_424, %swap3A_425], %swap3A_428 {strides = array<i32>} : memref<16x128xf32, #tpu.memory_space<vmem>>, vector<1x16xf32>,
        %swap3A_429 = arith.constant 2 : i32
        %swap3A_430 = arith.index_cast %swap3A_429 : i32 to index
        %swap3A_431 = arith.constant 80 : index
        %swap3A_432 = tpu.vector_load %arg13[%swap3A_430, %swap3A_431] {strides = array<i32>} : memref<16x128xf32, #tpu.memory_space<vmem>>, vector<1x16xf32>,
        %swap3A_433 = vector.shape_cast %swap3A_432 : vector<1x16xf32> to vector<16xf32>
        %swap3A_434 = vector.shape_cast %scan3A_302#21 : vector<16xf32> to vector<1x16xf32>
        tpu.vector_store %arg13[%swap3A_430, %swap3A_431], %swap3A_434 {strides = array<i32>} : memref<16x128xf32, #tpu.memory_space<vmem>>, vector<1x16xf32>,
        %swap3A_435 = arith.constant 2 : i32
        %swap3A_436 = arith.index_cast %swap3A_435 : i32 to index
        %swap3A_437 = arith.constant 96 : index
        %swap3A_438 = tpu.vector_load %arg13[%swap3A_436, %swap3A_437] {strides = array<i32>} : memref<16x128xf32, #tpu.memory_space<vmem>>, vector<1x16xf32>,
        %swap3A_439 = vector.shape_cast %swap3A_438 : vector<1x16xf32> to vector<16xf32>
        %swap3A_440 = vector.shape_cast %scan3A_302#22 : vector<16xf32> to vector<1x16xf32>
        tpu.vector_store %arg13[%swap3A_436, %swap3A_437], %swap3A_440 {strides = array<i32>} : memref<16x128xf32, #tpu.memory_space<vmem>>, vector<1x16xf32>,
        %swap3A_441 = arith.constant 2 : i32
        %swap3A_442 = arith.index_cast %swap3A_441 : i32 to index
        %swap3A_443 = arith.constant 112 : index
        %swap3A_444 = tpu.vector_load %arg13[%swap3A_442, %swap3A_443] {strides = array<i32>} : memref<16x128xf32, #tpu.memory_space<vmem>>, vector<1x16xf32>,
        %swap3A_445 = vector.shape_cast %swap3A_444 : vector<1x16xf32> to vector<16xf32>
        %swap3A_446 = vector.shape_cast %scan3A_302#23 : vector<16xf32> to vector<1x16xf32>
        tpu.vector_store %arg13[%swap3A_442, %swap3A_443], %swap3A_446 {strides = array<i32>} : memref<16x128xf32, #tpu.memory_space<vmem>>, vector<1x16xf32>,
        %swap3A_447 = arith.constant 3 : i32
        %swap3A_448 = arith.index_cast %swap3A_447 : i32 to index
        %swap3A_449 = arith.constant 0 : index
        %swap3A_450 = tpu.vector_load %arg13[%swap3A_448, %swap3A_449] {strides = array<i32>} : memref<16x128xf32, #tpu.memory_space<vmem>>, vector<1x16xf32>,
        %swap3A_451 = vector.shape_cast %swap3A_450 : vector<1x16xf32> to vector<16xf32>
        %swap3A_452 = vector.shape_cast %scan3A_302#24 : vector<16xf32> to vector<1x16xf32>
        tpu.vector_store %arg13[%swap3A_448, %swap3A_449], %swap3A_452 {strides = array<i32>} : memref<16x128xf32, #tpu.memory_space<vmem>>, vector<1x16xf32>,
        %swap3A_453 = arith.constant 3 : i32
        %swap3A_454 = arith.index_cast %swap3A_453 : i32 to index
        %swap3A_455 = arith.constant 16 : index
        %swap3A_456 = tpu.vector_load %arg13[%swap3A_454, %swap3A_455] {strides = array<i32>} : memref<16x128xf32, #tpu.memory_space<vmem>>, vector<1x16xf32>,
        %swap3A_457 = vector.shape_cast %swap3A_456 : vector<1x16xf32> to vector<16xf32>
        %swap3A_458 = vector.shape_cast %scan3A_302#25 : vector<16xf32> to vector<1x16xf32>
        tpu.vector_store %arg13[%swap3A_454, %swap3A_455], %swap3A_458 {strides = array<i32>} : memref<16x128xf32, #tpu.memory_space<vmem>>, vector<1x16xf32>,
        %swap3A_459 = arith.constant 3 : i32
        %swap3A_460 = arith.index_cast %swap3A_459 : i32 to index
        %swap3A_461 = arith.constant 32 : index
        %swap3A_462 = tpu.vector_load %arg13[%swap3A_460, %swap3A_461] {strides = array<i32>} : memref<16x128xf32, #tpu.memory_space<vmem>>, vector<1x16xf32>,
        %swap3A_463 = vector.shape_cast %swap3A_462 : vector<1x16xf32> to vector<16xf32>
        %swap3A_464 = vector.shape_cast %scan3A_302#26 : vector<16xf32> to vector<1x16xf32>
        tpu.vector_store %arg13[%swap3A_460, %swap3A_461], %swap3A_464 {strides = array<i32>} : memref<16x128xf32, #tpu.memory_space<vmem>>, vector<1x16xf32>,
        %swap3A_465 = arith.constant 3 : i32
        %swap3A_466 = arith.index_cast %swap3A_465 : i32 to index
        %swap3A_467 = arith.constant 48 : index
        %swap3A_468 = tpu.vector_load %arg13[%swap3A_466, %swap3A_467] {strides = array<i32>} : memref<16x128xf32, #tpu.memory_space<vmem>>, vector<1x16xf32>,
        %swap3A_469 = vector.shape_cast %swap3A_468 : vector<1x16xf32> to vector<16xf32>
        %swap3A_470 = vector.shape_cast %scan3A_302#27 : vector<16xf32> to vector<1x16xf32>
        tpu.vector_store %arg13[%swap3A_466, %swap3A_467], %swap3A_470 {strides = array<i32>} : memref<16x128xf32, #tpu.memory_space<vmem>>, vector<1x16xf32>,
        %swap3A_471 = arith.constant 3 : i32
        %swap3A_472 = arith.index_cast %swap3A_471 : i32 to index
        %swap3A_473 = arith.constant 64 : index
        %swap3A_474 = tpu.vector_load %arg13[%swap3A_472, %swap3A_473] {strides = array<i32>} : memref<16x128xf32, #tpu.memory_space<vmem>>, vector<1x16xf32>,
        %swap3A_475 = vector.shape_cast %swap3A_474 : vector<1x16xf32> to vector<16xf32>
        %swap3A_476 = vector.shape_cast %scan3A_302#28 : vector<16xf32> to vector<1x16xf32>
        tpu.vector_store %arg13[%swap3A_472, %swap3A_473], %swap3A_476 {strides = array<i32>} : memref<16x128xf32, #tpu.memory_space<vmem>>, vector<1x16xf32>,
        %swap3A_477 = arith.constant 3 : i32
        %swap3A_478 = arith.index_cast %swap3A_477 : i32 to index
        %swap3A_479 = arith.constant 80 : index
        %swap3A_480 = tpu.vector_load %arg13[%swap3A_478, %swap3A_479] {strides = array<i32>} : memref<16x128xf32, #tpu.memory_space<vmem>>, vector<1x16xf32>,
        %swap3A_481 = vector.shape_cast %swap3A_480 : vector<1x16xf32> to vector<16xf32>
        %swap3A_482 = vector.shape_cast %scan3A_302#29 : vector<16xf32> to vector<1x16xf32>
        tpu.vector_store %arg13[%swap3A_478, %swap3A_479], %swap3A_482 {strides = array<i32>} : memref<16x128xf32, #tpu.memory_space<vmem>>, vector<1x16xf32>,
        %swap3A_483 = arith.constant 3 : i32
        %swap3A_484 = arith.index_cast %swap3A_483 : i32 to index
        %swap3A_485 = arith.constant 96 : index
        %swap3A_486 = tpu.vector_load %arg13[%swap3A_484, %swap3A_485] {strides = array<i32>} : memref<16x128xf32, #tpu.memory_space<vmem>>, vector<1x16xf32>,
        %swap3A_487 = vector.shape_cast %swap3A_486 : vector<1x16xf32> to vector<16xf32>
        %swap3A_488 = vector.shape_cast %scan3A_302#30 : vector<16xf32> to vector<1x16xf32>
        tpu.vector_store %arg13[%swap3A_484, %swap3A_485], %swap3A_488 {strides = array<i32>} : memref<16x128xf32, #tpu.memory_space<vmem>>, vector<1x16xf32>,
        %swap3A_489 = arith.constant 3 : i32
        %swap3A_490 = arith.index_cast %swap3A_489 : i32 to index
        %swap3A_491 = arith.constant 112 : index
        %swap3A_492 = tpu.vector_load %arg13[%swap3A_490, %swap3A_491] {strides = array<i32>} : memref<16x128xf32, #tpu.memory_space<vmem>>, vector<1x16xf32>,
        %swap3A_493 = vector.shape_cast %swap3A_492 : vector<1x16xf32> to vector<16xf32>
        %swap3A_494 = vector.shape_cast %scan3A_302#31 : vector<16xf32> to vector<1x16xf32>
        tpu.vector_store %arg13[%swap3A_490, %swap3A_491], %swap3A_494 {strides = array<i32>} : memref<16x128xf32, #tpu.memory_space<vmem>>, vector<1x16xf32>,
        %dma_start3A_495 = arith.constant 0 : i32
        %dma_start3A_496 = tpu.memref_slice %arg16[%add3A_224, %dma_start3A_495] : memref<125x16xi32, #tpu.memory_space<vmem>> -> memref<1x16xi32, #tpu.memory_space<vmem>>
        %dma_start3A_497 = tpu.memref_squeeze %dma_start3A_496 : memref<1x16xi32, #tpu.memory_space<vmem>> -> memref<16xi32, #tpu.memory_space<vmem>>
        %dma_start3A_498 = arith.constant 0 : i32
        %dma_start3A_499 = arith.constant 0 : i32
        %dma_start3A_500 = tpu.memref_slice %arg19[%dma_start3A_498, %dma_start3A_499] : memref<1024x128xf32, #tpu.memory_space<vmem_shared>> -> memref<1024x128xf32, #tpu.memory_space<vmem_shared>>
        tpu.enqueue_indirect_dma source(%arg13 : memref<16x128xf32, #tpu.memory_space<vmem>>) target(%dma_start3A_500 : memref<1024x128xf32, #tpu.memory_space<vmem_shared>>) offsets(%dma_start3A_497 : memref<16xi32, #tpu.memory_space<vmem>>) semaphore(%arg28 : memref<!tpu.dma_semaphore, #tpu.memory_space<semaphore_mem>>) {add = true}
      } else {
      }
      %not3A_240 = arith.constant true
      %not3A_241 = arith.xori %eq3A_236, %not3A_240 : i1
      %convert_element_type3A_242 = arith.extui %not3A_241 : i1 to i32
      %cond3A_243 = arith.constant 0 : i32
      %cond3A_244 = arith.cmpi ne, %convert_element_type3A_242, %cond3A_243 : i32
      scf.if %cond3A_244 {
        %dma_start3A_298 = arith.constant 0 : i32
        %dma_start3A_299 = tpu.memref_slice %arg15[%add3A_224, %dma_start3A_298] : memref<125x80xi32, #tpu.memory_space<vmem>> -> memref<1x80xi32, #tpu.memory_space<vmem>>
        %dma_start3A_300 = tpu.memref_squeeze %dma_start3A_299 : memref<1x80xi32, #tpu.memory_space<vmem>> -> memref<80xi32, #tpu.memory_space<vmem>>
        %dma_start3A_301 = arith.constant 0 : i32
        %dma_start3A_302 = arith.constant 0 : i32
        %dma_start3A_303 = tpu.memref_slice %arg19[%dma_start3A_301, %dma_start3A_302] : memref<1024x128xf32, #tpu.memory_space<vmem_shared>> -> memref<1024x128xf32, #tpu.memory_space<vmem_shared>>
        tpu.enqueue_indirect_dma source(%arg8 : memref<80x128xf32, #tpu.memory_space<vmem>>) target(%dma_start3A_303 : memref<1024x128xf32, #tpu.memory_space<vmem_shared>>) offsets(%dma_start3A_300 : memref<80xi32, #tpu.memory_space<vmem>>) semaphore(%arg28 : memref<!tpu.dma_semaphore, #tpu.memory_space<semaphore_mem>>) {add = true}
      } else {
      }
      %ge3A_245 = arith.constant 1 : i32
      %ge3A_246 = arith.cmpi sge, %add3A_224, %ge3A_245 : i32
      %convert_element_type3A_247 = arith.extui %ge3A_246 : i1 to i32
      %cond3A_248 = arith.constant 0 : i32
      %cond3A_249 = arith.cmpi ne, %convert_element_type3A_247, %cond3A_248 : i32
      scf.if %cond3A_249 {
        %sub3A_298 = arith.constant 1 : i32
        %sub3A_299 = arith.subi %add3A_224, %sub3A_298 : i32
        %get3A_300 = arith.index_cast %sub3A_299 : i32 to index
        %get3A_301 = memref.load %arg18[%get3A_300] : memref<125xi32, #tpu.memory_space<smem>>
        %eq3A_302 = arith.constant 1 : i32
        %eq3A_303 = arith.cmpi eq, %get3A_301, %eq3A_302 : i32
        %convert_element_type3A_304 = arith.extui %eq3A_303 : i1 to i32
        %cond3A_305 = arith.constant 0 : i32
        %cond3A_306 = arith.cmpi ne, %convert_element_type3A_304, %cond3A_305 : i32
        scf.if %cond3A_306 {
          %dma_wait3A_312 = arith.constant 0 : i32
          %dma_wait3A_313 = tpu.memref_slice %arg16[%sub3A_299, %dma_wait3A_312] : memref<125x16xi32, #tpu.memory_space<vmem>> -> memref<1x16xi32, #tpu.memory_space<vmem>>
          %dma_wait3A_314 = tpu.memref_squeeze %dma_wait3A_313 : memref<1x16xi32, #tpu.memory_space<vmem>> -> memref<16xi32, #tpu.memory_space<vmem>>
          %dma_wait3A_315 = arith.constant 0 : i32
          %dma_wait3A_316 = arith.constant 0 : i32
          %dma_wait3A_317 = tpu.memref_slice %arg19[%dma_wait3A_315, %dma_wait3A_316] : memref<1024x128xf32, #tpu.memory_space<vmem_shared>> -> memref<1024x128xf32, #tpu.memory_space<vmem_shared>>
          tpu.wait_indirect_dma semaphore(%arg27 : memref<!tpu.dma_semaphore, #tpu.memory_space<semaphore_mem>>) src(%arg12 : memref<16x128xf32, #tpu.memory_space<vmem>>) dst(%dma_wait3A_317 : memref<1024x128xf32, #tpu.memory_space<vmem_shared>>)
        } else {
        }
        %not3A_307 = arith.constant true
        %not3A_308 = arith.xori %eq3A_303, %not3A_307 : i1
        %convert_element_type3A_309 = arith.extui %not3A_308 : i1 to i32
        %cond3A_310 = arith.constant 0 : i32
        %cond3A_311 = arith.cmpi ne, %convert_element_type3A_309, %cond3A_310 : i32
        scf.if %cond3A_311 {
          %dma_wait3A_312 = arith.constant 0 : i32
          %dma_wait3A_313 = tpu.memref_slice %arg15[%sub3A_299, %dma_wait3A_312] : memref<125x80xi32, #tpu.memory_space<vmem>> -> memref<1x80xi32, #tpu.memory_space<vmem>>
          %dma_wait3A_314 = tpu.memref_squeeze %dma_wait3A_313 : memref<1x80xi32, #tpu.memory_space<vmem>> -> memref<80xi32, #tpu.memory_space<vmem>>
          %dma_wait3A_315 = arith.constant 0 : i32
          %dma_wait3A_316 = arith.constant 0 : i32
          %dma_wait3A_317 = tpu.memref_slice %arg19[%dma_wait3A_315, %dma_wait3A_316] : memref<1024x128xf32, #tpu.memory_space<vmem_shared>> -> memref<1024x128xf32, #tpu.memory_space<vmem_shared>>
          tpu.wait_indirect_dma semaphore(%arg27 : memref<!tpu.dma_semaphore, #tpu.memory_space<semaphore_mem>>) src(%arg7 : memref<80x128xf32, #tpu.memory_space<vmem>>) dst(%dma_wait3A_317 : memref<1024x128xf32, #tpu.memory_space<vmem_shared>>)
        } else {
        }
      } else {
      }
      %add3A_250 = arith.constant 5 : i32
      %add3A_251 = arith.addi %add3A_224, %add3A_250 : i32
      %sub3A_252 = arith.constant 1 : i32
      %sub3A_253 = arith.subi %add3A_251, %sub3A_252 : i32
      %lt3A_254 = arith.constant 125 : i32
      %lt3A_255 = arith.cmpi slt, %sub3A_253, %lt3A_254 : i32
      %convert_element_type3A_256 = arith.extui %lt3A_255 : i1 to i32
      %cond3A_257 = arith.constant 0 : i32
      %cond3A_258 = arith.cmpi ne, %convert_element_type3A_256, %cond3A_257 : i32
      scf.if %cond3A_258 {
        %add3A_298 = arith.constant 5 : i32
        %add3A_299 = arith.addi %add3A_224, %add3A_298 : i32
        %sub3A_300 = arith.constant 1 : i32
        %sub3A_301 = arith.subi %add3A_299, %sub3A_300 : i32
        %dma_start3A_302 = arith.constant 0 : i32
        %dma_start3A_303 = arith.constant 0 : i32
        %dma_start3A_304 = tpu.memref_slice %arg2[%add3A, %sub3A_301, %dma_start3A_302, %dma_start3A_303] : memref<32x125x80x128xf32, #tpu.memory_space<hbm>> -> memref<1x1x80x128xf32, #tpu.memory_space<hbm>>
        %dma_start3A_305 = tpu.memref_squeeze %dma_start3A_304 : memref<1x1x80x128xf32, #tpu.memory_space<hbm>> -> memref<80x128xf32, #tpu.memory_space<hbm>>
        %dma_start3A_306 = arith.constant 0 : i32
        %dma_start3A_307 = arith.constant 0 : i32
        %dma_start3A_308 = tpu.memref_slice %arg2[%add3A, %sub3A_301, %dma_start3A_306, %dma_start3A_307] : memref<32x125x80x128xf32, #tpu.memory_space<hbm>> -> memref<1x1x80x128xf32, #tpu.memory_space<hbm>>
        %dma_start3A_309 = tpu.memref_squeeze %dma_start3A_308 : memref<1x1x80x128xf32, #tpu.memory_space<hbm>> -> memref<80x128xf32, #tpu.memory_space<hbm>>
        tpu.enqueue_dma source(%dma_start3A_309 : memref<80x128xf32, #tpu.memory_space<hbm>>) target(%arg7 : memref<80x128xf32, #tpu.memory_space<vmem>>) target_semaphore(%arg22 : memref<!tpu.dma_semaphore, #tpu.memory_space<semaphore_mem>>)
      } else {
      }
      %mul3A_259 = arith.constant 5 : i32
      %mul3A_260 = arith.muli %mul3A_259, %scan3A_108 : i32
      %add3A_261 = arith.constant 4 : i32
      %add3A_262 = arith.addi %mul3A_260, %add3A_261 : i32
      %dma_wait3A_263 = arith.constant 0 : i32
      %dma_wait3A_264 = arith.constant 0 : i32
      %dma_wait3A_265 = tpu.memref_slice %arg2[%add3A, %add3A_262, %dma_wait3A_263, %dma_wait3A_264] : memref<32x125x80x128xf32, #tpu.memory_space<hbm>> -> memref<1x1x80x128xf32, #tpu.memory_space<hbm>>
      %dma_wait3A_266 = tpu.memref_squeeze %dma_wait3A_265 : memref<1x1x80x128xf32, #tpu.memory_space<hbm>> -> memref<80x128xf32, #tpu.memory_space<hbm>>
      %dma_wait3A_267 = arith.constant 0 : i32
      %dma_wait3A_268 = arith.constant 0 : i32
      %dma_wait3A_269 = tpu.memref_slice %arg2[%add3A, %add3A_262, %dma_wait3A_267, %dma_wait3A_268] : memref<32x125x80x128xf32, #tpu.memory_space<hbm>> -> memref<1x1x80x128xf32, #tpu.memory_space<hbm>>
      %dma_wait3A_270 = tpu.memref_squeeze %dma_wait3A_269 : memref<1x1x80x128xf32, #tpu.memory_space<hbm>> -> memref<80x128xf32, #tpu.memory_space<hbm>>
      tpu.wait_dma2 semaphore(%arg24 : memref<!tpu.dma_semaphore, #tpu.memory_space<semaphore_mem>>) src(%dma_wait3A_270 : memref<80x128xf32, #tpu.memory_space<hbm>>) dst(%arg9 : memref<80x128xf32, #tpu.memory_space<vmem>>)
      %get3A_271 = arith.index_cast %add3A_262 : i32 to index
      %get3A_272 = memref.load %arg18[%get3A_271] : memref<125xi32, #tpu.memory_space<smem>>
      %eq3A_273 = arith.constant 1 : i32
      %eq3A_274 = arith.cmpi eq, %get3A_272, %eq3A_273 : i32
      %convert_element_type3A_275 = arith.extui %eq3A_274 : i1 to i32
      %cond3A_276 = arith.constant 0 : i32
      %cond3A_277 = arith.cmpi ne, %convert_element_type3A_275, %cond3A_276 : i32
      scf.if %cond3A_277 {
        %scan3A_298 = arith.constant 0 : i32
        %scan3A_299 = arith.constant 20 : i32
        %scan3A_300 = arith.addi %scan3A_298, %scan3A_299 : i32
        %scan3A_301 = arith.constant 1 : i32
        %scan3A_302:32 = scf.for %scan3A_501 = %scan3A_298 to %scan3A_300 step %scan3A_301 iter_args(%scan3A_502 = %broadcast_in_dim3A_1, %scan3A_503 = %broadcast_in_dim3A_1, %scan3A_504 = %broadcast_in_dim3A_1, %scan3A_505 = %broadcast_in_dim3A_1, %scan3A_506 = %broadcast_in_dim3A_1, %scan3A_507 = %broadcast_in_dim3A_1, %scan3A_508 = %broadcast_in_dim3A_1, %scan3A_509 = %broadcast_in_dim3A_1, %scan3A_510 = %broadcast_in_dim3A_1, %scan3A_511 = %broadcast_in_dim3A_1, %scan3A_512 = %broadcast_in_dim3A_1, %scan3A_513 = %broadcast_in_dim3A_1, %scan3A_514 = %broadcast_in_dim3A_1, %scan3A_515 = %broadcast_in_dim3A_1, %scan3A_516 = %broadcast_in_dim3A_1, %scan3A_517 = %broadcast_in_dim3A_1, %scan3A_518 = %broadcast_in_dim3A_1, %scan3A_519 = %broadcast_in_dim3A_1, %scan3A_520 = %broadcast_in_dim3A_1, %scan3A_521 = %broadcast_in_dim3A_1, %scan3A_522 = %broadcast_in_dim3A_1, %scan3A_523 = %broadcast_in_dim3A_1, %scan3A_524 = %broadcast_in_dim3A_1, %scan3A_525 = %broadcast_in_dim3A_1, %scan3A_526 = %broadcast_in_dim3A_1, %scan3A_527 = %broadcast_in_dim3A_1, %scan3A_528 = %broadcast_in_dim3A_1, %scan3A_529 = %broadcast_in_dim3A_1, %scan3A_530 = %broadcast_in_dim3A_1, %scan3A_531 = %broadcast_in_dim3A_1, %scan3A_532 = %broadcast_in_dim3A_1, %scan3A_533 = %broadcast_in_dim3A_1) -> (vector<16xf32>, vector<16xf32>, vector<16xf32>, vector<16xf32>, vector<16xf32>, vector<16xf32>, vector<16xf32>, vector<16xf32>, vector<16xf32>, vector<16xf32>, vector<16xf32>, vector<16xf32>, vector<16xf32>, vector<16xf32>, vector<16xf32>, vector<16xf32>, vector<16xf32>, vector<16xf32>, vector<16xf32>, vector<16xf32>, vector<16xf32>, vector<16xf32>, vector<16xf32>, vector<16xf32>, vector<16xf32>, vector<16xf32>, vector<16xf32>, vector<16xf32>, vector<16xf32>, vector<16xf32>, vector<16xf32>, vector<16xf32>)  : i32 {
          %mul3A_534 = arith.constant 4 : i32
          %mul3A_535 = arith.muli %scan3A_501, %mul3A_534 : i32
          %add3A_536 = arith.constant 0 : i32
          %add3A_537 = arith.addi %mul3A_535, %add3A_536 : i32
          %get3A_538 = arith.index_cast %add3A_537 : i32 to index
          %get3A_539 = arith.constant 0 : index
          %get3A_540 = tpu.vector_load %arg9[%get3A_538, %get3A_539] {strides = array<i32>} : memref<80x128xf32, #tpu.memory_space<vmem>>, vector<1x16xf32>,
          %get3A_541 = vector.shape_cast %get3A_540 : vector<1x16xf32> to vector<16xf32>
          %add3A_542 = arith.addf %scan3A_502, %get3A_541 : vector<16xf32>
          %get3A_543 = arith.index_cast %add3A_537 : i32 to index
          %get3A_544 = arith.constant 16 : index
          %get3A_545 = tpu.vector_load %arg9[%get3A_543, %get3A_544] {strides = array<i32>} : memref<80x128xf32, #tpu.memory_space<vmem>>, vector<1x16xf32>,
          %get3A_546 = vector.shape_cast %get3A_545 : vector<1x16xf32> to vector<16xf32>
          %add3A_547 = arith.addf %scan3A_503, %get3A_546 : vector<16xf32>
          %get3A_548 = arith.index_cast %add3A_537 : i32 to index
          %get3A_549 = arith.constant 32 : index
          %get3A_550 = tpu.vector_load %arg9[%get3A_548, %get3A_549] {strides = array<i32>} : memref<80x128xf32, #tpu.memory_space<vmem>>, vector<1x16xf32>,
          %get3A_551 = vector.shape_cast %get3A_550 : vector<1x16xf32> to vector<16xf32>
          %add3A_552 = arith.addf %scan3A_504, %get3A_551 : vector<16xf32>
          %get3A_553 = arith.index_cast %add3A_537 : i32 to index
          %get3A_554 = arith.constant 48 : index
          %get3A_555 = tpu.vector_load %arg9[%get3A_553, %get3A_554] {strides = array<i32>} : memref<80x128xf32, #tpu.memory_space<vmem>>, vector<1x16xf32>,
          %get3A_556 = vector.shape_cast %get3A_555 : vector<1x16xf32> to vector<16xf32>
          %add3A_557 = arith.addf %scan3A_505, %get3A_556 : vector<16xf32>
          %get3A_558 = arith.index_cast %add3A_537 : i32 to index
          %get3A_559 = arith.constant 64 : index
          %get3A_560 = tpu.vector_load %arg9[%get3A_558, %get3A_559] {strides = array<i32>} : memref<80x128xf32, #tpu.memory_space<vmem>>, vector<1x16xf32>,
          %get3A_561 = vector.shape_cast %get3A_560 : vector<1x16xf32> to vector<16xf32>
          %add3A_562 = arith.addf %scan3A_506, %get3A_561 : vector<16xf32>
          %get3A_563 = arith.index_cast %add3A_537 : i32 to index
          %get3A_564 = arith.constant 80 : index
          %get3A_565 = tpu.vector_load %arg9[%get3A_563, %get3A_564] {strides = array<i32>} : memref<80x128xf32, #tpu.memory_space<vmem>>, vector<1x16xf32>,
          %get3A_566 = vector.shape_cast %get3A_565 : vector<1x16xf32> to vector<16xf32>
          %add3A_567 = arith.addf %scan3A_507, %get3A_566 : vector<16xf32>
          %get3A_568 = arith.index_cast %add3A_537 : i32 to index
          %get3A_569 = arith.constant 96 : index
          %get3A_570 = tpu.vector_load %arg9[%get3A_568, %get3A_569] {strides = array<i32>} : memref<80x128xf32, #tpu.memory_space<vmem>>, vector<1x16xf32>,
          %get3A_571 = vector.shape_cast %get3A_570 : vector<1x16xf32> to vector<16xf32>
          %add3A_572 = arith.addf %scan3A_508, %get3A_571 : vector<16xf32>
          %get3A_573 = arith.index_cast %add3A_537 : i32 to index
          %get3A_574 = arith.constant 112 : index
          %get3A_575 = tpu.vector_load %arg9[%get3A_573, %get3A_574] {strides = array<i32>} : memref<80x128xf32, #tpu.memory_space<vmem>>, vector<1x16xf32>,
          %get3A_576 = vector.shape_cast %get3A_575 : vector<1x16xf32> to vector<16xf32>
          %add3A_577 = arith.addf %scan3A_509, %get3A_576 : vector<16xf32>
          %mul3A_578 = arith.constant 4 : i32
          %mul3A_579 = arith.muli %scan3A_501, %mul3A_578 : i32
          %add3A_580 = arith.constant 1 : i32
          %add3A_581 = arith.addi %mul3A_579, %add3A_580 : i32
          %get3A_582 = arith.index_cast %add3A_581 : i32 to index
          %get3A_583 = arith.constant 0 : index
          %get3A_584 = tpu.vector_load %arg9[%get3A_582, %get3A_583] {strides = array<i32>} : memref<80x128xf32, #tpu.memory_space<vmem>>, vector<1x16xf32>,
          %get3A_585 = vector.shape_cast %get3A_584 : vector<1x16xf32> to vector<16xf32>
          %add3A_586 = arith.addf %scan3A_510, %get3A_585 : vector<16xf32>
          %get3A_587 = arith.index_cast %add3A_581 : i32 to index
          %get3A_588 = arith.constant 16 : index
          %get3A_589 = tpu.vector_load %arg9[%get3A_587, %get3A_588] {strides = array<i32>} : memref<80x128xf32, #tpu.memory_space<vmem>>, vector<1x16xf32>,
          %get3A_590 = vector.shape_cast %get3A_589 : vector<1x16xf32> to vector<16xf32>
          %add3A_591 = arith.addf %scan3A_511, %get3A_590 : vector<16xf32>
          %get3A_592 = arith.index_cast %add3A_581 : i32 to index
          %get3A_593 = arith.constant 32 : index
          %get3A_594 = tpu.vector_load %arg9[%get3A_592, %get3A_593] {strides = array<i32>} : memref<80x128xf32, #tpu.memory_space<vmem>>, vector<1x16xf32>,
          %get3A_595 = vector.shape_cast %get3A_594 : vector<1x16xf32> to vector<16xf32>
          %add3A_596 = arith.addf %scan3A_512, %get3A_595 : vector<16xf32>
          %get3A_597 = arith.index_cast %add3A_581 : i32 to index
          %get3A_598 = arith.constant 48 : index
          %get3A_599 = tpu.vector_load %arg9[%get3A_597, %get3A_598] {strides = array<i32>} : memref<80x128xf32, #tpu.memory_space<vmem>>, vector<1x16xf32>,
          %get3A_600 = vector.shape_cast %get3A_599 : vector<1x16xf32> to vector<16xf32>
          %add3A_601 = arith.addf %scan3A_513, %get3A_600 : vector<16xf32>
          %get3A_602 = arith.index_cast %add3A_581 : i32 to index
          %get3A_603 = arith.constant 64 : index
          %get3A_604 = tpu.vector_load %arg9[%get3A_602, %get3A_603] {strides = array<i32>} : memref<80x128xf32, #tpu.memory_space<vmem>>, vector<1x16xf32>,
          %get3A_605 = vector.shape_cast %get3A_604 : vector<1x16xf32> to vector<16xf32>
          %add3A_606 = arith.addf %scan3A_514, %get3A_605 : vector<16xf32>
          %get3A_607 = arith.index_cast %add3A_581 : i32 to index
          %get3A_608 = arith.constant 80 : index
          %get3A_609 = tpu.vector_load %arg9[%get3A_607, %get3A_608] {strides = array<i32>} : memref<80x128xf32, #tpu.memory_space<vmem>>, vector<1x16xf32>,
          %get3A_610 = vector.shape_cast %get3A_609 : vector<1x16xf32> to vector<16xf32>
          %add3A_611 = arith.addf %scan3A_515, %get3A_610 : vector<16xf32>
          %get3A_612 = arith.index_cast %add3A_581 : i32 to index
          %get3A_613 = arith.constant 96 : index
          %get3A_614 = tpu.vector_load %arg9[%get3A_612, %get3A_613] {strides = array<i32>} : memref<80x128xf32, #tpu.memory_space<vmem>>, vector<1x16xf32>,
          %get3A_615 = vector.shape_cast %get3A_614 : vector<1x16xf32> to vector<16xf32>
          %add3A_616 = arith.addf %scan3A_516, %get3A_615 : vector<16xf32>
          %get3A_617 = arith.index_cast %add3A_581 : i32 to index
          %get3A_618 = arith.constant 112 : index
          %get3A_619 = tpu.vector_load %arg9[%get3A_617, %get3A_618] {strides = array<i32>} : memref<80x128xf32, #tpu.memory_space<vmem>>, vector<1x16xf32>,
          %get3A_620 = vector.shape_cast %get3A_619 : vector<1x16xf32> to vector<16xf32>
          %add3A_621 = arith.addf %scan3A_517, %get3A_620 : vector<16xf32>
          %mul3A_622 = arith.constant 4 : i32
          %mul3A_623 = arith.muli %scan3A_501, %mul3A_622 : i32
          %add3A_624 = arith.constant 2 : i32
          %add3A_625 = arith.addi %mul3A_623, %add3A_624 : i32
          %get3A_626 = arith.index_cast %add3A_625 : i32 to index
          %get3A_627 = arith.constant 0 : index
          %get3A_628 = tpu.vector_load %arg9[%get3A_626, %get3A_627] {strides = array<i32>} : memref<80x128xf32, #tpu.memory_space<vmem>>, vector<1x16xf32>,
          %get3A_629 = vector.shape_cast %get3A_628 : vector<1x16xf32> to vector<16xf32>
          %add3A_630 = arith.addf %scan3A_518, %get3A_629 : vector<16xf32>
          %get3A_631 = arith.index_cast %add3A_625 : i32 to index
          %get3A_632 = arith.constant 16 : index
          %get3A_633 = tpu.vector_load %arg9[%get3A_631, %get3A_632] {strides = array<i32>} : memref<80x128xf32, #tpu.memory_space<vmem>>, vector<1x16xf32>,
          %get3A_634 = vector.shape_cast %get3A_633 : vector<1x16xf32> to vector<16xf32>
          %add3A_635 = arith.addf %scan3A_519, %get3A_634 : vector<16xf32>
          %get3A_636 = arith.index_cast %add3A_625 : i32 to index
          %get3A_637 = arith.constant 32 : index
          %get3A_638 = tpu.vector_load %arg9[%get3A_636, %get3A_637] {strides = array<i32>} : memref<80x128xf32, #tpu.memory_space<vmem>>, vector<1x16xf32>,
          %get3A_639 = vector.shape_cast %get3A_638 : vector<1x16xf32> to vector<16xf32>
          %add3A_640 = arith.addf %scan3A_520, %get3A_639 : vector<16xf32>
          %get3A_641 = arith.index_cast %add3A_625 : i32 to index
          %get3A_642 = arith.constant 48 : index
          %get3A_643 = tpu.vector_load %arg9[%get3A_641, %get3A_642] {strides = array<i32>} : memref<80x128xf32, #tpu.memory_space<vmem>>, vector<1x16xf32>,
          %get3A_644 = vector.shape_cast %get3A_643 : vector<1x16xf32> to vector<16xf32>
          %add3A_645 = arith.addf %scan3A_521, %get3A_644 : vector<16xf32>
          %get3A_646 = arith.index_cast %add3A_625 : i32 to index
          %get3A_647 = arith.constant 64 : index
          %get3A_648 = tpu.vector_load %arg9[%get3A_646, %get3A_647] {strides = array<i32>} : memref<80x128xf32, #tpu.memory_space<vmem>>, vector<1x16xf32>,
          %get3A_649 = vector.shape_cast %get3A_648 : vector<1x16xf32> to vector<16xf32>
          %add3A_650 = arith.addf %scan3A_522, %get3A_649 : vector<16xf32>
          %get3A_651 = arith.index_cast %add3A_625 : i32 to index
          %get3A_652 = arith.constant 80 : index
          %get3A_653 = tpu.vector_load %arg9[%get3A_651, %get3A_652] {strides = array<i32>} : memref<80x128xf32, #tpu.memory_space<vmem>>, vector<1x16xf32>,
          %get3A_654 = vector.shape_cast %get3A_653 : vector<1x16xf32> to vector<16xf32>
          %add3A_655 = arith.addf %scan3A_523, %get3A_654 : vector<16xf32>
          %get3A_656 = arith.index_cast %add3A_625 : i32 to index
          %get3A_657 = arith.constant 96 : index
          %get3A_658 = tpu.vector_load %arg9[%get3A_656, %get3A_657] {strides = array<i32>} : memref<80x128xf32, #tpu.memory_space<vmem>>, vector<1x16xf32>,
          %get3A_659 = vector.shape_cast %get3A_658 : vector<1x16xf32> to vector<16xf32>
          %add3A_660 = arith.addf %scan3A_524, %get3A_659 : vector<16xf32>
          %get3A_661 = arith.index_cast %add3A_625 : i32 to index
          %get3A_662 = arith.constant 112 : index
          %get3A_663 = tpu.vector_load %arg9[%get3A_661, %get3A_662] {strides = array<i32>} : memref<80x128xf32, #tpu.memory_space<vmem>>, vector<1x16xf32>,
          %get3A_664 = vector.shape_cast %get3A_663 : vector<1x16xf32> to vector<16xf32>
          %add3A_665 = arith.addf %scan3A_525, %get3A_664 : vector<16xf32>
          %mul3A_666 = arith.constant 4 : i32
          %mul3A_667 = arith.muli %scan3A_501, %mul3A_666 : i32
          %add3A_668 = arith.constant 3 : i32
          %add3A_669 = arith.addi %mul3A_667, %add3A_668 : i32
          %get3A_670 = arith.index_cast %add3A_669 : i32 to index
          %get3A_671 = arith.constant 0 : index
          %get3A_672 = tpu.vector_load %arg9[%get3A_670, %get3A_671] {strides = array<i32>} : memref<80x128xf32, #tpu.memory_space<vmem>>, vector<1x16xf32>,
          %get3A_673 = vector.shape_cast %get3A_672 : vector<1x16xf32> to vector<16xf32>
          %add3A_674 = arith.addf %scan3A_526, %get3A_673 : vector<16xf32>
          %get3A_675 = arith.index_cast %add3A_669 : i32 to index
          %get3A_676 = arith.constant 16 : index
          %get3A_677 = tpu.vector_load %arg9[%get3A_675, %get3A_676] {strides = array<i32>} : memref<80x128xf32, #tpu.memory_space<vmem>>, vector<1x16xf32>,
          %get3A_678 = vector.shape_cast %get3A_677 : vector<1x16xf32> to vector<16xf32>
          %add3A_679 = arith.addf %scan3A_527, %get3A_678 : vector<16xf32>
          %get3A_680 = arith.index_cast %add3A_669 : i32 to index
          %get3A_681 = arith.constant 32 : index
          %get3A_682 = tpu.vector_load %arg9[%get3A_680, %get3A_681] {strides = array<i32>} : memref<80x128xf32, #tpu.memory_space<vmem>>, vector<1x16xf32>,
          %get3A_683 = vector.shape_cast %get3A_682 : vector<1x16xf32> to vector<16xf32>
          %add3A_684 = arith.addf %scan3A_528, %get3A_683 : vector<16xf32>
          %get3A_685 = arith.index_cast %add3A_669 : i32 to index
          %get3A_686 = arith.constant 48 : index
          %get3A_687 = tpu.vector_load %arg9[%get3A_685, %get3A_686] {strides = array<i32>} : memref<80x128xf32, #tpu.memory_space<vmem>>, vector<1x16xf32>,
          %get3A_688 = vector.shape_cast %get3A_687 : vector<1x16xf32> to vector<16xf32>
          %add3A_689 = arith.addf %scan3A_529, %get3A_688 : vector<16xf32>
          %get3A_690 = arith.index_cast %add3A_669 : i32 to index
          %get3A_691 = arith.constant 64 : index
          %get3A_692 = tpu.vector_load %arg9[%get3A_690, %get3A_691] {strides = array<i32>} : memref<80x128xf32, #tpu.memory_space<vmem>>, vector<1x16xf32>,
          %get3A_693 = vector.shape_cast %get3A_692 : vector<1x16xf32> to vector<16xf32>
          %add3A_694 = arith.addf %scan3A_530, %get3A_693 : vector<16xf32>
          %get3A_695 = arith.index_cast %add3A_669 : i32 to index
          %get3A_696 = arith.constant 80 : index
          %get3A_697 = tpu.vector_load %arg9[%get3A_695, %get3A_696] {strides = array<i32>} : memref<80x128xf32, #tpu.memory_space<vmem>>, vector<1x16xf32>,
          %get3A_698 = vector.shape_cast %get3A_697 : vector<1x16xf32> to vector<16xf32>
          %add3A_699 = arith.addf %scan3A_531, %get3A_698 : vector<16xf32>
          %get3A_700 = arith.index_cast %add3A_669 : i32 to index
          %get3A_701 = arith.constant 96 : index
          %get3A_702 = tpu.vector_load %arg9[%get3A_700, %get3A_701] {strides = array<i32>} : memref<80x128xf32, #tpu.memory_space<vmem>>, vector<1x16xf32>,
          %get3A_703 = vector.shape_cast %get3A_702 : vector<1x16xf32> to vector<16xf32>
          %add3A_704 = arith.addf %scan3A_532, %get3A_703 : vector<16xf32>
          %get3A_705 = arith.index_cast %add3A_669 : i32 to index
          %get3A_706 = arith.constant 112 : index
          %get3A_707 = tpu.vector_load %arg9[%get3A_705, %get3A_706] {strides = array<i32>} : memref<80x128xf32, #tpu.memory_space<vmem>>, vector<1x16xf32>,
          %get3A_708 = vector.shape_cast %get3A_707 : vector<1x16xf32> to vector<16xf32>
          %add3A_709 = arith.addf %scan3A_533, %get3A_708 : vector<16xf32>
          scf.yield %add3A_542, %add3A_547, %add3A_552, %add3A_557, %add3A_562, %add3A_567, %add3A_572, %add3A_577, %add3A_586, %add3A_591, %add3A_596, %add3A_601, %add3A_606, %add3A_611, %add3A_616, %add3A_621, %add3A_630, %add3A_635, %add3A_640, %add3A_645, %add3A_650, %add3A_655, %add3A_660, %add3A_665, %add3A_674, %add3A_679, %add3A_684, %add3A_689, %add3A_694, %add3A_699, %add3A_704, %add3A_709 : vector<16xf32>, vector<16xf32>, vector<16xf32>, vector<16xf32>, vector<16xf32>, vector<16xf32>, vector<16xf32>, vector<16xf32>, vector<16xf32>, vector<16xf32>, vector<16xf32>, vector<16xf32>, vector<16xf32>, vector<16xf32>, vector<16xf32>, vector<16xf32>, vector<16xf32>, vector<16xf32>, vector<16xf32>, vector<16xf32>, vector<16xf32>, vector<16xf32>, vector<16xf32>, vector<16xf32>, vector<16xf32>, vector<16xf32>, vector<16xf32>, vector<16xf32>, vector<16xf32>, vector<16xf32>, vector<16xf32>, vector<16xf32>
        }
        %scan3A_303 = arith.constant 20 : i32
        %swap3A = arith.constant 0 : i32
        %swap3A_304 = arith.index_cast %swap3A : i32 to index
        %swap3A_305 = arith.constant 0 : index
        %swap3A_306 = tpu.vector_load %arg14[%swap3A_304, %swap3A_305] {strides = array<i32>} : memref<16x128xf32, #tpu.memory_space<vmem>>, vector<1x16xf32>,
        %swap3A_307 = vector.shape_cast %swap3A_306 : vector<1x16xf32> to vector<16xf32>
        %swap3A_308 = vector.shape_cast %scan3A_302#0 : vector<16xf32> to vector<1x16xf32>
        tpu.vector_store %arg14[%swap3A_304, %swap3A_305], %swap3A_308 {strides = array<i32>} : memref<16x128xf32, #tpu.memory_space<vmem>>, vector<1x16xf32>,
        %swap3A_309 = arith.constant 0 : i32
        %swap3A_310 = arith.index_cast %swap3A_309 : i32 to index
        %swap3A_311 = arith.constant 16 : index
        %swap3A_312 = tpu.vector_load %arg14[%swap3A_310, %swap3A_311] {strides = array<i32>} : memref<16x128xf32, #tpu.memory_space<vmem>>, vector<1x16xf32>,
        %swap3A_313 = vector.shape_cast %swap3A_312 : vector<1x16xf32> to vector<16xf32>
        %swap3A_314 = vector.shape_cast %scan3A_302#1 : vector<16xf32> to vector<1x16xf32>
        tpu.vector_store %arg14[%swap3A_310, %swap3A_311], %swap3A_314 {strides = array<i32>} : memref<16x128xf32, #tpu.memory_space<vmem>>, vector<1x16xf32>,
        %swap3A_315 = arith.constant 0 : i32
        %swap3A_316 = arith.index_cast %swap3A_315 : i32 to index
        %swap3A_317 = arith.constant 32 : index
        %swap3A_318 = tpu.vector_load %arg14[%swap3A_316, %swap3A_317] {strides = array<i32>} : memref<16x128xf32, #tpu.memory_space<vmem>>, vector<1x16xf32>,
        %swap3A_319 = vector.shape_cast %swap3A_318 : vector<1x16xf32> to vector<16xf32>
        %swap3A_320 = vector.shape_cast %scan3A_302#2 : vector<16xf32> to vector<1x16xf32>
        tpu.vector_store %arg14[%swap3A_316, %swap3A_317], %swap3A_320 {strides = array<i32>} : memref<16x128xf32, #tpu.memory_space<vmem>>, vector<1x16xf32>,
        %swap3A_321 = arith.constant 0 : i32
        %swap3A_322 = arith.index_cast %swap3A_321 : i32 to index
        %swap3A_323 = arith.constant 48 : index
        %swap3A_324 = tpu.vector_load %arg14[%swap3A_322, %swap3A_323] {strides = array<i32>} : memref<16x128xf32, #tpu.memory_space<vmem>>, vector<1x16xf32>,
        %swap3A_325 = vector.shape_cast %swap3A_324 : vector<1x16xf32> to vector<16xf32>
        %swap3A_326 = vector.shape_cast %scan3A_302#3 : vector<16xf32> to vector<1x16xf32>
        tpu.vector_store %arg14[%swap3A_322, %swap3A_323], %swap3A_326 {strides = array<i32>} : memref<16x128xf32, #tpu.memory_space<vmem>>, vector<1x16xf32>,
        %swap3A_327 = arith.constant 0 : i32
        %swap3A_328 = arith.index_cast %swap3A_327 : i32 to index
        %swap3A_329 = arith.constant 64 : index
        %swap3A_330 = tpu.vector_load %arg14[%swap3A_328, %swap3A_329] {strides = array<i32>} : memref<16x128xf32, #tpu.memory_space<vmem>>, vector<1x16xf32>,
        %swap3A_331 = vector.shape_cast %swap3A_330 : vector<1x16xf32> to vector<16xf32>
        %swap3A_332 = vector.shape_cast %scan3A_302#4 : vector<16xf32> to vector<1x16xf32>
        tpu.vector_store %arg14[%swap3A_328, %swap3A_329], %swap3A_332 {strides = array<i32>} : memref<16x128xf32, #tpu.memory_space<vmem>>, vector<1x16xf32>,
        %swap3A_333 = arith.constant 0 : i32
        %swap3A_334 = arith.index_cast %swap3A_333 : i32 to index
        %swap3A_335 = arith.constant 80 : index
        %swap3A_336 = tpu.vector_load %arg14[%swap3A_334, %swap3A_335] {strides = array<i32>} : memref<16x128xf32, #tpu.memory_space<vmem>>, vector<1x16xf32>,
        %swap3A_337 = vector.shape_cast %swap3A_336 : vector<1x16xf32> to vector<16xf32>
        %swap3A_338 = vector.shape_cast %scan3A_302#5 : vector<16xf32> to vector<1x16xf32>
        tpu.vector_store %arg14[%swap3A_334, %swap3A_335], %swap3A_338 {strides = array<i32>} : memref<16x128xf32, #tpu.memory_space<vmem>>, vector<1x16xf32>,
        %swap3A_339 = arith.constant 0 : i32
        %swap3A_340 = arith.index_cast %swap3A_339 : i32 to index
        %swap3A_341 = arith.constant 96 : index
        %swap3A_342 = tpu.vector_load %arg14[%swap3A_340, %swap3A_341] {strides = array<i32>} : memref<16x128xf32, #tpu.memory_space<vmem>>, vector<1x16xf32>,
        %swap3A_343 = vector.shape_cast %swap3A_342 : vector<1x16xf32> to vector<16xf32>
        %swap3A_344 = vector.shape_cast %scan3A_302#6 : vector<16xf32> to vector<1x16xf32>
        tpu.vector_store %arg14[%swap3A_340, %swap3A_341], %swap3A_344 {strides = array<i32>} : memref<16x128xf32, #tpu.memory_space<vmem>>, vector<1x16xf32>,
        %swap3A_345 = arith.constant 0 : i32
        %swap3A_346 = arith.index_cast %swap3A_345 : i32 to index
        %swap3A_347 = arith.constant 112 : index
        %swap3A_348 = tpu.vector_load %arg14[%swap3A_346, %swap3A_347] {strides = array<i32>} : memref<16x128xf32, #tpu.memory_space<vmem>>, vector<1x16xf32>,
        %swap3A_349 = vector.shape_cast %swap3A_348 : vector<1x16xf32> to vector<16xf32>
        %swap3A_350 = vector.shape_cast %scan3A_302#7 : vector<16xf32> to vector<1x16xf32>
        tpu.vector_store %arg14[%swap3A_346, %swap3A_347], %swap3A_350 {strides = array<i32>} : memref<16x128xf32, #tpu.memory_space<vmem>>, vector<1x16xf32>,
        %swap3A_351 = arith.constant 1 : i32
        %swap3A_352 = arith.index_cast %swap3A_351 : i32 to index
        %swap3A_353 = arith.constant 0 : index
        %swap3A_354 = tpu.vector_load %arg14[%swap3A_352, %swap3A_353] {strides = array<i32>} : memref<16x128xf32, #tpu.memory_space<vmem>>, vector<1x16xf32>,
        %swap3A_355 = vector.shape_cast %swap3A_354 : vector<1x16xf32> to vector<16xf32>
        %swap3A_356 = vector.shape_cast %scan3A_302#8 : vector<16xf32> to vector<1x16xf32>
        tpu.vector_store %arg14[%swap3A_352, %swap3A_353], %swap3A_356 {strides = array<i32>} : memref<16x128xf32, #tpu.memory_space<vmem>>, vector<1x16xf32>,
        %swap3A_357 = arith.constant 1 : i32
        %swap3A_358 = arith.index_cast %swap3A_357 : i32 to index
        %swap3A_359 = arith.constant 16 : index
        %swap3A_360 = tpu.vector_load %arg14[%swap3A_358, %swap3A_359] {strides = array<i32>} : memref<16x128xf32, #tpu.memory_space<vmem>>, vector<1x16xf32>,
        %swap3A_361 = vector.shape_cast %swap3A_360 : vector<1x16xf32> to vector<16xf32>
        %swap3A_362 = vector.shape_cast %scan3A_302#9 : vector<16xf32> to vector<1x16xf32>
        tpu.vector_store %arg14[%swap3A_358, %swap3A_359], %swap3A_362 {strides = array<i32>} : memref<16x128xf32, #tpu.memory_space<vmem>>, vector<1x16xf32>,
        %swap3A_363 = arith.constant 1 : i32
        %swap3A_364 = arith.index_cast %swap3A_363 : i32 to index
        %swap3A_365 = arith.constant 32 : index
        %swap3A_366 = tpu.vector_load %arg14[%swap3A_364, %swap3A_365] {strides = array<i32>} : memref<16x128xf32, #tpu.memory_space<vmem>>, vector<1x16xf32>,
        %swap3A_367 = vector.shape_cast %swap3A_366 : vector<1x16xf32> to vector<16xf32>
        %swap3A_368 = vector.shape_cast %scan3A_302#10 : vector<16xf32> to vector<1x16xf32>
        tpu.vector_store %arg14[%swap3A_364, %swap3A_365], %swap3A_368 {strides = array<i32>} : memref<16x128xf32, #tpu.memory_space<vmem>>, vector<1x16xf32>,
        %swap3A_369 = arith.constant 1 : i32
        %swap3A_370 = arith.index_cast %swap3A_369 : i32 to index
        %swap3A_371 = arith.constant 48 : index
        %swap3A_372 = tpu.vector_load %arg14[%swap3A_370, %swap3A_371] {strides = array<i32>} : memref<16x128xf32, #tpu.memory_space<vmem>>, vector<1x16xf32>,
        %swap3A_373 = vector.shape_cast %swap3A_372 : vector<1x16xf32> to vector<16xf32>
        %swap3A_374 = vector.shape_cast %scan3A_302#11 : vector<16xf32> to vector<1x16xf32>
        tpu.vector_store %arg14[%swap3A_370, %swap3A_371], %swap3A_374 {strides = array<i32>} : memref<16x128xf32, #tpu.memory_space<vmem>>, vector<1x16xf32>,
        %swap3A_375 = arith.constant 1 : i32
        %swap3A_376 = arith.index_cast %swap3A_375 : i32 to index
        %swap3A_377 = arith.constant 64 : index
        %swap3A_378 = tpu.vector_load %arg14[%swap3A_376, %swap3A_377] {strides = array<i32>} : memref<16x128xf32, #tpu.memory_space<vmem>>, vector<1x16xf32>,
        %swap3A_379 = vector.shape_cast %swap3A_378 : vector<1x16xf32> to vector<16xf32>
        %swap3A_380 = vector.shape_cast %scan3A_302#12 : vector<16xf32> to vector<1x16xf32>
        tpu.vector_store %arg14[%swap3A_376, %swap3A_377], %swap3A_380 {strides = array<i32>} : memref<16x128xf32, #tpu.memory_space<vmem>>, vector<1x16xf32>,
        %swap3A_381 = arith.constant 1 : i32
        %swap3A_382 = arith.index_cast %swap3A_381 : i32 to index
        %swap3A_383 = arith.constant 80 : index
        %swap3A_384 = tpu.vector_load %arg14[%swap3A_382, %swap3A_383] {strides = array<i32>} : memref<16x128xf32, #tpu.memory_space<vmem>>, vector<1x16xf32>,
        %swap3A_385 = vector.shape_cast %swap3A_384 : vector<1x16xf32> to vector<16xf32>
        %swap3A_386 = vector.shape_cast %scan3A_302#13 : vector<16xf32> to vector<1x16xf32>
        tpu.vector_store %arg14[%swap3A_382, %swap3A_383], %swap3A_386 {strides = array<i32>} : memref<16x128xf32, #tpu.memory_space<vmem>>, vector<1x16xf32>,
        %swap3A_387 = arith.constant 1 : i32
        %swap3A_388 = arith.index_cast %swap3A_387 : i32 to index
        %swap3A_389 = arith.constant 96 : index
        %swap3A_390 = tpu.vector_load %arg14[%swap3A_388, %swap3A_389] {strides = array<i32>} : memref<16x128xf32, #tpu.memory_space<vmem>>, vector<1x16xf32>,
        %swap3A_391 = vector.shape_cast %swap3A_390 : vector<1x16xf32> to vector<16xf32>
        %swap3A_392 = vector.shape_cast %scan3A_302#14 : vector<16xf32> to vector<1x16xf32>
        tpu.vector_store %arg14[%swap3A_388, %swap3A_389], %swap3A_392 {strides = array<i32>} : memref<16x128xf32, #tpu.memory_space<vmem>>, vector<1x16xf32>,
        %swap3A_393 = arith.constant 1 : i32
        %swap3A_394 = arith.index_cast %swap3A_393 : i32 to index
        %swap3A_395 = arith.constant 112 : index
        %swap3A_396 = tpu.vector_load %arg14[%swap3A_394, %swap3A_395] {strides = array<i32>} : memref<16x128xf32, #tpu.memory_space<vmem>>, vector<1x16xf32>,
        %swap3A_397 = vector.shape_cast %swap3A_396 : vector<1x16xf32> to vector<16xf32>
        %swap3A_398 = vector.shape_cast %scan3A_302#15 : vector<16xf32> to vector<1x16xf32>
        tpu.vector_store %arg14[%swap3A_394, %swap3A_395], %swap3A_398 {strides = array<i32>} : memref<16x128xf32, #tpu.memory_space<vmem>>, vector<1x16xf32>,
        %swap3A_399 = arith.constant 2 : i32
        %swap3A_400 = arith.index_cast %swap3A_399 : i32 to index
        %swap3A_401 = arith.constant 0 : index
        %swap3A_402 = tpu.vector_load %arg14[%swap3A_400, %swap3A_401] {strides = array<i32>} : memref<16x128xf32, #tpu.memory_space<vmem>>, vector<1x16xf32>,
        %swap3A_403 = vector.shape_cast %swap3A_402 : vector<1x16xf32> to vector<16xf32>
        %swap3A_404 = vector.shape_cast %scan3A_302#16 : vector<16xf32> to vector<1x16xf32>
        tpu.vector_store %arg14[%swap3A_400, %swap3A_401], %swap3A_404 {strides = array<i32>} : memref<16x128xf32, #tpu.memory_space<vmem>>, vector<1x16xf32>,
        %swap3A_405 = arith.constant 2 : i32
        %swap3A_406 = arith.index_cast %swap3A_405 : i32 to index
        %swap3A_407 = arith.constant 16 : index
        %swap3A_408 = tpu.vector_load %arg14[%swap3A_406, %swap3A_407] {strides = array<i32>} : memref<16x128xf32, #tpu.memory_space<vmem>>, vector<1x16xf32>,
        %swap3A_409 = vector.shape_cast %swap3A_408 : vector<1x16xf32> to vector<16xf32>
        %swap3A_410 = vector.shape_cast %scan3A_302#17 : vector<16xf32> to vector<1x16xf32>
        tpu.vector_store %arg14[%swap3A_406, %swap3A_407], %swap3A_410 {strides = array<i32>} : memref<16x128xf32, #tpu.memory_space<vmem>>, vector<1x16xf32>,
        %swap3A_411 = arith.constant 2 : i32
        %swap3A_412 = arith.index_cast %swap3A_411 : i32 to index
        %swap3A_413 = arith.constant 32 : index
        %swap3A_414 = tpu.vector_load %arg14[%swap3A_412, %swap3A_413] {strides = array<i32>} : memref<16x128xf32, #tpu.memory_space<vmem>>, vector<1x16xf32>,
        %swap3A_415 = vector.shape_cast %swap3A_414 : vector<1x16xf32> to vector<16xf32>
        %swap3A_416 = vector.shape_cast %scan3A_302#18 : vector<16xf32> to vector<1x16xf32>
        tpu.vector_store %arg14[%swap3A_412, %swap3A_413], %swap3A_416 {strides = array<i32>} : memref<16x128xf32, #tpu.memory_space<vmem>>, vector<1x16xf32>,
        %swap3A_417 = arith.constant 2 : i32
        %swap3A_418 = arith.index_cast %swap3A_417 : i32 to index
        %swap3A_419 = arith.constant 48 : index
        %swap3A_420 = tpu.vector_load %arg14[%swap3A_418, %swap3A_419] {strides = array<i32>} : memref<16x128xf32, #tpu.memory_space<vmem>>, vector<1x16xf32>,
        %swap3A_421 = vector.shape_cast %swap3A_420 : vector<1x16xf32> to vector<16xf32>
        %swap3A_422 = vector.shape_cast %scan3A_302#19 : vector<16xf32> to vector<1x16xf32>
        tpu.vector_store %arg14[%swap3A_418, %swap3A_419], %swap3A_422 {strides = array<i32>} : memref<16x128xf32, #tpu.memory_space<vmem>>, vector<1x16xf32>,
        %swap3A_423 = arith.constant 2 : i32
        %swap3A_424 = arith.index_cast %swap3A_423 : i32 to index
        %swap3A_425 = arith.constant 64 : index
        %swap3A_426 = tpu.vector_load %arg14[%swap3A_424, %swap3A_425] {strides = array<i32>} : memref<16x128xf32, #tpu.memory_space<vmem>>, vector<1x16xf32>,
        %swap3A_427 = vector.shape_cast %swap3A_426 : vector<1x16xf32> to vector<16xf32>
        %swap3A_428 = vector.shape_cast %scan3A_302#20 : vector<16xf32> to vector<1x16xf32>
        tpu.vector_store %arg14[%swap3A_424, %swap3A_425], %swap3A_428 {strides = array<i32>} : memref<16x128xf32, #tpu.memory_space<vmem>>, vector<1x16xf32>,
        %swap3A_429 = arith.constant 2 : i32
        %swap3A_430 = arith.index_cast %swap3A_429 : i32 to index
        %swap3A_431 = arith.constant 80 : index
        %swap3A_432 = tpu.vector_load %arg14[%swap3A_430, %swap3A_431] {strides = array<i32>} : memref<16x128xf32, #tpu.memory_space<vmem>>, vector<1x16xf32>,
        %swap3A_433 = vector.shape_cast %swap3A_432 : vector<1x16xf32> to vector<16xf32>
        %swap3A_434 = vector.shape_cast %scan3A_302#21 : vector<16xf32> to vector<1x16xf32>
        tpu.vector_store %arg14[%swap3A_430, %swap3A_431], %swap3A_434 {strides = array<i32>} : memref<16x128xf32, #tpu.memory_space<vmem>>, vector<1x16xf32>,
        %swap3A_435 = arith.constant 2 : i32
        %swap3A_436 = arith.index_cast %swap3A_435 : i32 to index
        %swap3A_437 = arith.constant 96 : index
        %swap3A_438 = tpu.vector_load %arg14[%swap3A_436, %swap3A_437] {strides = array<i32>} : memref<16x128xf32, #tpu.memory_space<vmem>>, vector<1x16xf32>,
        %swap3A_439 = vector.shape_cast %swap3A_438 : vector<1x16xf32> to vector<16xf32>
        %swap3A_440 = vector.shape_cast %scan3A_302#22 : vector<16xf32> to vector<1x16xf32>
        tpu.vector_store %arg14[%swap3A_436, %swap3A_437], %swap3A_440 {strides = array<i32>} : memref<16x128xf32, #tpu.memory_space<vmem>>, vector<1x16xf32>,
        %swap3A_441 = arith.constant 2 : i32
        %swap3A_442 = arith.index_cast %swap3A_441 : i32 to index
        %swap3A_443 = arith.constant 112 : index
        %swap3A_444 = tpu.vector_load %arg14[%swap3A_442, %swap3A_443] {strides = array<i32>} : memref<16x128xf32, #tpu.memory_space<vmem>>, vector<1x16xf32>,
        %swap3A_445 = vector.shape_cast %swap3A_444 : vector<1x16xf32> to vector<16xf32>
        %swap3A_446 = vector.shape_cast %scan3A_302#23 : vector<16xf32> to vector<1x16xf32>
        tpu.vector_store %arg14[%swap3A_442, %swap3A_443], %swap3A_446 {strides = array<i32>} : memref<16x128xf32, #tpu.memory_space<vmem>>, vector<1x16xf32>,
        %swap3A_447 = arith.constant 3 : i32
        %swap3A_448 = arith.index_cast %swap3A_447 : i32 to index
        %swap3A_449 = arith.constant 0 : index
        %swap3A_450 = tpu.vector_load %arg14[%swap3A_448, %swap3A_449] {strides = array<i32>} : memref<16x128xf32, #tpu.memory_space<vmem>>, vector<1x16xf32>,
        %swap3A_451 = vector.shape_cast %swap3A_450 : vector<1x16xf32> to vector<16xf32>
        %swap3A_452 = vector.shape_cast %scan3A_302#24 : vector<16xf32> to vector<1x16xf32>
        tpu.vector_store %arg14[%swap3A_448, %swap3A_449], %swap3A_452 {strides = array<i32>} : memref<16x128xf32, #tpu.memory_space<vmem>>, vector<1x16xf32>,
        %swap3A_453 = arith.constant 3 : i32
        %swap3A_454 = arith.index_cast %swap3A_453 : i32 to index
        %swap3A_455 = arith.constant 16 : index
        %swap3A_456 = tpu.vector_load %arg14[%swap3A_454, %swap3A_455] {strides = array<i32>} : memref<16x128xf32, #tpu.memory_space<vmem>>, vector<1x16xf32>,
        %swap3A_457 = vector.shape_cast %swap3A_456 : vector<1x16xf32> to vector<16xf32>
        %swap3A_458 = vector.shape_cast %scan3A_302#25 : vector<16xf32> to vector<1x16xf32>
        tpu.vector_store %arg14[%swap3A_454, %swap3A_455], %swap3A_458 {strides = array<i32>} : memref<16x128xf32, #tpu.memory_space<vmem>>, vector<1x16xf32>,
        %swap3A_459 = arith.constant 3 : i32
        %swap3A_460 = arith.index_cast %swap3A_459 : i32 to index
        %swap3A_461 = arith.constant 32 : index
        %swap3A_462 = tpu.vector_load %arg14[%swap3A_460, %swap3A_461] {strides = array<i32>} : memref<16x128xf32, #tpu.memory_space<vmem>>, vector<1x16xf32>,
        %swap3A_463 = vector.shape_cast %swap3A_462 : vector<1x16xf32> to vector<16xf32>
        %swap3A_464 = vector.shape_cast %scan3A_302#26 : vector<16xf32> to vector<1x16xf32>
        tpu.vector_store %arg14[%swap3A_460, %swap3A_461], %swap3A_464 {strides = array<i32>} : memref<16x128xf32, #tpu.memory_space<vmem>>, vector<1x16xf32>,
        %swap3A_465 = arith.constant 3 : i32
        %swap3A_466 = arith.index_cast %swap3A_465 : i32 to index
        %swap3A_467 = arith.constant 48 : index
        %swap3A_468 = tpu.vector_load %arg14[%swap3A_466, %swap3A_467] {strides = array<i32>} : memref<16x128xf32, #tpu.memory_space<vmem>>, vector<1x16xf32>,
        %swap3A_469 = vector.shape_cast %swap3A_468 : vector<1x16xf32> to vector<16xf32>
        %swap3A_470 = vector.shape_cast %scan3A_302#27 : vector<16xf32> to vector<1x16xf32>
        tpu.vector_store %arg14[%swap3A_466, %swap3A_467], %swap3A_470 {strides = array<i32>} : memref<16x128xf32, #tpu.memory_space<vmem>>, vector<1x16xf32>,
        %swap3A_471 = arith.constant 3 : i32
        %swap3A_472 = arith.index_cast %swap3A_471 : i32 to index
        %swap3A_473 = arith.constant 64 : index
        %swap3A_474 = tpu.vector_load %arg14[%swap3A_472, %swap3A_473] {strides = array<i32>} : memref<16x128xf32, #tpu.memory_space<vmem>>, vector<1x16xf32>,
        %swap3A_475 = vector.shape_cast %swap3A_474 : vector<1x16xf32> to vector<16xf32>
        %swap3A_476 = vector.shape_cast %scan3A_302#28 : vector<16xf32> to vector<1x16xf32>
        tpu.vector_store %arg14[%swap3A_472, %swap3A_473], %swap3A_476 {strides = array<i32>} : memref<16x128xf32, #tpu.memory_space<vmem>>, vector<1x16xf32>,
        %swap3A_477 = arith.constant 3 : i32
        %swap3A_478 = arith.index_cast %swap3A_477 : i32 to index
        %swap3A_479 = arith.constant 80 : index
        %swap3A_480 = tpu.vector_load %arg14[%swap3A_478, %swap3A_479] {strides = array<i32>} : memref<16x128xf32, #tpu.memory_space<vmem>>, vector<1x16xf32>,
        %swap3A_481 = vector.shape_cast %swap3A_480 : vector<1x16xf32> to vector<16xf32>
        %swap3A_482 = vector.shape_cast %scan3A_302#29 : vector<16xf32> to vector<1x16xf32>
        tpu.vector_store %arg14[%swap3A_478, %swap3A_479], %swap3A_482 {strides = array<i32>} : memref<16x128xf32, #tpu.memory_space<vmem>>, vector<1x16xf32>,
        %swap3A_483 = arith.constant 3 : i32
        %swap3A_484 = arith.index_cast %swap3A_483 : i32 to index
        %swap3A_485 = arith.constant 96 : index
        %swap3A_486 = tpu.vector_load %arg14[%swap3A_484, %swap3A_485] {strides = array<i32>} : memref<16x128xf32, #tpu.memory_space<vmem>>, vector<1x16xf32>,
        %swap3A_487 = vector.shape_cast %swap3A_486 : vector<1x16xf32> to vector<16xf32>
        %swap3A_488 = vector.shape_cast %scan3A_302#30 : vector<16xf32> to vector<1x16xf32>
        tpu.vector_store %arg14[%swap3A_484, %swap3A_485], %swap3A_488 {strides = array<i32>} : memref<16x128xf32, #tpu.memory_space<vmem>>, vector<1x16xf32>,
        %swap3A_489 = arith.constant 3 : i32
        %swap3A_490 = arith.index_cast %swap3A_489 : i32 to index
        %swap3A_491 = arith.constant 112 : index
        %swap3A_492 = tpu.vector_load %arg14[%swap3A_490, %swap3A_491] {strides = array<i32>} : memref<16x128xf32, #tpu.memory_space<vmem>>, vector<1x16xf32>,
        %swap3A_493 = vector.shape_cast %swap3A_492 : vector<1x16xf32> to vector<16xf32>
        %swap3A_494 = vector.shape_cast %scan3A_302#31 : vector<16xf32> to vector<1x16xf32>
        tpu.vector_store %arg14[%swap3A_490, %swap3A_491], %swap3A_494 {strides = array<i32>} : memref<16x128xf32, #tpu.memory_space<vmem>>, vector<1x16xf32>,
        %dma_start3A_495 = arith.constant 0 : i32
        %dma_start3A_496 = tpu.memref_slice %arg16[%add3A_262, %dma_start3A_495] : memref<125x16xi32, #tpu.memory_space<vmem>> -> memref<1x16xi32, #tpu.memory_space<vmem>>
        %dma_start3A_497 = tpu.memref_squeeze %dma_start3A_496 : memref<1x16xi32, #tpu.memory_space<vmem>> -> memref<16xi32, #tpu.memory_space<vmem>>
        %dma_start3A_498 = arith.constant 0 : i32
        %dma_start3A_499 = arith.constant 0 : i32
        %dma_start3A_500 = tpu.memref_slice %arg19[%dma_start3A_498, %dma_start3A_499] : memref<1024x128xf32, #tpu.memory_space<vmem_shared>> -> memref<1024x128xf32, #tpu.memory_space<vmem_shared>>
        tpu.enqueue_indirect_dma source(%arg14 : memref<16x128xf32, #tpu.memory_space<vmem>>) target(%dma_start3A_500 : memref<1024x128xf32, #tpu.memory_space<vmem_shared>>) offsets(%dma_start3A_497 : memref<16xi32, #tpu.memory_space<vmem>>) semaphore(%arg29 : memref<!tpu.dma_semaphore, #tpu.memory_space<semaphore_mem>>) {add = true}
      } else {
      }
      %not3A_278 = arith.constant true
      %not3A_279 = arith.xori %eq3A_274, %not3A_278 : i1
      %convert_element_type3A_280 = arith.extui %not3A_279 : i1 to i32
      %cond3A_281 = arith.constant 0 : i32
      %cond3A_282 = arith.cmpi ne, %convert_element_type3A_280, %cond3A_281 : i32
      scf.if %cond3A_282 {
        %dma_start3A_298 = arith.constant 0 : i32
        %dma_start3A_299 = tpu.memref_slice %arg15[%add3A_262, %dma_start3A_298] : memref<125x80xi32, #tpu.memory_space<vmem>> -> memref<1x80xi32, #tpu.memory_space<vmem>>
        %dma_start3A_300 = tpu.memref_squeeze %dma_start3A_299 : memref<1x80xi32, #tpu.memory_space<vmem>> -> memref<80xi32, #tpu.memory_space<vmem>>
        %dma_start3A_301 = arith.constant 0 : i32
        %dma_start3A_302 = arith.constant 0 : i32
        %dma_start3A_303 = tpu.memref_slice %arg19[%dma_start3A_301, %dma_start3A_302] : memref<1024x128xf32, #tpu.memory_space<vmem_shared>> -> memref<1024x128xf32, #tpu.memory_space<vmem_shared>>
        tpu.enqueue_indirect_dma source(%arg9 : memref<80x128xf32, #tpu.memory_space<vmem>>) target(%dma_start3A_303 : memref<1024x128xf32, #tpu.memory_space<vmem_shared>>) offsets(%dma_start3A_300 : memref<80xi32, #tpu.memory_space<vmem>>) semaphore(%arg29 : memref<!tpu.dma_semaphore, #tpu.memory_space<semaphore_mem>>) {add = true}
      } else {
      }
      %ge3A_283 = arith.constant 1 : i32
      %ge3A_284 = arith.cmpi sge, %add3A_262, %ge3A_283 : i32
      %convert_element_type3A_285 = arith.extui %ge3A_284 : i1 to i32
      %cond3A_286 = arith.constant 0 : i32
      %cond3A_287 = arith.cmpi ne, %convert_element_type3A_285, %cond3A_286 : i32
      scf.if %cond3A_287 {
        %sub3A_298 = arith.constant 1 : i32
        %sub3A_299 = arith.subi %add3A_262, %sub3A_298 : i32
        %get3A_300 = arith.index_cast %sub3A_299 : i32 to index
        %get3A_301 = memref.load %arg18[%get3A_300] : memref<125xi32, #tpu.memory_space<smem>>
        %eq3A_302 = arith.constant 1 : i32
        %eq3A_303 = arith.cmpi eq, %get3A_301, %eq3A_302 : i32
        %convert_element_type3A_304 = arith.extui %eq3A_303 : i1 to i32
        %cond3A_305 = arith.constant 0 : i32
        %cond3A_306 = arith.cmpi ne, %convert_element_type3A_304, %cond3A_305 : i32
        scf.if %cond3A_306 {
          %dma_wait3A_312 = arith.constant 0 : i32
          %dma_wait3A_313 = tpu.memref_slice %arg16[%sub3A_299, %dma_wait3A_312] : memref<125x16xi32, #tpu.memory_space<vmem>> -> memref<1x16xi32, #tpu.memory_space<vmem>>
          %dma_wait3A_314 = tpu.memref_squeeze %dma_wait3A_313 : memref<1x16xi32, #tpu.memory_space<vmem>> -> memref<16xi32, #tpu.memory_space<vmem>>
          %dma_wait3A_315 = arith.constant 0 : i32
          %dma_wait3A_316 = arith.constant 0 : i32
          %dma_wait3A_317 = tpu.memref_slice %arg19[%dma_wait3A_315, %dma_wait3A_316] : memref<1024x128xf32, #tpu.memory_space<vmem_shared>> -> memref<1024x128xf32, #tpu.memory_space<vmem_shared>>
          tpu.wait_indirect_dma semaphore(%arg28 : memref<!tpu.dma_semaphore, #tpu.memory_space<semaphore_mem>>) src(%arg13 : memref<16x128xf32, #tpu.memory_space<vmem>>) dst(%dma_wait3A_317 : memref<1024x128xf32, #tpu.memory_space<vmem_shared>>)
        } else {
        }
        %not3A_307 = arith.constant true
        %not3A_308 = arith.xori %eq3A_303, %not3A_307 : i1
        %convert_element_type3A_309 = arith.extui %not3A_308 : i1 to i32
        %cond3A_310 = arith.constant 0 : i32
        %cond3A_311 = arith.cmpi ne, %convert_element_type3A_309, %cond3A_310 : i32
        scf.if %cond3A_311 {
          %dma_wait3A_312 = arith.constant 0 : i32
          %dma_wait3A_313 = tpu.memref_slice %arg15[%sub3A_299, %dma_wait3A_312] : memref<125x80xi32, #tpu.memory_space<vmem>> -> memref<1x80xi32, #tpu.memory_space<vmem>>
          %dma_wait3A_314 = tpu.memref_squeeze %dma_wait3A_313 : memref<1x80xi32, #tpu.memory_space<vmem>> -> memref<80xi32, #tpu.memory_space<vmem>>
          %dma_wait3A_315 = arith.constant 0 : i32
          %dma_wait3A_316 = arith.constant 0 : i32
          %dma_wait3A_317 = tpu.memref_slice %arg19[%dma_wait3A_315, %dma_wait3A_316] : memref<1024x128xf32, #tpu.memory_space<vmem_shared>> -> memref<1024x128xf32, #tpu.memory_space<vmem_shared>>
          tpu.wait_indirect_dma semaphore(%arg28 : memref<!tpu.dma_semaphore, #tpu.memory_space<semaphore_mem>>) src(%arg8 : memref<80x128xf32, #tpu.memory_space<vmem>>) dst(%dma_wait3A_317 : memref<1024x128xf32, #tpu.memory_space<vmem_shared>>)
        } else {
        }
      } else {
      }
      %add3A_288 = arith.constant 5 : i32
      %add3A_289 = arith.addi %add3A_262, %add3A_288 : i32
      %sub3A_290 = arith.constant 1 : i32
      %sub3A_291 = arith.subi %add3A_289, %sub3A_290 : i32
      %lt3A_292 = arith.constant 125 : i32
      %lt3A_293 = arith.cmpi slt, %sub3A_291, %lt3A_292 : i32
      %convert_element_type3A_294 = arith.extui %lt3A_293 : i1 to i32
      %cond3A_295 = arith.constant 0 : i32
      %cond3A_296 = arith.cmpi ne, %convert_element_type3A_294, %cond3A_295 : i32
      scf.if %cond3A_296 {
        %add3A_298 = arith.constant 5 : i32
        %add3A_299 = arith.addi %add3A_262, %add3A_298 : i32
        %sub3A_300 = arith.constant 1 : i32
        %sub3A_301 = arith.subi %add3A_299, %sub3A_300 : i32
        %dma_start3A_302 = arith.constant 0 : i32
        %dma_start3A_303 = arith.constant 0 : i32
        %dma_start3A_304 = tpu.memref_slice %arg2[%add3A, %sub3A_301, %dma_start3A_302, %dma_start3A_303] : memref<32x125x80x128xf32, #tpu.memory_space<hbm>> -> memref<1x1x80x128xf32, #tpu.memory_space<hbm>>
        %dma_start3A_305 = tpu.memref_squeeze %dma_start3A_304 : memref<1x1x80x128xf32, #tpu.memory_space<hbm>> -> memref<80x128xf32, #tpu.memory_space<hbm>>
        %dma_start3A_306 = arith.constant 0 : i32
        %dma_start3A_307 = arith.constant 0 : i32
        %dma_start3A_308 = tpu.memref_slice %arg2[%add3A, %sub3A_301, %dma_start3A_306, %dma_start3A_307] : memref<32x125x80x128xf32, #tpu.memory_space<hbm>> -> memref<1x1x80x128xf32, #tpu.memory_space<hbm>>
        %dma_start3A_309 = tpu.memref_squeeze %dma_start3A_308 : memref<1x1x80x128xf32, #tpu.memory_space<hbm>> -> memref<80x128xf32, #tpu.memory_space<hbm>>
        tpu.enqueue_dma source(%dma_start3A_309 : memref<80x128xf32, #tpu.memory_space<hbm>>) target(%arg8 : memref<80x128xf32, #tpu.memory_space<vmem>>) target_semaphore(%arg23 : memref<!tpu.dma_semaphore, #tpu.memory_space<semaphore_mem>>)
      } else {
      }
      %scan3A_297 = arith.constant 0 : i32
      scf.yield %scan3A_297 : i32
    }
    %scan3A_94 = arith.constant 25 : i32
    %get3A = arith.constant 124 : i32
    %get3A_95 = arith.index_cast %get3A : i32 to index
    %get3A_96 = memref.load %arg18[%get3A_95] : memref<125xi32, #tpu.memory_space<smem>>
    %eq3A = arith.constant 1 : i32
    %eq3A_97 = arith.cmpi eq, %get3A_96, %eq3A : i32
    %convert_element_type3A = arith.extui %eq3A_97 : i1 to i32
    %cond3A = arith.constant 0 : i32
    %cond3A_98 = arith.cmpi ne, %convert_element_type3A, %cond3A : i32
    scf.if %cond3A_98 {
      %dma_wait3A_108 = arith.constant 124 : i32
      %dma_wait3A_109 = arith.constant 0 : i32
      %dma_wait3A_110 = tpu.memref_slice %arg16[%dma_wait3A_108, %dma_wait3A_109] : memref<125x16xi32, #tpu.memory_space<vmem>> -> memref<1x16xi32, #tpu.memory_space<vmem>>
      %dma_wait3A_111 = tpu.memref_squeeze %dma_wait3A_110 : memref<1x16xi32, #tpu.memory_space<vmem>> -> memref<16xi32, #tpu.memory_space<vmem>>
      %dma_wait3A_112 = arith.constant 0 : i32
      %dma_wait3A_113 = arith.constant 0 : i32
      %dma_wait3A_114 = tpu.memref_slice %arg19[%dma_wait3A_112, %dma_wait3A_113] : memref<1024x128xf32, #tpu.memory_space<vmem_shared>> -> memref<1024x128xf32, #tpu.memory_space<vmem_shared>>
      tpu.wait_indirect_dma semaphore(%arg29 : memref<!tpu.dma_semaphore, #tpu.memory_space<semaphore_mem>>) src(%arg14 : memref<16x128xf32, #tpu.memory_space<vmem>>) dst(%dma_wait3A_114 : memref<1024x128xf32, #tpu.memory_space<vmem_shared>>)
    } else {
    }
    %not3A = arith.constant true
    %not3A_99 = arith.xori %eq3A_97, %not3A : i1
    %convert_element_type3A_100 = arith.extui %not3A_99 : i1 to i32
    %cond3A_101 = arith.constant 0 : i32
    %cond3A_102 = arith.cmpi ne, %convert_element_type3A_100, %cond3A_101 : i32
    scf.if %cond3A_102 {
      %dma_wait3A_108 = arith.constant 124 : i32
      %dma_wait3A_109 = arith.constant 0 : i32
      %dma_wait3A_110 = tpu.memref_slice %arg15[%dma_wait3A_108, %dma_wait3A_109] : memref<125x80xi32, #tpu.memory_space<vmem>> -> memref<1x80xi32, #tpu.memory_space<vmem>>
      %dma_wait3A_111 = tpu.memref_squeeze %dma_wait3A_110 : memref<1x80xi32, #tpu.memory_space<vmem>> -> memref<80xi32, #tpu.memory_space<vmem>>
      %dma_wait3A_112 = arith.constant 0 : i32
      %dma_wait3A_113 = arith.constant 0 : i32
      %dma_wait3A_114 = tpu.memref_slice %arg19[%dma_wait3A_112, %dma_wait3A_113] : memref<1024x128xf32, #tpu.memory_space<vmem_shared>> -> memref<1024x128xf32, #tpu.memory_space<vmem_shared>>
      tpu.wait_indirect_dma semaphore(%arg29 : memref<!tpu.dma_semaphore, #tpu.memory_space<semaphore_mem>>) src(%arg9 : memref<80x128xf32, #tpu.memory_space<vmem>>) dst(%dma_wait3A_114 : memref<1024x128xf32, #tpu.memory_space<vmem_shared>>)
    } else {
    }
    %barrier3A_103 = arith.constant 0 : index
    tpu.barrier barrier_id(%barrier3A_103)
    %mul3A_104 = arith.constant 64 : i32
    %mul3A_105 = arith.muli %arg1, %mul3A_104 : i32
    %mul3A_106 = arith.constant 64 : i32
    %mul3A_107 = arith.muli %arg1, %mul3A_106 : i32
    "tpu.region"() ({
      %run_scoped3A = tpu.sem_alloc : memref<!tpu.dma_semaphore, #tpu.memory_space<semaphore_mem>>
      %dma_start3A_108 = arith.constant 0 : i32
      %dma_start3A_109 = tpu.memref_slice %arg4[%arg0, %mul3A_107, %dma_start3A_108] : memref<2x1024x128xf32, #tpu.memory_space<hbm>> -> memref<1x64x128xf32, #tpu.memory_space<hbm>>
      %dma_start3A_110 = tpu.memref_squeeze %dma_start3A_109 : memref<1x64x128xf32, #tpu.memory_space<hbm>> -> memref<64x128xf32, #tpu.memory_space<hbm>>
      %dma_start3A_111 = arith.constant 0 : i32
      %dma_start3A_112 = tpu.memref_slice %arg19[%mul3A_105, %dma_start3A_111] : memref<1024x128xf32, #tpu.memory_space<vmem_shared>> -> memref<64x128xf32, #tpu.memory_space<vmem_shared>>
      tpu.enqueue_dma source(%dma_start3A_112 : memref<64x128xf32, #tpu.memory_space<vmem_shared>>) target(%dma_start3A_110 : memref<64x128xf32, #tpu.memory_space<hbm>>) target_semaphore(%run_scoped3A : memref<!tpu.dma_semaphore, #tpu.memory_space<semaphore_mem>>)
      %dma_wait3A_113 = arith.constant 0 : i32
      %dma_wait3A_114 = tpu.memref_slice %arg4[%arg0, %mul3A_107, %dma_wait3A_113] : memref<2x1024x128xf32, #tpu.memory_space<hbm>> -> memref<1x64x128xf32, #tpu.memory_space<hbm>>
      %dma_wait3A_115 = tpu.memref_squeeze %dma_wait3A_114 : memref<1x64x128xf32, #tpu.memory_space<hbm>> -> memref<64x128xf32, #tpu.memory_space<hbm>>
      %dma_wait3A_116 = arith.constant 0 : i32
      %dma_wait3A_117 = tpu.memref_slice %arg19[%mul3A_105, %dma_wait3A_116] : memref<1024x128xf32, #tpu.memory_space<vmem_shared>> -> memref<64x128xf32, #tpu.memory_space<vmem_shared>>
      tpu.wait_dma2 semaphore(%run_scoped3A : memref<!tpu.dma_semaphore, #tpu.memory_space<semaphore_mem>>) src(%dma_wait3A_117 : memref<64x128xf32, #tpu.memory_space<vmem_shared>>) dst(%dma_wait3A_115 : memref<64x128xf32, #tpu.memory_space<hbm>>)
      tpu.yield
    }) : () -> ()
    return
  }
}

module attributes {stable_mosaic.version = 14 : i64} {
  func.func @_add_body(%arg0: memref<2x1024x128xf32, #tpu.memory_space<vmem>>, %arg1: memref<1024x128xf32, #tpu.memory_space<vmem>>) attributes {dimension_semantics = [], scalar_prefetch = 0 : i64, scratch_operands = 0 : i64, tpu.core_type = #tpu.core_type<tc>} {
    %get3A = arith.constant 0 : index
    %get3A_0 = arith.constant 0 : index
    %get3A_1 = arith.constant 0 : index
    %get3A_2 = vector.load %arg0[%get3A, %get3A_0, %get3A_1] : memref<2x1024x128xf32, #tpu.memory_space<vmem>>, vector<1x1024x128xf32>
    %get3A_3 = vector.shape_cast %get3A_2 : vector<1x1024x128xf32> to vector<1024x128xf32>
    %get3A_4 = arith.constant 1 : index
    %get3A_5 = arith.constant 0 : index
    %get3A_6 = arith.constant 0 : index
    %get3A_7 = vector.load %arg0[%get3A_4, %get3A_5, %get3A_6] : memref<2x1024x128xf32, #tpu.memory_space<vmem>>, vector<1x1024x128xf32>
    %get3A_8 = vector.shape_cast %get3A_7 : vector<1x1024x128xf32> to vector<1024x128xf32>
    %add3A = arith.addf %get3A_3, %get3A_8 : vector<1024x128xf32>
    %swap3A = arith.constant 0 : index
    %swap3A_9 = arith.constant 0 : index
    %swap3A_10 = vector.load %arg1[%swap3A, %swap3A_9] : memref<1024x128xf32, #tpu.memory_space<vmem>>, vector<1024x128xf32>
    tpu.vector_store %arg1[%swap3A, %swap3A_9], %add3A {strides = array<i32>} : memref<1024x128xf32, #tpu.memory_space<vmem>>, vector<1024x128xf32>,
    return
  }
}

</mosaic_0001>

<sc_bundles>
// kernel: kernel.4.cloned.1.call-start
scs
__scs_entry_jumppad:
0x0: {  	(pc) =	sbr.rel $0x88, $3  }
0x1: {  	(tag) =	ssettag $0x0;
	lr =	simm.s32 $0x1  }
0x2: {  	[smem:$0x3F9F] =	sst lr;
	_ =	strace $0xD0000000  }
0x3: {  	_ = 	snop  }
0x4: {  	_ = 	snop  }
0x5: {  	_ = 	snop  }
0x6: {  	_ = 	snop  }
0x7: {  	_ = 	snop  }
__scs_overlays_trampoline_lowered:
0x8: {  	[smem:$0x3FAE] =	sst s0  }
0x9: {  	[smem:$0x3FAF] =	sst s1  }
0xa: {  	[smem:$0x3FB0] =	sst s2  }
0xb: {  	[smem:$0x3FB1] =	sst s3  }
0xc: {  	[smem:$0x3FB2] =	sst s4  }
0xd: {  	[smem:$0x3FB3] =	sst s5  }
0xe: {  	[smem:$0x3FB4] =	sst s6  }
0xf: {  	[smem:$0x3FB5] =	sst s7  }
0x10: {  	[smem:$0x3FB6] =	sst s8  }
0x11: {  	[smem:$0x3FB7] =	sst s9;
	s0 =	simm.s32 @!p0 $0x0  }
0x12: {  	s1 =	sld [smem:$0x3F9D];
	s0 =	simm.s32 @p0 $0x1  }
0x13: {  	[smem:$0x3FB8] =	sst s0;
	s0 =	simm.s32 @!p1 $0x0  }
0x14: {  	s2 =	sld [smem:$0x3F9C];
	s0 =	simm.s32 @p1 $0x1  }
0x15: {  	[smem:$0x3FB9] =	sst s0;
	s0 =	simm.s32 @!p2 $0x0  }
0x16: {  	s3 =	sld [smem:$0x3FDB];
	s0 =	simm.s32 @p2 $0x1  }
0x17: {  	s4 =	simm.s32 $0x1BF5;
	[smem:$0x3FBB] =	sst s0  }
0x18: {  	s0 =	sld [smem:$0x3F9E];
	_ =	swait.ge [sflag:s4], $0x0  }
0x19: {  	s7 =	sld [smem:$0x3F9F]  }
0x1a: {  	s8 =	sadd.s32 $0xFFFFE003, lr  }
0x1b: {  	s9 =	sadd.s32 $0xFFFFFEF7, lr;
	s5 =	simm.s32 $0xFFFFFFFF;
	p2 =	slt.u32 s8, $0xFFFFF086  }
0x1c: {  	p1 =	slt.u32 s9, $0xF7A;
	s5 =	simm.s32 @!p2 $0x0  }
0x1d: {  	s5 =	simm.s32 @p1 $0x1;
	p0 =	seq.s32 s7, s2  }
0x1e: {  	s7 =	smul.u32 @!p0 $0xF7A, s2;
	p2 =	seq.s32 @!p0 s5, $0x0  }
0x1f: {  	s9 =	smul.u32 $0xF7A, s1;
	s8 =	simm.s32 @!p0 $0x1BF5;
	p2 =	por !p2, p0  }
0x20: {  	[sflag:s8] =	ssyncset.s32 @!p0 $0xFFFFF086;
	s6 =	sadd.s32 @!p0 s3, s7;
	s7 =	simm.s32 @!p0 $0x108  }
0x21: {  	s3 =	sadd.s32 s3, s9;
	s6 =	sadd.s32 @!p0 $0x88, s6;
	s7 =	simm.s32 @p2 $0x1082  }
0x22: {  	[simem:s7], [sflag:s8] =	dma.local @!p0 [hbm:s6], $0xF7A  }
0x23: {  	s9 =	sor.u32 $0xD0000000, s2;
	s6 =	simm.s32 $0x108;
	_ =	swait.ge @!p0 [sflag:s8], $0x0  }
0x24: {  	s3 =	sadd.s32 $0x88, s3;
	s6 =	simm.s32 @!p1 $0x1082;
	[sflag:s4] =	ssyncset.s32 $0xFFFFF086  }
0x25: {  	[simem:s6], [sflag:s4] =	dma.local [hbm:s3], $0xF7A  }
0x26: {  	[smem:$0x3F9F] =	sst s1;
	(tag) =	ssettag s2;
	_ =	strace s9  }
0x27: {  	s1 =	sld [smem:$0x3FAF]  }
0x28: {  	s2 =	sld [smem:$0x3FB0]  }
0x29: {  	s4 =	sld [smem:$0x3FB2]  }
0x2a: {  	p0 =	seq.s32 s5, $0x0;
	s5 =	sld [smem:$0x3FB3]  }
0x2b: {  	s6 =	sld [smem:$0x3FB4]  }
0x2c: {  	s7 =	sld [smem:$0x3FB5]  }
0x2d: {  	s3 =	simm.s32 $0x108;
	s8 =	sld [smem:$0x3FB6]  }
0x2e: {  	s3 =	simm.s32 @!p0 $0x1082;
	s9 =	sld [smem:$0x3FB7]  }
0x2f: {  	lr =	sadd.s32 s0, s3;
	s0 =	sld [smem:$0x3FAE]  }
0x30: {  	s3 =	sld [smem:$0x3FB1]  }
0x31: {  	[smem:$0x3FBA] =	sst s10  }
0x32: {  	s10 =	sld [smem:$0x3FB8];
	_ =	sdelay $0x3  }
0x33: {  	p0 =	seq.s32 s10, $0x1;
	s10 =	sld [smem:$0x3FBA];
	_ =	sdelay $0x3  }
0x34: {  	[smem:$0x3FBA] =	sst s10  }
0x35: {  	s10 =	sld [smem:$0x3FB9];
	_ =	sdelay $0x3  }
0x36: {  	p1 =	seq.s32 s10, $0x1;
	s10 =	sld [smem:$0x3FBA];
	_ =	sdelay $0x3  }
0x37: {  	[smem:$0x3FBA] =	sst s10  }
0x38: {  	s10 =	sld [smem:$0x3FBB]  }
0x39: {  	_ = 	snop;
	(pc) =	sbr.ind lr, $3  }
0x3a: {  	_ = 	snop  }
0x3b: {  	_ = 	snop  }
0x3c: {  	p2 =	seq.s32 s10, $0x1;
	s10 =	sld [smem:$0x3FBA]  }
0x3d: {  	_ =	shalt  }
0x3e: {  	_ =	shalt  }
0x3f: {  	_ =	shalt  }
0x40: {  	_ =	shalt  }
0x41: {  	_ =	shalt  }
0x42: {  	_ =	shalt  }
0x43: {  	_ =	shalt  }
0x44: {  	_ =	shalt  }
0x45: {  	_ =	shalt  }
0x46: {  	_ =	shalt  }
0x47: {  	_ =	shalt  }
0x48: {  	_ =	shalt  }
0x49: {  	_ =	shalt  }
0x4a: {  	_ =	shalt  }
0x4b: {  	_ =	shalt  }
0x4c: {  	_ =	shalt  }
0x4d: {  	_ =	shalt  }
0x4e: {  	_ =	shalt  }
0x4f: {  	_ =	shalt  }
0x50: {  	_ =	shalt  }
0x51: {  	_ =	shalt  }
0x52: {  	_ =	shalt  }
0x53: {  	_ =	shalt  }
0x54: {  	_ =	shalt  }
0x55: {  	_ =	shalt  }
0x56: {  	_ =	shalt  }
0x57: {  	_ =	shalt  }
0x58: {  	_ =	shalt  }
0x59: {  	_ =	shalt  }
0x5a: {  	_ =	shalt  }
0x5b: {  	_ =	shalt  }
0x5c: {  	_ =	shalt  }
0x5d: {  	_ =	shalt  }
0x5e: {  	_ =	shalt  }
0x5f: {  	_ =	shalt  }
0x60: {  	_ =	shalt  }
0x61: {  	_ =	shalt  }
0x62: {  	_ =	shalt  }
0x63: {  	_ =	shalt  }
0x64: {  	_ =	shalt  }
0x65: {  	_ =	shalt  }
0x66: {  	_ =	shalt  }
0x67: {  	_ =	shalt  }
0x68: {  	_ =	shalt  }
0x69: {  	_ =	shalt  }
0x6a: {  	_ =	shalt  }
0x6b: {  	_ =	shalt  }
0x6c: {  	_ =	shalt  }
0x6d: {  	_ =	shalt  }
0x6e: {  	_ =	shalt  }
0x6f: {  	_ =	shalt  }
0x70: {  	_ =	shalt  }
0x71: {  	_ =	shalt  }
0x72: {  	_ =	shalt  }
0x73: {  	_ =	shalt  }
0x74: {  	_ =	shalt  }
0x75: {  	_ =	shalt  }
0x76: {  	_ =	shalt  }
0x77: {  	_ =	shalt  }
0x78: {  	_ =	shalt  }
0x79: {  	_ =	shalt  }
0x7a: {  	_ =	shalt  }
0x7b: {  	_ =	shalt  }
0x7c: {  	_ =	shalt  }
0x7d: {  	_ =	shalt  }
0x7e: {  	_ =	shalt  }
0x7f: {  	_ =	shalt  }
0x80: {  	_ =	shalt  }
0x81: {  	_ =	shalt  }
0x82: {  	_ =	shalt  }
0x83: {  	_ =	shalt  }
0x84: {  	_ =	shalt  }
0x85: {  	_ =	shalt  }
0x86: {  	_ =	shalt  }
0x87: {  	_ =	shalt  }
.Lfunc_end0:
.L_simem_size_0:
called_computation_lowered:
.L_overlay_start_0:
0x88: {  	s2 =	sld [smem:$0x3FD9]  }
0x89: {  	s3 =	sld [smem:$0x3FFE];
	_ =	sdelay $0x1  }
0x8a: {  	s1 =	srdreg.scid  }
0x8b: {  	s0 =	sand.u32 $0x1, s1  }
0x8c: {  	s17 =	sshll.u32 s0, $0xA;
	s2 =	sadd.s32 s3, s2  }
0x8d: {  	s2 =	sadd.s32 s2, s17  }
0x8e: {  	[smem:$0x3FC6] =	sst s2  }
0x8f: {  	_ = 	snop  }
0x90: {  	s2 =	sld [smem:$0x3FC9];
	(tm) =	ssettm $0x1  }
0x91: {  	s18 =	sld [smem:$0x3FFB];
	_ =	sdelay $0x3  }
0x92: {  	_ =	strace s18  }
0x93: {  	s3 =	sld [smem:$0x3FFC];
	_ =	sdelay $0x3  }
0x94: {  	_ =	strace s3  }
0x95: {  	s3 =	sld [smem:$0x3FFD];
	_ =	sdelay $0x3  }
0x96: {  	_ =	strace s3  }
0x97: {  	_ =	strace $0x8FFFFFFF  }
0x98: {  	s19 =	sld [smem:$0x3FDB];
	_ =	sdelay $0x1  }
0x99: {  	s4 =	simm.s32 $_scs_section_size  }
0x9a: {  	s5 =	simm.s32 $_size__tile_overlayer_lowered;
	s6 =	simm.s32 $_tile_overlayer_lowered  }
0x9b: {  	s22 =	simm.s32 $0x1BFF;
	s21 =	sshll.u32 s6, $0x1;
	s3 =	sadd.s32 s4, s19  }
0x9c: {  	s7 =	simm.s32 $0x0;
	s20 =	sshll.u32 s5, $0x1;
	s5 =	sadd.s32 s21, s3  }
0x9d: {  	[timem:s7], [sflag:s22] =	dma.local [hbm:s5], s20  }
0x9e: {  	_ =	swait.ge [sflag:s22], s20  }
0x9f: {  	s4 =	ssub.s32 $0x0, s20;
	[sflag:s22] =	ssyncset.done $0x0  }
0xa0: {  	[sflag:s22] =	ssyncadd.s32 s4;
	_ =	sdelay $0x1  }
0xa1: {  	s23 =	simm.s32 $0x1B8B  }
0xa2: {  	_ =	swait.ge [sflag:s23], $0x1  }
0xa3: {  	[sflag:s23] =	ssyncset.done $0x0  }
0xa4: {  	s25 =	simm.s32 $0x1B8E;
	s24 =	sld [smem:$0x3FFE];
	[sflag:s23] =	ssyncadd.s32 $0xFFFFFFFF  }
0xa5: {  	s26 =	simm.s32 $execute0_lowered;
	[smem:$0x3FD2] =	sst s25  }
0xa6: {  	s5 =	sshll.u32 s26, $0x1;
	_ =	strace $0x80000046;
	[dreg:$0x1] =	wrdreg $0xFFFFFFFF  }
0xa7: {  	s28 =	simm.s32 $_size_execute0_lowered;
	s3 =	sadd.s32 s3, s5;
	[dreg:$0x0] =	wrdreg $0x0  }
0xa8: {  	s5 =	sshll.u32 s28, $0x1;
	[dreg:$0x2] =	wrdreg s3  }
0xa9: {  	[dreg:$0x3] =	wrdreg s5  }
0xaa: {  	[dreg:$0x4] =	wrdreg $0xC0  }
0xab: {  	_ =	task [dreg:s7], $0x5FFFF  }
0xac: {  	[dreg:$0x1] =	wrdreg $0xFFFFFFFF  }
0xad: {  	[dreg:$0x0] =	wrdreg $0x60  }
0xae: {  	[dreg:$0x2] =	wrdreg s2  }
0xaf: {  	[dreg:$0x3] =	wrdreg s24  }
0xb0: {  	[dreg:$0x4] =	wrdreg $0x178000  }
0xb1: {  	[dreg:$0x5] =	wrdreg $0x9  }
0xb2: {  	_ =	task.clear_ibuf [dreg:s7], $0x6FFFF;
	_ =	strace $0x90000046  }
0xb3: {  	s29 =	simm.s32 $0x9;
	_ =	strace $0x80000048  }
0xb4: {  	_ =	swait.ge [sflag:s29], $0x1  }
0xb5: {  	[sflag:s29] =	ssyncadd.s32 $0xFFFFFFFF  }
0xb6: {  	_ =	strace $0x90000048  }
0xb7: {  	_ =	sfence  }
0xb8: {  	s30 =	sld [smem:$0x0];
	_ =	sdelay $0x2  }
0xb9: {  	s31 =	sshll.u32 s1, $0xD;
	s1 =	sshrl.u32 s1, $0x2  }
0xba: {  	s3 =	sand.u32 $0x4000, s31;
	s1 =	sadd.s32 s1, s30  }
0xbb: {  	s0 =	sor.u32 s3, s0;
	s1 =	sshll.u32 s1, $0x11  }
0xbc: {  	s0 =	sor.u32 s1, s0  }
0xbd: {  	s0 =	sadd.s32 $0x8F2B, s0  }
0xbe: {  	[sflag:s0] =	ssyncadd.remote.s32 $0x1  }
0xbf: {  	_ =	sfence.sel $0xFFFF  }
0xc0: {  	[dreg:$0x0] =	wrdreg $0xFFFFFFFF;
	(pc) =	sbr.abs _section_cstart, $3  }
0xc1: {  	[dreg:$0x1] =	wrdreg $0xFFFFFFFF  }
0xc2: {  	_ =	task.clear_ibuf [dreg:s7], $0x2FFFF;
	_ =	strace $0x9FFFFFFF  }
0xc3: {  	(tm) =	ssettm $0x7FFFFFFF  }
tec
execute0_lowered:
.L_overlay_start_1:
0x0: {  	(tag) =	ssettag $0x1  }
0x1: {  	s0 =	rddreg [dreg:$0x0]  }
0x2: {  	s1 =	srdreg.scid;
	s2 =	rddreg [dreg:$0x1]  }
0x3: {  	s3 =	rddreg [dreg:$0x2];
	s9 =	stileid.u32;
	s4 =	simm.s32 $0x0  }
0x4: {  	s14 =	simm.s32 $0xB;
	s28 =	simm.s32 $0x5000;
	s29 =	simm.s32 $0x7800  }
0x5: {  	s30 =	simm.s32 $0x10;
	s10 =	simm.s32 $0x4;
	s11 =	simm.s32 $0xE000  }
0x6: {  	s12 =	simm.s32 $0xE800;
	s13 =	simm.s32 $0x50;
	s1 =	sand.u32 $0x1, s1  }
0x7: {  	[smem:$0x7FF] =	sst s4;
	s7 =	sshll.u32 s9, $0xA;
	s5 =	sshll.u32 s1, $0x4  }
0x8: {  	_ =	strace $0x80000047;
	s8 =	ssub.s32 $0x2, s1;
	s1 =	sshll.u32 s1, $0xE  }
0x9: {  	s5 =	sor.u32 s9, s5;
	s19 =	sshrl.u32 s8, $0x1;
	s9 =	sshll.u32 s9, $0xD  }
0xa: {  	s6 =	sshll.u32 s5, $0xB;
	s5 =	smul.u32 $0x138800, s5;
	s9 =	sadd.s32 s9, s3  }
0xb: {  	s6 =	sadd.s32 s6, s2;
	s2 =	sadd.s32 s7, s2;
	s7 =	ssub.s32 s8, s19  }
0xc: {  	s21 =	sadd.s32 $0x800, s9;
	s23 =	sadd.s32 $0x1000, s9;
	[dreg:$0x4] =	wrdreg s9  }
0xd: {  	s24 =	sadd.s32 $0x1800, s9;
	s8 =	simm.s32 $0xD800;
	[dreg:$0x6] =	wrdreg s21  }
0xe: {  	s20 =	sshrl.u32 s5, $0x3;
	s6 =	sadd.s32 $0x600, s6;
	[dreg:$0x8] =	wrdreg s23  }
0xf: {  	[dreg:$0x9] =	wrdreg s24;
	s15 =	sadd.s32 $0xC800, s5;
	s16 =	sadd.s32 $0xF000, s5  }
0x10: {  	s1 =	sadd.s32 s1, s2;
	s31 =	smax.u32 s7, $0x1;
	[dreg:$0x5] =	wrdreg s6  }
0x11: {  	s17 =	sadd.s32 $0x11800, s5;
	s22 =	sadd.s32 s0, s20;
	[dreg:$0xe] =	wrdreg s31  }
0x12: {  	s18 =	sadd.s32 $0x14000, s5;
	s1 =	sadd.s32 $0x10600, s1;
	[dreg:$0x7] =	wrdreg s22  }
.Ltmp0:
0x13: {  	s25 =	sadd.s32 $0x500, s22;
	[dreg:$0xd] =	wrdreg s1;
	(pc) =	sbr.rel .LBB2_1-.Ltmp0, $4  }
0x14: {  	s24 =	simm.s32 $0x5;
	s26 =	sadd.s32 $0xA00, s22;
	[dreg:$0xa] =	wrdreg s25  }
0x15: {  	s21 =	simm.s32 $0x2;
	s6 =	sadd.s32 $0xF00, s22;
	[dreg:$0xb] =	wrdreg s26  }
0x16: {  	s7 =	simm.s32 $0x3;
	s1 =	simm.s32 $0xA000;
	[dreg:$0xc] =	wrdreg s6  }
0x17: {  	v0 =	vimm.f32 $0.0e+00;
	s25 =	simm.s32 $0x1;
	s26 =	simm.s32 $0x2800;
	s6 =	simm.s32 $0x0  }
.LBB2_35:
0x18: {  	s2 =	sld [smem:$0x7C];
	_ =	sdelay $0x2  }
0x19: {  	p0 =	sne.s32 s2, $0x1  }
0x1a: {  	s2 =	simm.s32 @p0 $0xA  }
0x1b: {  	_ =	swait.ge @p0 [sflag:s2], $0x2800  }
0x1c: {  	[sflag:s2] =	ssyncset.done @p0 $0x0  }
0x1d: {  	[sflag:s2] =	ssyncadd.s32 @p0 $0xFFFFD800;
	s2 =	simm.s32 @!p0 $0xA  }
0x1e: {  	_ =	swait.ge @!p0 [sflag:s2], $0x800  }
0x1f: {  	[sflag:s2] =	ssyncset.done @!p0 $0x0  }
0x20: {  	[sflag:s2] =	ssyncadd.s32 @!p0 $0xFFFFF800  }
0x21: {  	s22 =	stileid.u32;
	[bflag:$0x0] =	sbarrier.arrive $0xFFFF  }
0x22: {  	s2 =	sshll.u32 s22, $0x6;
	s9 =	rddreg [dreg:$0x4]  }
0x23: {  	s2 =	sor.u32 $0x1C0B, s2;
	s14 =	rddreg [dreg:$0xd];
	s6 =	sshrl.u32 s9, $0x3  }
0x24: {  	[hbm:s14], [sflag:s2] =	dma.local [spmem:s6], $0x400  }
0x25: {  	s14 =	simm.s32 $0xB  }
0x26: {  	_ =	swait.ge [sflag:s14], $0x400  }
0x27: {  	s23 =	rddreg [dreg:$0xf]  }
0x28: {  	s31 =	rddreg [dreg:$0xe];
	s6 =	sadd.s32 $0x1, s23  }
0x29: {  	p0 =	sne.s32 s6, s31  }
.Ltmp1:
0x2a: {  	_ = 	snop;
	(pc) =	sbr.rel @!p0 .LBB2_36-.Ltmp1, $3  }
0x2b: {  	_ =	sdelay $0x1  }
0x2c: {  	[sflag:s14] =	ssyncset.done $0x0  }
0x2d: {  	[sflag:s14] =	ssyncadd.s32 $0xFFFFFC00  }
.LBB2_1:
0x2e: {  	s2 =	rddreg [dreg:$0x5];
	s31 =	simm.s32 $0xF000  }
0x2f: {  	[tilespmem:s31], [sflag:$0x5] =	stream.linear.gather [hbm4b:s2+s4], $0x3E80, $0x38;
	[tilespmem:$0x19800] =	vst v63  }
0x30: {  	[dreg:$0xf] =	wrdreg s6;
	s6 =	simm.s32 $0x200;
	s2 =	simm.s32 $0x0  }
.LBB2_2:
0x31: {  	p0 =	sne.s32 s6, $0x1E00;
	[tilespmem:s2+$0x17070] =	vst v0  }
0x32: {  	[tilespmem:s2+$0x17000] =	vst v0  }
0x33: {  	[tilespmem:s2+$0x17010] =	vst v0  }
.Ltmp2:
0x34: {  	[tilespmem:s2+$0x17020] =	vst v0;
	(pc) =	sbr.rel @p0 .LBB2_2-.Ltmp2, $4  }
0x35: {  	[tilespmem:s2+$0x17030] =	vst v0  }
0x36: {  	[tilespmem:s2+$0x17040] =	vst v0  }
0x37: {  	[tilespmem:s2+$0x17050] =	vst v0  }
0x38: {  	[tilespmem:s2+$0x17060] =	vst v0;
	s2 =	sshra.s32 s6, $0x2;
	s6 =	sadd.s32 $0x200, s6  }
0x39: {  	[tilespmem:s2+$0x17070] =	vst v0  }
0x3a: {  	[tilespmem:s2+$0x17000] =	vst v0  }
0x3b: {  	[tilespmem:s2+$0x17010] =	vst v0  }
0x3c: {  	[tilespmem:s2+$0x17020] =	vst v0  }
0x3d: {  	[tilespmem:s2+$0x17030] =	vst v0  }
0x3e: {  	[tilespmem:s2+$0x17040] =	vst v0  }
0x3f: {  	[tilespmem:s2+$0x17050] =	vst v0  }
0x40: {  	[tilespmem:s2+$0x17060] =	vst v0;
	s6 =	simm.s32 $0x17000  }
0x41: {  	[spmem:s9] =	stream.linear.scatter [tilespmem:s6], [sflag:$0xB], $0x800, $0x38;
	[tilespmem:$0x19800] =	vst v63  }
0x42: {  	_ =	swait.ge [sflag:s14], $0x800  }
0x43: {  	[sflag:s14] =	ssyncset.done $0x0  }
0x44: {  	s22 =	rddreg [dreg:$0x6];
	[sflag:s14] =	ssyncadd.s32 $0xFFFFF800  }
0x45: {  	[spmem:s22] =	stream.linear.scatter [tilespmem:s6], [sflag:$0xB], $0x800, $0x38;
	[tilespmem:$0x19800] =	vst v63  }
0x46: {  	_ =	swait.ge [sflag:s14], $0x800  }
0x47: {  	[sflag:s14] =	ssyncset.done $0x0  }
0x48: {  	s23 =	rddreg [dreg:$0x8];
	[sflag:s14] =	ssyncadd.s32 $0xFFFFF800  }
0x49: {  	[spmem:s23] =	stream.linear.scatter [tilespmem:s6], [sflag:$0xB], $0x800, $0x38;
	[tilespmem:$0x19800] =	vst v63  }
0x4a: {  	_ =	swait.ge [sflag:s14], $0x800  }
0x4b: {  	[sflag:s14] =	ssyncset.done $0x0  }
0x4c: {  	s31 =	rddreg [dreg:$0x9];
	[sflag:s14] =	ssyncadd.s32 $0xFFFFF800  }
0x4d: {  	[spmem:s31] =	stream.linear.scatter [tilespmem:s6], [sflag:$0xB], $0x800, $0x38;
	[tilespmem:$0x19800] =	vst v63  }
0x4e: {  	_ =	swait.ge [sflag:s14], $0x800  }
0x4f: {  	[sflag:s14] =	ssyncset.done $0x0  }
0x50: {  	s9 =	simm.s32 $0x200;
	s6 =	simm.s32 $0x0;
	[sflag:s14] =	ssyncadd.s32 $0xFFFFF800  }
.LBB2_4:
0x51: {  	p0 =	sne.s32 s9, $0x1E00;
	[tilespmem:s6+$0xE870] =	vst v0  }
0x52: {  	[tilespmem:s6+$0xC800] =	vst v0  }
0x53: {  	[tilespmem:s6+$0xD000] =	vst v0  }
0x54: {  	[tilespmem:s6+$0xD800] =	vst v0  }
0x55: {  	[tilespmem:s6+$0xE000] =	vst v0  }
0x56: {  	[tilespmem:s6+$0xE800] =	vst v0  }
0x57: {  	[tilespmem:s6+$0xC810] =	vst v0  }
0x58: {  	[tilespmem:s6+$0xD010] =	vst v0  }
0x59: {  	[tilespmem:s6+$0xD810] =	vst v0  }
0x5a: {  	[tilespmem:s6+$0xE010] =	vst v0  }
0x5b: {  	[tilespmem:s6+$0xE810] =	vst v0  }
0x5c: {  	[tilespmem:s6+$0xC820] =	vst v0  }
0x5d: {  	[tilespmem:s6+$0xD020] =	vst v0  }
0x5e: {  	[tilespmem:s6+$0xD820] =	vst v0  }
0x5f: {  	[tilespmem:s6+$0xE020] =	vst v0  }
0x60: {  	[tilespmem:s6+$0xE820] =	vst v0  }
0x61: {  	[tilespmem:s6+$0xC830] =	vst v0  }
0x62: {  	[tilespmem:s6+$0xD030] =	vst v0  }
0x63: {  	[tilespmem:s6+$0xD830] =	vst v0  }
0x64: {  	[tilespmem:s6+$0xE030] =	vst v0  }
0x65: {  	[tilespmem:s6+$0xE830] =	vst v0  }
0x66: {  	[tilespmem:s6+$0xC840] =	vst v0  }
0x67: {  	[tilespmem:s6+$0xD040] =	vst v0  }
0x68: {  	[tilespmem:s6+$0xD840] =	vst v0  }
0x69: {  	[tilespmem:s6+$0xE040] =	vst v0  }
0x6a: {  	[tilespmem:s6+$0xE840] =	vst v0  }
0x6b: {  	[tilespmem:s6+$0xC850] =	vst v0  }
0x6c: {  	[tilespmem:s6+$0xD050] =	vst v0  }
0x6d: {  	[tilespmem:s6+$0xD850] =	vst v0  }
0x6e: {  	[tilespmem:s6+$0xE050] =	vst v0  }
0x6f: {  	[tilespmem:s6+$0xE850] =	vst v0  }
0x70: {  	[tilespmem:s6+$0xC860] =	vst v0  }
0x71: {  	[tilespmem:s6+$0xD060] =	vst v0  }
0x72: {  	[tilespmem:s6+$0xD860] =	vst v0  }
0x73: {  	[tilespmem:s6+$0xE060] =	vst v0  }
.Ltmp3:
0x74: {  	[tilespmem:s6+$0xE860] =	vst v0;
	(pc) =	sbr.rel @p0 .LBB2_4-.Ltmp3, $4  }
0x75: {  	[tilespmem:s6+$0xC870] =	vst v0  }
0x76: {  	[tilespmem:s6+$0xD070] =	vst v0  }
0x77: {  	[tilespmem:s6+$0xD870] =	vst v0  }
0x78: {  	[tilespmem:s6+$0xE070] =	vst v0;
	s6 =	sshra.s32 s9, $0x2;
	s9 =	sadd.s32 $0x200, s9  }
0x79: {  	[tilespmem:s6+$0xE870] =	vst v0  }
0x7a: {  	[tilespmem:s6+$0xC800] =	vst v0  }
0x7b: {  	[tilespmem:s6+$0xD000] =	vst v0  }
0x7c: {  	[tilespmem:s6+$0xD800] =	vst v0  }
0x7d: {  	[tilespmem:s6+$0xE000] =	vst v0  }
0x7e: {  	[tilespmem:s6+$0xE800] =	vst v0  }
0x7f: {  	[tilespmem:s6+$0xC810] =	vst v0  }
0x80: {  	[tilespmem:s6+$0xD010] =	vst v0  }
0x81: {  	[tilespmem:s6+$0xD810] =	vst v0  }
0x82: {  	[tilespmem:s6+$0xE010] =	vst v0  }
0x83: {  	[tilespmem:s6+$0xE810] =	vst v0  }
0x84: {  	[tilespmem:s6+$0xC820] =	vst v0  }
0x85: {  	[tilespmem:s6+$0xD020] =	vst v0  }
0x86: {  	[tilespmem:s6+$0xD820] =	vst v0  }
0x87: {  	[tilespmem:s6+$0xE020] =	vst v0  }
0x88: {  	[tilespmem:s6+$0xE820] =	vst v0  }
0x89: {  	[tilespmem:s6+$0xC830] =	vst v0  }
0x8a: {  	[tilespmem:s6+$0xD030] =	vst v0  }
0x8b: {  	[tilespmem:s6+$0xD830] =	vst v0  }
0x8c: {  	[tilespmem:s6+$0xE030] =	vst v0  }
0x8d: {  	[tilespmem:s6+$0xE830] =	vst v0  }
0x8e: {  	[tilespmem:s6+$0xC840] =	vst v0  }
0x8f: {  	[tilespmem:s6+$0xD040] =	vst v0  }
0x90: {  	[tilespmem:s6+$0xD840] =	vst v0  }
0x91: {  	[tilespmem:s6+$0xE040] =	vst v0  }
0x92: {  	[tilespmem:s6+$0xE840] =	vst v0  }
0x93: {  	[tilespmem:s6+$0xC850] =	vst v0  }
0x94: {  	[tilespmem:s6+$0xD050] =	vst v0  }
0x95: {  	[tilespmem:s6+$0xD850] =	vst v0  }
0x96: {  	[tilespmem:s6+$0xE050] =	vst v0  }
0x97: {  	[tilespmem:s6+$0xE850] =	vst v0  }
0x98: {  	[tilespmem:s6+$0xC860] =	vst v0  }
0x99: {  	[tilespmem:s6+$0xD060] =	vst v0  }
0x9a: {  	[tilespmem:s6+$0xD860] =	vst v0  }
0x9b: {  	[tilespmem:s6+$0xE060] =	vst v0  }
0x9c: {  	[tilespmem:s6+$0xE860] =	vst v0  }
0x9d: {  	[tilespmem:s6+$0xC870] =	vst v0  }
0x9e: {  	[tilespmem:s6+$0xD070] =	vst v0  }
0x9f: {  	[tilespmem:s6+$0xD870] =	vst v0  }
0xa0: {  	[tilespmem:s6+$0xE070] =	vst v0  }
0xa1: {  	_ =	swait.ge [sflag:s24], $0x3E80  }
0xa2: {  	[sflag:s24] =	ssyncset.done $0x0  }
0xa3: {  	s2 =	simm.s32 $0x0;
	[sflag:s24] =	ssyncadd.s32 $0xFFFFC180  }
0xa4: {  	v1 =	vld [tilespmem:s2+$0xF000];
	_ =	sdelay $0x2  }
0xa5: {  	v2 =	vld [tilespmem:s2+$0xF040]  }
0xa6: {  	s22 =	simm.s32 $0x80  }
0xa7: {  	v3 =	vld [tilespmem:s22+$0xF040];
	[tilespmem:s2+$0x13000] =	vst v1  }
0xa8: {  	v4 =	vld [tilespmem:s22+$0xF000];
	_ =	sdelay $0x1  }
0xa9: {  	(v2sf) =	vpush v2, $0xF  }
0xaa: {  	(v2sf) =	vpush v1, $0x0  }
0xab: {  	(v2sf) =	vpush v3, $0xF  }
0xac: {  	(v2sf) =	vpush v4, $0x0;
	_ =	sdelay $0x1  }
0xad: {  	s23 =	simm.s32 $0x100  }
0xae: {  	v1 =	vld [tilespmem:s23+$0xF040];
	[tilespmem:s22+$0x13000] =	vst v4  }
0xaf: {  	v2 =	vld [tilespmem:s23+$0xF000];
	_ =	sdelay $0x3  }
0xb0: {  	s9 =	simm.s32 $0x180  }
0xb1: {  	v3 =	vld [tilespmem:s9+$0xF040];
	[tilespmem:s23+$0x13000] =	vst v2  }
0xb2: {  	v4 =	vld [tilespmem:s9+$0xF000];
	_ =	sdelay $0x1  }
0xb3: {  	s31 =	spop (v2sf);
	(v2sf) =	vpush v1, $0xF  }
0xb4: {  	s14 =	spop (v2sf);
	(v2sf) =	vpush v2, $0x0  }
0xb5: {  	s19 =	spop (v2sf);
	(v2sf) =	vpush v3, $0xF  }
0xb6: {  	s20 =	spop (v2sf);
	(v2sf) =	vpush v4, $0x0;
	_ =	sdelay $0x3  }
0xb7: {  	s6 =	simm.s32 $0x200  }
0xb8: {  	v2 =	vld [tilespmem:s6+$0xF040];
	[tilespmem:s9+$0x13000] =	vst v4  }
0xb9: {  	p0 =	seq.s32 s14, s31;
	s14 =	simm.s32 $0x1;
	v1 =	vld [tilespmem:s6+$0xF000]  }
0xba: {  	s2 =	simm.s32 $0x0;
	s14 =	simm.s32 @!p0 $0x0  }
0xbb: {  	s9 =	simm.s32 $0xA00;
	[smem:s2] =	sst s14;
	p0 =	seq.s32 s20, s19  }
.LBB2_6:
0xbc: {  	s14 =	sshra.s32 s9, $0x2;
	s19 =	simm.s32 $0x1  }
0xbd: {  	(v2sf) =	vpush v2, $0xF;
	s2 =	sadd.s32 $0x1, s2;
	p1 =	sne.s32 s9, $0xF800;
	s19 =	simm.s32 @!p0 $0x0  }
.Ltmp4:
0xbe: {  	s9 =	sadd.s32 $0x200, s9;
	v2 =	vld [tilespmem:s14+$0xF040];
	[tilespmem:s6+$0x13000] =	vst v1;
	(v2sf) =	vpush v1, $0x0;
	[smem:s2] =	sst s19;
	(pc) =	sbr.rel @p1 .LBB2_6-.Ltmp4, $4  }
0xbf: {  	s6 =	smov.u32 s14;
	v1 =	vld [tilespmem:s14+$0xF000]  }
0xc0: {  	s14 =	spop (v2sf)  }
0xc1: {  	s19 =	spop (v2sf)  }
0xc2: {  	p0 =	seq.s32 s19, s14  }
0xc3: {  	(v2sf) =	vpush v2, $0xF  }
0xc4: {  	(v2sf) =	vpush v1, $0x0;
	_ =	sdelay $0x8  }
0xc5: {  	s9 =	spop (v2sf)  }
0xc6: {  	s20 =	simm.s32 $0x1;
	s14 =	spop (v2sf)  }
0xc7: {  	s2 =	sadd.s32 $0x1, s2;
	s20 =	simm.s32 @!p0 $0x0;
	p1 =	seq.s32 s14, s9  }
0xc8: {  	[smem:s2] =	sst s20;
	s9 =	simm.s32 $0x1;
	s19 =	spop (v2sf)  }
0xc9: {  	s2 =	sadd.s32 $0x1, s2;
	s9 =	simm.s32 @!p1 $0x0;
	s23 =	spop (v2sf)  }
0xca: {  	s14 =	simm.s32 $0x1;
	[smem:s2] =	sst s9;
	s31 =	spop (v2sf)  }
0xcb: {  	s2 =	sadd.s32 $0x1, s2;
	p0 =	seq.s32 s23, s19;
	s19 =	spop (v2sf)  }
0xcc: {  	s9 =	simm.s32 $0x1;
	s14 =	simm.s32 @!p0 $0x0;
	p2 =	seq.s32 s19, s31  }
0xcd: {  	[smem:s2] =	sst s14;
	s2 =	sadd.s32 $0x1, s2;
	s9 =	simm.s32 @!p2 $0x0  }
0xce: {  	[tilespmem:s6+$0x13000] =	vst v1;
	[smem:s2] =	sst s9  }
0xcf: {  	[bflag:$0x0] =	sbarrier.arrive $0xFFFF  }
0xd0: {  	s19 =	simm.s32 $0x0;
	s20 =	rddreg [dreg:$0x7]  }
0xd1: {  	[tilespmem:s19], [sflag:$0x1] =	stream.linear.gather [hbm4b:s20+s19], $0x2800, $0x38;
	[tilespmem:$0x19800] =	vst v63  }
0xd2: {  	s22 =	rddreg [dreg:$0xa]  }
0xd3: {  	[tilespmem:s26], [sflag:$0x2] =	stream.linear.gather [hbm4b:s22+s19], $0x2800, $0x38;
	[tilespmem:$0x19800] =	vst v63  }
0xd4: {  	s23 =	rddreg [dreg:$0xb]  }
0xd5: {  	[tilespmem:s28], [sflag:$0x3] =	stream.linear.gather [hbm4b:s23+s19], $0x2800, $0x38;
	[tilespmem:$0x19800] =	vst v63  }
0xd6: {  	s31 =	rddreg [dreg:$0xc];
	s20 =	simm.s32 $0x0  }
0xd7: {  	[tilespmem:s29], [sflag:$0x4] =	stream.linear.gather [hbm4b:s31+s19], $0x2800, $0x38;
	[tilespmem:$0x19800] =	vst v63  }
.LBB2_8:
0xd8: {  	_ =	swait.ge [sflag:s25], $0x2800  }
0xd9: {  	s22 =	smul.u32 $0x5, s20;
	[sflag:s25] =	ssyncset.done $0x0  }
0xda: {  	[sflag:s25] =	ssyncadd.s32 $0xFFFFD800  }
0xdb: {  	s2 =	sld [smem:s22+$0x0];
	_ =	sdelay $0x2  }
0xdc: {  	p1 =	sne.s32 s2, $0x1  }
.Ltmp5:
0xdd: {  	_ = 	snop;
	(pc) =	sbr.rel @p1 .LBB2_12-.Ltmp5, $2  }
0xde: {  	_ =	sdelay $0x2  }
0xdf: {  	v1 =	vimm.f32 $0.0e+00  }
0xe0: {  	s14 =	sshra.s32 s19, $0x2  }
0xe1: {  	v2 =	vld [tilespmem:s14+$0x1F0]  }
0xe2: {  	v3 =	vld [tilespmem:s14+$0x0]  }
0xe3: {  	v4 =	vld [tilespmem:s14+$0x10]  }
0xe4: {  	v5 =	vld [tilespmem:s14+$0x20]  }
0xe5: {  	v6 =	vld [tilespmem:s14+$0x30]  }
0xe6: {  	v7 =	vld [tilespmem:s14+$0x40]  }
0xe7: {  	v8 =	vld [tilespmem:s14+$0x50]  }
0xe8: {  	v9 =	vld [tilespmem:s14+$0x60]  }
0xe9: {  	v10 =	vld [tilespmem:s14+$0x70]  }
0xea: {  	v11 =	vld [tilespmem:s14+$0x80]  }
0xeb: {  	v12 =	vld [tilespmem:s14+$0x90]  }
0xec: {  	v13 =	vld [tilespmem:s14+$0xA0]  }
0xed: {  	v14 =	vld [tilespmem:s14+$0xB0]  }
0xee: {  	v15 =	vld [tilespmem:s14+$0xC0]  }
0xef: {  	v16 =	vld [tilespmem:s14+$0xD0]  }
0xf0: {  	v17 =	vld [tilespmem:s14+$0xE0]  }
0xf1: {  	v33 =	vld [tilespmem:s14+$0xF0]  }
0xf2: {  	v34 =	vld [tilespmem:s14+$0x100]  }
0xf3: {  	v35 =	vld [tilespmem:s14+$0x110];
	v2 =	vadd.f32 v2, v1  }
0xf4: {  	v37 =	vld [tilespmem:s14+$0x190];
	v32 =	vadd.f32 v3, v1;
	v30 =	vadd.f32 v4, v1  }
0xf5: {  	v3 =	vld [tilespmem:s14+$0x120];
	v31 =	vadd.f32 v5, v1;
	v28 =	vadd.f32 v6, v1  }
0xf6: {  	v4 =	vld [tilespmem:s14+$0x130];
	v29 =	vadd.f32 v7, v1;
	v26 =	vadd.f32 v8, v1  }
0xf7: {  	v5 =	vld [tilespmem:s14+$0x140];
	v27 =	vadd.f32 v9, v1;
	v24 =	vadd.f32 v10, v1  }
0xf8: {  	v6 =	vld [tilespmem:s14+$0x150];
	v25 =	vadd.f32 v11, v1;
	v22 =	vadd.f32 v12, v1  }
0xf9: {  	v7 =	vld [tilespmem:s14+$0x160];
	v23 =	vadd.f32 v13, v1;
	v20 =	vadd.f32 v14, v1  }
0xfa: {  	v8 =	vld [tilespmem:s14+$0x170];
	v21 =	vadd.f32 v15, v1;
	v18 =	vadd.f32 v16, v1  }
0xfb: {  	v11 =	vld [tilespmem:s14+$0x180];
	v19 =	vadd.f32 v17, v1;
	v16 =	vadd.f32 v33, v1  }
0xfc: {  	v17 =	vadd.f32 v34, v1;
	v15 =	vadd.f32 v35, v1  }
0xfd: {  	v33 =	vld [tilespmem:s14+$0x1A0];
	v14 =	vadd.f32 v3, v1;
	v12 =	vadd.f32 v4, v1  }
0xfe: {  	v34 =	vld [tilespmem:s14+$0x1B0];
	v13 =	vadd.f32 v5, v1;
	v9 =	vadd.f32 v6, v1  }
0xff: {  	v35 =	vld [tilespmem:s14+$0x1C0];
	v10 =	vadd.f32 v7, v1;
	v6 =	vadd.f32 v8, v1  }
0x100: {  	s2 =	sadd.s32 $0x800, s19;
	v36 =	vld [tilespmem:s14+$0x1D0];
	v7 =	vadd.f32 v11, v1;
	v4 =	vadd.f32 v37, v1;
	v8 =	vimm.f32 $0.0e+00  }
0x101: {  	s6 =	sshra.s32 s2, $0x2;
	s9 =	sadd.s32 $0x800, s2;
	v37 =	vld [tilespmem:s14+$0x1E0];
	v11 =	vimm.f32 $0.0e+00;
	v5 =	vimm.f32 $0.0e+00;
	v3 =	vimm.f32 $0.0e+00  }
.LBB2_10:
0x102: {  	p0 =	sne.s32 s9, $0x9800;
	v38 =	vld [tilespmem:s6+$0x1F0];
	v1 =	vadd.f32 v33, v1  }
0x103: {  	v33 =	vld [tilespmem:s6+$0x0];
	v8 =	vadd.f32 v34, v8  }
0x104: {  	v34 =	vld [tilespmem:s6+$0x10];
	v11 =	vadd.f32 v35, v11  }
0x105: {  	v35 =	vld [tilespmem:s6+$0x20];
	v5 =	vadd.f32 v36, v5  }
0x106: {  	v36 =	vld [tilespmem:s6+$0x30];
	v3 =	vadd.f32 v37, v3  }
0x107: {  	v37 =	vld [tilespmem:s6+$0x40];
	v2 =	vadd.f32 v38, v2  }
0x108: {  	v32 =	vadd.f32 v33, v32;
	v33 =	vld [tilespmem:s6+$0x50]  }
0x109: {  	v30 =	vadd.f32 v34, v30;
	v34 =	vld [tilespmem:s6+$0x60]  }
0x10a: {  	v31 =	vadd.f32 v35, v31;
	v35 =	vld [tilespmem:s6+$0x70]  }
0x10b: {  	v28 =	vadd.f32 v36, v28;
	v36 =	vld [tilespmem:s6+$0x80]  }
0x10c: {  	v29 =	vadd.f32 v37, v29;
	v37 =	vld [tilespmem:s6+$0x90]  }
0x10d: {  	v26 =	vadd.f32 v33, v26;
	v33 =	vld [tilespmem:s6+$0xA0]  }
0x10e: {  	v27 =	vadd.f32 v34, v27;
	v34 =	vld [tilespmem:s6+$0xB0]  }
0x10f: {  	v24 =	vadd.f32 v35, v24;
	v35 =	vld [tilespmem:s6+$0xC0]  }
0x110: {  	v25 =	vadd.f32 v36, v25;
	v36 =	vld [tilespmem:s6+$0xD0]  }
0x111: {  	v22 =	vadd.f32 v37, v22;
	v37 =	vld [tilespmem:s6+$0xE0]  }
0x112: {  	v23 =	vadd.f32 v33, v23;
	v33 =	vld [tilespmem:s6+$0xF0]  }
0x113: {  	v20 =	vadd.f32 v34, v20;
	v34 =	vld [tilespmem:s6+$0x100]  }
0x114: {  	v21 =	vadd.f32 v35, v21;
	v35 =	vld [tilespmem:s6+$0x110]  }
0x115: {  	v18 =	vadd.f32 v36, v18;
	v36 =	vld [tilespmem:s6+$0x120]  }
0x116: {  	v19 =	vadd.f32 v37, v19;
	v37 =	vld [tilespmem:s6+$0x130]  }
0x117: {  	v16 =	vadd.f32 v33, v16;
	v33 =	vld [tilespmem:s6+$0x140]  }
0x118: {  	v17 =	vadd.f32 v34, v17;
	v34 =	vld [tilespmem:s6+$0x150]  }
0x119: {  	v15 =	vadd.f32 v35, v15;
	v35 =	vld [tilespmem:s6+$0x160]  }
0x11a: {  	v14 =	vadd.f32 v36, v14;
	v36 =	vld [tilespmem:s6+$0x170]  }
0x11b: {  	v12 =	vadd.f32 v37, v12;
	v37 =	vld [tilespmem:s6+$0x180]  }
0x11c: {  	v13 =	vadd.f32 v33, v13;
	v38 =	vld [tilespmem:s6+$0x190]  }
.Ltmp6:
0x11d: {  	v9 =	vadd.f32 v34, v9;
	v33 =	vld [tilespmem:s6+$0x1A0];
	(pc) =	sbr.rel @p0 .LBB2_10-.Ltmp6, $4  }
0x11e: {  	v10 =	vadd.f32 v35, v10;
	v34 =	vld [tilespmem:s6+$0x1B0]  }
0x11f: {  	v6 =	vadd.f32 v36, v6;
	v35 =	vld [tilespmem:s6+$0x1C0]  }
0x120: {  	v7 =	vadd.f32 v37, v7;
	v36 =	vld [tilespmem:s6+$0x1D0]  }
0x121: {  	v4 =	vadd.f32 v38, v4;
	v37 =	vld [tilespmem:s6+$0x1E0];
	s6 =	sshra.s32 s9, $0x2;
	s9 =	sadd.s32 $0x800, s9  }
0x122: {  	v38 =	vld [tilespmem:s6+$0x1F0]  }
0x123: {  	v39 =	vld [tilespmem:s6+$0x0]  }
0x124: {  	v40 =	vld [tilespmem:s6+$0x10]  }
0x125: {  	v41 =	vld [tilespmem:s6+$0x20]  }
0x126: {  	v42 =	vld [tilespmem:s6+$0x30]  }
0x127: {  	v43 =	vld [tilespmem:s6+$0x40]  }
0x128: {  	v44 =	vld [tilespmem:s6+$0x50]  }
0x129: {  	v45 =	vld [tilespmem:s6+$0x60]  }
0x12a: {  	v46 =	vld [tilespmem:s6+$0x70]  }
0x12b: {  	v47 =	vld [tilespmem:s6+$0x80]  }
0x12c: {  	[tilespmem:$0x1FFF0] =	vst v38;
	v38 =	vld [tilespmem:s6+$0x190]  }
0x12d: {  	v48 =	vld [tilespmem:s6+$0x90]  }
0x12e: {  	v49 =	vld [tilespmem:s6+$0xA0]  }
0x12f: {  	v50 =	vld [tilespmem:s6+$0xB0]  }
0x130: {  	v51 =	vld [tilespmem:s6+$0xC0]  }
0x131: {  	[tilespmem:$0x1FFB0] =	vst v38;
	v38 =	vld [tilespmem:s6+$0x1A0]  }
0x132: {  	v52 =	vld [tilespmem:s6+$0xD0]  }
0x133: {  	v53 =	vld [tilespmem:s6+$0xE0]  }
0x134: {  	v54 =	vld [tilespmem:s6+$0xF0]  }
0x135: {  	v55 =	vld [tilespmem:s6+$0x100]  }
0x136: {  	[tilespmem:$0x1FFC0] =	vst v38;
	v38 =	vld [tilespmem:s6+$0x1B0]  }
0x137: {  	v56 =	vld [tilespmem:s6+$0x110]  }
0x138: {  	v57 =	vld [tilespmem:s6+$0x120]  }
0x139: {  	v58 =	vld [tilespmem:s6+$0x130]  }
0x13a: {  	v59 =	vld [tilespmem:s6+$0x140]  }
0x13b: {  	[tilespmem:$0x1FFD0] =	vst v38;
	v38 =	vld [tilespmem:s6+$0x1C0]  }
0x13c: {  	v60 =	vld [tilespmem:s6+$0x150]  }
0x13d: {  	v61 =	vld [tilespmem:s6+$0x160]  }
0x13e: {  	v62 =	vld [tilespmem:s6+$0x170]  }
0x13f: {  	v63 =	vld [tilespmem:s6+$0x180];
	v32 =	vadd.f32 v39, v32  }
0x140: {  	v39 =	vld [tilespmem:s6+$0x1D0];
	v30 =	vadd.f32 v40, v30;
	[tilespmem:$0x1FFE0] =	vst v38  }
0x141: {  	v31 =	vadd.f32 v41, v31;
	v38 =	vld [tilespmem:s6+$0x1E0];
	[tilespmem:$0xC800] =	vst v32  }
0x142: {  	v28 =	vadd.f32 v42, v28;
	[tilespmem:$0xC810] =	vst v30  }
0x143: {  	v29 =	vadd.f32 v43, v29;
	[tilespmem:$0xC820] =	vst v31  }
0x144: {  	v26 =	vadd.f32 v44, v26;
	[tilespmem:$0xC830] =	vst v28  }
0x145: {  	v27 =	vadd.f32 v45, v27;
	[tilespmem:$0xC840] =	vst v29  }
0x146: {  	v24 =	vadd.f32 v46, v24;
	[tilespmem:$0xC850] =	vst v26  }
0x147: {  	v25 =	vadd.f32 v47, v25;
	[tilespmem:$0xC860] =	vst v27  }
0x148: {  	v22 =	vadd.f32 v48, v22;
	[tilespmem:$0xC870] =	vst v24  }
0x149: {  	v23 =	vadd.f32 v49, v23;
	[tilespmem:$0xC880] =	vst v25  }
0x14a: {  	v20 =	vadd.f32 v50, v20;
	[tilespmem:$0xC890] =	vst v22  }
0x14b: {  	v21 =	vadd.f32 v51, v21;
	[tilespmem:$0xC8A0] =	vst v23  }
0x14c: {  	v18 =	vadd.f32 v52, v18;
	[tilespmem:$0xC8B0] =	vst v20  }
0x14d: {  	v19 =	vadd.f32 v53, v19;
	[tilespmem:$0xC8C0] =	vst v21  }
0x14e: {  	v16 =	vadd.f32 v54, v16;
	[tilespmem:$0xC8D0] =	vst v18  }
0x14f: {  	v17 =	vadd.f32 v55, v17;
	[tilespmem:$0xC8E0] =	vst v19  }
0x150: {  	v15 =	vadd.f32 v56, v15;
	[tilespmem:$0xC8F0] =	vst v16  }
0x151: {  	v14 =	vadd.f32 v57, v14;
	[tilespmem:$0xC900] =	vst v17  }
0x152: {  	v12 =	vadd.f32 v58, v12;
	[tilespmem:$0xC910] =	vst v15  }
0x153: {  	v13 =	vadd.f32 v59, v13;
	v58 =	vld [tilespmem:$0x1FFB0];
	[tilespmem:$0xC920] =	vst v14  }
0x154: {  	v9 =	vadd.f32 v60, v9;
	v60 =	vld [tilespmem:$0x1FFC0];
	[tilespmem:$0xC930] =	vst v12  }
0x155: {  	v10 =	vadd.f32 v61, v10;
	v7 =	vadd.f32 v63, v7;
	v63 =	vld [tilespmem:$0x1FFF0];
	[tilespmem:$0xC940] =	vst v13  }
0x156: {  	v6 =	vadd.f32 v62, v6;
	[tilespmem:$0xC950] =	vst v9  }
0x157: {  	v1 =	vadd.f32 v33, v1;
	v61 =	vld [tilespmem:$0x1FFD0];
	[tilespmem:$0xC960] =	vst v10  }
0x158: {  	v4 =	vadd.f32 v58, v4;
	[tilespmem:$0xC970] =	vst v6  }
0x159: {  	v5 =	vadd.f32 v36, v5;
	v1 =	vadd.f32 v60, v1;
	[tilespmem:$0xC980] =	vst v7;
	v62 =	vld [tilespmem:$0x1FFE0]  }
0x15a: {  	v8 =	vadd.f32 v34, v8;
	v2 =	vadd.f32 v63, v2;
	[tilespmem:$0xC990] =	vst v4  }
0x15b: {  	v3 =	vadd.f32 v37, v3;
	[tilespmem:$0xC9A0] =	vst v1;
	v1 =	vadd.f32 v39, v5  }
0x15c: {  	s2 =	smul.u32 $0xA00, s20;
	v59 =	vadd.f32 v35, v11;
	[tilespmem:$0xC9F0] =	vst v2;
	v7 =	vadd.f32 v61, v8  }
.Ltmp7:
0x15d: {  	[tilespmem:$0xC9D0] =	vst v1;
	v3 =	vadd.f32 v38, v3;
	(pc) =	sbr.rel .LBB2_13-.Ltmp7, $4  }
0x15e: {  	[tilespmem:$0xC9B0] =	vst v7;
	v4 =	vadd.f32 v62, v59  }
0x15f: {  	s2 =	sshra.s32 s2, $0x2;
	[tilespmem:$0xC9E0] =	vst v3  }
0x160: {  	s31 =	simm.s32 $0xC800;
	s2 =	sadd.s32 $0x13000, s2;
	[tilespmem:$0xC9C0] =	vst v4  }
0x161: {  	[spmem:s3] =	stream.indirect.scatter.add.f32 [tilespmem:s31], [sflag:$0x6], $0x80, s2, s30, $0xb8;
	[tilespmem:$0x19800] =	vst v63  }
.LBB2_12:
0x162: {  	s2 =	smul.u32 $0xA00, s20;
	_ =	sdelay $0x1  }
0x163: {  	s2 =	sshra.s32 s2, $0x2  }
0x164: {  	s2 =	sadd.s32 $0xF000, s2  }
0x165: {  	[spmem:s3] =	stream.indirect.scatter.add.f32 [tilespmem:s4], [sflag:$0x6], $0x80, s2, s13, $0xb8;
	[tilespmem:$0x19800] =	vst v63  }
.LBB2_13:
0x166: {  	p0 =	seq.s32 s20, $0x0  }
0x167: {  	s2 =	sld @!p0 [smem:s22+$0xFFFFFFFF];
	_ =	sdelay $0x2  }
0x168: {  	p2 =	sne.s32 @!p0 s2, $0x1  }
0x169: {  	p3 =	por !p2, p0  }
0x16a: {  	s2 =	simm.s32 @!p3 $0xA  }
0x16b: {  	s9 =	sadd.s32 $0x4, s22;
	_ =	swait.ge @!p3 [sflag:s2], $0x2800  }
0x16c: {  	s6 =	smul.u32 $0x2800, s9;
	p0 =	por p2, p0;
	[sflag:s2] =	ssyncset.done @!p3 $0x0  }
0x16d: {  	[sflag:s2] =	ssyncadd.s32 @!p3 $0xFFFFD800;
	s2 =	simm.s32 @!p0 $0xA  }
0x16e: {  	s6 =	sadd.s32 s5, s6;
	_ =	swait.ge @!p0 [sflag:s2], $0x800  }
0x16f: {  	s6 =	sshrl.u32 s6, $0x3;
	[sflag:s2] =	ssyncset.done @!p0 $0x0  }
0x170: {  	s14 =	simm.s32 $0x0;
	s23 =	sadd.s32 s0, s6;
	[sflag:s2] =	ssyncadd.s32 @!p0 $0xFFFFF800  }
0x171: {  	[tilespmem:s1], [sflag:$0x5] =	stream.linear.gather [hbm4b:s23+s14], $0x2800, $0x38;
	[tilespmem:$0x19800] =	vst v63  }
0x172: {  	_ =	swait.ge [sflag:s21], $0x2800  }
0x173: {  	[sflag:s21] =	ssyncset.done $0x0  }
0x174: {  	[sflag:s21] =	ssyncadd.s32 $0xFFFFD800  }
0x175: {  	s31 =	sld [smem:s22+$0x1];
	_ =	sdelay $0x2  }
0x176: {  	p2 =	sne.s32 s31, $0x1  }
.Ltmp8:
0x177: {  	_ = 	snop;
	(pc) =	sbr.rel @p2 .LBB2_17-.Ltmp8, $2  }
0x178: {  	_ =	sdelay $0x2  }
0x179: {  	v1 =	vimm.f32 $0.0e+00;
	s6 =	sadd.s32 $0x1, s22  }
0x17a: {  	s31 =	sshra.s32 s14, $0x2  }
0x17b: {  	v2 =	vld [tilespmem:s31+$0x29F0]  }
0x17c: {  	v3 =	vld [tilespmem:s31+$0x2800]  }
0x17d: {  	v4 =	vld [tilespmem:s31+$0x2810]  }
0x17e: {  	v5 =	vld [tilespmem:s31+$0x2820]  }
0x17f: {  	v6 =	vld [tilespmem:s31+$0x2830]  }
0x180: {  	v7 =	vld [tilespmem:s31+$0x2840]  }
0x181: {  	v8 =	vld [tilespmem:s31+$0x2850]  }
0x182: {  	v9 =	vld [tilespmem:s31+$0x2860]  }
0x183: {  	v10 =	vld [tilespmem:s31+$0x2870]  }
0x184: {  	v11 =	vld [tilespmem:s31+$0x2880]  }
0x185: {  	v12 =	vld [tilespmem:s31+$0x2890]  }
0x186: {  	v13 =	vld [tilespmem:s31+$0x28A0]  }
0x187: {  	v14 =	vld [tilespmem:s31+$0x28B0]  }
0x188: {  	v15 =	vld [tilespmem:s31+$0x28C0]  }
0x189: {  	v16 =	vld [tilespmem:s31+$0x28D0]  }
0x18a: {  	v17 =	vld [tilespmem:s31+$0x28E0]  }
0x18b: {  	v33 =	vld [tilespmem:s31+$0x28F0]  }
0x18c: {  	v34 =	vld [tilespmem:s31+$0x2900]  }
0x18d: {  	v35 =	vld [tilespmem:s31+$0x2910];
	v2 =	vadd.f32 v2, v1  }
0x18e: {  	v37 =	vld [tilespmem:s31+$0x2990];
	v32 =	vadd.f32 v3, v1;
	v30 =	vadd.f32 v4, v1  }
0x18f: {  	v3 =	vld [tilespmem:s31+$0x2920];
	v31 =	vadd.f32 v5, v1;
	v28 =	vadd.f32 v6, v1  }
0x190: {  	v4 =	vld [tilespmem:s31+$0x2930];
	v29 =	vadd.f32 v7, v1;
	v26 =	vadd.f32 v8, v1  }
0x191: {  	v5 =	vld [tilespmem:s31+$0x2940];
	v27 =	vadd.f32 v9, v1;
	v24 =	vadd.f32 v10, v1  }
0x192: {  	v6 =	vld [tilespmem:s31+$0x2950];
	v25 =	vadd.f32 v11, v1;
	v22 =	vadd.f32 v12, v1  }
0x193: {  	v7 =	vld [tilespmem:s31+$0x2960];
	v23 =	vadd.f32 v13, v1;
	v20 =	vadd.f32 v14, v1  }
0x194: {  	v8 =	vld [tilespmem:s31+$0x2970];
	v21 =	vadd.f32 v15, v1;
	v18 =	vadd.f32 v16, v1  }
0x195: {  	v11 =	vld [tilespmem:s31+$0x2980];
	v19 =	vadd.f32 v17, v1;
	v16 =	vadd.f32 v33, v1  }
0x196: {  	v17 =	vadd.f32 v34, v1;
	v15 =	vadd.f32 v35, v1  }
0x197: {  	v33 =	vld [tilespmem:s31+$0x29A0];
	v14 =	vadd.f32 v3, v1;
	v12 =	vadd.f32 v4, v1  }
0x198: {  	v34 =	vld [tilespmem:s31+$0x29B0];
	v13 =	vadd.f32 v5, v1;
	v9 =	vadd.f32 v6, v1  }
0x199: {  	v35 =	vld [tilespmem:s31+$0x29C0];
	v10 =	vadd.f32 v7, v1;
	v6 =	vadd.f32 v8, v1  }
0x19a: {  	s2 =	sadd.s32 $0x800, s14;
	v36 =	vld [tilespmem:s31+$0x29D0];
	v7 =	vadd.f32 v11, v1;
	v4 =	vadd.f32 v37, v1;
	v8 =	vimm.f32 $0.0e+00  }
0x19b: {  	s14 =	sshra.s32 s2, $0x2;
	s23 =	sadd.s32 $0x800, s2;
	v37 =	vld [tilespmem:s31+$0x29E0];
	v11 =	vimm.f32 $0.0e+00;
	v5 =	vimm.f32 $0.0e+00;
	v3 =	vimm.f32 $0.0e+00  }
.LBB2_15:
0x19c: {  	p0 =	sne.s32 s23, $0x9800;
	v38 =	vld [tilespmem:s14+$0x29F0];
	v1 =	vadd.f32 v33, v1  }
0x19d: {  	v33 =	vld [tilespmem:s14+$0x2800];
	v8 =	vadd.f32 v34, v8  }
0x19e: {  	v34 =	vld [tilespmem:s14+$0x2810];
	v11 =	vadd.f32 v35, v11  }
0x19f: {  	v35 =	vld [tilespmem:s14+$0x2820];
	v5 =	vadd.f32 v36, v5  }
0x1a0: {  	v36 =	vld [tilespmem:s14+$0x2830];
	v3 =	vadd.f32 v37, v3  }
0x1a1: {  	v37 =	vld [tilespmem:s14+$0x2840];
	v2 =	vadd.f32 v38, v2  }
0x1a2: {  	v32 =	vadd.f32 v33, v32;
	v33 =	vld [tilespmem:s14+$0x2850]  }
0x1a3: {  	v30 =	vadd.f32 v34, v30;
	v34 =	vld [tilespmem:s14+$0x2860]  }
0x1a4: {  	v31 =	vadd.f32 v35, v31;
	v35 =	vld [tilespmem:s14+$0x2870]  }
0x1a5: {  	v28 =	vadd.f32 v36, v28;
	v36 =	vld [tilespmem:s14+$0x2880]  }
0x1a6: {  	v29 =	vadd.f32 v37, v29;
	v37 =	vld [tilespmem:s14+$0x2890]  }
0x1a7: {  	v26 =	vadd.f32 v33, v26;
	v33 =	vld [tilespmem:s14+$0x28A0]  }
0x1a8: {  	v27 =	vadd.f32 v34, v27;
	v34 =	vld [tilespmem:s14+$0x28B0]  }
0x1a9: {  	v24 =	vadd.f32 v35, v24;
	v35 =	vld [tilespmem:s14+$0x28C0]  }
0x1aa: {  	v25 =	vadd.f32 v36, v25;
	v36 =	vld [tilespmem:s14+$0x28D0]  }
0x1ab: {  	v22 =	vadd.f32 v37, v22;
	v37 =	vld [tilespmem:s14+$0x28E0]  }
0x1ac: {  	v23 =	vadd.f32 v33, v23;
	v33 =	vld [tilespmem:s14+$0x28F0]  }
0x1ad: {  	v20 =	vadd.f32 v34, v20;
	v34 =	vld [tilespmem:s14+$0x2900]  }
0x1ae: {  	v21 =	vadd.f32 v35, v21;
	v35 =	vld [tilespmem:s14+$0x2910]  }
0x1af: {  	v18 =	vadd.f32 v36, v18;
	v36 =	vld [tilespmem:s14+$0x2920]  }
0x1b0: {  	v19 =	vadd.f32 v37, v19;
	v37 =	vld [tilespmem:s14+$0x2930]  }
0x1b1: {  	v16 =	vadd.f32 v33, v16;
	v33 =	vld [tilespmem:s14+$0x2940]  }
0x1b2: {  	v17 =	vadd.f32 v34, v17;
	v34 =	vld [tilespmem:s14+$0x2950]  }
0x1b3: {  	v15 =	vadd.f32 v35, v15;
	v35 =	vld [tilespmem:s14+$0x2960]  }
0x1b4: {  	v14 =	vadd.f32 v36, v14;
	v36 =	vld [tilespmem:s14+$0x2970]  }
0x1b5: {  	v12 =	vadd.f32 v37, v12;
	v37 =	vld [tilespmem:s14+$0x2980]  }
0x1b6: {  	v13 =	vadd.f32 v33, v13;
	v38 =	vld [tilespmem:s14+$0x2990]  }
.Ltmp9:
0x1b7: {  	v9 =	vadd.f32 v34, v9;
	v33 =	vld [tilespmem:s14+$0x29A0];
	(pc) =	sbr.rel @p0 .LBB2_15-.Ltmp9, $4  }
0x1b8: {  	v10 =	vadd.f32 v35, v10;
	v34 =	vld [tilespmem:s14+$0x29B0]  }
0x1b9: {  	v6 =	vadd.f32 v36, v6;
	v35 =	vld [tilespmem:s14+$0x29C0]  }
0x1ba: {  	v7 =	vadd.f32 v37, v7;
	v36 =	vld [tilespmem:s14+$0x29D0]  }
0x1bb: {  	v4 =	vadd.f32 v38, v4;
	v37 =	vld [tilespmem:s14+$0x29E0];
	s14 =	sshra.s32 s23, $0x2;
	s23 =	sadd.s32 $0x800, s23  }
0x1bc: {  	v38 =	vld [tilespmem:s14+$0x29F0]  }
0x1bd: {  	v39 =	vld [tilespmem:s14+$0x2800]  }
0x1be: {  	v40 =	vld [tilespmem:s14+$0x2810]  }
0x1bf: {  	v41 =	vld [tilespmem:s14+$0x2820]  }
0x1c0: {  	v42 =	vld [tilespmem:s14+$0x2830]  }
0x1c1: {  	v43 =	vld [tilespmem:s14+$0x2840]  }
0x1c2: {  	v44 =	vld [tilespmem:s14+$0x2850]  }
0x1c3: {  	v45 =	vld [tilespmem:s14+$0x2860]  }
0x1c4: {  	v46 =	vld [tilespmem:s14+$0x2870]  }
0x1c5: {  	v47 =	vld [tilespmem:s14+$0x2880]  }
0x1c6: {  	[tilespmem:$0x1FFA0] =	vst v38;
	v38 =	vld [tilespmem:s14+$0x2990]  }
0x1c7: {  	v48 =	vld [tilespmem:s14+$0x2890]  }
0x1c8: {  	v49 =	vld [tilespmem:s14+$0x28A0]  }
0x1c9: {  	v50 =	vld [tilespmem:s14+$0x28B0]  }
0x1ca: {  	v51 =	vld [tilespmem:s14+$0x28C0]  }
0x1cb: {  	[tilespmem:$0x1FF60] =	vst v38;
	v38 =	vld [tilespmem:s14+$0x29A0]  }
0x1cc: {  	v52 =	vld [tilespmem:s14+$0x28D0]  }
0x1cd: {  	v53 =	vld [tilespmem:s14+$0x28E0]  }
0x1ce: {  	v54 =	vld [tilespmem:s14+$0x28F0]  }
0x1cf: {  	v55 =	vld [tilespmem:s14+$0x2900]  }
0x1d0: {  	[tilespmem:$0x1FF70] =	vst v38;
	v38 =	vld [tilespmem:s14+$0x29B0]  }
0x1d1: {  	v56 =	vld [tilespmem:s14+$0x2910]  }
0x1d2: {  	v57 =	vld [tilespmem:s14+$0x2920]  }
0x1d3: {  	v58 =	vld [tilespmem:s14+$0x2930]  }
0x1d4: {  	v59 =	vld [tilespmem:s14+$0x2940]  }
0x1d5: {  	[tilespmem:$0x1FF80] =	vst v38;
	v38 =	vld [tilespmem:s14+$0x29C0]  }
0x1d6: {  	v60 =	vld [tilespmem:s14+$0x2950]  }
0x1d7: {  	v61 =	vld [tilespmem:s14+$0x2960]  }
0x1d8: {  	v62 =	vld [tilespmem:s14+$0x2970]  }
0x1d9: {  	v63 =	vld [tilespmem:s14+$0x2980];
	v32 =	vadd.f32 v39, v32  }
0x1da: {  	v39 =	vld [tilespmem:s14+$0x29D0];
	v30 =	vadd.f32 v40, v30;
	[tilespmem:$0x1FF90] =	vst v38  }
0x1db: {  	v31 =	vadd.f32 v41, v31;
	v38 =	vld [tilespmem:s14+$0x29E0];
	[tilespmem:$0xD000] =	vst v32  }
0x1dc: {  	v28 =	vadd.f32 v42, v28;
	[tilespmem:$0xD010] =	vst v30  }
0x1dd: {  	v29 =	vadd.f32 v43, v29;
	[tilespmem:$0xD020] =	vst v31  }
0x1de: {  	v26 =	vadd.f32 v44, v26;
	[tilespmem:$0xD030] =	vst v28  }
0x1df: {  	v27 =	vadd.f32 v45, v27;
	[tilespmem:$0xD040] =	vst v29  }
0x1e0: {  	v24 =	vadd.f32 v46, v24;
	[tilespmem:$0xD050] =	vst v26  }
0x1e1: {  	v25 =	vadd.f32 v47, v25;
	[tilespmem:$0xD060] =	vst v27  }
0x1e2: {  	v22 =	vadd.f32 v48, v22;
	[tilespmem:$0xD070] =	vst v24  }
0x1e3: {  	v23 =	vadd.f32 v49, v23;
	[tilespmem:$0xD080] =	vst v25  }
0x1e4: {  	v20 =	vadd.f32 v50, v20;
	[tilespmem:$0xD090] =	vst v22  }
0x1e5: {  	v21 =	vadd.f32 v51, v21;
	[tilespmem:$0xD0A0] =	vst v23  }
0x1e6: {  	v18 =	vadd.f32 v52, v18;
	[tilespmem:$0xD0B0] =	vst v20  }
0x1e7: {  	v19 =	vadd.f32 v53, v19;
	[tilespmem:$0xD0C0] =	vst v21  }
0x1e8: {  	v16 =	vadd.f32 v54, v16;
	[tilespmem:$0xD0D0] =	vst v18  }
0x1e9: {  	v17 =	vadd.f32 v55, v17;
	[tilespmem:$0xD0E0] =	vst v19  }
0x1ea: {  	v15 =	vadd.f32 v56, v15;
	[tilespmem:$0xD0F0] =	vst v16  }
0x1eb: {  	v14 =	vadd.f32 v57, v14;
	[tilespmem:$0xD100] =	vst v17  }
0x1ec: {  	v12 =	vadd.f32 v58, v12;
	[tilespmem:$0xD110] =	vst v15  }
0x1ed: {  	v13 =	vadd.f32 v59, v13;
	v58 =	vld [tilespmem:$0x1FF60];
	[tilespmem:$0xD120] =	vst v14  }
0x1ee: {  	v9 =	vadd.f32 v60, v9;
	v60 =	vld [tilespmem:$0x1FF70];
	[tilespmem:$0xD130] =	vst v12  }
0x1ef: {  	v10 =	vadd.f32 v61, v10;
	v7 =	vadd.f32 v63, v7;
	v63 =	vld [tilespmem:$0x1FFA0];
	[tilespmem:$0xD140] =	vst v13  }
0x1f0: {  	v6 =	vadd.f32 v62, v6;
	[tilespmem:$0xD150] =	vst v9  }
0x1f1: {  	v1 =	vadd.f32 v33, v1;
	v61 =	vld [tilespmem:$0x1FF80];
	[tilespmem:$0xD160] =	vst v10  }
0x1f2: {  	v4 =	vadd.f32 v58, v4;
	[tilespmem:$0xD170] =	vst v6  }
0x1f3: {  	v5 =	vadd.f32 v36, v5;
	v1 =	vadd.f32 v60, v1;
	[tilespmem:$0xD180] =	vst v7;
	v62 =	vld [tilespmem:$0x1FF90]  }
0x1f4: {  	v8 =	vadd.f32 v34, v8;
	v2 =	vadd.f32 v63, v2;
	[tilespmem:$0xD190] =	vst v4  }
0x1f5: {  	v3 =	vadd.f32 v37, v3;
	[tilespmem:$0xD1A0] =	vst v1;
	v1 =	vadd.f32 v39, v5  }
0x1f6: {  	v59 =	vadd.f32 v35, v11;
	[tilespmem:$0xD1F0] =	vst v2;
	v7 =	vadd.f32 v61, v8  }
.Ltmp10:
0x1f7: {  	[tilespmem:$0xD1D0] =	vst v1;
	v3 =	vadd.f32 v38, v3;
	(pc) =	sbr.rel .LBB2_18-.Ltmp10, $4  }
0x1f8: {  	s2 =	sshll.u32 s6, $0x7;
	[tilespmem:$0xD1B0] =	vst v7;
	v4 =	vadd.f32 v62, v59  }
0x1f9: {  	s2 =	sand.u32 $0x3FFFFF80, s2;
	[tilespmem:$0xD1E0] =	vst v3  }
0x1fa: {  	s31 =	simm.s32 $0xD000;
	s2 =	sadd.s32 $0x13000, s2;
	[tilespmem:$0xD1C0] =	vst v4  }
0x1fb: {  	[spmem:s3] =	stream.indirect.scatter.add.f32 [tilespmem:s31], [sflag:$0x7], $0x80, s2, s30, $0xb8;
	[tilespmem:$0x19800] =	vst v63  }
.LBB2_17:
0x1fc: {  	s2 =	sshll.u32 s6, $0x7  }
0x1fd: {  	s2 =	sand.u32 $0x3FFFFF80, s2  }
0x1fe: {  	s2 =	sadd.s32 $0xF000, s2  }
0x1ff: {  	[spmem:s3] =	stream.indirect.scatter.add.f32 [tilespmem:s26], [sflag:$0x7], $0x80, s2, s13, $0xb8;
	[tilespmem:$0x19800] =	vst v63  }
.LBB2_18:
0x200: {  	s2 =	simm.s32 @p1 $0x6  }
0x201: {  	p0 =	seq.s32 s20, $0x18;
	_ =	swait.ge @p1 [sflag:s2], $0x2800  }
0x202: {  	s6 =	smul.u32 @!p0 $0xC800, s20;
	[sflag:s2] =	ssyncset.done @p1 $0x0  }
0x203: {  	[sflag:s2] =	ssyncadd.s32 @p1 $0xFFFFD800;
	s2 =	simm.s32 @!p1 $0x6  }
0x204: {  	s14 =	sadd.s32 @!p0 s6, s15;
	_ =	swait.ge @!p1 [sflag:s2], $0x800  }
0x205: {  	s14 =	sshrl.u32 @!p0 s14, $0x3;
	[sflag:s2] =	ssyncset.done @!p1 $0x0  }
0x206: {  	[sflag:s2] =	ssyncadd.s32 @!p1 $0xFFFFF800;
	s2 =	sadd.s32 @!p0 s0, s14;
	s14 =	simm.s32 @!p0 $0x0  }
0x207: {  	[tilespmem:s14], [sflag:$0x1] =	stream.linear.gather @!p0 [hbm4b:s2+s14], $0x2800, $0x38;
	[tilespmem:$0x19800] =	vst v63  }
0x208: {  	_ =	swait.ge [sflag:s7], $0x2800  }
0x209: {  	[sflag:s7] =	ssyncset.done $0x0  }
0x20a: {  	[sflag:s7] =	ssyncadd.s32 $0xFFFFD800  }
0x20b: {  	s31 =	sld [smem:s22+$0x2];
	_ =	sdelay $0x2  }
0x20c: {  	p1 =	sne.s32 s31, $0x1  }
.Ltmp11:
0x20d: {  	_ = 	snop;
	(pc) =	sbr.rel @p1 .LBB2_22-.Ltmp11, $2  }
0x20e: {  	_ =	sdelay $0x2  }
0x20f: {  	s14 =	sadd.s32 $0x2, s22  }
0x210: {  	s2 =	simm.s32 $0x0  }
0x211: {  	v1 =	vld [tilespmem:s2+$0x51F0]  }
0x212: {  	v3 =	vld [tilespmem:s2+$0x5000]  }
0x213: {  	v4 =	vld [tilespmem:s2+$0x5010]  }
0x214: {  	v5 =	vld [tilespmem:s2+$0x5020]  }
0x215: {  	v6 =	vld [tilespmem:s2+$0x5030]  }
0x216: {  	v7 =	vld [tilespmem:s2+$0x5040]  }
0x217: {  	v8 =	vld [tilespmem:s2+$0x5050]  }
0x218: {  	v9 =	vld [tilespmem:s2+$0x5060]  }
0x219: {  	v10 =	vld [tilespmem:s2+$0x5070]  }
0x21a: {  	v11 =	vld [tilespmem:s2+$0x5080]  }
0x21b: {  	v12 =	vld [tilespmem:s2+$0x5090]  }
0x21c: {  	v13 =	vld [tilespmem:s2+$0x50A0]  }
0x21d: {  	v14 =	vld [tilespmem:s2+$0x50B0]  }
0x21e: {  	v15 =	vld [tilespmem:s2+$0x50C0]  }
0x21f: {  	v16 =	vld [tilespmem:s2+$0x50D0]  }
0x220: {  	v17 =	vld [tilespmem:s2+$0x50E0]  }
0x221: {  	v33 =	vld [tilespmem:s2+$0x50F0]  }
0x222: {  	v2 =	vimm.f32 $0.0e+00;
	v34 =	vld [tilespmem:s2+$0x5100]  }
0x223: {  	v35 =	vld [tilespmem:s2+$0x5110];
	v1 =	vadd.f32 v1, v2  }
0x224: {  	v37 =	vld [tilespmem:s2+$0x5190];
	v32 =	vadd.f32 v3, v2;
	v30 =	vadd.f32 v4, v2  }
0x225: {  	v3 =	vld [tilespmem:s2+$0x5120];
	v31 =	vadd.f32 v5, v2;
	v28 =	vadd.f32 v6, v2  }
0x226: {  	v4 =	vld [tilespmem:s2+$0x5130];
	v29 =	vadd.f32 v7, v2;
	v26 =	vadd.f32 v8, v2  }
0x227: {  	v5 =	vld [tilespmem:s2+$0x5140];
	v27 =	vadd.f32 v9, v2;
	v24 =	vadd.f32 v10, v2  }
0x228: {  	v6 =	vld [tilespmem:s2+$0x5150];
	v25 =	vadd.f32 v11, v2;
	v22 =	vadd.f32 v12, v2  }
0x229: {  	v7 =	vld [tilespmem:s2+$0x5160];
	v23 =	vadd.f32 v13, v2;
	v20 =	vadd.f32 v14, v2  }
0x22a: {  	v8 =	vld [tilespmem:s2+$0x5170];
	v21 =	vadd.f32 v15, v2;
	v18 =	vadd.f32 v16, v2  }
0x22b: {  	v9 =	vld [tilespmem:s2+$0x5180];
	v19 =	vadd.f32 v17, v2;
	v16 =	vadd.f32 v33, v2  }
0x22c: {  	v17 =	vadd.f32 v34, v2;
	v15 =	vadd.f32 v35, v2  }
0x22d: {  	v34 =	vld [tilespmem:s2+$0x51A0];
	v14 =	vadd.f32 v3, v2;
	v12 =	vadd.f32 v4, v2  }
0x22e: {  	v35 =	vld [tilespmem:s2+$0x51B0];
	v13 =	vadd.f32 v5, v2;
	v10 =	vadd.f32 v6, v2  }
0x22f: {  	v36 =	vld [tilespmem:s2+$0x51C0];
	v11 =	vadd.f32 v7, v2;
	v8 =	vadd.f32 v8, v2  }
0x230: {  	v33 =	vld [tilespmem:s2+$0x51D0];
	v6 =	vadd.f32 v9, v2;
	v4 =	vadd.f32 v37, v2;
	v7 =	vimm.f32 $0.0e+00  }
0x231: {  	s23 =	simm.s32 $0x200;
	s31 =	simm.s32 $0x1000;
	v37 =	vld [tilespmem:s2+$0x51E0];
	v9 =	vimm.f32 $0.0e+00;
	v5 =	vimm.f32 $0.0e+00;
	v3 =	vimm.f32 $0.0e+00  }
.LBB2_20:
0x232: {  	p3 =	sne.s32 s31, $0x9800;
	v38 =	vld [tilespmem:s23+$0x51F0];
	v2 =	vadd.f32 v34, v2  }
0x233: {  	v34 =	vld [tilespmem:s23+$0x5000];
	v7 =	vadd.f32 v35, v7  }
0x234: {  	v35 =	vld [tilespmem:s23+$0x5010];
	v9 =	vadd.f32 v36, v9  }
0x235: {  	v36 =	vld [tilespmem:s23+$0x5020];
	v5 =	vadd.f32 v33, v5  }
0x236: {  	v33 =	vld [tilespmem:s23+$0x5030];
	v3 =	vadd.f32 v37, v3  }
0x237: {  	v37 =	vld [tilespmem:s23+$0x5040];
	v1 =	vadd.f32 v38, v1  }
0x238: {  	v32 =	vadd.f32 v34, v32;
	v34 =	vld [tilespmem:s23+$0x5050]  }
0x239: {  	v30 =	vadd.f32 v35, v30;
	v35 =	vld [tilespmem:s23+$0x5060]  }
0x23a: {  	v31 =	vadd.f32 v36, v31;
	v36 =	vld [tilespmem:s23+$0x5070]  }
0x23b: {  	v28 =	vadd.f32 v33, v28;
	v33 =	vld [tilespmem:s23+$0x5080]  }
0x23c: {  	v29 =	vadd.f32 v37, v29;
	v37 =	vld [tilespmem:s23+$0x5090]  }
0x23d: {  	v26 =	vadd.f32 v34, v26;
	v34 =	vld [tilespmem:s23+$0x50A0]  }
0x23e: {  	v27 =	vadd.f32 v35, v27;
	v35 =	vld [tilespmem:s23+$0x50B0]  }
0x23f: {  	v24 =	vadd.f32 v36, v24;
	v36 =	vld [tilespmem:s23+$0x50C0]  }
0x240: {  	v25 =	vadd.f32 v33, v25;
	v33 =	vld [tilespmem:s23+$0x50D0]  }
0x241: {  	v22 =	vadd.f32 v37, v22;
	v37 =	vld [tilespmem:s23+$0x50E0]  }
0x242: {  	v23 =	vadd.f32 v34, v23;
	v34 =	vld [tilespmem:s23+$0x50F0]  }
0x243: {  	v20 =	vadd.f32 v35, v20;
	v35 =	vld [tilespmem:s23+$0x5100]  }
0x244: {  	v21 =	vadd.f32 v36, v21;
	v36 =	vld [tilespmem:s23+$0x5110]  }
0x245: {  	v18 =	vadd.f32 v33, v18;
	v33 =	vld [tilespmem:s23+$0x5120]  }
0x246: {  	v19 =	vadd.f32 v37, v19;
	v37 =	vld [tilespmem:s23+$0x5130]  }
0x247: {  	v16 =	vadd.f32 v34, v16;
	v34 =	vld [tilespmem:s23+$0x5140]  }
0x248: {  	v17 =	vadd.f32 v35, v17;
	v35 =	vld [tilespmem:s23+$0x5150]  }
0x249: {  	v15 =	vadd.f32 v36, v15;
	v36 =	vld [tilespmem:s23+$0x5160]  }
0x24a: {  	v14 =	vadd.f32 v33, v14;
	v33 =	vld [tilespmem:s23+$0x5170]  }
0x24b: {  	v12 =	vadd.f32 v37, v12;
	v37 =	vld [tilespmem:s23+$0x5180]  }
0x24c: {  	v13 =	vadd.f32 v34, v13;
	v38 =	vld [tilespmem:s23+$0x5190]  }
.Ltmp12:
0x24d: {  	v10 =	vadd.f32 v35, v10;
	v34 =	vld [tilespmem:s23+$0x51A0];
	(pc) =	sbr.rel @p3 .LBB2_20-.Ltmp12, $4  }
0x24e: {  	v11 =	vadd.f32 v36, v11;
	v35 =	vld [tilespmem:s23+$0x51B0]  }
0x24f: {  	v8 =	vadd.f32 v33, v8;
	v36 =	vld [tilespmem:s23+$0x51C0]  }
0x250: {  	v6 =	vadd.f32 v37, v6;
	v33 =	vld [tilespmem:s23+$0x51D0]  }
0x251: {  	v4 =	vadd.f32 v38, v4;
	v37 =	vld [tilespmem:s23+$0x51E0];
	s23 =	sshra.s32 s31, $0x2;
	s31 =	sadd.s32 $0x800, s31  }
0x252: {  	v38 =	vld [tilespmem:s23+$0x51F0]  }
0x253: {  	v39 =	vld [tilespmem:s23+$0x5000]  }
0x254: {  	v40 =	vld [tilespmem:s23+$0x5010]  }
0x255: {  	v41 =	vld [tilespmem:s23+$0x5020]  }
0x256: {  	v42 =	vld [tilespmem:s23+$0x5030]  }
0x257: {  	v43 =	vld [tilespmem:s23+$0x5040]  }
0x258: {  	v44 =	vld [tilespmem:s23+$0x5050]  }
0x259: {  	v45 =	vld [tilespmem:s23+$0x5060]  }
0x25a: {  	v46 =	vld [tilespmem:s23+$0x5070]  }
0x25b: {  	v47 =	vld [tilespmem:s23+$0x5080]  }
0x25c: {  	[tilespmem:$0x1FF50] =	vst v38;
	v38 =	vld [tilespmem:s23+$0x5190]  }
0x25d: {  	v48 =	vld [tilespmem:s23+$0x5090]  }
0x25e: {  	v49 =	vld [tilespmem:s23+$0x50A0]  }
0x25f: {  	v50 =	vld [tilespmem:s23+$0x50B0]  }
0x260: {  	v51 =	vld [tilespmem:s23+$0x50C0]  }
0x261: {  	[tilespmem:$0x1FF10] =	vst v38;
	v38 =	vld [tilespmem:s23+$0x51A0]  }
0x262: {  	v52 =	vld [tilespmem:s23+$0x50D0]  }
0x263: {  	v53 =	vld [tilespmem:s23+$0x50E0]  }
0x264: {  	v54 =	vld [tilespmem:s23+$0x50F0]  }
0x265: {  	v55 =	vld [tilespmem:s23+$0x5100]  }
0x266: {  	[tilespmem:$0x1FF20] =	vst v38;
	v38 =	vld [tilespmem:s23+$0x51B0]  }
0x267: {  	v56 =	vld [tilespmem:s23+$0x5110]  }
0x268: {  	v57 =	vld [tilespmem:s23+$0x5120]  }
0x269: {  	v58 =	vld [tilespmem:s23+$0x5130]  }
0x26a: {  	v59 =	vld [tilespmem:s23+$0x5140]  }
0x26b: {  	[tilespmem:$0x1FF30] =	vst v38;
	v38 =	vld [tilespmem:s23+$0x51C0]  }
0x26c: {  	v60 =	vld [tilespmem:s23+$0x5150]  }
0x26d: {  	v61 =	vld [tilespmem:s23+$0x5160]  }
0x26e: {  	v62 =	vld [tilespmem:s23+$0x5170]  }
0x26f: {  	v63 =	vld [tilespmem:s23+$0x5180];
	v32 =	vadd.f32 v39, v32  }
0x270: {  	v39 =	vld [tilespmem:s23+$0x51D0];
	v30 =	vadd.f32 v40, v30;
	[tilespmem:$0x1FF40] =	vst v38  }
0x271: {  	v31 =	vadd.f32 v41, v31;
	v38 =	vld [tilespmem:s23+$0x51E0];
	[tilespmem:$0xD800] =	vst v32  }
0x272: {  	v28 =	vadd.f32 v42, v28;
	[tilespmem:$0xD810] =	vst v30  }
0x273: {  	v29 =	vadd.f32 v43, v29;
	[tilespmem:$0xD820] =	vst v31  }
0x274: {  	v26 =	vadd.f32 v44, v26;
	[tilespmem:$0xD830] =	vst v28  }
0x275: {  	v27 =	vadd.f32 v45, v27;
	[tilespmem:$0xD840] =	vst v29  }
0x276: {  	v24 =	vadd.f32 v46, v24;
	[tilespmem:$0xD850] =	vst v26  }
0x277: {  	v25 =	vadd.f32 v47, v25;
	[tilespmem:$0xD860] =	vst v27  }
0x278: {  	v22 =	vadd.f32 v48, v22;
	[tilespmem:$0xD870] =	vst v24  }
0x279: {  	v23 =	vadd.f32 v49, v23;
	[tilespmem:$0xD880] =	vst v25  }
0x27a: {  	v20 =	vadd.f32 v50, v20;
	[tilespmem:$0xD890] =	vst v22  }
0x27b: {  	v21 =	vadd.f32 v51, v21;
	[tilespmem:$0xD8A0] =	vst v23  }
0x27c: {  	v18 =	vadd.f32 v52, v18;
	[tilespmem:$0xD8B0] =	vst v20  }
0x27d: {  	v19 =	vadd.f32 v53, v19;
	[tilespmem:$0xD8C0] =	vst v21  }
0x27e: {  	v16 =	vadd.f32 v54, v16;
	[tilespmem:$0xD8D0] =	vst v18  }
0x27f: {  	v17 =	vadd.f32 v55, v17;
	[tilespmem:$0xD8E0] =	vst v19  }
0x280: {  	v15 =	vadd.f32 v56, v15;
	[tilespmem:$0xD8F0] =	vst v16  }
0x281: {  	v14 =	vadd.f32 v57, v14;
	[tilespmem:$0xD900] =	vst v17  }
0x282: {  	v12 =	vadd.f32 v58, v12;
	[tilespmem:$0xD910] =	vst v15  }
0x283: {  	v13 =	vadd.f32 v59, v13;
	v58 =	vld [tilespmem:$0x1FF10];
	[tilespmem:$0xD920] =	vst v14  }
0x284: {  	v10 =	vadd.f32 v60, v10;
	v60 =	vld [tilespmem:$0x1FF20];
	[tilespmem:$0xD930] =	vst v12  }
0x285: {  	v11 =	vadd.f32 v61, v11;
	v6 =	vadd.f32 v63, v6;
	v63 =	vld [tilespmem:$0x1FF50];
	[tilespmem:$0xD940] =	vst v13  }
0x286: {  	v8 =	vadd.f32 v62, v8;
	[tilespmem:$0xD950] =	vst v10  }
0x287: {  	v2 =	vadd.f32 v34, v2;
	v61 =	vld [tilespmem:$0x1FF30];
	[tilespmem:$0xD960] =	vst v11  }
0x288: {  	v4 =	vadd.f32 v58, v4;
	[tilespmem:$0xD970] =	vst v8  }
0x289: {  	v5 =	vadd.f32 v33, v5;
	v2 =	vadd.f32 v60, v2;
	[tilespmem:$0xD980] =	vst v6;
	v62 =	vld [tilespmem:$0x1FF40]  }
0x28a: {  	v7 =	vadd.f32 v35, v7;
	v1 =	vadd.f32 v63, v1;
	[tilespmem:$0xD990] =	vst v4  }
0x28b: {  	v3 =	vadd.f32 v37, v3;
	[tilespmem:$0xD9A0] =	vst v2;
	v2 =	vadd.f32 v39, v5  }
0x28c: {  	v59 =	vadd.f32 v36, v9;
	[tilespmem:$0xD9F0] =	vst v1;
	v6 =	vadd.f32 v61, v7  }
.Ltmp13:
0x28d: {  	[tilespmem:$0xD9D0] =	vst v2;
	v3 =	vadd.f32 v38, v3;
	(pc) =	sbr.rel .LBB2_23-.Ltmp13, $4  }
0x28e: {  	s2 =	sshll.u32 s14, $0x7;
	[tilespmem:$0xD9B0] =	vst v6;
	v4 =	vadd.f32 v62, v59  }
0x28f: {  	s2 =	sand.u32 $0x3FFFFF80, s2;
	[tilespmem:$0xD9E0] =	vst v3  }
0x290: {  	s2 =	sadd.s32 $0x13000, s2;
	[tilespmem:$0xD9C0] =	vst v4  }
0x291: {  	[spmem:s3] =	stream.indirect.scatter.add.f32 [tilespmem:s8], [sflag:$0x8], $0x80, s2, s30, $0xb8;
	[tilespmem:$0x19800] =	vst v63  }
.LBB2_22:
0x292: {  	s2 =	sshll.u32 s14, $0x7  }
0x293: {  	s2 =	sand.u32 $0x3FFFFF80, s2  }
0x294: {  	s2 =	sadd.s32 $0xF000, s2  }
0x295: {  	[spmem:s3] =	stream.indirect.scatter.add.f32 [tilespmem:s28], [sflag:$0x8], $0x80, s2, s13, $0xb8;
	[tilespmem:$0x19800] =	vst v63  }
.LBB2_23:
0x296: {  	s2 =	simm.s32 @p2 $0x7  }
0x297: {  	_ =	swait.ge @p2 [sflag:s2], $0x2800  }
0x298: {  	[sflag:s2] =	ssyncset.done @p2 $0x0  }
0x299: {  	[sflag:s2] =	ssyncadd.s32 @p2 $0xFFFFD800;
	s2 =	simm.s32 @!p2 $0x7  }
0x29a: {  	_ =	swait.ge @!p2 [sflag:s2], $0x800  }
0x29b: {  	s14 =	sadd.s32 @!p0 s6, s16;
	[sflag:s2] =	ssyncset.done @!p2 $0x0  }
0x29c: {  	[sflag:s2] =	ssyncadd.s32 @!p2 $0xFFFFF800;
	s2 =	sshrl.u32 @!p0 s14, $0x3  }
0x29d: {  	s23 =	simm.s32 @!p0 $0x2800;
	s14 =	simm.s32 @!p0 $0x0;
	s2 =	sadd.s32 @!p0 s0, s2  }
0x29e: {  	[tilespmem:s23], [sflag:$0x2] =	stream.linear.gather @!p0 [hbm4b:s2+s14], $0x2800, $0x38;
	[tilespmem:$0x19800] =	vst v63  }
0x29f: {  	_ =	swait.ge [sflag:s10], $0x2800  }
0x2a0: {  	[sflag:s10] =	ssyncset.done $0x0  }
0x2a1: {  	[sflag:s10] =	ssyncadd.s32 $0xFFFFD800  }
0x2a2: {  	s31 =	sld [smem:s22+$0x3];
	_ =	sdelay $0x2  }
0x2a3: {  	p2 =	sne.s32 s31, $0x1  }
.Ltmp14:
0x2a4: {  	_ = 	snop;
	(pc) =	sbr.rel @p2 .LBB2_27-.Ltmp14, $2  }
0x2a5: {  	_ =	sdelay $0x2  }
0x2a6: {  	s14 =	sadd.s32 $0x3, s22  }
0x2a7: {  	s2 =	simm.s32 $0x0  }
0x2a8: {  	v1 =	vld [tilespmem:s2+$0x79F0]  }
0x2a9: {  	v3 =	vld [tilespmem:s2+$0x7800]  }
0x2aa: {  	v4 =	vld [tilespmem:s2+$0x7810]  }
0x2ab: {  	v5 =	vld [tilespmem:s2+$0x7820]  }
0x2ac: {  	v6 =	vld [tilespmem:s2+$0x7830]  }
0x2ad: {  	v7 =	vld [tilespmem:s2+$0x7840]  }
0x2ae: {  	v8 =	vld [tilespmem:s2+$0x7850]  }
0x2af: {  	v9 =	vld [tilespmem:s2+$0x7860]  }
0x2b0: {  	v10 =	vld [tilespmem:s2+$0x7870]  }
0x2b1: {  	v11 =	vld [tilespmem:s2+$0x7880]  }
0x2b2: {  	v12 =	vld [tilespmem:s2+$0x7890]  }
0x2b3: {  	v13 =	vld [tilespmem:s2+$0x78A0]  }
0x2b4: {  	v14 =	vld [tilespmem:s2+$0x78B0]  }
0x2b5: {  	v15 =	vld [tilespmem:s2+$0x78C0]  }
0x2b6: {  	v16 =	vld [tilespmem:s2+$0x78D0]  }
0x2b7: {  	v17 =	vld [tilespmem:s2+$0x78E0]  }
0x2b8: {  	v33 =	vld [tilespmem:s2+$0x78F0]  }
0x2b9: {  	v2 =	vimm.f32 $0.0e+00;
	v34 =	vld [tilespmem:s2+$0x7900]  }
0x2ba: {  	v35 =	vld [tilespmem:s2+$0x7910];
	v1 =	vadd.f32 v1, v2  }
0x2bb: {  	v37 =	vld [tilespmem:s2+$0x7990];
	v32 =	vadd.f32 v3, v2;
	v30 =	vadd.f32 v4, v2  }
0x2bc: {  	v3 =	vld [tilespmem:s2+$0x7920];
	v31 =	vadd.f32 v5, v2;
	v28 =	vadd.f32 v6, v2  }
0x2bd: {  	v4 =	vld [tilespmem:s2+$0x7930];
	v29 =	vadd.f32 v7, v2;
	v26 =	vadd.f32 v8, v2  }
0x2be: {  	v5 =	vld [tilespmem:s2+$0x7940];
	v27 =	vadd.f32 v9, v2;
	v24 =	vadd.f32 v10, v2  }
0x2bf: {  	v6 =	vld [tilespmem:s2+$0x7950];
	v25 =	vadd.f32 v11, v2;
	v22 =	vadd.f32 v12, v2  }
0x2c0: {  	v7 =	vld [tilespmem:s2+$0x7960];
	v23 =	vadd.f32 v13, v2;
	v20 =	vadd.f32 v14, v2  }
0x2c1: {  	v8 =	vld [tilespmem:s2+$0x7970];
	v21 =	vadd.f32 v15, v2;
	v18 =	vadd.f32 v16, v2  }
0x2c2: {  	v9 =	vld [tilespmem:s2+$0x7980];
	v19 =	vadd.f32 v17, v2;
	v16 =	vadd.f32 v33, v2  }
0x2c3: {  	v17 =	vadd.f32 v34, v2;
	v15 =	vadd.f32 v35, v2  }
0x2c4: {  	v34 =	vld [tilespmem:s2+$0x79A0];
	v14 =	vadd.f32 v3, v2;
	v12 =	vadd.f32 v4, v2  }
0x2c5: {  	v35 =	vld [tilespmem:s2+$0x79B0];
	v13 =	vadd.f32 v5, v2;
	v10 =	vadd.f32 v6, v2  }
0x2c6: {  	v36 =	vld [tilespmem:s2+$0x79C0];
	v11 =	vadd.f32 v7, v2;
	v8 =	vadd.f32 v8, v2  }
0x2c7: {  	v33 =	vld [tilespmem:s2+$0x79D0];
	v6 =	vadd.f32 v9, v2;
	v4 =	vadd.f32 v37, v2;
	v7 =	vimm.f32 $0.0e+00  }
0x2c8: {  	s22 =	simm.s32 $0x200;
	s23 =	simm.s32 $0x1000;
	v37 =	vld [tilespmem:s2+$0x79E0];
	v9 =	vimm.f32 $0.0e+00;
	v5 =	vimm.f32 $0.0e+00;
	v3 =	vimm.f32 $0.0e+00  }
.LBB2_25:
0x2c9: {  	p3 =	sne.s32 s23, $0x9800;
	v38 =	vld [tilespmem:s22+$0x79F0];
	v2 =	vadd.f32 v34, v2  }
0x2ca: {  	v34 =	vld [tilespmem:s22+$0x7800];
	v7 =	vadd.f32 v35, v7  }
0x2cb: {  	v35 =	vld [tilespmem:s22+$0x7810];
	v9 =	vadd.f32 v36, v9  }
0x2cc: {  	v36 =	vld [tilespmem:s22+$0x7820];
	v5 =	vadd.f32 v33, v5  }
0x2cd: {  	v33 =	vld [tilespmem:s22+$0x7830];
	v3 =	vadd.f32 v37, v3  }
0x2ce: {  	v37 =	vld [tilespmem:s22+$0x7840];
	v1 =	vadd.f32 v38, v1  }
0x2cf: {  	v32 =	vadd.f32 v34, v32;
	v34 =	vld [tilespmem:s22+$0x7850]  }
0x2d0: {  	v30 =	vadd.f32 v35, v30;
	v35 =	vld [tilespmem:s22+$0x7860]  }
0x2d1: {  	v31 =	vadd.f32 v36, v31;
	v36 =	vld [tilespmem:s22+$0x7870]  }
0x2d2: {  	v28 =	vadd.f32 v33, v28;
	v33 =	vld [tilespmem:s22+$0x7880]  }
0x2d3: {  	v29 =	vadd.f32 v37, v29;
	v37 =	vld [tilespmem:s22+$0x7890]  }
0x2d4: {  	v26 =	vadd.f32 v34, v26;
	v34 =	vld [tilespmem:s22+$0x78A0]  }
0x2d5: {  	v27 =	vadd.f32 v35, v27;
	v35 =	vld [tilespmem:s22+$0x78B0]  }
0x2d6: {  	v24 =	vadd.f32 v36, v24;
	v36 =	vld [tilespmem:s22+$0x78C0]  }
0x2d7: {  	v25 =	vadd.f32 v33, v25;
	v33 =	vld [tilespmem:s22+$0x78D0]  }
0x2d8: {  	v22 =	vadd.f32 v37, v22;
	v37 =	vld [tilespmem:s22+$0x78E0]  }
0x2d9: {  	v23 =	vadd.f32 v34, v23;
	v34 =	vld [tilespmem:s22+$0x78F0]  }
0x2da: {  	v20 =	vadd.f32 v35, v20;
	v35 =	vld [tilespmem:s22+$0x7900]  }
0x2db: {  	v21 =	vadd.f32 v36, v21;
	v36 =	vld [tilespmem:s22+$0x7910]  }
0x2dc: {  	v18 =	vadd.f32 v33, v18;
	v33 =	vld [tilespmem:s22+$0x7920]  }
0x2dd: {  	v19 =	vadd.f32 v37, v19;
	v37 =	vld [tilespmem:s22+$0x7930]  }
0x2de: {  	v16 =	vadd.f32 v34, v16;
	v34 =	vld [tilespmem:s22+$0x7940]  }
0x2df: {  	v17 =	vadd.f32 v35, v17;
	v35 =	vld [tilespmem:s22+$0x7950]  }
0x2e0: {  	v15 =	vadd.f32 v36, v15;
	v36 =	vld [tilespmem:s22+$0x7960]  }
0x2e1: {  	v14 =	vadd.f32 v33, v14;
	v33 =	vld [tilespmem:s22+$0x7970]  }
0x2e2: {  	v12 =	vadd.f32 v37, v12;
	v37 =	vld [tilespmem:s22+$0x7980]  }
0x2e3: {  	v13 =	vadd.f32 v34, v13;
	v38 =	vld [tilespmem:s22+$0x7990]  }
.Ltmp15:
0x2e4: {  	v10 =	vadd.f32 v35, v10;
	v34 =	vld [tilespmem:s22+$0x79A0];
	(pc) =	sbr.rel @p3 .LBB2_25-.Ltmp15, $4  }
0x2e5: {  	v11 =	vadd.f32 v36, v11;
	v35 =	vld [tilespmem:s22+$0x79B0]  }
0x2e6: {  	v8 =	vadd.f32 v33, v8;
	v36 =	vld [tilespmem:s22+$0x79C0]  }
0x2e7: {  	v6 =	vadd.f32 v37, v6;
	v33 =	vld [tilespmem:s22+$0x79D0]  }
0x2e8: {  	v4 =	vadd.f32 v38, v4;
	v37 =	vld [tilespmem:s22+$0x79E0];
	s22 =	sshra.s32 s23, $0x2;
	s23 =	sadd.s32 $0x800, s23  }
0x2e9: {  	v38 =	vld [tilespmem:s22+$0x79F0]  }
0x2ea: {  	v39 =	vld [tilespmem:s22+$0x7800]  }
0x2eb: {  	v40 =	vld [tilespmem:s22+$0x7810]  }
0x2ec: {  	v41 =	vld [tilespmem:s22+$0x7820]  }
0x2ed: {  	v42 =	vld [tilespmem:s22+$0x7830]  }
0x2ee: {  	v43 =	vld [tilespmem:s22+$0x7840]  }
0x2ef: {  	v44 =	vld [tilespmem:s22+$0x7850]  }
0x2f0: {  	v45 =	vld [tilespmem:s22+$0x7860]  }
0x2f1: {  	v46 =	vld [tilespmem:s22+$0x7870]  }
0x2f2: {  	v47 =	vld [tilespmem:s22+$0x7880]  }
0x2f3: {  	[tilespmem:$0x1FF00] =	vst v38;
	v38 =	vld [tilespmem:s22+$0x7990]  }
0x2f4: {  	v48 =	vld [tilespmem:s22+$0x7890]  }
0x2f5: {  	v49 =	vld [tilespmem:s22+$0x78A0]  }
0x2f6: {  	v50 =	vld [tilespmem:s22+$0x78B0]  }
0x2f7: {  	v51 =	vld [tilespmem:s22+$0x78C0]  }
0x2f8: {  	[tilespmem:$0x1FEC0] =	vst v38;
	v38 =	vld [tilespmem:s22+$0x79A0]  }
0x2f9: {  	v52 =	vld [tilespmem:s22+$0x78D0]  }
0x2fa: {  	v53 =	vld [tilespmem:s22+$0x78E0]  }
0x2fb: {  	v54 =	vld [tilespmem:s22+$0x78F0]  }
0x2fc: {  	v55 =	vld [tilespmem:s22+$0x7900]  }
0x2fd: {  	[tilespmem:$0x1FED0] =	vst v38;
	v38 =	vld [tilespmem:s22+$0x79B0]  }
0x2fe: {  	v56 =	vld [tilespmem:s22+$0x7910]  }
0x2ff: {  	v57 =	vld [tilespmem:s22+$0x7920]  }
0x300: {  	v58 =	vld [tilespmem:s22+$0x7930]  }
0x301: {  	v59 =	vld [tilespmem:s22+$0x7940]  }
0x302: {  	[tilespmem:$0x1FEE0] =	vst v38;
	v38 =	vld [tilespmem:s22+$0x79C0]  }
0x303: {  	v60 =	vld [tilespmem:s22+$0x7950]  }
0x304: {  	v61 =	vld [tilespmem:s22+$0x7960]  }
0x305: {  	v62 =	vld [tilespmem:s22+$0x7970]  }
0x306: {  	v63 =	vld [tilespmem:s22+$0x7980];
	v32 =	vadd.f32 v39, v32  }
0x307: {  	v39 =	vld [tilespmem:s22+$0x79D0];
	v30 =	vadd.f32 v40, v30;
	[tilespmem:$0x1FEF0] =	vst v38  }
0x308: {  	v31 =	vadd.f32 v41, v31;
	v38 =	vld [tilespmem:s22+$0x79E0];
	[tilespmem:$0xE000] =	vst v32  }
0x309: {  	v28 =	vadd.f32 v42, v28;
	[tilespmem:$0xE010] =	vst v30  }
0x30a: {  	v29 =	vadd.f32 v43, v29;
	[tilespmem:$0xE020] =	vst v31  }
0x30b: {  	v26 =	vadd.f32 v44, v26;
	[tilespmem:$0xE030] =	vst v28  }
0x30c: {  	v27 =	vadd.f32 v45, v27;
	[tilespmem:$0xE040] =	vst v29  }
0x30d: {  	v24 =	vadd.f32 v46, v24;
	[tilespmem:$0xE050] =	vst v26  }
0x30e: {  	v25 =	vadd.f32 v47, v25;
	[tilespmem:$0xE060] =	vst v27  }
0x30f: {  	v22 =	vadd.f32 v48, v22;
	[tilespmem:$0xE070] =	vst v24  }
0x310: {  	v23 =	vadd.f32 v49, v23;
	[tilespmem:$0xE080] =	vst v25  }
0x311: {  	v20 =	vadd.f32 v50, v20;
	[tilespmem:$0xE090] =	vst v22  }
0x312: {  	v21 =	vadd.f32 v51, v21;
	[tilespmem:$0xE0A0] =	vst v23  }
0x313: {  	v18 =	vadd.f32 v52, v18;
	[tilespmem:$0xE0B0] =	vst v20  }
0x314: {  	v19 =	vadd.f32 v53, v19;
	[tilespmem:$0xE0C0] =	vst v21  }
0x315: {  	v16 =	vadd.f32 v54, v16;
	[tilespmem:$0xE0D0] =	vst v18  }
0x316: {  	v17 =	vadd.f32 v55, v17;
	[tilespmem:$0xE0E0] =	vst v19  }
0x317: {  	v15 =	vadd.f32 v56, v15;
	[tilespmem:$0xE0F0] =	vst v16  }
0x318: {  	v14 =	vadd.f32 v57, v14;
	[tilespmem:$0xE100] =	vst v17  }
0x319: {  	v12 =	vadd.f32 v58, v12;
	[tilespmem:$0xE110] =	vst v15  }
0x31a: {  	v13 =	vadd.f32 v59, v13;
	v58 =	vld [tilespmem:$0x1FEC0];
	[tilespmem:$0xE120] =	vst v14  }
0x31b: {  	v10 =	vadd.f32 v60, v10;
	v60 =	vld [tilespmem:$0x1FED0];
	[tilespmem:$0xE130] =	vst v12  }
0x31c: {  	v11 =	vadd.f32 v61, v11;
	v6 =	vadd.f32 v63, v6;
	v63 =	vld [tilespmem:$0x1FF00];
	[tilespmem:$0xE140] =	vst v13  }
0x31d: {  	v8 =	vadd.f32 v62, v8;
	[tilespmem:$0xE150] =	vst v10  }
0x31e: {  	v2 =	vadd.f32 v34, v2;
	v61 =	vld [tilespmem:$0x1FEE0];
	[tilespmem:$0xE160] =	vst v11  }
0x31f: {  	v4 =	vadd.f32 v58, v4;
	[tilespmem:$0xE170] =	vst v8  }
0x320: {  	v5 =	vadd.f32 v33, v5;
	v2 =	vadd.f32 v60, v2;
	[tilespmem:$0xE180] =	vst v6;
	v62 =	vld [tilespmem:$0x1FEF0]  }
0x321: {  	v7 =	vadd.f32 v35, v7;
	v1 =	vadd.f32 v63, v1;
	[tilespmem:$0xE190] =	vst v4  }
0x322: {  	v3 =	vadd.f32 v37, v3;
	[tilespmem:$0xE1A0] =	vst v2;
	v2 =	vadd.f32 v39, v5  }
0x323: {  	v59 =	vadd.f32 v36, v9;
	[tilespmem:$0xE1F0] =	vst v1;
	v6 =	vadd.f32 v61, v7  }
.Ltmp16:
0x324: {  	[tilespmem:$0xE1D0] =	vst v2;
	v3 =	vadd.f32 v38, v3;
	(pc) =	sbr.rel .LBB2_28-.Ltmp16, $4  }
0x325: {  	s2 =	sshll.u32 s14, $0x7;
	[tilespmem:$0xE1B0] =	vst v6;
	v4 =	vadd.f32 v62, v59  }
0x326: {  	s2 =	sand.u32 $0x3FFFFF80, s2;
	[tilespmem:$0xE1E0] =	vst v3  }
0x327: {  	s2 =	sadd.s32 $0x13000, s2;
	[tilespmem:$0xE1C0] =	vst v4  }
0x328: {  	[spmem:s3] =	stream.indirect.scatter.add.f32 [tilespmem:s11], [sflag:$0x9], $0x80, s2, s30, $0xb8;
	[tilespmem:$0x19800] =	vst v63  }
.LBB2_27:
0x329: {  	s2 =	sshll.u32 s14, $0x7  }
0x32a: {  	s2 =	sand.u32 $0x3FFFFF80, s2  }
0x32b: {  	s2 =	sadd.s32 $0xF000, s2  }
0x32c: {  	[spmem:s3] =	stream.indirect.scatter.add.f32 [tilespmem:s29], [sflag:$0x9], $0x80, s2, s13, $0xb8;
	[tilespmem:$0x19800] =	vst v63  }
.LBB2_28:
0x32d: {  	s2 =	simm.s32 @p1 $0x8  }
0x32e: {  	_ =	swait.ge @p1 [sflag:s2], $0x2800  }
0x32f: {  	[sflag:s2] =	ssyncset.done @p1 $0x0  }
0x330: {  	[sflag:s2] =	ssyncadd.s32 @p1 $0xFFFFD800;
	s2 =	simm.s32 @!p1 $0x8  }
0x331: {  	_ =	swait.ge @!p1 [sflag:s2], $0x800  }
0x332: {  	s6 =	sadd.s32 @!p0 s6, s17;
	[sflag:s2] =	ssyncset.done @!p1 $0x0  }
0x333: {  	[sflag:s2] =	ssyncadd.s32 @!p1 $0xFFFFF800;
	s2 =	sshrl.u32 @!p0 s6, $0x3  }
0x334: {  	s14 =	simm.s32 @!p0 $0x5000;
	s6 =	simm.s32 @!p0 $0x0;
	s2 =	sadd.s32 @!p0 s0, s2  }
0x335: {  	[tilespmem:s14], [sflag:$0x3] =	stream.linear.gather @!p0 [hbm4b:s2+s6], $0x2800, $0x38;
	[tilespmem:$0x19800] =	vst v63  }
0x336: {  	_ =	swait.ge [sflag:s24], $0x2800  }
0x337: {  	[sflag:s24] =	ssyncset.done $0x0  }
0x338: {  	[sflag:s24] =	ssyncadd.s32 $0xFFFFD800  }
0x339: {  	s31 =	sld [smem:s9+$0x0];
	_ =	sdelay $0x2  }
0x33a: {  	p1 =	sne.s32 s31, $0x1  }
.Ltmp17:
0x33b: {  	_ = 	snop;
	(pc) =	sbr.rel @p1 .LBB2_32-.Ltmp17, $1  }
0x33c: {  	_ =	sdelay $0x3  }
0x33d: {  	s2 =	simm.s32 $0x0  }
0x33e: {  	v1 =	vld [tilespmem:s2+$0xA1F0]  }
0x33f: {  	v3 =	vld [tilespmem:s2+$0xA000]  }
0x340: {  	v4 =	vld [tilespmem:s2+$0xA010]  }
0x341: {  	v5 =	vld [tilespmem:s2+$0xA020]  }
0x342: {  	v6 =	vld [tilespmem:s2+$0xA030]  }
0x343: {  	v7 =	vld [tilespmem:s2+$0xA040]  }
0x344: {  	v8 =	vld [tilespmem:s2+$0xA050]  }
0x345: {  	v9 =	vld [tilespmem:s2+$0xA060]  }
0x346: {  	v10 =	vld [tilespmem:s2+$0xA070]  }
0x347: {  	v11 =	vld [tilespmem:s2+$0xA080]  }
0x348: {  	v12 =	vld [tilespmem:s2+$0xA090]  }
0x349: {  	v13 =	vld [tilespmem:s2+$0xA0A0]  }
0x34a: {  	v14 =	vld [tilespmem:s2+$0xA0B0]  }
0x34b: {  	v15 =	vld [tilespmem:s2+$0xA0C0]  }
0x34c: {  	v16 =	vld [tilespmem:s2+$0xA0D0]  }
0x34d: {  	v17 =	vld [tilespmem:s2+$0xA0E0]  }
0x34e: {  	v33 =	vld [tilespmem:s2+$0xA0F0]  }
0x34f: {  	v2 =	vimm.f32 $0.0e+00;
	v34 =	vld [tilespmem:s2+$0xA100]  }
0x350: {  	v35 =	vld [tilespmem:s2+$0xA110];
	v1 =	vadd.f32 v1, v2  }
0x351: {  	v37 =	vld [tilespmem:s2+$0xA190];
	v32 =	vadd.f32 v3, v2;
	v30 =	vadd.f32 v4, v2  }
0x352: {  	v3 =	vld [tilespmem:s2+$0xA120];
	v31 =	vadd.f32 v5, v2;
	v28 =	vadd.f32 v6, v2  }
0x353: {  	v4 =	vld [tilespmem:s2+$0xA130];
	v29 =	vadd.f32 v7, v2;
	v26 =	vadd.f32 v8, v2  }
0x354: {  	v5 =	vld [tilespmem:s2+$0xA140];
	v27 =	vadd.f32 v9, v2;
	v24 =	vadd.f32 v10, v2  }
0x355: {  	v6 =	vld [tilespmem:s2+$0xA150];
	v25 =	vadd.f32 v11, v2;
	v22 =	vadd.f32 v12, v2  }
0x356: {  	v7 =	vld [tilespmem:s2+$0xA160];
	v23 =	vadd.f32 v13, v2;
	v20 =	vadd.f32 v14, v2  }
0x357: {  	v8 =	vld [tilespmem:s2+$0xA170];
	v21 =	vadd.f32 v15, v2;
	v18 =	vadd.f32 v16, v2  }
0x358: {  	v9 =	vld [tilespmem:s2+$0xA180];
	v19 =	vadd.f32 v17, v2;
	v16 =	vadd.f32 v33, v2  }
0x359: {  	v17 =	vadd.f32 v34, v2;
	v15 =	vadd.f32 v35, v2  }
0x35a: {  	v34 =	vld [tilespmem:s2+$0xA1A0];
	v14 =	vadd.f32 v3, v2;
	v12 =	vadd.f32 v4, v2  }
0x35b: {  	v35 =	vld [tilespmem:s2+$0xA1B0];
	v13 =	vadd.f32 v5, v2;
	v10 =	vadd.f32 v6, v2  }
0x35c: {  	v36 =	vld [tilespmem:s2+$0xA1C0];
	v11 =	vadd.f32 v7, v2;
	v8 =	vadd.f32 v8, v2  }
0x35d: {  	v33 =	vld [tilespmem:s2+$0xA1D0];
	v6 =	vadd.f32 v9, v2;
	v4 =	vadd.f32 v37, v2;
	v7 =	vimm.f32 $0.0e+00  }
0x35e: {  	s6 =	simm.s32 $0x200;
	s14 =	simm.s32 $0x1000;
	v37 =	vld [tilespmem:s2+$0xA1E0];
	v9 =	vimm.f32 $0.0e+00;
	v5 =	vimm.f32 $0.0e+00;
	v3 =	vimm.f32 $0.0e+00  }
.LBB2_30:
0x35f: {  	p1 =	sne.s32 s14, $0x9800;
	v38 =	vld [tilespmem:s6+$0xA1F0];
	v2 =	vadd.f32 v34, v2  }
0x360: {  	v34 =	vld [tilespmem:s6+$0xA000];
	v7 =	vadd.f32 v35, v7  }
0x361: {  	v35 =	vld [tilespmem:s6+$0xA010];
	v9 =	vadd.f32 v36, v9  }
0x362: {  	v36 =	vld [tilespmem:s6+$0xA020];
	v5 =	vadd.f32 v33, v5  }
0x363: {  	v33 =	vld [tilespmem:s6+$0xA030];
	v3 =	vadd.f32 v37, v3  }
0x364: {  	v37 =	vld [tilespmem:s6+$0xA040];
	v1 =	vadd.f32 v38, v1  }
0x365: {  	v32 =	vadd.f32 v34, v32;
	v34 =	vld [tilespmem:s6+$0xA050]  }
0x366: {  	v30 =	vadd.f32 v35, v30;
	v35 =	vld [tilespmem:s6+$0xA060]  }
0x367: {  	v31 =	vadd.f32 v36, v31;
	v36 =	vld [tilespmem:s6+$0xA070]  }
0x368: {  	v28 =	vadd.f32 v33, v28;
	v33 =	vld [tilespmem:s6+$0xA080]  }
0x369: {  	v29 =	vadd.f32 v37, v29;
	v37 =	vld [tilespmem:s6+$0xA090]  }
0x36a: {  	v26 =	vadd.f32 v34, v26;
	v34 =	vld [tilespmem:s6+$0xA0A0]  }
0x36b: {  	v27 =	vadd.f32 v35, v27;
	v35 =	vld [tilespmem:s6+$0xA0B0]  }
0x36c: {  	v24 =	vadd.f32 v36, v24;
	v36 =	vld [tilespmem:s6+$0xA0C0]  }
0x36d: {  	v25 =	vadd.f32 v33, v25;
	v33 =	vld [tilespmem:s6+$0xA0D0]  }
0x36e: {  	v22 =	vadd.f32 v37, v22;
	v37 =	vld [tilespmem:s6+$0xA0E0]  }
0x36f: {  	v23 =	vadd.f32 v34, v23;
	v34 =	vld [tilespmem:s6+$0xA0F0]  }
0x370: {  	v20 =	vadd.f32 v35, v20;
	v35 =	vld [tilespmem:s6+$0xA100]  }
0x371: {  	v21 =	vadd.f32 v36, v21;
	v36 =	vld [tilespmem:s6+$0xA110]  }
0x372: {  	v18 =	vadd.f32 v33, v18;
	v33 =	vld [tilespmem:s6+$0xA120]  }
0x373: {  	v19 =	vadd.f32 v37, v19;
	v37 =	vld [tilespmem:s6+$0xA130]  }
0x374: {  	v16 =	vadd.f32 v34, v16;
	v34 =	vld [tilespmem:s6+$0xA140]  }
0x375: {  	v17 =	vadd.f32 v35, v17;
	v35 =	vld [tilespmem:s6+$0xA150]  }
0x376: {  	v15 =	vadd.f32 v36, v15;
	v36 =	vld [tilespmem:s6+$0xA160]  }
0x377: {  	v14 =	vadd.f32 v33, v14;
	v33 =	vld [tilespmem:s6+$0xA170]  }
0x378: {  	v12 =	vadd.f32 v37, v12;
	v37 =	vld [tilespmem:s6+$0xA180]  }
0x379: {  	v13 =	vadd.f32 v34, v13;
	v38 =	vld [tilespmem:s6+$0xA190]  }
.Ltmp18:
0x37a: {  	v10 =	vadd.f32 v35, v10;
	v34 =	vld [tilespmem:s6+$0xA1A0];
	(pc) =	sbr.rel @p1 .LBB2_30-.Ltmp18, $4  }
0x37b: {  	v11 =	vadd.f32 v36, v11;
	v35 =	vld [tilespmem:s6+$0xA1B0]  }
0x37c: {  	v8 =	vadd.f32 v33, v8;
	v36 =	vld [tilespmem:s6+$0xA1C0]  }
0x37d: {  	v6 =	vadd.f32 v37, v6;
	v33 =	vld [tilespmem:s6+$0xA1D0]  }
0x37e: {  	v4 =	vadd.f32 v38, v4;
	v37 =	vld [tilespmem:s6+$0xA1E0];
	s6 =	sshra.s32 s14, $0x2;
	s14 =	sadd.s32 $0x800, s14  }
0x37f: {  	v38 =	vld [tilespmem:s6+$0xA1F0]  }
0x380: {  	v39 =	vld [tilespmem:s6+$0xA000]  }
0x381: {  	v40 =	vld [tilespmem:s6+$0xA010]  }
0x382: {  	v41 =	vld [tilespmem:s6+$0xA020]  }
0x383: {  	v42 =	vld [tilespmem:s6+$0xA030]  }
0x384: {  	v43 =	vld [tilespmem:s6+$0xA040]  }
0x385: {  	v44 =	vld [tilespmem:s6+$0xA050]  }
0x386: {  	v45 =	vld [tilespmem:s6+$0xA060]  }
0x387: {  	v46 =	vld [tilespmem:s6+$0xA070]  }
0x388: {  	v47 =	vld [tilespmem:s6+$0xA080]  }
0x389: {  	[tilespmem:$0x1FEB0] =	vst v38;
	v38 =	vld [tilespmem:s6+$0xA190]  }
0x38a: {  	v48 =	vld [tilespmem:s6+$0xA090]  }
0x38b: {  	v49 =	vld [tilespmem:s6+$0xA0A0]  }
0x38c: {  	v50 =	vld [tilespmem:s6+$0xA0B0]  }
0x38d: {  	v51 =	vld [tilespmem:s6+$0xA0C0]  }
0x38e: {  	[tilespmem:$0x1FE70] =	vst v38;
	v38 =	vld [tilespmem:s6+$0xA1A0]  }
0x38f: {  	v52 =	vld [tilespmem:s6+$0xA0D0]  }
0x390: {  	v53 =	vld [tilespmem:s6+$0xA0E0]  }
0x391: {  	v54 =	vld [tilespmem:s6+$0xA0F0]  }
0x392: {  	v55 =	vld [tilespmem:s6+$0xA100]  }
0x393: {  	[tilespmem:$0x1FE80] =	vst v38;
	v38 =	vld [tilespmem:s6+$0xA1B0]  }
0x394: {  	v56 =	vld [tilespmem:s6+$0xA110]  }
0x395: {  	v57 =	vld [tilespmem:s6+$0xA120]  }
0x396: {  	v58 =	vld [tilespmem:s6+$0xA130]  }
0x397: {  	v59 =	vld [tilespmem:s6+$0xA140]  }
0x398: {  	[tilespmem:$0x1FE90] =	vst v38;
	v38 =	vld [tilespmem:s6+$0xA1C0]  }
0x399: {  	v60 =	vld [tilespmem:s6+$0xA150]  }
0x39a: {  	v61 =	vld [tilespmem:s6+$0xA160]  }
0x39b: {  	v62 =	vld [tilespmem:s6+$0xA170]  }
0x39c: {  	v63 =	vld [tilespmem:s6+$0xA180];
	v32 =	vadd.f32 v39, v32  }
0x39d: {  	v39 =	vld [tilespmem:s6+$0xA1D0];
	v30 =	vadd.f32 v40, v30;
	[tilespmem:$0x1FEA0] =	vst v38  }
0x39e: {  	v31 =	vadd.f32 v41, v31;
	v38 =	vld [tilespmem:s6+$0xA1E0];
	[tilespmem:$0xE800] =	vst v32  }
0x39f: {  	v28 =	vadd.f32 v42, v28;
	[tilespmem:$0xE810] =	vst v30  }
0x3a0: {  	v29 =	vadd.f32 v43, v29;
	[tilespmem:$0xE820] =	vst v31  }
0x3a1: {  	v26 =	vadd.f32 v44, v26;
	[tilespmem:$0xE830] =	vst v28  }
0x3a2: {  	v27 =	vadd.f32 v45, v27;
	[tilespmem:$0xE840] =	vst v29  }
0x3a3: {  	v24 =	vadd.f32 v46, v24;
	[tilespmem:$0xE850] =	vst v26  }
0x3a4: {  	v25 =	vadd.f32 v47, v25;
	[tilespmem:$0xE860] =	vst v27  }
0x3a5: {  	v22 =	vadd.f32 v48, v22;
	[tilespmem:$0xE870] =	vst v24  }
0x3a6: {  	v23 =	vadd.f32 v49, v23;
	[tilespmem:$0xE880] =	vst v25  }
0x3a7: {  	v20 =	vadd.f32 v50, v20;
	[tilespmem:$0xE890] =	vst v22  }
0x3a8: {  	v21 =	vadd.f32 v51, v21;
	[tilespmem:$0xE8A0] =	vst v23  }
0x3a9: {  	v18 =	vadd.f32 v52, v18;
	[tilespmem:$0xE8B0] =	vst v20  }
0x3aa: {  	v19 =	vadd.f32 v53, v19;
	[tilespmem:$0xE8C0] =	vst v21  }
0x3ab: {  	v16 =	vadd.f32 v54, v16;
	[tilespmem:$0xE8D0] =	vst v18  }
0x3ac: {  	v17 =	vadd.f32 v55, v17;
	[tilespmem:$0xE8E0] =	vst v19  }
0x3ad: {  	v15 =	vadd.f32 v56, v15;
	[tilespmem:$0xE8F0] =	vst v16  }
0x3ae: {  	v14 =	vadd.f32 v57, v14;
	[tilespmem:$0xE900] =	vst v17  }
0x3af: {  	v12 =	vadd.f32 v58, v12;
	[tilespmem:$0xE910] =	vst v15  }
0x3b0: {  	v13 =	vadd.f32 v59, v13;
	v58 =	vld [tilespmem:$0x1FE70];
	[tilespmem:$0xE920] =	vst v14  }
0x3b1: {  	v10 =	vadd.f32 v60, v10;
	v60 =	vld [tilespmem:$0x1FE80];
	[tilespmem:$0xE930] =	vst v12  }
0x3b2: {  	v11 =	vadd.f32 v61, v11;
	v6 =	vadd.f32 v63, v6;
	v63 =	vld [tilespmem:$0x1FEB0];
	[tilespmem:$0xE940] =	vst v13  }
0x3b3: {  	v8 =	vadd.f32 v62, v8;
	[tilespmem:$0xE950] =	vst v10  }
0x3b4: {  	v2 =	vadd.f32 v34, v2;
	v61 =	vld [tilespmem:$0x1FE90];
	[tilespmem:$0xE960] =	vst v11  }
0x3b5: {  	v4 =	vadd.f32 v58, v4;
	[tilespmem:$0xE970] =	vst v8  }
0x3b6: {  	v5 =	vadd.f32 v33, v5;
	v2 =	vadd.f32 v60, v2;
	[tilespmem:$0xE980] =	vst v6;
	v62 =	vld [tilespmem:$0x1FEA0]  }
0x3b7: {  	v7 =	vadd.f32 v35, v7;
	v1 =	vadd.f32 v63, v1;
	[tilespmem:$0xE990] =	vst v4  }
0x3b8: {  	v3 =	vadd.f32 v37, v3;
	[tilespmem:$0xE9A0] =	vst v2;
	v2 =	vadd.f32 v39, v5  }
0x3b9: {  	v59 =	vadd.f32 v36, v9;
	[tilespmem:$0xE9F0] =	vst v1;
	v6 =	vadd.f32 v61, v7  }
.Ltmp19:
0x3ba: {  	[tilespmem:$0xE9D0] =	vst v2;
	v3 =	vadd.f32 v38, v3;
	(pc) =	sbr.rel .LBB2_33-.Ltmp19, $4  }
0x3bb: {  	s2 =	sshll.u32 s9, $0x7;
	[tilespmem:$0xE9B0] =	vst v6;
	v4 =	vadd.f32 v62, v59  }
0x3bc: {  	s2 =	sand.u32 $0x3FFFFF80, s2;
	[tilespmem:$0xE9E0] =	vst v3  }
0x3bd: {  	s2 =	sadd.s32 $0x13000, s2;
	[tilespmem:$0xE9C0] =	vst v4  }
0x3be: {  	[spmem:s3] =	stream.indirect.scatter.add.f32 [tilespmem:s12], [sflag:$0xA], $0x80, s2, s30, $0xb8;
	[tilespmem:$0x19800] =	vst v63  }
.LBB2_32:
0x3bf: {  	s2 =	sshll.u32 s9, $0x7  }
0x3c0: {  	s2 =	sand.u32 $0x3FFFFF80, s2  }
0x3c1: {  	s2 =	sadd.s32 $0xF000, s2  }
0x3c2: {  	[spmem:s3] =	stream.indirect.scatter.add.f32 [tilespmem:s1], [sflag:$0xA], $0x80, s2, s13, $0xb8;
	[tilespmem:$0x19800] =	vst v63  }
.LBB2_33:
0x3c3: {  	s2 =	simm.s32 @p2 $0x9  }
0x3c4: {  	_ =	swait.ge @p2 [sflag:s2], $0x2800  }
.Ltmp20:
0x3c5: {  	[sflag:s2] =	ssyncset.done @p2 $0x0;
	(pc) =	sbr.rel @p0 .LBB2_35-.Ltmp20, $4  }
0x3c6: {  	[sflag:s2] =	ssyncadd.s32 @p2 $0xFFFFD800;
	s2 =	simm.s32 @!p2 $0x9  }
0x3c7: {  	_ =	swait.ge @!p2 [sflag:s2], $0x800  }
0x3c8: {  	[sflag:s2] =	ssyncset.done @!p2 $0x0  }
0x3c9: {  	[sflag:s2] =	ssyncadd.s32 @!p2 $0xFFFFF800  }
0x3ca: {  	s2 =	smul.u32 $0xC800, s20  }
.Ltmp21:
0x3cb: {  	_ = 	snop;
	(pc) =	sbr.rel .LBB2_8-.Ltmp21, $4  }
0x3cc: {  	s2 =	sadd.s32 s2, s18  }
0x3cd: {  	s2 =	sshrl.u32 s2, $0x3  }
0x3ce: {  	s20 =	sadd.s32 $0x1, s20;
	s2 =	sadd.s32 s0, s2  }
0x3cf: {  	[tilespmem:s29], [sflag:$0x4] =	stream.linear.gather [hbm4b:s2+s4], $0x2800, $0x38;
	[tilespmem:$0x19800] =	vst v63  }
.LBB2_36:
0x3d0: {  	_ =	sfence.sel $0x180000  }
0x3d1: {  	[bflag:$0x0] =	sbarrier.arrive $0xFFFF  }
0x3d2: {  	_ =	strace $0x90000047  }
0x3d3: {  	s0 =	stileid.u32;
	[bflag:$0x2] =	sbarrier.arrive $0xFFFF  }
0x3d4: {  	p0 =	sne.s32 s0, $0x0;
	s0 =	rddreg [dreg:$0x3]  }
0x3d5: {  	s0 =	sadd.s32 @!p0 $0x100000, s0  }
0x3d6: {  	[sflag:s0] =	ssyncadd.tile.s32 @!p0 $0x1;
	_ =	shalt  }
.Lfunc_end2:
_tile_overlayer_lowered:
.L_overlay_start_2:
0x3d7: {  	(tag) =	ssettag $0x2  }
0x3d8: {  	s0 =	rddreg [dreg:$0x0];
	s2 =	stileid.u32  }
0x3d9: {  	s1 =	rddreg [dreg:$0x1];
	p0 =	sne.s32 s2, $0x0  }
0x3da: {  	s3 =	rddreg [dreg:$0x2];
	[bflag:$0x3] =	sbarrier.arrive $0xFFFF;
	s2 =	simm.s32 @!p0 $0x1C0B  }
0x3db: {  	[timem:s3], [sflag:s2] =	dma.local @!p0 [hbm:s0], s1  }
0x3dc: {  	s0 =	simm.s32 @!p0 $0xB  }
0x3dd: {  	_ =	swait.ge @!p0 [sflag:s0], s1  }
0x3de: {  	s1 =	ssub.s32 @!p0 $0x0, s1;
	[sflag:s0] =	ssyncset.done @!p0 $0x0  }
0x3df: {  	[sflag:s0] =	ssyncadd.s32 @!p0 s1  }
0x3e0: {  	[bflag:$0x3] =	sbarrier.arrive $0xFFFF  }
0x3e1: {  	_ =	shalt  }

</sc_bundles>
